<compile_context>
chip_gen: v7x
topology: tpu7x:2x2x1
jax: 0.10.2.dev20260603
libtpu: 0.0.44.dev20260713+nightly
codegen_flags: <defaults>
</compile_context>

<pallas_src>
import functools

import jax
import jax.numpy as jnp
from jax import lax
from jax.experimental import pallas as pl
from jax.experimental.pallas import tpu as pltpu
from jax.experimental.pallas import tpu_sc as plsc

N = 10000
E = 320000
D = 128

NC = 2
NS = 16
NW = NC * NS
CH = 128
EPW = 10240
NCHUNK = EPW // CH
EPAD = NW * EPW + 4 * CH
NPAD = 10112
RPT = NPAD // NS
DCH = 128
DEPW = 10240
DNCHUNK = DEPW // DCH
DEPAD = NW * DEPW + 4 * DCH

BN = 5000
GRID = N // BN

_mesh = plsc.VectorSubcoreMesh(core_axis_name="c", subcore_axis_name="s")


@functools.partial(
    pl.kernel,
    mesh=_mesh,
    out_type=jax.ShapeDtypeStruct((NC * 2 * N,), jnp.float32),
    scratch_types=[
        pltpu.VMEM_SHARED((2 * N + 2048,), jnp.float32),
        pltpu.VMEM((3, DCH), jnp.int32),
        pltpu.VMEM((3, DCH), jnp.int32),
        pltpu.VMEM((DCH,), jnp.float32),
        pltpu.VMEM((2000,), jnp.float32),
        pltpu.SemaphoreType.DMA,
        pltpu.SemaphoreType.DMA,
        pltpu.SemaphoreType.DMA,
    ],
)
def _deg_kernel(src_hbm, dstoff_hbm, out_hbm,
                deg_sp, src_v, dst_v, ones_v, stage_v, s1sem, s2sem, ssem):
    c = lax.axis_index("c")
    s = lax.axis_index("s")
    wid = c * NS + s
    base = wid * DEPW

    pltpu.sync_copy(src_hbm.at[pl.ds(base, DCH)], src_v.at[0])
    pltpu.sync_copy(dstoff_hbm.at[pl.ds(base, DCH)], dst_v.at[0])
    off1 = pl.multiple_of(base + DCH, 8)
    pltpu.make_async_copy(src_hbm.at[pl.ds(off1, DCH)], src_v.at[1], s1sem).start()
    pltpu.make_async_copy(dstoff_hbm.at[pl.ds(off1, DCH)], dst_v.at[1], s2sem).start()

    @pl.when(s < 10)
    def _():
        def zb(i, carry):
            stage_v[pl.ds(i * 16, 16)] = jnp.zeros((16,), jnp.float32)
            return carry
        lax.fori_loop(0, 2000 // 16, zb, 0)
        off = pl.multiple_of(s * 2000, 8)
        pltpu.sync_copy(stage_v, deg_sp.at[pl.ds(off, 2000)])

    for j in range(DCH // 16):
        ones_v[pl.ds(j * 16, 16)] = jnp.full((16,), 1.0, jnp.float32)

    plsc.subcore_barrier()

    def body(i, carry):
        b3 = lax.rem(i, 3)
        b3n = lax.rem(i + 1, 3)
        b3p = lax.rem(i + 2, 3)
        offp = pl.multiple_of(base + (i + 2) * DCH, 8)

        @pl.when(i > 0)
        def _():
            pltpu.make_async_copy(
                ones_v, deg_sp.at[src_v.at[b3p]], ssem).wait()
            pltpu.make_async_copy(
                ones_v, deg_sp.at[dst_v.at[b3p]], ssem).wait()

        pltpu.make_async_copy(
            src_hbm.at[pl.ds(offp, DCH)], src_v.at[b3], s1sem).wait()
        pltpu.make_async_copy(
            dstoff_hbm.at[pl.ds(offp, DCH)], dst_v.at[b3], s2sem).wait()
        pltpu.make_async_copy(
            ones_v, deg_sp.at[src_v.at[b3]], ssem).start(add=True)
        pltpu.make_async_copy(
            ones_v, deg_sp.at[dst_v.at[b3]], ssem).start(add=True)
        pltpu.make_async_copy(
            src_hbm.at[pl.ds(offp, DCH)], src_v.at[b3p], s1sem).start()
        pltpu.make_async_copy(
            dstoff_hbm.at[pl.ds(offp, DCH)], dst_v.at[b3p], s2sem).start()
        return carry

    lax.fori_loop(0, DNCHUNK, body, 0)
    pltpu.make_async_copy(
        ones_v, deg_sp.at[src_v.at[(DNCHUNK - 1) % 3]], ssem).wait()
    pltpu.make_async_copy(
        ones_v, deg_sp.at[dst_v.at[(DNCHUNK - 1) % 3]], ssem).wait()
    pltpu.make_async_copy(
        src_hbm.at[pl.ds(base, DCH)], src_v.at[0], s1sem).wait()
    pltpu.make_async_copy(
        dstoff_hbm.at[pl.ds(base, DCH)], dst_v.at[0], s2sem).wait()
    plsc.subcore_barrier()

    @pl.when(s < 10)
    def _():
        off = pl.multiple_of(s * 2000, 8)
        pltpu.sync_copy(deg_sp.at[pl.ds(off, 2000)], stage_v)
        pltpu.sync_copy(stage_v, out_hbm.at[pl.ds(c * 2 * N + off, 2000)])


@functools.partial(
    pl.kernel,
    mesh=_mesh,
    out_type=jax.ShapeDtypeStruct((NC, NPAD, D), jnp.float32),
    scratch_types=[
        pltpu.VMEM_SHARED((NPAD, D), jnp.float32),
        pltpu.VMEM((4, CH), jnp.int32),
        pltpu.VMEM((3, CH), jnp.int32),
        pltpu.VMEM((3, CH, D), jnp.float32),
        pltpu.SemaphoreType.DMA,
        pltpu.SemaphoreType.DMA,
        pltpu.SemaphoreType.DMA,
        pltpu.SemaphoreType.DMA,
        pltpu.SemaphoreType.DMA,
    ],
)
def _seg_kernel(xs_hbm, src_hbm, dst_hbm, out_hbm,
                agg_sp, src_v, dst_v, rows_v, ga, gb, s1sem, s2sem, ssem):
    c = lax.axis_index("c")
    s = lax.axis_index("s")
    wid = c * NS + s
    base = wid * EPW

    pltpu.sync_copy(src_hbm.at[pl.ds(base, CH)], src_v.at[0])
    pltpu.sync_copy(dst_hbm.at[pl.ds(base, CH)], dst_v.at[0])
    pltpu.make_async_copy(xs_hbm.at[src_v.at[0]], rows_v.at[0], ga).start()

    def _off(k):
        return pl.multiple_of(base + k * CH, 8)

    pltpu.make_async_copy(src_hbm.at[pl.ds(_off(1), CH)], src_v.at[1], s1sem).start()
    pltpu.make_async_copy(dst_hbm.at[pl.ds(_off(1), CH)], dst_v.at[1], s2sem).start()
    pltpu.make_async_copy(src_hbm.at[pl.ds(_off(1), CH)], src_v.at[1], s1sem).wait()
    pltpu.make_async_copy(xs_hbm.at[src_v.at[1]], rows_v.at[1], gb).start()
    pltpu.make_async_copy(src_hbm.at[pl.ds(_off(2), CH)], src_v.at[2], s1sem).start()
    pltpu.make_async_copy(src_hbm.at[pl.ds(_off(3), CH)], src_v.at[3], s1sem).start()

    def zb(i, carry):
        for j in range(D // 16):
            rows_v[2, i, pl.ds(j * 16, 16)] = jnp.zeros((16,), jnp.float32)
        return carry
    lax.fori_loop(0, CH, zb, 0)
    roff = pl.multiple_of(s * RPT, 8)
    for k in range(RPT // CH):
        pltpu.make_async_copy(
            rows_v.at[2], agg_sp.at[pl.ds(roff + k * CH, CH)], ssem).start()
    pltpu.make_async_copy(
        rows_v.at[2, pl.ds(0, RPT % CH)],
        agg_sp.at[pl.ds(roff + (RPT // CH) * CH, RPT % CH)], ssem).start()
    for k in range(RPT // CH):
        pltpu.make_async_copy(
            rows_v.at[2], agg_sp.at[pl.ds(roff + k * CH, CH)], ssem).wait()
    pltpu.make_async_copy(
        rows_v.at[2, pl.ds(0, RPT % CH)],
        agg_sp.at[pl.ds(roff + (RPT // CH) * CH, RPT % CH)], ssem).wait()

    plsc.subcore_barrier()

    def body(i, carry):
        b2 = lax.rem(i, 2)
        b3 = lax.rem(i, 3)
        b3p2 = lax.rem(i + 2, 3)
        b4 = lax.rem(i, 4)
        b4p2 = lax.rem(i + 2, 4)
        offp2 = pl.multiple_of(base + (i + 2) * CH, 8)
        offp4 = pl.multiple_of(base + (i + 4) * CH, 8)

        @pl.when(b2 == 0)
        def _():
            pltpu.make_async_copy(
                xs_hbm.at[src_v.at[b4]], rows_v.at[b3], ga).wait()

        @pl.when(b2 == 1)
        def _():
            pltpu.make_async_copy(
                xs_hbm.at[src_v.at[b4]], rows_v.at[b3], gb).wait()

        @pl.when(i > 0)
        def _():
            pltpu.make_async_copy(
                rows_v.at[b3p2], agg_sp.at[dst_v.at[b3p2]], ssem).wait()

        @pl.when(i == 0)
        def _():
            pltpu.make_async_copy(
                src_hbm.at[pl.ds(offp2, CH)], src_v.at[b4p2], s1sem).wait()

        pltpu.make_async_copy(
            src_hbm.at[pl.ds(offp2, CH)], src_v.at[b4p2], s1sem).wait()

        @pl.when(b2 == 0)
        def _():
            pltpu.make_async_copy(
                xs_hbm.at[src_v.at[b4p2]], rows_v.at[b3p2], ga).start()

        @pl.when(b2 == 1)
        def _():
            pltpu.make_async_copy(
                xs_hbm.at[src_v.at[b4p2]], rows_v.at[b3p2], gb).start()

        pltpu.make_async_copy(
            src_hbm.at[pl.ds(offp4, CH)], src_v.at[b4], s1sem).start()
        pltpu.make_async_copy(
            dst_hbm.at[pl.ds(offp2, CH)], dst_v.at[b3p2], s2sem).wait()
        pltpu.make_async_copy(
            rows_v.at[b3], agg_sp.at[dst_v.at[b3]], ssem).start(add=True)
        pltpu.make_async_copy(
            dst_hbm.at[pl.ds(offp2, CH)], dst_v.at[b3p2], s2sem).start()
        return carry

    lax.fori_loop(0, NCHUNK, body, 0)
    pltpu.make_async_copy(
        xs_hbm.at[src_v.at[NCHUNK % 4]], rows_v.at[NCHUNK % 3], ga).wait()
    pltpu.make_async_copy(
        xs_hbm.at[src_v.at[(NCHUNK + 1) % 4]],
        rows_v.at[(NCHUNK + 1) % 3], gb).wait()
    pltpu.make_async_copy(
        rows_v.at[(NCHUNK - 1) % 3],
        agg_sp.at[dst_v.at[(NCHUNK - 1) % 3]], ssem).wait()
    pltpu.make_async_copy(
        src_hbm.at[pl.ds(base, CH)], src_v.at[0], s1sem).wait()
    pltpu.make_async_copy(
        dst_hbm.at[pl.ds(base, CH)], dst_v.at[0], s2sem).wait()
    plsc.subcore_barrier()

    droff = pl.multiple_of(s * RPT, 8)
    nfull = RPT // CH
    sizes = [CH] * nfull + [RPT % CH]

    def _stage(k):
        return rows_v.at[k % 2, pl.ds(0, sizes[k])]

    def _wr(k):
        off = pl.multiple_of(droff + k * CH, 8)
        return pltpu.make_async_copy(
            _stage(k), out_hbm.at[c, pl.ds(off, sizes[k])],
            ga if k % 2 == 0 else gb)

    for k in range(nfull + 1):
        if k >= 2:
            _wr(k - 2).wait()
        off = pl.multiple_of(droff + k * CH, 8)
        pltpu.sync_copy(agg_sp.at[pl.ds(off, sizes[k])], _stage(k))
        _wr(k).start()
    _wr(nfull - 1).wait()
    _wr(nfull).wait()


def _prep_body(deg_ref, x_ref, xs_ref, ns_ref, nd_ref):
    d = deg_ref[...]
    deg_o = d[0, 0] + d[1, 0]
    deg_i = d[0, 1] + d[1, 1]
    ns = lax.rsqrt(jnp.maximum(deg_o, 1.0))
    nd = lax.rsqrt(jnp.maximum(deg_i, 1.0))
    xs_ref[...] = x_ref[...] * ns
    ns_ref[...] = ns
    nd_ref[...] = nd


_prep_call = pl.pallas_call(
    _prep_body,
    grid=(GRID,),
    in_specs=[
        pl.BlockSpec((NC, 2, BN, 1), lambda i: (0, 0, i, 0)),
        pl.BlockSpec((BN, D), lambda i: (i, 0)),
    ],
    out_specs=[
        pl.BlockSpec((BN, D), lambda i: (i, 0)),
        pl.BlockSpec((BN, 1), lambda i: (i, 0)),
        pl.BlockSpec((BN, 1), lambda i: (i, 0)),
    ],
    out_shape=[
        jax.ShapeDtypeStruct((N, D), jnp.float32),
        jax.ShapeDtypeStruct((N, 1), jnp.float32),
        jax.ShapeDtypeStruct((N, 1), jnp.float32),
    ],
)


def _mid_body(p_ref, nd_ref, ns_ref, w_ref, b_ref, o_ref):
    agg = (p_ref[0] + p_ref[1]) * nd_ref[...]
    z = jnp.dot(agg, w_ref[...], preferred_element_type=jnp.float32)
    z = jnp.maximum(z + b_ref[...], 0.0)
    o_ref[...] = z * ns_ref[...]


_mid_call = pl.pallas_call(
    _mid_body,
    grid=(GRID,),
    in_specs=[
        pl.BlockSpec((NC, BN, D), lambda i: (0, i, 0)),
        pl.BlockSpec((BN, 1), lambda i: (i, 0)),
        pl.BlockSpec((BN, 1), lambda i: (i, 0)),
        pl.BlockSpec((D, D), lambda i: (0, 0)),
        pl.BlockSpec((1, D), lambda i: (0, 0)),
    ],
    out_specs=pl.BlockSpec((BN, D), lambda i: (i, 0)),
    out_shape=jax.ShapeDtypeStruct((N, D), jnp.float32),
)


def _fin_body(p_ref, nd_ref, w_ref, b_ref, o_ref):
    agg = (p_ref[0] + p_ref[1]) * nd_ref[...]
    z = jnp.dot(agg, w_ref[...], preferred_element_type=jnp.float32)
    o_ref[...] = jnp.maximum(z + b_ref[...], 0.0)


_fin_call = pl.pallas_call(
    _fin_body,
    grid=(GRID,),
    in_specs=[
        pl.BlockSpec((NC, BN, D), lambda i: (0, i, 0)),
        pl.BlockSpec((BN, 1), lambda i: (i, 0)),
        pl.BlockSpec((D, D), lambda i: (0, 0)),
        pl.BlockSpec((1, D), lambda i: (0, 0)),
    ],
    out_specs=pl.BlockSpec((BN, D), lambda i: (i, 0)),
    out_shape=jax.ShapeDtypeStruct((N, D), jnp.float32),
)


def kernel(x, edge_index, W1, b1, W2, b2):
    src = edge_index[0]
    dst = edge_index[1]
    npad = EPAD - E
    iota = jnp.arange(npad, dtype=jnp.int32)
    src_s = jnp.concatenate([src, iota % 128])
    dst_s = jnp.concatenate([dst, N + iota % (NPAD - N)])
    diota = jnp.arange(DEPAD - E, dtype=jnp.int32)
    src_d = jnp.concatenate([src, 2 * N + diota % 2048])
    dst_d = jnp.concatenate([dst + N, 2 * N + diota % 2048])

    degs = _deg_kernel(src_d, dst_d)
    xs, ns, nd = _prep_call(degs.reshape(NC, 2, N, 1), x)

    p1 = _seg_kernel(xs, src_s, dst_s)
    zs = _mid_call(p1, nd, ns, W1, b1.reshape(1, D))

    p2 = _seg_kernel(zs, src_s, dst_s)
    out = _fin_call(p2, nd, W2, b2.reshape(1, D))
    return out

# --- scband reference (transcript-rebuilt; emitter-appended) ---
"""Pipeline reference for scband-gconv-88124138979802 (READ-ONLY COPY).

The authoritative reference and input builder live on the scoring server;
editing this copy changes nothing except your own understanding.
"""

import jax, jax.numpy as jnp
import numpy as np

N = 10000
E = 320000
D = 128
H = 128


def setup_inputs(seed: int = 0) -> dict:
    key = jax.random.key(seed)
    k1, k2, k3, k4, k5, k6 = jax.random.split(key, 6)
    x = jax.random.normal(k1, (N, D), dtype=jnp.float32)
    edge_index = jax.random.randint(k2, (2, E), 0, N, dtype=jnp.int32)
    # GraphConv layer params (glorot-style init)
    W1 = jax.random.normal(k3, (D, H), dtype=jnp.float32) * (1.0 / np.sqrt(D))
    b1 = jnp.zeros((H,), dtype=jnp.float32)
    W2 = jax.random.normal(k4, (H, H), dtype=jnp.float32) * (1.0 / np.sqrt(H))
    b2 = jnp.zeros((H,), dtype=jnp.float32)
    return {"x": x, "edge_index": edge_index, "W1": W1, "b1": b1, "W2": W2, "b2": b2}


def _gcn_layer(h, src, dst, W, b):
    # dgl.nn.GraphConv with norm='both':
    # out = D_dst^{-1/2} * A * (D_src^{-1/2} * h) * W + b
    deg_out = jnp.bincount(src, length=N).astype(jnp.float32)
    deg_in = jnp.bincount(dst, length=N).astype(jnp.float32)
    norm_src = jax.lax.rsqrt(jnp.clip(deg_out, 1.0, None))
    norm_dst = jax.lax.rsqrt(jnp.clip(deg_in, 1.0, None))
    h = h * norm_src[:, None]
    msg = jnp.take(h, src, axis=0)
    agg = jax.ops.segment_sum(msg, dst, num_segments=N)
    agg = agg * norm_dst[:, None]
    return agg @ W + b


def reference(x, edge_index, W1, b1, W2, b2):
    src = edge_index[0]
    dst = edge_index[1]
    z = _gcn_layer(x, src, dst, W1, b1)
    z = jax.nn.relu(z)
    z = _gcn_layer(z, src, dst, W2, b2)
    z = jax.nn.relu(z)
    return z

if __name__ == "__main__":
    import jax
    _d = setup_inputs()
    print(jax.jit(kernel)(*tuple(_d.values())))

</pallas_src>

<mosaic_0001>
#map = affine_map<(d0, d1) -> (0)>
module attributes {stable_mosaic.version = 14 : i64} {
  func.func @_deg_kernel(%arg0: i32, %arg1: i32, %arg2: memref<328192xi32, #tpu.memory_space<hbm>>, %arg3: memref<328192xi32, #tpu.memory_space<hbm>>, %arg4: memref<40000xf32, #tpu.memory_space<hbm>>, %arg5: memref<22048xf32, #tpu.memory_space<vmem_shared>>, %arg6: memref<3x128xi32, #tpu.memory_space<vmem>>, %arg7: memref<3x128xi32, #tpu.memory_space<vmem>>, %arg8: memref<128xf32, #tpu.memory_space<vmem>>, %arg9: memref<2000xf32, #tpu.memory_space<vmem>>, %arg10: memref<!tpu.dma_semaphore, #tpu.memory_space<semaphore_mem>>, %arg11: memref<!tpu.dma_semaphore, #tpu.memory_space<semaphore_mem>>, %arg12: memref<!tpu.dma_semaphore, #tpu.memory_space<semaphore_mem>>) attributes {dimension_semantics = [#tpu.dimension_semantics<core_parallel>, #tpu.dimension_semantics<subcore_parallel>], iteration_bounds = array<i64: 2, 16>, scalar_prefetch = 0 : i64, scratch_operands = 8 : i64, tpu.core_type = #tpu.core_type<sc_vector_subcore>, window_params = [{transform_indices = #map}, {transform_indices = #map}, {transform_indices = #map}]} {
    %mul3A = arith.constant 16 : i32
    %mul3A_0 = arith.muli %arg0, %mul3A : i32
    %add3A = arith.addi %mul3A_0, %arg1 : i32
    %mul3A_1 = arith.constant 10240 : i32
    %mul3A_2 = arith.muli %add3A, %mul3A_1 : i32
    %run_scoped3A = arith.constant 0 : i32
    "tpu.region"() ({
      %run_scoped3A_111 = tpu.sem_alloc : memref<!tpu.dma_semaphore, #tpu.memory_space<semaphore_mem>>
      %dma_start3A_112 = arith.constant 0 : i32
      %dma_start3A_113 = tpu.memref_slice %arg6[%run_scoped3A, %dma_start3A_112] : memref<3x128xi32, #tpu.memory_space<vmem>> -> memref<1x128xi32, #tpu.memory_space<vmem>>
      %dma_start3A_114 = tpu.memref_squeeze %dma_start3A_113 : memref<1x128xi32, #tpu.memory_space<vmem>> -> memref<128xi32, #tpu.memory_space<vmem>>
      %dma_start3A_115 = tpu.memref_slice %arg2[%mul3A_2] : memref<328192xi32, #tpu.memory_space<hbm>> -> memref<128xi32, #tpu.memory_space<hbm>>
      %dma_start3A_116 = arith.constant 0 : i32
      %dma_start3A_117 = tpu.memref_slice %arg6[%run_scoped3A, %dma_start3A_116] : memref<3x128xi32, #tpu.memory_space<vmem>> -> memref<1x128xi32, #tpu.memory_space<vmem>>
      %dma_start3A_118 = tpu.memref_squeeze %dma_start3A_117 : memref<1x128xi32, #tpu.memory_space<vmem>> -> memref<128xi32, #tpu.memory_space<vmem>>
      %dma_start3A_119 = tpu.memref_slice %arg2[%mul3A_2] : memref<328192xi32, #tpu.memory_space<hbm>> -> memref<128xi32, #tpu.memory_space<hbm>>
      tpu.enqueue_dma source(%dma_start3A_119 : memref<128xi32, #tpu.memory_space<hbm>>) target(%dma_start3A_118 : memref<128xi32, #tpu.memory_space<vmem>>) target_semaphore(%run_scoped3A_111 : memref<!tpu.dma_semaphore, #tpu.memory_space<semaphore_mem>>)
      %dma_wait3A_120 = arith.constant 0 : i32
      %dma_wait3A_121 = tpu.memref_slice %arg6[%run_scoped3A, %dma_wait3A_120] : memref<3x128xi32, #tpu.memory_space<vmem>> -> memref<1x128xi32, #tpu.memory_space<vmem>>
      %dma_wait3A_122 = tpu.memref_squeeze %dma_wait3A_121 : memref<1x128xi32, #tpu.memory_space<vmem>> -> memref<128xi32, #tpu.memory_space<vmem>>
      %dma_wait3A_123 = tpu.memref_slice %arg2[%mul3A_2] : memref<328192xi32, #tpu.memory_space<hbm>> -> memref<128xi32, #tpu.memory_space<hbm>>
      %dma_wait3A_124 = arith.constant 0 : i32
      %dma_wait3A_125 = tpu.memref_slice %arg6[%run_scoped3A, %dma_wait3A_124] : memref<3x128xi32, #tpu.memory_space<vmem>> -> memref<1x128xi32, #tpu.memory_space<vmem>>
      %dma_wait3A_126 = tpu.memref_squeeze %dma_wait3A_125 : memref<1x128xi32, #tpu.memory_space<vmem>> -> memref<128xi32, #tpu.memory_space<vmem>>
      %dma_wait3A_127 = tpu.memref_slice %arg2[%mul3A_2] : memref<328192xi32, #tpu.memory_space<hbm>> -> memref<128xi32, #tpu.memory_space<hbm>>
      tpu.wait_dma2 semaphore(%run_scoped3A_111 : memref<!tpu.dma_semaphore, #tpu.memory_space<semaphore_mem>>) src(%dma_wait3A_127 : memref<128xi32, #tpu.memory_space<hbm>>) dst(%dma_wait3A_126 : memref<128xi32, #tpu.memory_space<vmem>>)
      tpu.yield
    }) : () -> ()
    %run_scoped3A_3 = arith.constant 0 : i32
    "tpu.region"() ({
      %run_scoped3A_111 = tpu.sem_alloc : memref<!tpu.dma_semaphore, #tpu.memory_space<semaphore_mem>>
      %dma_start3A_112 = arith.constant 0 : i32
      %dma_start3A_113 = tpu.memref_slice %arg7[%run_scoped3A_3, %dma_start3A_112] : memref<3x128xi32, #tpu.memory_space<vmem>> -> memref<1x128xi32, #tpu.memory_space<vmem>>
      %dma_start3A_114 = tpu.memref_squeeze %dma_start3A_113 : memref<1x128xi32, #tpu.memory_space<vmem>> -> memref<128xi32, #tpu.memory_space<vmem>>
      %dma_start3A_115 = tpu.memref_slice %arg3[%mul3A_2] : memref<328192xi32, #tpu.memory_space<hbm>> -> memref<128xi32, #tpu.memory_space<hbm>>
      %dma_start3A_116 = arith.constant 0 : i32
      %dma_start3A_117 = tpu.memref_slice %arg7[%run_scoped3A_3, %dma_start3A_116] : memref<3x128xi32, #tpu.memory_space<vmem>> -> memref<1x128xi32, #tpu.memory_space<vmem>>
      %dma_start3A_118 = tpu.memref_squeeze %dma_start3A_117 : memref<1x128xi32, #tpu.memory_space<vmem>> -> memref<128xi32, #tpu.memory_space<vmem>>
      %dma_start3A_119 = tpu.memref_slice %arg3[%mul3A_2] : memref<328192xi32, #tpu.memory_space<hbm>> -> memref<128xi32, #tpu.memory_space<hbm>>
      tpu.enqueue_dma source(%dma_start3A_119 : memref<128xi32, #tpu.memory_space<hbm>>) target(%dma_start3A_118 : memref<128xi32, #tpu.memory_space<vmem>>) target_semaphore(%run_scoped3A_111 : memref<!tpu.dma_semaphore, #tpu.memory_space<semaphore_mem>>)
      %dma_wait3A_120 = arith.constant 0 : i32
      %dma_wait3A_121 = tpu.memref_slice %arg7[%run_scoped3A_3, %dma_wait3A_120] : memref<3x128xi32, #tpu.memory_space<vmem>> -> memref<1x128xi32, #tpu.memory_space<vmem>>
      %dma_wait3A_122 = tpu.memref_squeeze %dma_wait3A_121 : memref<1x128xi32, #tpu.memory_space<vmem>> -> memref<128xi32, #tpu.memory_space<vmem>>
      %dma_wait3A_123 = tpu.memref_slice %arg3[%mul3A_2] : memref<328192xi32, #tpu.memory_space<hbm>> -> memref<128xi32, #tpu.memory_space<hbm>>
      %dma_wait3A_124 = arith.constant 0 : i32
      %dma_wait3A_125 = tpu.memref_slice %arg7[%run_scoped3A_3, %dma_wait3A_124] : memref<3x128xi32, #tpu.memory_space<vmem>> -> memref<1x128xi32, #tpu.memory_space<vmem>>
      %dma_wait3A_126 = tpu.memref_squeeze %dma_wait3A_125 : memref<1x128xi32, #tpu.memory_space<vmem>> -> memref<128xi32, #tpu.memory_space<vmem>>
      %dma_wait3A_127 = tpu.memref_slice %arg3[%mul3A_2] : memref<328192xi32, #tpu.memory_space<hbm>> -> memref<128xi32, #tpu.memory_space<hbm>>
      tpu.wait_dma2 semaphore(%run_scoped3A_111 : memref<!tpu.dma_semaphore, #tpu.memory_space<semaphore_mem>>) src(%dma_wait3A_127 : memref<128xi32, #tpu.memory_space<hbm>>) dst(%dma_wait3A_126 : memref<128xi32, #tpu.memory_space<vmem>>)
      tpu.yield
    }) : () -> ()
    %add3A_4 = arith.constant 128 : i32
    %add3A_5 = arith.addi %mul3A_2, %add3A_4 : i32
    %multiple_of3A = tpu.assume_multiple %add3A_5, 8 : i32
    %dma_start3A = arith.constant 1 : i32
    %dma_start3A_6 = arith.constant 0 : i32
    %dma_start3A_7 = tpu.memref_slice %arg6[%dma_start3A, %dma_start3A_6] : memref<3x128xi32, #tpu.memory_space<vmem>> -> memref<1x128xi32, #tpu.memory_space<vmem>>
    %dma_start3A_8 = tpu.memref_squeeze %dma_start3A_7 : memref<1x128xi32, #tpu.memory_space<vmem>> -> memref<128xi32, #tpu.memory_space<vmem>>
    %dma_start3A_9 = tpu.memref_slice %arg2[%multiple_of3A] : memref<328192xi32, #tpu.memory_space<hbm>> -> memref<128xi32, #tpu.memory_space<hbm>>
    %dma_start3A_10 = arith.constant 0 : i32
    %dma_start3A_11 = tpu.memref_slice %arg6[%dma_start3A, %dma_start3A_10] : memref<3x128xi32, #tpu.memory_space<vmem>> -> memref<1x128xi32, #tpu.memory_space<vmem>>
    %dma_start3A_12 = tpu.memref_squeeze %dma_start3A_11 : memref<1x128xi32, #tpu.memory_space<vmem>> -> memref<128xi32, #tpu.memory_space<vmem>>
    %dma_start3A_13 = tpu.memref_slice %arg2[%multiple_of3A] : memref<328192xi32, #tpu.memory_space<hbm>> -> memref<128xi32, #tpu.memory_space<hbm>>
    tpu.enqueue_dma source(%dma_start3A_13 : memref<128xi32, #tpu.memory_space<hbm>>) target(%dma_start3A_12 : memref<128xi32, #tpu.memory_space<vmem>>) target_semaphore(%arg10 : memref<!tpu.dma_semaphore, #tpu.memory_space<semaphore_mem>>)
    %dma_start3A_14 = arith.constant 1 : i32
    %dma_start3A_15 = arith.constant 0 : i32
    %dma_start3A_16 = tpu.memref_slice %arg7[%dma_start3A_14, %dma_start3A_15] : memref<3x128xi32, #tpu.memory_space<vmem>> -> memref<1x128xi32, #tpu.memory_space<vmem>>
    %dma_start3A_17 = tpu.memref_squeeze %dma_start3A_16 : memref<1x128xi32, #tpu.memory_space<vmem>> -> memref<128xi32, #tpu.memory_space<vmem>>
    %dma_start3A_18 = tpu.memref_slice %arg3[%multiple_of3A] : memref<328192xi32, #tpu.memory_space<hbm>> -> memref<128xi32, #tpu.memory_space<hbm>>
    %dma_start3A_19 = arith.constant 0 : i32
    %dma_start3A_20 = tpu.memref_slice %arg7[%dma_start3A_14, %dma_start3A_19] : memref<3x128xi32, #tpu.memory_space<vmem>> -> memref<1x128xi32, #tpu.memory_space<vmem>>
    %dma_start3A_21 = tpu.memref_squeeze %dma_start3A_20 : memref<1x128xi32, #tpu.memory_space<vmem>> -> memref<128xi32, #tpu.memory_space<vmem>>
    %dma_start3A_22 = tpu.memref_slice %arg3[%multiple_of3A] : memref<328192xi32, #tpu.memory_space<hbm>> -> memref<128xi32, #tpu.memory_space<hbm>>
    tpu.enqueue_dma source(%dma_start3A_22 : memref<128xi32, #tpu.memory_space<hbm>>) target(%dma_start3A_21 : memref<128xi32, #tpu.memory_space<vmem>>) target_semaphore(%arg11 : memref<!tpu.dma_semaphore, #tpu.memory_space<semaphore_mem>>)
    %lt3A = arith.constant 10 : i32
    %lt3A_23 = arith.cmpi slt, %arg1, %lt3A : i32
    %convert_element_type3A = arith.extui %lt3A_23 : i1 to i32
    %cond3A = arith.constant 0 : i32
    %cond3A_24 = arith.cmpi ne, %convert_element_type3A, %cond3A : i32
    scf.if %cond3A_24 {
      %scan3A_111 = arith.constant 0 : i32
      %scan3A_112 = arith.constant 0 : i32
      %scan3A_113 = arith.constant 125 : i32
      %scan3A_114 = arith.addi %scan3A_112, %scan3A_113 : i32
      %scan3A_115 = arith.constant 1 : i32
      scf.for %scan3A_120 = %scan3A_112 to %scan3A_114 step %scan3A_115  : i32 {
        %broadcast_in_dim3A_121 = arith.constant 0.000000e+00 : f32
        %broadcast_in_dim3A_122 = vector.broadcast %broadcast_in_dim3A_121 : f32 to vector<16xf32>
        %mul3A_123 = arith.constant 16 : i32
        %mul3A_124 = arith.muli %scan3A_120, %mul3A_123 : i32
        %swap3A_125 = arith.index_cast %mul3A_124 : i32 to index
        %swap3A_126 = tpu.vector_load %arg9[%swap3A_125] {strides = array<i32>} : memref<2000xf32, #tpu.memory_space<vmem>>, vector<16xf32>,
        %swap3A_127 = vector.shape_cast %swap3A_126 : vector<16xf32> to vector<16xf32>
        %swap3A_128 = vector.shape_cast %broadcast_in_dim3A_122 : vector<16xf32> to vector<16xf32>
        tpu.vector_store %arg9[%swap3A_125], %swap3A_128 {strides = array<i32>} : memref<2000xf32, #tpu.memory_space<vmem>>, vector<16xf32>,
      }
      %scan3A_116 = arith.constant 125 : i32
      %mul3A_117 = arith.constant 2000 : i32
      %mul3A_118 = arith.muli %arg1, %mul3A_117 : i32
      %multiple_of3A_119 = tpu.assume_multiple %mul3A_118, 8 : i32
      "tpu.region"() ({
        %run_scoped3A_120 = tpu.sem_alloc : memref<!tpu.dma_semaphore, #tpu.memory_space<semaphore_mem>>
        %dma_start3A_121 = tpu.memref_slice %arg5[%multiple_of3A_119] : memref<22048xf32, #tpu.memory_space<vmem_shared>> -> memref<2000xf32, #tpu.memory_space<vmem_shared>>
        %dma_start3A_122 = tpu.memref_slice %arg5[%multiple_of3A_119] : memref<22048xf32, #tpu.memory_space<vmem_shared>> -> memref<2000xf32, #tpu.memory_space<vmem_shared>>
        tpu.enqueue_dma source(%arg9 : memref<2000xf32, #tpu.memory_space<vmem>>) target(%dma_start3A_122 : memref<2000xf32, #tpu.memory_space<vmem_shared>>) target_semaphore(%run_scoped3A_120 : memref<!tpu.dma_semaphore, #tpu.memory_space<semaphore_mem>>)
        %dma_wait3A_123 = tpu.memref_slice %arg5[%multiple_of3A_119] : memref<22048xf32, #tpu.memory_space<vmem_shared>> -> memref<2000xf32, #tpu.memory_space<vmem_shared>>
        %dma_wait3A_124 = tpu.memref_slice %arg5[%multiple_of3A_119] : memref<22048xf32, #tpu.memory_space<vmem_shared>> -> memref<2000xf32, #tpu.memory_space<vmem_shared>>
        tpu.wait_dma2 semaphore(%run_scoped3A_120 : memref<!tpu.dma_semaphore, #tpu.memory_space<semaphore_mem>>) src(%arg9 : memref<2000xf32, #tpu.memory_space<vmem>>) dst(%dma_wait3A_124 : memref<2000xf32, #tpu.memory_space<vmem_shared>>)
        tpu.yield
      }) : () -> ()
    } else {
    }
    %broadcast_in_dim3A = arith.constant 1.000000e+00 : f32
    %broadcast_in_dim3A_25 = vector.broadcast %broadcast_in_dim3A : f32 to vector<16xf32>
    %swap3A = arith.constant 0 : index
    %swap3A_26 = tpu.vector_load %arg8[%swap3A] {strides = array<i32>} : memref<128xf32, #tpu.memory_space<vmem>>, vector<16xf32>,
    %swap3A_27 = vector.shape_cast %swap3A_26 : vector<16xf32> to vector<16xf32>
    %swap3A_28 = vector.shape_cast %broadcast_in_dim3A_25 : vector<16xf32> to vector<16xf32>
    tpu.vector_store %arg8[%swap3A], %swap3A_28 {strides = array<i32>} : memref<128xf32, #tpu.memory_space<vmem>>, vector<16xf32>,
    %broadcast_in_dim3A_29 = arith.constant 1.000000e+00 : f32
    %broadcast_in_dim3A_30 = vector.broadcast %broadcast_in_dim3A_29 : f32 to vector<16xf32>
    %swap3A_31 = arith.constant 16 : index
    %swap3A_32 = tpu.vector_load %arg8[%swap3A_31] {strides = array<i32>} : memref<128xf32, #tpu.memory_space<vmem>>, vector<16xf32>,
    %swap3A_33 = vector.shape_cast %swap3A_32 : vector<16xf32> to vector<16xf32>
    %swap3A_34 = vector.shape_cast %broadcast_in_dim3A_30 : vector<16xf32> to vector<16xf32>
    tpu.vector_store %arg8[%swap3A_31], %swap3A_34 {strides = array<i32>} : memref<128xf32, #tpu.memory_space<vmem>>, vector<16xf32>,
    %broadcast_in_dim3A_35 = arith.constant 1.000000e+00 : f32
    %broadcast_in_dim3A_36 = vector.broadcast %broadcast_in_dim3A_35 : f32 to vector<16xf32>
    %swap3A_37 = arith.constant 32 : index
    %swap3A_38 = tpu.vector_load %arg8[%swap3A_37] {strides = array<i32>} : memref<128xf32, #tpu.memory_space<vmem>>, vector<16xf32>,
    %swap3A_39 = vector.shape_cast %swap3A_38 : vector<16xf32> to vector<16xf32>
    %swap3A_40 = vector.shape_cast %broadcast_in_dim3A_36 : vector<16xf32> to vector<16xf32>
    tpu.vector_store %arg8[%swap3A_37], %swap3A_40 {strides = array<i32>} : memref<128xf32, #tpu.memory_space<vmem>>, vector<16xf32>,
    %broadcast_in_dim3A_41 = arith.constant 1.000000e+00 : f32
    %broadcast_in_dim3A_42 = vector.broadcast %broadcast_in_dim3A_41 : f32 to vector<16xf32>
    %swap3A_43 = arith.constant 48 : index
    %swap3A_44 = tpu.vector_load %arg8[%swap3A_43] {strides = array<i32>} : memref<128xf32, #tpu.memory_space<vmem>>, vector<16xf32>,
    %swap3A_45 = vector.shape_cast %swap3A_44 : vector<16xf32> to vector<16xf32>
    %swap3A_46 = vector.shape_cast %broadcast_in_dim3A_42 : vector<16xf32> to vector<16xf32>
    tpu.vector_store %arg8[%swap3A_43], %swap3A_46 {strides = array<i32>} : memref<128xf32, #tpu.memory_space<vmem>>, vector<16xf32>,
    %broadcast_in_dim3A_47 = arith.constant 1.000000e+00 : f32
    %broadcast_in_dim3A_48 = vector.broadcast %broadcast_in_dim3A_47 : f32 to vector<16xf32>
    %swap3A_49 = arith.constant 64 : index
    %swap3A_50 = tpu.vector_load %arg8[%swap3A_49] {strides = array<i32>} : memref<128xf32, #tpu.memory_space<vmem>>, vector<16xf32>,
    %swap3A_51 = vector.shape_cast %swap3A_50 : vector<16xf32> to vector<16xf32>
    %swap3A_52 = vector.shape_cast %broadcast_in_dim3A_48 : vector<16xf32> to vector<16xf32>
    tpu.vector_store %arg8[%swap3A_49], %swap3A_52 {strides = array<i32>} : memref<128xf32, #tpu.memory_space<vmem>>, vector<16xf32>,
    %broadcast_in_dim3A_53 = arith.constant 1.000000e+00 : f32
    %broadcast_in_dim3A_54 = vector.broadcast %broadcast_in_dim3A_53 : f32 to vector<16xf32>
    %swap3A_55 = arith.constant 80 : index
    %swap3A_56 = tpu.vector_load %arg8[%swap3A_55] {strides = array<i32>} : memref<128xf32, #tpu.memory_space<vmem>>, vector<16xf32>,
    %swap3A_57 = vector.shape_cast %swap3A_56 : vector<16xf32> to vector<16xf32>
    %swap3A_58 = vector.shape_cast %broadcast_in_dim3A_54 : vector<16xf32> to vector<16xf32>
    tpu.vector_store %arg8[%swap3A_55], %swap3A_58 {strides = array<i32>} : memref<128xf32, #tpu.memory_space<vmem>>, vector<16xf32>,
    %broadcast_in_dim3A_59 = arith.constant 1.000000e+00 : f32
    %broadcast_in_dim3A_60 = vector.broadcast %broadcast_in_dim3A_59 : f32 to vector<16xf32>
    %swap3A_61 = arith.constant 96 : index
    %swap3A_62 = tpu.vector_load %arg8[%swap3A_61] {strides = array<i32>} : memref<128xf32, #tpu.memory_space<vmem>>, vector<16xf32>,
    %swap3A_63 = vector.shape_cast %swap3A_62 : vector<16xf32> to vector<16xf32>
    %swap3A_64 = vector.shape_cast %broadcast_in_dim3A_60 : vector<16xf32> to vector<16xf32>
    tpu.vector_store %arg8[%swap3A_61], %swap3A_64 {strides = array<i32>} : memref<128xf32, #tpu.memory_space<vmem>>, vector<16xf32>,
    %broadcast_in_dim3A_65 = arith.constant 1.000000e+00 : f32
    %broadcast_in_dim3A_66 = vector.broadcast %broadcast_in_dim3A_65 : f32 to vector<16xf32>
    %swap3A_67 = arith.constant 112 : index
    %swap3A_68 = tpu.vector_load %arg8[%swap3A_67] {strides = array<i32>} : memref<128xf32, #tpu.memory_space<vmem>>, vector<16xf32>,
    %swap3A_69 = vector.shape_cast %swap3A_68 : vector<16xf32> to vector<16xf32>
    %swap3A_70 = vector.shape_cast %broadcast_in_dim3A_66 : vector<16xf32> to vector<16xf32>
    tpu.vector_store %arg8[%swap3A_67], %swap3A_70 {strides = array<i32>} : memref<128xf32, #tpu.memory_space<vmem>>, vector<16xf32>,
    %barrier3A = arith.constant 0 : index
    tpu.barrier barrier_id(%barrier3A)
    %scan3A = arith.constant 0 : i32
    %scan3A_71 = arith.constant 0 : i32
    %scan3A_72 = arith.constant 80 : i32
    %scan3A_73 = arith.addi %scan3A_71, %scan3A_72 : i32
    %scan3A_74 = arith.constant 1 : i32
    scf.for %scan3A_111 = %scan3A_71 to %scan3A_73 step %scan3A_74  : i32 {
      %rem3A = arith.constant 3 : i32
      %rem3A_112 = arith.remsi %scan3A_111, %rem3A : i32
      %add3A_113 = arith.constant 1 : i32
      %add3A_114 = arith.addi %scan3A_111, %add3A_113 : i32
      %rem3A_115 = arith.constant 3 : i32
      %rem3A_116 = arith.remsi %add3A_114, %rem3A_115 : i32
      %add3A_117 = arith.constant 2 : i32
      %add3A_118 = arith.addi %scan3A_111, %add3A_117 : i32
      %rem3A_119 = arith.constant 3 : i32
      %rem3A_120 = arith.remsi %add3A_118, %rem3A_119 : i32
      %add3A_121 = arith.constant 2 : i32
      %add3A_122 = arith.addi %scan3A_111, %add3A_121 : i32
      %mul3A_123 = arith.constant 128 : i32
      %mul3A_124 = arith.muli %add3A_122, %mul3A_123 : i32
      %add3A_125 = arith.addi %mul3A_2, %mul3A_124 : i32
      %multiple_of3A_126 = tpu.assume_multiple %add3A_125, 8 : i32
      %gt3A = arith.constant 0 : i32
      %gt3A_127 = arith.cmpi sgt, %scan3A_111, %gt3A : i32
      %convert_element_type3A_128 = arith.extui %gt3A_127 : i1 to i32
      %cond3A_129 = arith.constant 0 : i32
      %cond3A_130 = arith.cmpi ne, %convert_element_type3A_128, %cond3A_129 : i32
      scf.if %cond3A_130 {
        %dma_wait3A_173 = arith.constant 0 : i32
        %dma_wait3A_174 = tpu.memref_slice %arg6[%rem3A_120, %dma_wait3A_173] : memref<3x128xi32, #tpu.memory_space<vmem>> -> memref<1x128xi32, #tpu.memory_space<vmem>>
        %dma_wait3A_175 = tpu.memref_squeeze %dma_wait3A_174 : memref<1x128xi32, #tpu.memory_space<vmem>> -> memref<128xi32, #tpu.memory_space<vmem>>
        %dma_wait3A_176 = arith.constant 0 : i32
        %dma_wait3A_177 = tpu.memref_slice %arg5[%dma_wait3A_176] : memref<22048xf32, #tpu.memory_space<vmem_shared>> -> memref<22048xf32, #tpu.memory_space<vmem_shared>>
        tpu.wait_indirect_dma semaphore(%arg12 : memref<!tpu.dma_semaphore, #tpu.memory_space<semaphore_mem>>) src(%arg8 : memref<128xf32, #tpu.memory_space<vmem>>) dst(%dma_wait3A_177 : memref<22048xf32, #tpu.memory_space<vmem_shared>>)
        %dma_wait3A_178 = arith.constant 0 : i32
        %dma_wait3A_179 = tpu.memref_slice %arg7[%rem3A_120, %dma_wait3A_178] : memref<3x128xi32, #tpu.memory_space<vmem>> -> memref<1x128xi32, #tpu.memory_space<vmem>>
        %dma_wait3A_180 = tpu.memref_squeeze %dma_wait3A_179 : memref<1x128xi32, #tpu.memory_space<vmem>> -> memref<128xi32, #tpu.memory_space<vmem>>
        %dma_wait3A_181 = arith.constant 0 : i32
        %dma_wait3A_182 = tpu.memref_slice %arg5[%dma_wait3A_181] : memref<22048xf32, #tpu.memory_space<vmem_shared>> -> memref<22048xf32, #tpu.memory_space<vmem_shared>>
        tpu.wait_indirect_dma semaphore(%arg12 : memref<!tpu.dma_semaphore, #tpu.memory_space<semaphore_mem>>) src(%arg8 : memref<128xf32, #tpu.memory_space<vmem>>) dst(%dma_wait3A_182 : memref<22048xf32, #tpu.memory_space<vmem_shared>>)
      } else {
      }
      %dma_wait3A_131 = arith.constant 0 : i32
      %dma_wait3A_132 = tpu.memref_slice %arg6[%rem3A_112, %dma_wait3A_131] : memref<3x128xi32, #tpu.memory_space<vmem>> -> memref<1x128xi32, #tpu.memory_space<vmem>>
      %dma_wait3A_133 = tpu.memref_squeeze %dma_wait3A_132 : memref<1x128xi32, #tpu.memory_space<vmem>> -> memref<128xi32, #tpu.memory_space<vmem>>
      %dma_wait3A_134 = tpu.memref_slice %arg2[%multiple_of3A_126] : memref<328192xi32, #tpu.memory_space<hbm>> -> memref<128xi32, #tpu.memory_space<hbm>>
      %dma_wait3A_135 = arith.constant 0 : i32
      %dma_wait3A_136 = tpu.memref_slice %arg6[%rem3A_112, %dma_wait3A_135] : memref<3x128xi32, #tpu.memory_space<vmem>> -> memref<1x128xi32, #tpu.memory_space<vmem>>
      %dma_wait3A_137 = tpu.memref_squeeze %dma_wait3A_136 : memref<1x128xi32, #tpu.memory_space<vmem>> -> memref<128xi32, #tpu.memory_space<vmem>>
      %dma_wait3A_138 = tpu.memref_slice %arg2[%multiple_of3A_126] : memref<328192xi32, #tpu.memory_space<hbm>> -> memref<128xi32, #tpu.memory_space<hbm>>
      tpu.wait_dma2 semaphore(%arg10 : memref<!tpu.dma_semaphore, #tpu.memory_space<semaphore_mem>>) src(%dma_wait3A_138 : memref<128xi32, #tpu.memory_space<hbm>>) dst(%dma_wait3A_137 : memref<128xi32, #tpu.memory_space<vmem>>)
      %dma_wait3A_139 = arith.constant 0 : i32
      %dma_wait3A_140 = tpu.memref_slice %arg7[%rem3A_112, %dma_wait3A_139] : memref<3x128xi32, #tpu.memory_space<vmem>> -> memref<1x128xi32, #tpu.memory_space<vmem>>
      %dma_wait3A_141 = tpu.memref_squeeze %dma_wait3A_140 : memref<1x128xi32, #tpu.memory_space<vmem>> -> memref<128xi32, #tpu.memory_space<vmem>>
      %dma_wait3A_142 = tpu.memref_slice %arg3[%multiple_of3A_126] : memref<328192xi32, #tpu.memory_space<hbm>> -> memref<128xi32, #tpu.memory_space<hbm>>
      %dma_wait3A_143 = arith.constant 0 : i32
      %dma_wait3A_144 = tpu.memref_slice %arg7[%rem3A_112, %dma_wait3A_143] : memref<3x128xi32, #tpu.memory_space<vmem>> -> memref<1x128xi32, #tpu.memory_space<vmem>>
      %dma_wait3A_145 = tpu.memref_squeeze %dma_wait3A_144 : memref<1x128xi32, #tpu.memory_space<vmem>> -> memref<128xi32, #tpu.memory_space<vmem>>
      %dma_wait3A_146 = tpu.memref_slice %arg3[%multiple_of3A_126] : memref<328192xi32, #tpu.memory_space<hbm>> -> memref<128xi32, #tpu.memory_space<hbm>>
      tpu.wait_dma2 semaphore(%arg11 : memref<!tpu.dma_semaphore, #tpu.memory_space<semaphore_mem>>) src(%dma_wait3A_146 : memref<128xi32, #tpu.memory_space<hbm>>) dst(%dma_wait3A_145 : memref<128xi32, #tpu.memory_space<vmem>>)
      %dma_start3A_147 = arith.constant 0 : i32
      %dma_start3A_148 = tpu.memref_slice %arg6[%rem3A_112, %dma_start3A_147] : memref<3x128xi32, #tpu.memory_space<vmem>> -> memref<1x128xi32, #tpu.memory_space<vmem>>
      %dma_start3A_149 = tpu.memref_squeeze %dma_start3A_148 : memref<1x128xi32, #tpu.memory_space<vmem>> -> memref<128xi32, #tpu.memory_space<vmem>>
      %dma_start3A_150 = arith.constant 0 : i32
      %dma_start3A_151 = tpu.memref_slice %arg5[%dma_start3A_150] : memref<22048xf32, #tpu.memory_space<vmem_shared>> -> memref<22048xf32, #tpu.memory_space<vmem_shared>>
      tpu.enqueue_indirect_dma source(%arg8 : memref<128xf32, #tpu.memory_space<vmem>>) target(%dma_start3A_151 : memref<22048xf32, #tpu.memory_space<vmem_shared>>) offsets(%dma_start3A_149 : memref<128xi32, #tpu.memory_space<vmem>>) semaphore(%arg12 : memref<!tpu.dma_semaphore, #tpu.memory_space<semaphore_mem>>) {add = true}
      %dma_start3A_152 = arith.constant 0 : i32
      %dma_start3A_153 = tpu.memref_slice %arg7[%rem3A_112, %dma_start3A_152] : memref<3x128xi32, #tpu.memory_space<vmem>> -> memref<1x128xi32, #tpu.memory_space<vmem>>
      %dma_start3A_154 = tpu.memref_squeeze %dma_start3A_153 : memref<1x128xi32, #tpu.memory_space<vmem>> -> memref<128xi32, #tpu.memory_space<vmem>>
      %dma_start3A_155 = arith.constant 0 : i32
      %dma_start3A_156 = tpu.memref_slice %arg5[%dma_start3A_155] : memref<22048xf32, #tpu.memory_space<vmem_shared>> -> memref<22048xf32, #tpu.memory_space<vmem_shared>>
      tpu.enqueue_indirect_dma source(%arg8 : memref<128xf32, #tpu.memory_space<vmem>>) target(%dma_start3A_156 : memref<22048xf32, #tpu.memory_space<vmem_shared>>) offsets(%dma_start3A_154 : memref<128xi32, #tpu.memory_space<vmem>>) semaphore(%arg12 : memref<!tpu.dma_semaphore, #tpu.memory_space<semaphore_mem>>) {add = true}
      %dma_start3A_157 = arith.constant 0 : i32
      %dma_start3A_158 = tpu.memref_slice %arg6[%rem3A_120, %dma_start3A_157] : memref<3x128xi32, #tpu.memory_space<vmem>> -> memref<1x128xi32, #tpu.memory_space<vmem>>
      %dma_start3A_159 = tpu.memref_squeeze %dma_start3A_158 : memref<1x128xi32, #tpu.memory_space<vmem>> -> memref<128xi32, #tpu.memory_space<vmem>>
      %dma_start3A_160 = tpu.memref_slice %arg2[%multiple_of3A_126] : memref<328192xi32, #tpu.memory_space<hbm>> -> memref<128xi32, #tpu.memory_space<hbm>>
      %dma_start3A_161 = arith.constant 0 : i32
      %dma_start3A_162 = tpu.memref_slice %arg6[%rem3A_120, %dma_start3A_161] : memref<3x128xi32, #tpu.memory_space<vmem>> -> memref<1x128xi32, #tpu.memory_space<vmem>>
      %dma_start3A_163 = tpu.memref_squeeze %dma_start3A_162 : memref<1x128xi32, #tpu.memory_space<vmem>> -> memref<128xi32, #tpu.memory_space<vmem>>
      %dma_start3A_164 = tpu.memref_slice %arg2[%multiple_of3A_126] : memref<328192xi32, #tpu.memory_space<hbm>> -> memref<128xi32, #tpu.memory_space<hbm>>
      tpu.enqueue_dma source(%dma_start3A_164 : memref<128xi32, #tpu.memory_space<hbm>>) target(%dma_start3A_163 : memref<128xi32, #tpu.memory_space<vmem>>) target_semaphore(%arg10 : memref<!tpu.dma_semaphore, #tpu.memory_space<semaphore_mem>>)
      %dma_start3A_165 = arith.constant 0 : i32
      %dma_start3A_166 = tpu.memref_slice %arg7[%rem3A_120, %dma_start3A_165] : memref<3x128xi32, #tpu.memory_space<vmem>> -> memref<1x128xi32, #tpu.memory_space<vmem>>
      %dma_start3A_167 = tpu.memref_squeeze %dma_start3A_166 : memref<1x128xi32, #tpu.memory_space<vmem>> -> memref<128xi32, #tpu.memory_space<vmem>>
      %dma_start3A_168 = tpu.memref_slice %arg3[%multiple_of3A_126] : memref<328192xi32, #tpu.memory_space<hbm>> -> memref<128xi32, #tpu.memory_space<hbm>>
      %dma_start3A_169 = arith.constant 0 : i32
      %dma_start3A_170 = tpu.memref_slice %arg7[%rem3A_120, %dma_start3A_169] : memref<3x128xi32, #tpu.memory_space<vmem>> -> memref<1x128xi32, #tpu.memory_space<vmem>>
      %dma_start3A_171 = tpu.memref_squeeze %dma_start3A_170 : memref<1x128xi32, #tpu.memory_space<vmem>> -> memref<128xi32, #tpu.memory_space<vmem>>
      %dma_start3A_172 = tpu.memref_slice %arg3[%multiple_of3A_126] : memref<328192xi32, #tpu.memory_space<hbm>> -> memref<128xi32, #tpu.memory_space<hbm>>
      tpu.enqueue_dma source(%dma_start3A_172 : memref<128xi32, #tpu.memory_space<hbm>>) target(%dma_start3A_171 : memref<128xi32, #tpu.memory_space<vmem>>) target_semaphore(%arg11 : memref<!tpu.dma_semaphore, #tpu.memory_space<semaphore_mem>>)
    }
    %scan3A_75 = arith.constant 80 : i32
    %dma_wait3A = arith.constant 1 : i32
    %dma_wait3A_76 = arith.constant 0 : i32
    %dma_wait3A_77 = tpu.memref_slice %arg6[%dma_wait3A, %dma_wait3A_76] : memref<3x128xi32, #tpu.memory_space<vmem>> -> memref<1x128xi32, #tpu.memory_space<vmem>>
    %dma_wait3A_78 = tpu.memref_squeeze %dma_wait3A_77 : memref<1x128xi32, #tpu.memory_space<vmem>> -> memref<128xi32, #tpu.memory_space<vmem>>
    %dma_wait3A_79 = arith.constant 0 : i32
    %dma_wait3A_80 = tpu.memref_slice %arg5[%dma_wait3A_79] : memref<22048xf32, #tpu.memory_space<vmem_shared>> -> memref<22048xf32, #tpu.memory_space<vmem_shared>>
    tpu.wait_indirect_dma semaphore(%arg12 : memref<!tpu.dma_semaphore, #tpu.memory_space<semaphore_mem>>) src(%arg8 : memref<128xf32, #tpu.memory_space<vmem>>) dst(%dma_wait3A_80 : memref<22048xf32, #tpu.memory_space<vmem_shared>>)
    %dma_wait3A_81 = arith.constant 1 : i32
    %dma_wait3A_82 = arith.constant 0 : i32
    %dma_wait3A_83 = tpu.memref_slice %arg7[%dma_wait3A_81, %dma_wait3A_82] : memref<3x128xi32, #tpu.memory_space<vmem>> -> memref<1x128xi32, #tpu.memory_space<vmem>>
    %dma_wait3A_84 = tpu.memref_squeeze %dma_wait3A_83 : memref<1x128xi32, #tpu.memory_space<vmem>> -> memref<128xi32, #tpu.memory_space<vmem>>
    %dma_wait3A_85 = arith.constant 0 : i32
    %dma_wait3A_86 = tpu.memref_slice %arg5[%dma_wait3A_85] : memref<22048xf32, #tpu.memory_space<vmem_shared>> -> memref<22048xf32, #tpu.memory_space<vmem_shared>>
    tpu.wait_indirect_dma semaphore(%arg12 : memref<!tpu.dma_semaphore, #tpu.memory_space<semaphore_mem>>) src(%arg8 : memref<128xf32, #tpu.memory_space<vmem>>) dst(%dma_wait3A_86 : memref<22048xf32, #tpu.memory_space<vmem_shared>>)
    %dma_wait3A_87 = arith.constant 0 : i32
    %dma_wait3A_88 = arith.constant 0 : i32
    %dma_wait3A_89 = tpu.memref_slice %arg6[%dma_wait3A_87, %dma_wait3A_88] : memref<3x128xi32, #tpu.memory_space<vmem>> -> memref<1x128xi32, #tpu.memory_space<vmem>>
    %dma_wait3A_90 = tpu.memref_squeeze %dma_wait3A_89 : memref<1x128xi32, #tpu.memory_space<vmem>> -> memref<128xi32, #tpu.memory_space<vmem>>
    %dma_wait3A_91 = tpu.memref_slice %arg2[%mul3A_2] : memref<328192xi32, #tpu.memory_space<hbm>> -> memref<128xi32, #tpu.memory_space<hbm>>
    %dma_wait3A_92 = arith.constant 0 : i32
    %dma_wait3A_93 = tpu.memref_slice %arg6[%dma_wait3A_87, %dma_wait3A_92] : memref<3x128xi32, #tpu.memory_space<vmem>> -> memref<1x128xi32, #tpu.memory_space<vmem>>
    %dma_wait3A_94 = tpu.memref_squeeze %dma_wait3A_93 : memref<1x128xi32, #tpu.memory_space<vmem>> -> memref<128xi32, #tpu.memory_space<vmem>>
    %dma_wait3A_95 = tpu.memref_slice %arg2[%mul3A_2] : memref<328192xi32, #tpu.memory_space<hbm>> -> memref<128xi32, #tpu.memory_space<hbm>>
    tpu.wait_dma2 semaphore(%arg10 : memref<!tpu.dma_semaphore, #tpu.memory_space<semaphore_mem>>) src(%dma_wait3A_95 : memref<128xi32, #tpu.memory_space<hbm>>) dst(%dma_wait3A_94 : memref<128xi32, #tpu.memory_space<vmem>>)
    %dma_wait3A_96 = arith.constant 0 : i32
    %dma_wait3A_97 = arith.constant 0 : i32
    %dma_wait3A_98 = tpu.memref_slice %arg7[%dma_wait3A_96, %dma_wait3A_97] : memref<3x128xi32, #tpu.memory_space<vmem>> -> memref<1x128xi32, #tpu.memory_space<vmem>>
    %dma_wait3A_99 = tpu.memref_squeeze %dma_wait3A_98 : memref<1x128xi32, #tpu.memory_space<vmem>> -> memref<128xi32, #tpu.memory_space<vmem>>
    %dma_wait3A_100 = tpu.memref_slice %arg3[%mul3A_2] : memref<328192xi32, #tpu.memory_space<hbm>> -> memref<128xi32, #tpu.memory_space<hbm>>
    %dma_wait3A_101 = arith.constant 0 : i32
    %dma_wait3A_102 = tpu.memref_slice %arg7[%dma_wait3A_96, %dma_wait3A_101] : memref<3x128xi32, #tpu.memory_space<vmem>> -> memref<1x128xi32, #tpu.memory_space<vmem>>
    %dma_wait3A_103 = tpu.memref_squeeze %dma_wait3A_102 : memref<1x128xi32, #tpu.memory_space<vmem>> -> memref<128xi32, #tpu.memory_space<vmem>>
    %dma_wait3A_104 = tpu.memref_slice %arg3[%mul3A_2] : memref<328192xi32, #tpu.memory_space<hbm>> -> memref<128xi32, #tpu.memory_space<hbm>>
    tpu.wait_dma2 semaphore(%arg11 : memref<!tpu.dma_semaphore, #tpu.memory_space<semaphore_mem>>) src(%dma_wait3A_104 : memref<128xi32, #tpu.memory_space<hbm>>) dst(%dma_wait3A_103 : memref<128xi32, #tpu.memory_space<vmem>>)
    %barrier3A_105 = arith.constant 0 : index
    tpu.barrier barrier_id(%barrier3A_105)
    %lt3A_106 = arith.constant 10 : i32
    %lt3A_107 = arith.cmpi slt, %arg1, %lt3A_106 : i32
    %convert_element_type3A_108 = arith.extui %lt3A_107 : i1 to i32
    %cond3A_109 = arith.constant 0 : i32
    %cond3A_110 = arith.cmpi ne, %convert_element_type3A_108, %cond3A_109 : i32
    scf.if %cond3A_110 {
      %mul3A_111 = arith.constant 2000 : i32
      %mul3A_112 = arith.muli %arg1, %mul3A_111 : i32
      %multiple_of3A_113 = tpu.assume_multiple %mul3A_112, 8 : i32
      "tpu.region"() ({
        %run_scoped3A_119 = tpu.sem_alloc : memref<!tpu.dma_semaphore, #tpu.memory_space<semaphore_mem>>
        %dma_start3A_120 = tpu.memref_slice %arg5[%multiple_of3A_113] : memref<22048xf32, #tpu.memory_space<vmem_shared>> -> memref<2000xf32, #tpu.memory_space<vmem_shared>>
        %dma_start3A_121 = tpu.memref_slice %arg5[%multiple_of3A_113] : memref<22048xf32, #tpu.memory_space<vmem_shared>> -> memref<2000xf32, #tpu.memory_space<vmem_shared>>
        tpu.enqueue_dma source(%dma_start3A_121 : memref<2000xf32, #tpu.memory_space<vmem_shared>>) target(%arg9 : memref<2000xf32, #tpu.memory_space<vmem>>) target_semaphore(%run_scoped3A_119 : memref<!tpu.dma_semaphore, #tpu.memory_space<semaphore_mem>>)
        %dma_wait3A_122 = tpu.memref_slice %arg5[%multiple_of3A_113] : memref<22048xf32, #tpu.memory_space<vmem_shared>> -> memref<2000xf32, #tpu.memory_space<vmem_shared>>
        %dma_wait3A_123 = tpu.memref_slice %arg5[%multiple_of3A_113] : memref<22048xf32, #tpu.memory_space<vmem_shared>> -> memref<2000xf32, #tpu.memory_space<vmem_shared>>
        tpu.wait_dma2 semaphore(%run_scoped3A_119 : memref<!tpu.dma_semaphore, #tpu.memory_space<semaphore_mem>>) src(%dma_wait3A_123 : memref<2000xf32, #tpu.memory_space<vmem_shared>>) dst(%arg9 : memref<2000xf32, #tpu.memory_space<vmem>>)
        tpu.yield
      }) : () -> ()
      %mul3A_114 = arith.constant 2 : i32
      %mul3A_115 = arith.muli %arg0, %mul3A_114 : i32
      %mul3A_116 = arith.constant 10000 : i32
      %mul3A_117 = arith.muli %mul3A_115, %mul3A_116 : i32
      %add3A_118 = arith.addi %mul3A_117, %multiple_of3A_113 : i32
      "tpu.region"() ({
        %run_scoped3A_119 = tpu.sem_alloc : memref<!tpu.dma_semaphore, #tpu.memory_space<semaphore_mem>>
        %dma_start3A_120 = tpu.memref_slice %arg4[%add3A_118] : memref<40000xf32, #tpu.memory_space<hbm>> -> memref<2000xf32, #tpu.memory_space<hbm>>
        %dma_start3A_121 = tpu.memref_slice %arg4[%add3A_118] : memref<40000xf32, #tpu.memory_space<hbm>> -> memref<2000xf32, #tpu.memory_space<hbm>>
        tpu.enqueue_dma source(%arg9 : memref<2000xf32, #tpu.memory_space<vmem>>) target(%dma_start3A_121 : memref<2000xf32, #tpu.memory_space<hbm>>) target_semaphore(%run_scoped3A_119 : memref<!tpu.dma_semaphore, #tpu.memory_space<semaphore_mem>>)
        %dma_wait3A_122 = tpu.memref_slice %arg4[%add3A_118] : memref<40000xf32, #tpu.memory_space<hbm>> -> memref<2000xf32, #tpu.memory_space<hbm>>
        %dma_wait3A_123 = tpu.memref_slice %arg4[%add3A_118] : memref<40000xf32, #tpu.memory_space<hbm>> -> memref<2000xf32, #tpu.memory_space<hbm>>
        tpu.wait_dma2 semaphore(%run_scoped3A_119 : memref<!tpu.dma_semaphore, #tpu.memory_space<semaphore_mem>>) src(%arg9 : memref<2000xf32, #tpu.memory_space<vmem>>) dst(%dma_wait3A_123 : memref<2000xf32, #tpu.memory_space<hbm>>)
        tpu.yield
      }) : () -> ()
    } else {
    }
    return
  }
}

#map = affine_map<(d0, d1) -> (0, 0)>
#map1 = affine_map<(d0, d1) -> (0)>
#map2 = affine_map<(d0, d1) -> (0, 0, 0)>
module attributes {stable_mosaic.version = 14 : i64} {
  func.func @_seg_kernel(%arg0: i32, %arg1: i32, %arg2: memref<10000x128xf32, #tpu.memory_space<hbm>>, %arg3: memref<328192xi32, #tpu.memory_space<hbm>>, %arg4: memref<328192xi32, #tpu.memory_space<hbm>>, %arg5: memref<2x10112x128xf32, #tpu.memory_space<hbm>>, %arg6: memref<10112x128xf32, #tpu.memory_space<vmem_shared>>, %arg7: memref<4x128xi32, #tpu.memory_space<vmem>>, %arg8: memref<3x128xi32, #tpu.memory_space<vmem>>, %arg9: memref<3x128x128xf32, #tpu.memory_space<vmem>>, %arg10: memref<!tpu.dma_semaphore, #tpu.memory_space<semaphore_mem>>, %arg11: memref<!tpu.dma_semaphore, #tpu.memory_space<semaphore_mem>>, %arg12: memref<!tpu.dma_semaphore, #tpu.memory_space<semaphore_mem>>, %arg13: memref<!tpu.dma_semaphore, #tpu.memory_space<semaphore_mem>>, %arg14: memref<!tpu.dma_semaphore, #tpu.memory_space<semaphore_mem>>) attributes {dimension_semantics = [#tpu.dimension_semantics<core_parallel>, #tpu.dimension_semantics<subcore_parallel>], iteration_bounds = array<i64: 2, 16>, scalar_prefetch = 0 : i64, scratch_operands = 9 : i64, tpu.core_type = #tpu.core_type<sc_vector_subcore>, window_params = [{transform_indices = #map}, {transform_indices = #map1}, {transform_indices = #map1}, {transform_indices = #map2}]} {
    %mul3A = arith.constant 16 : i32
    %mul3A_0 = arith.muli %arg0, %mul3A : i32
    %add3A = arith.addi %mul3A_0, %arg1 : i32
    %mul3A_1 = arith.constant 10240 : i32
    %mul3A_2 = arith.muli %add3A, %mul3A_1 : i32
    %run_scoped3A = arith.constant 0 : i32
    "tpu.region"() ({
      %run_scoped3A_507 = tpu.sem_alloc : memref<!tpu.dma_semaphore, #tpu.memory_space<semaphore_mem>>
      %dma_start3A_508 = arith.constant 0 : i32
      %dma_start3A_509 = tpu.memref_slice %arg7[%run_scoped3A, %dma_start3A_508] : memref<4x128xi32, #tpu.memory_space<vmem>> -> memref<1x128xi32, #tpu.memory_space<vmem>>
      %dma_start3A_510 = tpu.memref_squeeze %dma_start3A_509 : memref<1x128xi32, #tpu.memory_space<vmem>> -> memref<128xi32, #tpu.memory_space<vmem>>
      %dma_start3A_511 = tpu.memref_slice %arg3[%mul3A_2] : memref<328192xi32, #tpu.memory_space<hbm>> -> memref<128xi32, #tpu.memory_space<hbm>>
      %dma_start3A_512 = arith.constant 0 : i32
      %dma_start3A_513 = tpu.memref_slice %arg7[%run_scoped3A, %dma_start3A_512] : memref<4x128xi32, #tpu.memory_space<vmem>> -> memref<1x128xi32, #tpu.memory_space<vmem>>
      %dma_start3A_514 = tpu.memref_squeeze %dma_start3A_513 : memref<1x128xi32, #tpu.memory_space<vmem>> -> memref<128xi32, #tpu.memory_space<vmem>>
      %dma_start3A_515 = tpu.memref_slice %arg3[%mul3A_2] : memref<328192xi32, #tpu.memory_space<hbm>> -> memref<128xi32, #tpu.memory_space<hbm>>
      tpu.enqueue_dma source(%dma_start3A_515 : memref<128xi32, #tpu.memory_space<hbm>>) target(%dma_start3A_514 : memref<128xi32, #tpu.memory_space<vmem>>) target_semaphore(%run_scoped3A_507 : memref<!tpu.dma_semaphore, #tpu.memory_space<semaphore_mem>>)
      %dma_wait3A_516 = arith.constant 0 : i32
      %dma_wait3A_517 = tpu.memref_slice %arg7[%run_scoped3A, %dma_wait3A_516] : memref<4x128xi32, #tpu.memory_space<vmem>> -> memref<1x128xi32, #tpu.memory_space<vmem>>
      %dma_wait3A_518 = tpu.memref_squeeze %dma_wait3A_517 : memref<1x128xi32, #tpu.memory_space<vmem>> -> memref<128xi32, #tpu.memory_space<vmem>>
      %dma_wait3A_519 = tpu.memref_slice %arg3[%mul3A_2] : memref<328192xi32, #tpu.memory_space<hbm>> -> memref<128xi32, #tpu.memory_space<hbm>>
      %dma_wait3A_520 = arith.constant 0 : i32
      %dma_wait3A_521 = tpu.memref_slice %arg7[%run_scoped3A, %dma_wait3A_520] : memref<4x128xi32, #tpu.memory_space<vmem>> -> memref<1x128xi32, #tpu.memory_space<vmem>>
      %dma_wait3A_522 = tpu.memref_squeeze %dma_wait3A_521 : memref<1x128xi32, #tpu.memory_space<vmem>> -> memref<128xi32, #tpu.memory_space<vmem>>
      %dma_wait3A_523 = tpu.memref_slice %arg3[%mul3A_2] : memref<328192xi32, #tpu.memory_space<hbm>> -> memref<128xi32, #tpu.memory_space<hbm>>
      tpu.wait_dma2 semaphore(%run_scoped3A_507 : memref<!tpu.dma_semaphore, #tpu.memory_space<semaphore_mem>>) src(%dma_wait3A_523 : memref<128xi32, #tpu.memory_space<hbm>>) dst(%dma_wait3A_522 : memref<128xi32, #tpu.memory_space<vmem>>)
      tpu.yield
    }) : () -> ()
    %run_scoped3A_3 = arith.constant 0 : i32
    "tpu.region"() ({
      %run_scoped3A_507 = tpu.sem_alloc : memref<!tpu.dma_semaphore, #tpu.memory_space<semaphore_mem>>
      %dma_start3A_508 = arith.constant 0 : i32
      %dma_start3A_509 = tpu.memref_slice %arg8[%run_scoped3A_3, %dma_start3A_508] : memref<3x128xi32, #tpu.memory_space<vmem>> -> memref<1x128xi32, #tpu.memory_space<vmem>>
      %dma_start3A_510 = tpu.memref_squeeze %dma_start3A_509 : memref<1x128xi32, #tpu.memory_space<vmem>> -> memref<128xi32, #tpu.memory_space<vmem>>
      %dma_start3A_511 = tpu.memref_slice %arg4[%mul3A_2] : memref<328192xi32, #tpu.memory_space<hbm>> -> memref<128xi32, #tpu.memory_space<hbm>>
      %dma_start3A_512 = arith.constant 0 : i32
      %dma_start3A_513 = tpu.memref_slice %arg8[%run_scoped3A_3, %dma_start3A_512] : memref<3x128xi32, #tpu.memory_space<vmem>> -> memref<1x128xi32, #tpu.memory_space<vmem>>
      %dma_start3A_514 = tpu.memref_squeeze %dma_start3A_513 : memref<1x128xi32, #tpu.memory_space<vmem>> -> memref<128xi32, #tpu.memory_space<vmem>>
      %dma_start3A_515 = tpu.memref_slice %arg4[%mul3A_2] : memref<328192xi32, #tpu.memory_space<hbm>> -> memref<128xi32, #tpu.memory_space<hbm>>
      tpu.enqueue_dma source(%dma_start3A_515 : memref<128xi32, #tpu.memory_space<hbm>>) target(%dma_start3A_514 : memref<128xi32, #tpu.memory_space<vmem>>) target_semaphore(%run_scoped3A_507 : memref<!tpu.dma_semaphore, #tpu.memory_space<semaphore_mem>>)
      %dma_wait3A_516 = arith.constant 0 : i32
      %dma_wait3A_517 = tpu.memref_slice %arg8[%run_scoped3A_3, %dma_wait3A_516] : memref<3x128xi32, #tpu.memory_space<vmem>> -> memref<1x128xi32, #tpu.memory_space<vmem>>
      %dma_wait3A_518 = tpu.memref_squeeze %dma_wait3A_517 : memref<1x128xi32, #tpu.memory_space<vmem>> -> memref<128xi32, #tpu.memory_space<vmem>>
      %dma_wait3A_519 = tpu.memref_slice %arg4[%mul3A_2] : memref<328192xi32, #tpu.memory_space<hbm>> -> memref<128xi32, #tpu.memory_space<hbm>>
      %dma_wait3A_520 = arith.constant 0 : i32
      %dma_wait3A_521 = tpu.memref_slice %arg8[%run_scoped3A_3, %dma_wait3A_520] : memref<3x128xi32, #tpu.memory_space<vmem>> -> memref<1x128xi32, #tpu.memory_space<vmem>>
      %dma_wait3A_522 = tpu.memref_squeeze %dma_wait3A_521 : memref<1x128xi32, #tpu.memory_space<vmem>> -> memref<128xi32, #tpu.memory_space<vmem>>
      %dma_wait3A_523 = tpu.memref_slice %arg4[%mul3A_2] : memref<328192xi32, #tpu.memory_space<hbm>> -> memref<128xi32, #tpu.memory_space<hbm>>
      tpu.wait_dma2 semaphore(%run_scoped3A_507 : memref<!tpu.dma_semaphore, #tpu.memory_space<semaphore_mem>>) src(%dma_wait3A_523 : memref<128xi32, #tpu.memory_space<hbm>>) dst(%dma_wait3A_522 : memref<128xi32, #tpu.memory_space<vmem>>)
      tpu.yield
    }) : () -> ()
    %dma_start3A = arith.constant 0 : i32
    %dma_start3A_4 = arith.constant 0 : i32
    %dma_start3A_5 = arith.constant 0 : i32
    %dma_start3A_6 = arith.constant 0 : i32
    %dma_start3A_7 = tpu.memref_slice %arg9[%dma_start3A_4, %dma_start3A_5, %dma_start3A_6] : memref<3x128x128xf32, #tpu.memory_space<vmem>> -> memref<1x128x128xf32, #tpu.memory_space<vmem>>
    %dma_start3A_8 = tpu.memref_squeeze %dma_start3A_7 : memref<1x128x128xf32, #tpu.memory_space<vmem>> -> memref<128x128xf32, #tpu.memory_space<vmem>>
    %dma_start3A_9 = arith.constant 0 : i32
    %dma_start3A_10 = tpu.memref_slice %arg7[%dma_start3A, %dma_start3A_9] : memref<4x128xi32, #tpu.memory_space<vmem>> -> memref<1x128xi32, #tpu.memory_space<vmem>>
    %dma_start3A_11 = tpu.memref_squeeze %dma_start3A_10 : memref<1x128xi32, #tpu.memory_space<vmem>> -> memref<128xi32, #tpu.memory_space<vmem>>
    %dma_start3A_12 = arith.constant 0 : i32
    %dma_start3A_13 = arith.constant 0 : i32
    %dma_start3A_14 = tpu.memref_slice %arg2[%dma_start3A_12, %dma_start3A_13] : memref<10000x128xf32, #tpu.memory_space<hbm>> -> memref<10000x128xf32, #tpu.memory_space<hbm>>
    tpu.enqueue_indirect_dma source(%dma_start3A_14 : memref<10000x128xf32, #tpu.memory_space<hbm>>) target(%dma_start3A_8 : memref<128x128xf32, #tpu.memory_space<vmem>>) offsets(%dma_start3A_11 : memref<128xi32, #tpu.memory_space<vmem>>) semaphore(%arg10 : memref<!tpu.dma_semaphore, #tpu.memory_space<semaphore_mem>>)
    %add3A_15 = arith.constant 128 : i32
    %add3A_16 = arith.addi %mul3A_2, %add3A_15 : i32
    %multiple_of3A = tpu.assume_multiple %add3A_16, 8 : i32
    %dma_start3A_17 = arith.constant 1 : i32
    %dma_start3A_18 = arith.constant 0 : i32
    %dma_start3A_19 = tpu.memref_slice %arg7[%dma_start3A_17, %dma_start3A_18] : memref<4x128xi32, #tpu.memory_space<vmem>> -> memref<1x128xi32, #tpu.memory_space<vmem>>
    %dma_start3A_20 = tpu.memref_squeeze %dma_start3A_19 : memref<1x128xi32, #tpu.memory_space<vmem>> -> memref<128xi32, #tpu.memory_space<vmem>>
    %dma_start3A_21 = tpu.memref_slice %arg3[%multiple_of3A] : memref<328192xi32, #tpu.memory_space<hbm>> -> memref<128xi32, #tpu.memory_space<hbm>>
    %dma_start3A_22 = arith.constant 0 : i32
    %dma_start3A_23 = tpu.memref_slice %arg7[%dma_start3A_17, %dma_start3A_22] : memref<4x128xi32, #tpu.memory_space<vmem>> -> memref<1x128xi32, #tpu.memory_space<vmem>>
    %dma_start3A_24 = tpu.memref_squeeze %dma_start3A_23 : memref<1x128xi32, #tpu.memory_space<vmem>> -> memref<128xi32, #tpu.memory_space<vmem>>
    %dma_start3A_25 = tpu.memref_slice %arg3[%multiple_of3A] : memref<328192xi32, #tpu.memory_space<hbm>> -> memref<128xi32, #tpu.memory_space<hbm>>
    tpu.enqueue_dma source(%dma_start3A_25 : memref<128xi32, #tpu.memory_space<hbm>>) target(%dma_start3A_24 : memref<128xi32, #tpu.memory_space<vmem>>) target_semaphore(%arg12 : memref<!tpu.dma_semaphore, #tpu.memory_space<semaphore_mem>>)
    %add3A_26 = arith.constant 128 : i32
    %add3A_27 = arith.addi %mul3A_2, %add3A_26 : i32
    %multiple_of3A_28 = tpu.assume_multiple %add3A_27, 8 : i32
    %dma_start3A_29 = arith.constant 1 : i32
    %dma_start3A_30 = arith.constant 0 : i32
    %dma_start3A_31 = tpu.memref_slice %arg8[%dma_start3A_29, %dma_start3A_30] : memref<3x128xi32, #tpu.memory_space<vmem>> -> memref<1x128xi32, #tpu.memory_space<vmem>>
    %dma_start3A_32 = tpu.memref_squeeze %dma_start3A_31 : memref<1x128xi32, #tpu.memory_space<vmem>> -> memref<128xi32, #tpu.memory_space<vmem>>
    %dma_start3A_33 = tpu.memref_slice %arg4[%multiple_of3A_28] : memref<328192xi32, #tpu.memory_space<hbm>> -> memref<128xi32, #tpu.memory_space<hbm>>
    %dma_start3A_34 = arith.constant 0 : i32
    %dma_start3A_35 = tpu.memref_slice %arg8[%dma_start3A_29, %dma_start3A_34] : memref<3x128xi32, #tpu.memory_space<vmem>> -> memref<1x128xi32, #tpu.memory_space<vmem>>
    %dma_start3A_36 = tpu.memref_squeeze %dma_start3A_35 : memref<1x128xi32, #tpu.memory_space<vmem>> -> memref<128xi32, #tpu.memory_space<vmem>>
    %dma_start3A_37 = tpu.memref_slice %arg4[%multiple_of3A_28] : memref<328192xi32, #tpu.memory_space<hbm>> -> memref<128xi32, #tpu.memory_space<hbm>>
    tpu.enqueue_dma source(%dma_start3A_37 : memref<128xi32, #tpu.memory_space<hbm>>) target(%dma_start3A_36 : memref<128xi32, #tpu.memory_space<vmem>>) target_semaphore(%arg13 : memref<!tpu.dma_semaphore, #tpu.memory_space<semaphore_mem>>)
    %add3A_38 = arith.constant 128 : i32
    %add3A_39 = arith.addi %mul3A_2, %add3A_38 : i32
    %multiple_of3A_40 = tpu.assume_multiple %add3A_39, 8 : i32
    %dma_wait3A = arith.constant 1 : i32
    %dma_wait3A_41 = arith.constant 0 : i32
    %dma_wait3A_42 = tpu.memref_slice %arg7[%dma_wait3A, %dma_wait3A_41] : memref<4x128xi32, #tpu.memory_space<vmem>> -> memref<1x128xi32, #tpu.memory_space<vmem>>
    %dma_wait3A_43 = tpu.memref_squeeze %dma_wait3A_42 : memref<1x128xi32, #tpu.memory_space<vmem>> -> memref<128xi32, #tpu.memory_space<vmem>>
    %dma_wait3A_44 = tpu.memref_slice %arg3[%multiple_of3A_40] : memref<328192xi32, #tpu.memory_space<hbm>> -> memref<128xi32, #tpu.memory_space<hbm>>
    %dma_wait3A_45 = arith.constant 0 : i32
    %dma_wait3A_46 = tpu.memref_slice %arg7[%dma_wait3A, %dma_wait3A_45] : memref<4x128xi32, #tpu.memory_space<vmem>> -> memref<1x128xi32, #tpu.memory_space<vmem>>
    %dma_wait3A_47 = tpu.memref_squeeze %dma_wait3A_46 : memref<1x128xi32, #tpu.memory_space<vmem>> -> memref<128xi32, #tpu.memory_space<vmem>>
    %dma_wait3A_48 = tpu.memref_slice %arg3[%multiple_of3A_40] : memref<328192xi32, #tpu.memory_space<hbm>> -> memref<128xi32, #tpu.memory_space<hbm>>
    tpu.wait_dma2 semaphore(%arg12 : memref<!tpu.dma_semaphore, #tpu.memory_space<semaphore_mem>>) src(%dma_wait3A_48 : memref<128xi32, #tpu.memory_space<hbm>>) dst(%dma_wait3A_47 : memref<128xi32, #tpu.memory_space<vmem>>)
    %dma_start3A_49 = arith.constant 1 : i32
    %dma_start3A_50 = arith.constant 1 : i32
    %dma_start3A_51 = arith.constant 0 : i32
    %dma_start3A_52 = arith.constant 0 : i32
    %dma_start3A_53 = tpu.memref_slice %arg9[%dma_start3A_50, %dma_start3A_51, %dma_start3A_52] : memref<3x128x128xf32, #tpu.memory_space<vmem>> -> memref<1x128x128xf32, #tpu.memory_space<vmem>>
    %dma_start3A_54 = tpu.memref_squeeze %dma_start3A_53 : memref<1x128x128xf32, #tpu.memory_space<vmem>> -> memref<128x128xf32, #tpu.memory_space<vmem>>
    %dma_start3A_55 = arith.constant 0 : i32
    %dma_start3A_56 = tpu.memref_slice %arg7[%dma_start3A_49, %dma_start3A_55] : memref<4x128xi32, #tpu.memory_space<vmem>> -> memref<1x128xi32, #tpu.memory_space<vmem>>
    %dma_start3A_57 = tpu.memref_squeeze %dma_start3A_56 : memref<1x128xi32, #tpu.memory_space<vmem>> -> memref<128xi32, #tpu.memory_space<vmem>>
    %dma_start3A_58 = arith.constant 0 : i32
    %dma_start3A_59 = arith.constant 0 : i32
    %dma_start3A_60 = tpu.memref_slice %arg2[%dma_start3A_58, %dma_start3A_59] : memref<10000x128xf32, #tpu.memory_space<hbm>> -> memref<10000x128xf32, #tpu.memory_space<hbm>>
    tpu.enqueue_indirect_dma source(%dma_start3A_60 : memref<10000x128xf32, #tpu.memory_space<hbm>>) target(%dma_start3A_54 : memref<128x128xf32, #tpu.memory_space<vmem>>) offsets(%dma_start3A_57 : memref<128xi32, #tpu.memory_space<vmem>>) semaphore(%arg11 : memref<!tpu.dma_semaphore, #tpu.memory_space<semaphore_mem>>)
    %add3A_61 = arith.constant 256 : i32
    %add3A_62 = arith.addi %mul3A_2, %add3A_61 : i32
    %multiple_of3A_63 = tpu.assume_multiple %add3A_62, 8 : i32
    %dma_start3A_64 = arith.constant 2 : i32
    %dma_start3A_65 = arith.constant 0 : i32
    %dma_start3A_66 = tpu.memref_slice %arg7[%dma_start3A_64, %dma_start3A_65] : memref<4x128xi32, #tpu.memory_space<vmem>> -> memref<1x128xi32, #tpu.memory_space<vmem>>
    %dma_start3A_67 = tpu.memref_squeeze %dma_start3A_66 : memref<1x128xi32, #tpu.memory_space<vmem>> -> memref<128xi32, #tpu.memory_space<vmem>>
    %dma_start3A_68 = tpu.memref_slice %arg3[%multiple_of3A_63] : memref<328192xi32, #tpu.memory_space<hbm>> -> memref<128xi32, #tpu.memory_space<hbm>>
    %dma_start3A_69 = arith.constant 0 : i32
    %dma_start3A_70 = tpu.memref_slice %arg7[%dma_start3A_64, %dma_start3A_69] : memref<4x128xi32, #tpu.memory_space<vmem>> -> memref<1x128xi32, #tpu.memory_space<vmem>>
    %dma_start3A_71 = tpu.memref_squeeze %dma_start3A_70 : memref<1x128xi32, #tpu.memory_space<vmem>> -> memref<128xi32, #tpu.memory_space<vmem>>
    %dma_start3A_72 = tpu.memref_slice %arg3[%multiple_of3A_63] : memref<328192xi32, #tpu.memory_space<hbm>> -> memref<128xi32, #tpu.memory_space<hbm>>
    tpu.enqueue_dma source(%dma_start3A_72 : memref<128xi32, #tpu.memory_space<hbm>>) target(%dma_start3A_71 : memref<128xi32, #tpu.memory_space<vmem>>) target_semaphore(%arg12 : memref<!tpu.dma_semaphore, #tpu.memory_space<semaphore_mem>>)
    %add3A_73 = arith.constant 384 : i32
    %add3A_74 = arith.addi %mul3A_2, %add3A_73 : i32
    %multiple_of3A_75 = tpu.assume_multiple %add3A_74, 8 : i32
    %dma_start3A_76 = arith.constant 3 : i32
    %dma_start3A_77 = arith.constant 0 : i32
    %dma_start3A_78 = tpu.memref_slice %arg7[%dma_start3A_76, %dma_start3A_77] : memref<4x128xi32, #tpu.memory_space<vmem>> -> memref<1x128xi32, #tpu.memory_space<vmem>>
    %dma_start3A_79 = tpu.memref_squeeze %dma_start3A_78 : memref<1x128xi32, #tpu.memory_space<vmem>> -> memref<128xi32, #tpu.memory_space<vmem>>
    %dma_start3A_80 = tpu.memref_slice %arg3[%multiple_of3A_75] : memref<328192xi32, #tpu.memory_space<hbm>> -> memref<128xi32, #tpu.memory_space<hbm>>
    %dma_start3A_81 = arith.constant 0 : i32
    %dma_start3A_82 = tpu.memref_slice %arg7[%dma_start3A_76, %dma_start3A_81] : memref<4x128xi32, #tpu.memory_space<vmem>> -> memref<1x128xi32, #tpu.memory_space<vmem>>
    %dma_start3A_83 = tpu.memref_squeeze %dma_start3A_82 : memref<1x128xi32, #tpu.memory_space<vmem>> -> memref<128xi32, #tpu.memory_space<vmem>>
    %dma_start3A_84 = tpu.memref_slice %arg3[%multiple_of3A_75] : memref<328192xi32, #tpu.memory_space<hbm>> -> memref<128xi32, #tpu.memory_space<hbm>>
    tpu.enqueue_dma source(%dma_start3A_84 : memref<128xi32, #tpu.memory_space<hbm>>) target(%dma_start3A_83 : memref<128xi32, #tpu.memory_space<vmem>>) target_semaphore(%arg12 : memref<!tpu.dma_semaphore, #tpu.memory_space<semaphore_mem>>)
    %scan3A = arith.constant 0 : i32
    %scan3A_85 = arith.constant 0 : i32
    %scan3A_86 = arith.constant 128 : i32
    %scan3A_87 = arith.addi %scan3A_85, %scan3A_86 : i32
    %scan3A_88 = arith.constant 1 : i32
    scf.for %scan3A_507 = %scan3A_85 to %scan3A_87 step %scan3A_88  : i32 {
      %broadcast_in_dim3A = arith.constant 0.000000e+00 : f32
      %broadcast_in_dim3A_508 = vector.broadcast %broadcast_in_dim3A : f32 to vector<16xf32>
      %swap3A = arith.constant 2 : i32
      %swap3A_509 = arith.index_cast %swap3A : i32 to index
      %swap3A_510 = arith.index_cast %scan3A_507 : i32 to index
      %swap3A_511 = arith.constant 0 : index
      %swap3A_512 = tpu.vector_load %arg9[%swap3A_509, %swap3A_510, %swap3A_511] {strides = array<i32>} : memref<3x128x128xf32, #tpu.memory_space<vmem>>, vector<1x1x16xf32>,
      %swap3A_513 = vector.shape_cast %swap3A_512 : vector<1x1x16xf32> to vector<16xf32>
      %swap3A_514 = vector.shape_cast %broadcast_in_dim3A_508 : vector<16xf32> to vector<1x1x16xf32>
      tpu.vector_store %arg9[%swap3A_509, %swap3A_510, %swap3A_511], %swap3A_514 {strides = array<i32>} : memref<3x128x128xf32, #tpu.memory_space<vmem>>, vector<1x1x16xf32>,
      %broadcast_in_dim3A_515 = arith.constant 0.000000e+00 : f32
      %broadcast_in_dim3A_516 = vector.broadcast %broadcast_in_dim3A_515 : f32 to vector<16xf32>
      %swap3A_517 = arith.constant 2 : i32
      %swap3A_518 = arith.index_cast %swap3A_517 : i32 to index
      %swap3A_519 = arith.index_cast %scan3A_507 : i32 to index
      %swap3A_520 = arith.constant 16 : index
      %swap3A_521 = tpu.vector_load %arg9[%swap3A_518, %swap3A_519, %swap3A_520] {strides = array<i32>} : memref<3x128x128xf32, #tpu.memory_space<vmem>>, vector<1x1x16xf32>,
      %swap3A_522 = vector.shape_cast %swap3A_521 : vector<1x1x16xf32> to vector<16xf32>
      %swap3A_523 = vector.shape_cast %broadcast_in_dim3A_516 : vector<16xf32> to vector<1x1x16xf32>
      tpu.vector_store %arg9[%swap3A_518, %swap3A_519, %swap3A_520], %swap3A_523 {strides = array<i32>} : memref<3x128x128xf32, #tpu.memory_space<vmem>>, vector<1x1x16xf32>,
      %broadcast_in_dim3A_524 = arith.constant 0.000000e+00 : f32
      %broadcast_in_dim3A_525 = vector.broadcast %broadcast_in_dim3A_524 : f32 to vector<16xf32>
      %swap3A_526 = arith.constant 2 : i32
      %swap3A_527 = arith.index_cast %swap3A_526 : i32 to index
      %swap3A_528 = arith.index_cast %scan3A_507 : i32 to index
      %swap3A_529 = arith.constant 32 : index
      %swap3A_530 = tpu.vector_load %arg9[%swap3A_527, %swap3A_528, %swap3A_529] {strides = array<i32>} : memref<3x128x128xf32, #tpu.memory_space<vmem>>, vector<1x1x16xf32>,
      %swap3A_531 = vector.shape_cast %swap3A_530 : vector<1x1x16xf32> to vector<16xf32>
      %swap3A_532 = vector.shape_cast %broadcast_in_dim3A_525 : vector<16xf32> to vector<1x1x16xf32>
      tpu.vector_store %arg9[%swap3A_527, %swap3A_528, %swap3A_529], %swap3A_532 {strides = array<i32>} : memref<3x128x128xf32, #tpu.memory_space<vmem>>, vector<1x1x16xf32>,
      %broadcast_in_dim3A_533 = arith.constant 0.000000e+00 : f32
      %broadcast_in_dim3A_534 = vector.broadcast %broadcast_in_dim3A_533 : f32 to vector<16xf32>
      %swap3A_535 = arith.constant 2 : i32
      %swap3A_536 = arith.index_cast %swap3A_535 : i32 to index
      %swap3A_537 = arith.index_cast %scan3A_507 : i32 to index
      %swap3A_538 = arith.constant 48 : index
      %swap3A_539 = tpu.vector_load %arg9[%swap3A_536, %swap3A_537, %swap3A_538] {strides = array<i32>} : memref<3x128x128xf32, #tpu.memory_space<vmem>>, vector<1x1x16xf32>,
      %swap3A_540 = vector.shape_cast %swap3A_539 : vector<1x1x16xf32> to vector<16xf32>
      %swap3A_541 = vector.shape_cast %broadcast_in_dim3A_534 : vector<16xf32> to vector<1x1x16xf32>
      tpu.vector_store %arg9[%swap3A_536, %swap3A_537, %swap3A_538], %swap3A_541 {strides = array<i32>} : memref<3x128x128xf32, #tpu.memory_space<vmem>>, vector<1x1x16xf32>,
      %broadcast_in_dim3A_542 = arith.constant 0.000000e+00 : f32
      %broadcast_in_dim3A_543 = vector.broadcast %broadcast_in_dim3A_542 : f32 to vector<16xf32>
      %swap3A_544 = arith.constant 2 : i32
      %swap3A_545 = arith.index_cast %swap3A_544 : i32 to index
      %swap3A_546 = arith.index_cast %scan3A_507 : i32 to index
      %swap3A_547 = arith.constant 64 : index
      %swap3A_548 = tpu.vector_load %arg9[%swap3A_545, %swap3A_546, %swap3A_547] {strides = array<i32>} : memref<3x128x128xf32, #tpu.memory_space<vmem>>, vector<1x1x16xf32>,
      %swap3A_549 = vector.shape_cast %swap3A_548 : vector<1x1x16xf32> to vector<16xf32>
      %swap3A_550 = vector.shape_cast %broadcast_in_dim3A_543 : vector<16xf32> to vector<1x1x16xf32>
      tpu.vector_store %arg9[%swap3A_545, %swap3A_546, %swap3A_547], %swap3A_550 {strides = array<i32>} : memref<3x128x128xf32, #tpu.memory_space<vmem>>, vector<1x1x16xf32>,
      %broadcast_in_dim3A_551 = arith.constant 0.000000e+00 : f32
      %broadcast_in_dim3A_552 = vector.broadcast %broadcast_in_dim3A_551 : f32 to vector<16xf32>
      %swap3A_553 = arith.constant 2 : i32
      %swap3A_554 = arith.index_cast %swap3A_553 : i32 to index
      %swap3A_555 = arith.index_cast %scan3A_507 : i32 to index
      %swap3A_556 = arith.constant 80 : index
      %swap3A_557 = tpu.vector_load %arg9[%swap3A_554, %swap3A_555, %swap3A_556] {strides = array<i32>} : memref<3x128x128xf32, #tpu.memory_space<vmem>>, vector<1x1x16xf32>,
      %swap3A_558 = vector.shape_cast %swap3A_557 : vector<1x1x16xf32> to vector<16xf32>
      %swap3A_559 = vector.shape_cast %broadcast_in_dim3A_552 : vector<16xf32> to vector<1x1x16xf32>
      tpu.vector_store %arg9[%swap3A_554, %swap3A_555, %swap3A_556], %swap3A_559 {strides = array<i32>} : memref<3x128x128xf32, #tpu.memory_space<vmem>>, vector<1x1x16xf32>,
      %broadcast_in_dim3A_560 = arith.constant 0.000000e+00 : f32
      %broadcast_in_dim3A_561 = vector.broadcast %broadcast_in_dim3A_560 : f32 to vector<16xf32>
      %swap3A_562 = arith.constant 2 : i32
      %swap3A_563 = arith.index_cast %swap3A_562 : i32 to index
      %swap3A_564 = arith.index_cast %scan3A_507 : i32 to index
      %swap3A_565 = arith.constant 96 : index
      %swap3A_566 = tpu.vector_load %arg9[%swap3A_563, %swap3A_564, %swap3A_565] {strides = array<i32>} : memref<3x128x128xf32, #tpu.memory_space<vmem>>, vector<1x1x16xf32>,
      %swap3A_567 = vector.shape_cast %swap3A_566 : vector<1x1x16xf32> to vector<16xf32>
      %swap3A_568 = vector.shape_cast %broadcast_in_dim3A_561 : vector<16xf32> to vector<1x1x16xf32>
      tpu.vector_store %arg9[%swap3A_563, %swap3A_564, %swap3A_565], %swap3A_568 {strides = array<i32>} : memref<3x128x128xf32, #tpu.memory_space<vmem>>, vector<1x1x16xf32>,
      %broadcast_in_dim3A_569 = arith.constant 0.000000e+00 : f32
      %broadcast_in_dim3A_570 = vector.broadcast %broadcast_in_dim3A_569 : f32 to vector<16xf32>
      %swap3A_571 = arith.constant 2 : i32
      %swap3A_572 = arith.index_cast %swap3A_571 : i32 to index
      %swap3A_573 = arith.index_cast %scan3A_507 : i32 to index
      %swap3A_574 = arith.constant 112 : index
      %swap3A_575 = tpu.vector_load %arg9[%swap3A_572, %swap3A_573, %swap3A_574] {strides = array<i32>} : memref<3x128x128xf32, #tpu.memory_space<vmem>>, vector<1x1x16xf32>,
      %swap3A_576 = vector.shape_cast %swap3A_575 : vector<1x1x16xf32> to vector<16xf32>
      %swap3A_577 = vector.shape_cast %broadcast_in_dim3A_570 : vector<16xf32> to vector<1x1x16xf32>
      tpu.vector_store %arg9[%swap3A_572, %swap3A_573, %swap3A_574], %swap3A_577 {strides = array<i32>} : memref<3x128x128xf32, #tpu.memory_space<vmem>>, vector<1x1x16xf32>,
    }
    %scan3A_89 = arith.constant 128 : i32
    %mul3A_90 = arith.constant 632 : i32
    %mul3A_91 = arith.muli %arg1, %mul3A_90 : i32
    %multiple_of3A_92 = tpu.assume_multiple %mul3A_91, 8 : i32
    %add3A_93 = arith.constant 0 : i32
    %add3A_94 = arith.addi %multiple_of3A_92, %add3A_93 : i32
    %dma_start3A_95 = arith.constant 2 : i32
    %dma_start3A_96 = arith.constant 0 : i32
    %dma_start3A_97 = arith.constant 0 : i32
    %dma_start3A_98 = tpu.memref_slice %arg9[%dma_start3A_95, %dma_start3A_96, %dma_start3A_97] : memref<3x128x128xf32, #tpu.memory_space<vmem>> -> memref<1x128x128xf32, #tpu.memory_space<vmem>>
    %dma_start3A_99 = tpu.memref_squeeze %dma_start3A_98 : memref<1x128x128xf32, #tpu.memory_space<vmem>> -> memref<128x128xf32, #tpu.memory_space<vmem>>
    %dma_start3A_100 = arith.constant 0 : i32
    %dma_start3A_101 = tpu.memref_slice %arg6[%add3A_94, %dma_start3A_100] : memref<10112x128xf32, #tpu.memory_space<vmem_shared>> -> memref<128x128xf32, #tpu.memory_space<vmem_shared>>
    %dma_start3A_102 = arith.constant 0 : i32
    %dma_start3A_103 = tpu.memref_slice %arg6[%add3A_94, %dma_start3A_102] : memref<10112x128xf32, #tpu.memory_space<vmem_shared>> -> memref<128x128xf32, #tpu.memory_space<vmem_shared>>
    %dma_start3A_104 = arith.constant 0 : i32
    %dma_start3A_105 = arith.constant 0 : i32
    %dma_start3A_106 = tpu.memref_slice %arg9[%dma_start3A_95, %dma_start3A_104, %dma_start3A_105] : memref<3x128x128xf32, #tpu.memory_space<vmem>> -> memref<1x128x128xf32, #tpu.memory_space<vmem>>
    %dma_start3A_107 = tpu.memref_squeeze %dma_start3A_106 : memref<1x128x128xf32, #tpu.memory_space<vmem>> -> memref<128x128xf32, #tpu.memory_space<vmem>>
    tpu.enqueue_dma source(%dma_start3A_107 : memref<128x128xf32, #tpu.memory_space<vmem>>) target(%dma_start3A_103 : memref<128x128xf32, #tpu.memory_space<vmem_shared>>) target_semaphore(%arg14 : memref<!tpu.dma_semaphore, #tpu.memory_space<semaphore_mem>>)
    %add3A_108 = arith.constant 128 : i32
    %add3A_109 = arith.addi %multiple_of3A_92, %add3A_108 : i32
    %dma_start3A_110 = arith.constant 2 : i32
    %dma_start3A_111 = arith.constant 0 : i32
    %dma_start3A_112 = arith.constant 0 : i32
    %dma_start3A_113 = tpu.memref_slice %arg9[%dma_start3A_110, %dma_start3A_111, %dma_start3A_112] : memref<3x128x128xf32, #tpu.memory_space<vmem>> -> memref<1x128x128xf32, #tpu.memory_space<vmem>>
    %dma_start3A_114 = tpu.memref_squeeze %dma_start3A_113 : memref<1x128x128xf32, #tpu.memory_space<vmem>> -> memref<128x128xf32, #tpu.memory_space<vmem>>
    %dma_start3A_115 = arith.constant 0 : i32
    %dma_start3A_116 = tpu.memref_slice %arg6[%add3A_109, %dma_start3A_115] : memref<10112x128xf32, #tpu.memory_space<vmem_shared>> -> memref<128x128xf32, #tpu.memory_space<vmem_shared>>
    %dma_start3A_117 = arith.constant 0 : i32
    %dma_start3A_118 = tpu.memref_slice %arg6[%add3A_109, %dma_start3A_117] : memref<10112x128xf32, #tpu.memory_space<vmem_shared>> -> memref<128x128xf32, #tpu.memory_space<vmem_shared>>
    %dma_start3A_119 = arith.constant 0 : i32
    %dma_start3A_120 = arith.constant 0 : i32
    %dma_start3A_121 = tpu.memref_slice %arg9[%dma_start3A_110, %dma_start3A_119, %dma_start3A_120] : memref<3x128x128xf32, #tpu.memory_space<vmem>> -> memref<1x128x128xf32, #tpu.memory_space<vmem>>
    %dma_start3A_122 = tpu.memref_squeeze %dma_start3A_121 : memref<1x128x128xf32, #tpu.memory_space<vmem>> -> memref<128x128xf32, #tpu.memory_space<vmem>>
    tpu.enqueue_dma source(%dma_start3A_122 : memref<128x128xf32, #tpu.memory_space<vmem>>) target(%dma_start3A_118 : memref<128x128xf32, #tpu.memory_space<vmem_shared>>) target_semaphore(%arg14 : memref<!tpu.dma_semaphore, #tpu.memory_space<semaphore_mem>>)
    %add3A_123 = arith.constant 256 : i32
    %add3A_124 = arith.addi %multiple_of3A_92, %add3A_123 : i32
    %dma_start3A_125 = arith.constant 2 : i32
    %dma_start3A_126 = arith.constant 0 : i32
    %dma_start3A_127 = arith.constant 0 : i32
    %dma_start3A_128 = tpu.memref_slice %arg9[%dma_start3A_125, %dma_start3A_126, %dma_start3A_127] : memref<3x128x128xf32, #tpu.memory_space<vmem>> -> memref<1x128x128xf32, #tpu.memory_space<vmem>>
    %dma_start3A_129 = tpu.memref_squeeze %dma_start3A_128 : memref<1x128x128xf32, #tpu.memory_space<vmem>> -> memref<128x128xf32, #tpu.memory_space<vmem>>
    %dma_start3A_130 = arith.constant 0 : i32
    %dma_start3A_131 = tpu.memref_slice %arg6[%add3A_124, %dma_start3A_130] : memref<10112x128xf32, #tpu.memory_space<vmem_shared>> -> memref<128x128xf32, #tpu.memory_space<vmem_shared>>
    %dma_start3A_132 = arith.constant 0 : i32
    %dma_start3A_133 = tpu.memref_slice %arg6[%add3A_124, %dma_start3A_132] : memref<10112x128xf32, #tpu.memory_space<vmem_shared>> -> memref<128x128xf32, #tpu.memory_space<vmem_shared>>
    %dma_start3A_134 = arith.constant 0 : i32
    %dma_start3A_135 = arith.constant 0 : i32
    %dma_start3A_136 = tpu.memref_slice %arg9[%dma_start3A_125, %dma_start3A_134, %dma_start3A_135] : memref<3x128x128xf32, #tpu.memory_space<vmem>> -> memref<1x128x128xf32, #tpu.memory_space<vmem>>
    %dma_start3A_137 = tpu.memref_squeeze %dma_start3A_136 : memref<1x128x128xf32, #tpu.memory_space<vmem>> -> memref<128x128xf32, #tpu.memory_space<vmem>>
    tpu.enqueue_dma source(%dma_start3A_137 : memref<128x128xf32, #tpu.memory_space<vmem>>) target(%dma_start3A_133 : memref<128x128xf32, #tpu.memory_space<vmem_shared>>) target_semaphore(%arg14 : memref<!tpu.dma_semaphore, #tpu.memory_space<semaphore_mem>>)
    %add3A_138 = arith.constant 384 : i32
    %add3A_139 = arith.addi %multiple_of3A_92, %add3A_138 : i32
    %dma_start3A_140 = arith.constant 2 : i32
    %dma_start3A_141 = arith.constant 0 : i32
    %dma_start3A_142 = arith.constant 0 : i32
    %dma_start3A_143 = tpu.memref_slice %arg9[%dma_start3A_140, %dma_start3A_141, %dma_start3A_142] : memref<3x128x128xf32, #tpu.memory_space<vmem>> -> memref<1x128x128xf32, #tpu.memory_space<vmem>>
    %dma_start3A_144 = tpu.memref_squeeze %dma_start3A_143 : memref<1x128x128xf32, #tpu.memory_space<vmem>> -> memref<128x128xf32, #tpu.memory_space<vmem>>
    %dma_start3A_145 = arith.constant 0 : i32
    %dma_start3A_146 = tpu.memref_slice %arg6[%add3A_139, %dma_start3A_145] : memref<10112x128xf32, #tpu.memory_space<vmem_shared>> -> memref<128x128xf32, #tpu.memory_space<vmem_shared>>
    %dma_start3A_147 = arith.constant 0 : i32
    %dma_start3A_148 = tpu.memref_slice %arg6[%add3A_139, %dma_start3A_147] : memref<10112x128xf32, #tpu.memory_space<vmem_shared>> -> memref<128x128xf32, #tpu.memory_space<vmem_shared>>
    %dma_start3A_149 = arith.constant 0 : i32
    %dma_start3A_150 = arith.constant 0 : i32
    %dma_start3A_151 = tpu.memref_slice %arg9[%dma_start3A_140, %dma_start3A_149, %dma_start3A_150] : memref<3x128x128xf32, #tpu.memory_space<vmem>> -> memref<1x128x128xf32, #tpu.memory_space<vmem>>
    %dma_start3A_152 = tpu.memref_squeeze %dma_start3A_151 : memref<1x128x128xf32, #tpu.memory_space<vmem>> -> memref<128x128xf32, #tpu.memory_space<vmem>>
    tpu.enqueue_dma source(%dma_start3A_152 : memref<128x128xf32, #tpu.memory_space<vmem>>) target(%dma_start3A_148 : memref<128x128xf32, #tpu.memory_space<vmem_shared>>) target_semaphore(%arg14 : memref<!tpu.dma_semaphore, #tpu.memory_space<semaphore_mem>>)
    %add3A_153 = arith.constant 512 : i32
    %add3A_154 = arith.addi %multiple_of3A_92, %add3A_153 : i32
    %dma_start3A_155 = arith.constant 2 : i32
    %dma_start3A_156 = arith.constant 0 : i32
    %dma_start3A_157 = arith.constant 0 : i32
    %dma_start3A_158 = tpu.memref_slice %arg9[%dma_start3A_155, %dma_start3A_156, %dma_start3A_157] : memref<3x128x128xf32, #tpu.memory_space<vmem>> -> memref<1x120x128xf32, #tpu.memory_space<vmem>>
    %dma_start3A_159 = tpu.memref_squeeze %dma_start3A_158 : memref<1x120x128xf32, #tpu.memory_space<vmem>> -> memref<120x128xf32, #tpu.memory_space<vmem>>
    %dma_start3A_160 = arith.constant 0 : i32
    %dma_start3A_161 = tpu.memref_slice %arg6[%add3A_154, %dma_start3A_160] : memref<10112x128xf32, #tpu.memory_space<vmem_shared>> -> memref<120x128xf32, #tpu.memory_space<vmem_shared>>
    %dma_start3A_162 = arith.constant 0 : i32
    %dma_start3A_163 = tpu.memref_slice %arg6[%add3A_154, %dma_start3A_162] : memref<10112x128xf32, #tpu.memory_space<vmem_shared>> -> memref<120x128xf32, #tpu.memory_space<vmem_shared>>
    %dma_start3A_164 = arith.constant 0 : i32
    %dma_start3A_165 = arith.constant 0 : i32
    %dma_start3A_166 = tpu.memref_slice %arg9[%dma_start3A_155, %dma_start3A_164, %dma_start3A_165] : memref<3x128x128xf32, #tpu.memory_space<vmem>> -> memref<1x120x128xf32, #tpu.memory_space<vmem>>
    %dma_start3A_167 = tpu.memref_squeeze %dma_start3A_166 : memref<1x120x128xf32, #tpu.memory_space<vmem>> -> memref<120x128xf32, #tpu.memory_space<vmem>>
    tpu.enqueue_dma source(%dma_start3A_167 : memref<120x128xf32, #tpu.memory_space<vmem>>) target(%dma_start3A_163 : memref<120x128xf32, #tpu.memory_space<vmem_shared>>) target_semaphore(%arg14 : memref<!tpu.dma_semaphore, #tpu.memory_space<semaphore_mem>>)
    %add3A_168 = arith.constant 0 : i32
    %add3A_169 = arith.addi %multiple_of3A_92, %add3A_168 : i32
    %dma_wait3A_170 = arith.constant 2 : i32
    %dma_wait3A_171 = arith.constant 0 : i32
    %dma_wait3A_172 = arith.constant 0 : i32
    %dma_wait3A_173 = tpu.memref_slice %arg9[%dma_wait3A_170, %dma_wait3A_171, %dma_wait3A_172] : memref<3x128x128xf32, #tpu.memory_space<vmem>> -> memref<1x128x128xf32, #tpu.memory_space<vmem>>
    %dma_wait3A_174 = tpu.memref_squeeze %dma_wait3A_173 : memref<1x128x128xf32, #tpu.memory_space<vmem>> -> memref<128x128xf32, #tpu.memory_space<vmem>>
    %dma_wait3A_175 = arith.constant 0 : i32
    %dma_wait3A_176 = tpu.memref_slice %arg6[%add3A_169, %dma_wait3A_175] : memref<10112x128xf32, #tpu.memory_space<vmem_shared>> -> memref<128x128xf32, #tpu.memory_space<vmem_shared>>
    %dma_wait3A_177 = arith.constant 0 : i32
    %dma_wait3A_178 = tpu.memref_slice %arg6[%add3A_169, %dma_wait3A_177] : memref<10112x128xf32, #tpu.memory_space<vmem_shared>> -> memref<128x128xf32, #tpu.memory_space<vmem_shared>>
    %dma_wait3A_179 = arith.constant 0 : i32
    %dma_wait3A_180 = arith.constant 0 : i32
    %dma_wait3A_181 = tpu.memref_slice %arg9[%dma_wait3A_170, %dma_wait3A_179, %dma_wait3A_180] : memref<3x128x128xf32, #tpu.memory_space<vmem>> -> memref<1x128x128xf32, #tpu.memory_space<vmem>>
    %dma_wait3A_182 = tpu.memref_squeeze %dma_wait3A_181 : memref<1x128x128xf32, #tpu.memory_space<vmem>> -> memref<128x128xf32, #tpu.memory_space<vmem>>
    tpu.wait_dma2 semaphore(%arg14 : memref<!tpu.dma_semaphore, #tpu.memory_space<semaphore_mem>>) src(%dma_wait3A_182 : memref<128x128xf32, #tpu.memory_space<vmem>>) dst(%dma_wait3A_178 : memref<128x128xf32, #tpu.memory_space<vmem_shared>>)
    %add3A_183 = arith.constant 128 : i32
    %add3A_184 = arith.addi %multiple_of3A_92, %add3A_183 : i32
    %dma_wait3A_185 = arith.constant 2 : i32
    %dma_wait3A_186 = arith.constant 0 : i32
    %dma_wait3A_187 = arith.constant 0 : i32
    %dma_wait3A_188 = tpu.memref_slice %arg9[%dma_wait3A_185, %dma_wait3A_186, %dma_wait3A_187] : memref<3x128x128xf32, #tpu.memory_space<vmem>> -> memref<1x128x128xf32, #tpu.memory_space<vmem>>
    %dma_wait3A_189 = tpu.memref_squeeze %dma_wait3A_188 : memref<1x128x128xf32, #tpu.memory_space<vmem>> -> memref<128x128xf32, #tpu.memory_space<vmem>>
    %dma_wait3A_190 = arith.constant 0 : i32
    %dma_wait3A_191 = tpu.memref_slice %arg6[%add3A_184, %dma_wait3A_190] : memref<10112x128xf32, #tpu.memory_space<vmem_shared>> -> memref<128x128xf32, #tpu.memory_space<vmem_shared>>
    %dma_wait3A_192 = arith.constant 0 : i32
    %dma_wait3A_193 = tpu.memref_slice %arg6[%add3A_184, %dma_wait3A_192] : memref<10112x128xf32, #tpu.memory_space<vmem_shared>> -> memref<128x128xf32, #tpu.memory_space<vmem_shared>>
    %dma_wait3A_194 = arith.constant 0 : i32
    %dma_wait3A_195 = arith.constant 0 : i32
    %dma_wait3A_196 = tpu.memref_slice %arg9[%dma_wait3A_185, %dma_wait3A_194, %dma_wait3A_195] : memref<3x128x128xf32, #tpu.memory_space<vmem>> -> memref<1x128x128xf32, #tpu.memory_space<vmem>>
    %dma_wait3A_197 = tpu.memref_squeeze %dma_wait3A_196 : memref<1x128x128xf32, #tpu.memory_space<vmem>> -> memref<128x128xf32, #tpu.memory_space<vmem>>
    tpu.wait_dma2 semaphore(%arg14 : memref<!tpu.dma_semaphore, #tpu.memory_space<semaphore_mem>>) src(%dma_wait3A_197 : memref<128x128xf32, #tpu.memory_space<vmem>>) dst(%dma_wait3A_193 : memref<128x128xf32, #tpu.memory_space<vmem_shared>>)
    %add3A_198 = arith.constant 256 : i32
    %add3A_199 = arith.addi %multiple_of3A_92, %add3A_198 : i32
    %dma_wait3A_200 = arith.constant 2 : i32
    %dma_wait3A_201 = arith.constant 0 : i32
    %dma_wait3A_202 = arith.constant 0 : i32
    %dma_wait3A_203 = tpu.memref_slice %arg9[%dma_wait3A_200, %dma_wait3A_201, %dma_wait3A_202] : memref<3x128x128xf32, #tpu.memory_space<vmem>> -> memref<1x128x128xf32, #tpu.memory_space<vmem>>
    %dma_wait3A_204 = tpu.memref_squeeze %dma_wait3A_203 : memref<1x128x128xf32, #tpu.memory_space<vmem>> -> memref<128x128xf32, #tpu.memory_space<vmem>>
    %dma_wait3A_205 = arith.constant 0 : i32
    %dma_wait3A_206 = tpu.memref_slice %arg6[%add3A_199, %dma_wait3A_205] : memref<10112x128xf32, #tpu.memory_space<vmem_shared>> -> memref<128x128xf32, #tpu.memory_space<vmem_shared>>
    %dma_wait3A_207 = arith.constant 0 : i32
    %dma_wait3A_208 = tpu.memref_slice %arg6[%add3A_199, %dma_wait3A_207] : memref<10112x128xf32, #tpu.memory_space<vmem_shared>> -> memref<128x128xf32, #tpu.memory_space<vmem_shared>>
    %dma_wait3A_209 = arith.constant 0 : i32
    %dma_wait3A_210 = arith.constant 0 : i32
    %dma_wait3A_211 = tpu.memref_slice %arg9[%dma_wait3A_200, %dma_wait3A_209, %dma_wait3A_210] : memref<3x128x128xf32, #tpu.memory_space<vmem>> -> memref<1x128x128xf32, #tpu.memory_space<vmem>>
    %dma_wait3A_212 = tpu.memref_squeeze %dma_wait3A_211 : memref<1x128x128xf32, #tpu.memory_space<vmem>> -> memref<128x128xf32, #tpu.memory_space<vmem>>
    tpu.wait_dma2 semaphore(%arg14 : memref<!tpu.dma_semaphore, #tpu.memory_space<semaphore_mem>>) src(%dma_wait3A_212 : memref<128x128xf32, #tpu.memory_space<vmem>>) dst(%dma_wait3A_208 : memref<128x128xf32, #tpu.memory_space<vmem_shared>>)
    %add3A_213 = arith.constant 384 : i32
    %add3A_214 = arith.addi %multiple_of3A_92, %add3A_213 : i32
    %dma_wait3A_215 = arith.constant 2 : i32
    %dma_wait3A_216 = arith.constant 0 : i32
    %dma_wait3A_217 = arith.constant 0 : i32
    %dma_wait3A_218 = tpu.memref_slice %arg9[%dma_wait3A_215, %dma_wait3A_216, %dma_wait3A_217] : memref<3x128x128xf32, #tpu.memory_space<vmem>> -> memref<1x128x128xf32, #tpu.memory_space<vmem>>
    %dma_wait3A_219 = tpu.memref_squeeze %dma_wait3A_218 : memref<1x128x128xf32, #tpu.memory_space<vmem>> -> memref<128x128xf32, #tpu.memory_space<vmem>>
    %dma_wait3A_220 = arith.constant 0 : i32
    %dma_wait3A_221 = tpu.memref_slice %arg6[%add3A_214, %dma_wait3A_220] : memref<10112x128xf32, #tpu.memory_space<vmem_shared>> -> memref<128x128xf32, #tpu.memory_space<vmem_shared>>
    %dma_wait3A_222 = arith.constant 0 : i32
    %dma_wait3A_223 = tpu.memref_slice %arg6[%add3A_214, %dma_wait3A_222] : memref<10112x128xf32, #tpu.memory_space<vmem_shared>> -> memref<128x128xf32, #tpu.memory_space<vmem_shared>>
    %dma_wait3A_224 = arith.constant 0 : i32
    %dma_wait3A_225 = arith.constant 0 : i32
    %dma_wait3A_226 = tpu.memref_slice %arg9[%dma_wait3A_215, %dma_wait3A_224, %dma_wait3A_225] : memref<3x128x128xf32, #tpu.memory_space<vmem>> -> memref<1x128x128xf32, #tpu.memory_space<vmem>>
    %dma_wait3A_227 = tpu.memref_squeeze %dma_wait3A_226 : memref<1x128x128xf32, #tpu.memory_space<vmem>> -> memref<128x128xf32, #tpu.memory_space<vmem>>
    tpu.wait_dma2 semaphore(%arg14 : memref<!tpu.dma_semaphore, #tpu.memory_space<semaphore_mem>>) src(%dma_wait3A_227 : memref<128x128xf32, #tpu.memory_space<vmem>>) dst(%dma_wait3A_223 : memref<128x128xf32, #tpu.memory_space<vmem_shared>>)
    %add3A_228 = arith.constant 512 : i32
    %add3A_229 = arith.addi %multiple_of3A_92, %add3A_228 : i32
    %dma_wait3A_230 = arith.constant 2 : i32
    %dma_wait3A_231 = arith.constant 0 : i32
    %dma_wait3A_232 = arith.constant 0 : i32
    %dma_wait3A_233 = tpu.memref_slice %arg9[%dma_wait3A_230, %dma_wait3A_231, %dma_wait3A_232] : memref<3x128x128xf32, #tpu.memory_space<vmem>> -> memref<1x120x128xf32, #tpu.memory_space<vmem>>
    %dma_wait3A_234 = tpu.memref_squeeze %dma_wait3A_233 : memref<1x120x128xf32, #tpu.memory_space<vmem>> -> memref<120x128xf32, #tpu.memory_space<vmem>>
    %dma_wait3A_235 = arith.constant 0 : i32
    %dma_wait3A_236 = tpu.memref_slice %arg6[%add3A_229, %dma_wait3A_235] : memref<10112x128xf32, #tpu.memory_space<vmem_shared>> -> memref<120x128xf32, #tpu.memory_space<vmem_shared>>
    %dma_wait3A_237 = arith.constant 0 : i32
    %dma_wait3A_238 = tpu.memref_slice %arg6[%add3A_229, %dma_wait3A_237] : memref<10112x128xf32, #tpu.memory_space<vmem_shared>> -> memref<120x128xf32, #tpu.memory_space<vmem_shared>>
    %dma_wait3A_239 = arith.constant 0 : i32
    %dma_wait3A_240 = arith.constant 0 : i32
    %dma_wait3A_241 = tpu.memref_slice %arg9[%dma_wait3A_230, %dma_wait3A_239, %dma_wait3A_240] : memref<3x128x128xf32, #tpu.memory_space<vmem>> -> memref<1x120x128xf32, #tpu.memory_space<vmem>>
    %dma_wait3A_242 = tpu.memref_squeeze %dma_wait3A_241 : memref<1x120x128xf32, #tpu.memory_space<vmem>> -> memref<120x128xf32, #tpu.memory_space<vmem>>
    tpu.wait_dma2 semaphore(%arg14 : memref<!tpu.dma_semaphore, #tpu.memory_space<semaphore_mem>>) src(%dma_wait3A_242 : memref<120x128xf32, #tpu.memory_space<vmem>>) dst(%dma_wait3A_238 : memref<120x128xf32, #tpu.memory_space<vmem_shared>>)
    %barrier3A = arith.constant 0 : index
    tpu.barrier barrier_id(%barrier3A)
    %scan3A_243 = arith.constant 0 : i32
    %scan3A_244 = arith.constant 0 : i32
    %scan3A_245 = arith.constant 80 : i32
    %scan3A_246 = arith.addi %scan3A_244, %scan3A_245 : i32
    %scan3A_247 = arith.constant 1 : i32
    scf.for %scan3A_507 = %scan3A_244 to %scan3A_246 step %scan3A_247  : i32 {
      %rem3A = arith.constant 2 : i32
      %rem3A_508 = arith.remsi %scan3A_507, %rem3A : i32
      %rem3A_509 = arith.constant 3 : i32
      %rem3A_510 = arith.remsi %scan3A_507, %rem3A_509 : i32
      %add3A_511 = arith.constant 2 : i32
      %add3A_512 = arith.addi %scan3A_507, %add3A_511 : i32
      %rem3A_513 = arith.constant 3 : i32
      %rem3A_514 = arith.remsi %add3A_512, %rem3A_513 : i32
      %rem3A_515 = arith.constant 4 : i32
      %rem3A_516 = arith.remsi %scan3A_507, %rem3A_515 : i32
      %add3A_517 = arith.constant 2 : i32
      %add3A_518 = arith.addi %scan3A_507, %add3A_517 : i32
      %rem3A_519 = arith.constant 4 : i32
      %rem3A_520 = arith.remsi %add3A_518, %rem3A_519 : i32
      %add3A_521 = arith.constant 2 : i32
      %add3A_522 = arith.addi %scan3A_507, %add3A_521 : i32
      %mul3A_523 = arith.constant 128 : i32
      %mul3A_524 = arith.muli %add3A_522, %mul3A_523 : i32
      %add3A_525 = arith.addi %mul3A_2, %mul3A_524 : i32
      %multiple_of3A_526 = tpu.assume_multiple %add3A_525, 8 : i32
      %add3A_527 = arith.constant 4 : i32
      %add3A_528 = arith.addi %scan3A_507, %add3A_527 : i32
      %mul3A_529 = arith.constant 128 : i32
      %mul3A_530 = arith.muli %add3A_528, %mul3A_529 : i32
      %add3A_531 = arith.addi %mul3A_2, %mul3A_530 : i32
      %multiple_of3A_532 = tpu.assume_multiple %add3A_531, 8 : i32
      %eq3A = arith.constant 0 : i32
      %eq3A_533 = arith.cmpi eq, %rem3A_508, %eq3A : i32
      %convert_element_type3A = arith.extui %eq3A_533 : i1 to i32
      %cond3A = arith.constant 0 : i32
      %cond3A_534 = arith.cmpi ne, %convert_element_type3A, %cond3A : i32
      scf.if %cond3A_534 {
        %dma_wait3A_601 = arith.constant 0 : i32
        %dma_wait3A_602 = arith.constant 0 : i32
        %dma_wait3A_603 = tpu.memref_slice %arg9[%rem3A_510, %dma_wait3A_601, %dma_wait3A_602] : memref<3x128x128xf32, #tpu.memory_space<vmem>> -> memref<1x128x128xf32, #tpu.memory_space<vmem>>
        %dma_wait3A_604 = tpu.memref_squeeze %dma_wait3A_603 : memref<1x128x128xf32, #tpu.memory_space<vmem>> -> memref<128x128xf32, #tpu.memory_space<vmem>>
        %dma_wait3A_605 = arith.constant 0 : i32
        %dma_wait3A_606 = tpu.memref_slice %arg7[%rem3A_516, %dma_wait3A_605] : memref<4x128xi32, #tpu.memory_space<vmem>> -> memref<1x128xi32, #tpu.memory_space<vmem>>
        %dma_wait3A_607 = tpu.memref_squeeze %dma_wait3A_606 : memref<1x128xi32, #tpu.memory_space<vmem>> -> memref<128xi32, #tpu.memory_space<vmem>>
        %dma_wait3A_608 = arith.constant 0 : i32
        %dma_wait3A_609 = arith.constant 0 : i32
        %dma_wait3A_610 = tpu.memref_slice %arg2[%dma_wait3A_608, %dma_wait3A_609] : memref<10000x128xf32, #tpu.memory_space<hbm>> -> memref<10000x128xf32, #tpu.memory_space<hbm>>
        tpu.wait_indirect_dma semaphore(%arg10 : memref<!tpu.dma_semaphore, #tpu.memory_space<semaphore_mem>>) src(%dma_wait3A_610 : memref<10000x128xf32, #tpu.memory_space<hbm>>) dst(%dma_wait3A_604 : memref<128x128xf32, #tpu.memory_space<vmem>>)
      } else {
      }
      %eq3A_535 = arith.constant 1 : i32
      %eq3A_536 = arith.cmpi eq, %rem3A_508, %eq3A_535 : i32
      %convert_element_type3A_537 = arith.extui %eq3A_536 : i1 to i32
      %cond3A_538 = arith.constant 0 : i32
      %cond3A_539 = arith.cmpi ne, %convert_element_type3A_537, %cond3A_538 : i32
      scf.if %cond3A_539 {
        %dma_wait3A_601 = arith.constant 0 : i32
        %dma_wait3A_602 = arith.constant 0 : i32
        %dma_wait3A_603 = tpu.memref_slice %arg9[%rem3A_510, %dma_wait3A_601, %dma_wait3A_602] : memref<3x128x128xf32, #tpu.memory_space<vmem>> -> memref<1x128x128xf32, #tpu.memory_space<vmem>>
        %dma_wait3A_604 = tpu.memref_squeeze %dma_wait3A_603 : memref<1x128x128xf32, #tpu.memory_space<vmem>> -> memref<128x128xf32, #tpu.memory_space<vmem>>
        %dma_wait3A_605 = arith.constant 0 : i32
        %dma_wait3A_606 = tpu.memref_slice %arg7[%rem3A_516, %dma_wait3A_605] : memref<4x128xi32, #tpu.memory_space<vmem>> -> memref<1x128xi32, #tpu.memory_space<vmem>>
        %dma_wait3A_607 = tpu.memref_squeeze %dma_wait3A_606 : memref<1x128xi32, #tpu.memory_space<vmem>> -> memref<128xi32, #tpu.memory_space<vmem>>
        %dma_wait3A_608 = arith.constant 0 : i32
        %dma_wait3A_609 = arith.constant 0 : i32
        %dma_wait3A_610 = tpu.memref_slice %arg2[%dma_wait3A_608, %dma_wait3A_609] : memref<10000x128xf32, #tpu.memory_space<hbm>> -> memref<10000x128xf32, #tpu.memory_space<hbm>>
        tpu.wait_indirect_dma semaphore(%arg11 : memref<!tpu.dma_semaphore, #tpu.memory_space<semaphore_mem>>) src(%dma_wait3A_610 : memref<10000x128xf32, #tpu.memory_space<hbm>>) dst(%dma_wait3A_604 : memref<128x128xf32, #tpu.memory_space<vmem>>)
      } else {
      }
      %gt3A = arith.constant 0 : i32
      %gt3A_540 = arith.cmpi sgt, %scan3A_507, %gt3A : i32
      %convert_element_type3A_541 = arith.extui %gt3A_540 : i1 to i32
      %cond3A_542 = arith.constant 0 : i32
      %cond3A_543 = arith.cmpi ne, %convert_element_type3A_541, %cond3A_542 : i32
      scf.if %cond3A_543 {
        %dma_wait3A_601 = arith.constant 0 : i32
        %dma_wait3A_602 = arith.constant 0 : i32
        %dma_wait3A_603 = tpu.memref_slice %arg9[%rem3A_514, %dma_wait3A_601, %dma_wait3A_602] : memref<3x128x128xf32, #tpu.memory_space<vmem>> -> memref<1x128x128xf32, #tpu.memory_space<vmem>>
        %dma_wait3A_604 = tpu.memref_squeeze %dma_wait3A_603 : memref<1x128x128xf32, #tpu.memory_space<vmem>> -> memref<128x128xf32, #tpu.memory_space<vmem>>
        %dma_wait3A_605 = arith.constant 0 : i32
        %dma_wait3A_606 = tpu.memref_slice %arg8[%rem3A_514, %dma_wait3A_605] : memref<3x128xi32, #tpu.memory_space<vmem>> -> memref<1x128xi32, #tpu.memory_space<vmem>>
        %dma_wait3A_607 = tpu.memref_squeeze %dma_wait3A_606 : memref<1x128xi32, #tpu.memory_space<vmem>> -> memref<128xi32, #tpu.memory_space<vmem>>
        %dma_wait3A_608 = arith.constant 0 : i32
        %dma_wait3A_609 = arith.constant 0 : i32
        %dma_wait3A_610 = tpu.memref_slice %arg6[%dma_wait3A_608, %dma_wait3A_609] : memref<10112x128xf32, #tpu.memory_space<vmem_shared>> -> memref<10112x128xf32, #tpu.memory_space<vmem_shared>>
        tpu.wait_indirect_dma semaphore(%arg14 : memref<!tpu.dma_semaphore, #tpu.memory_space<semaphore_mem>>) src(%dma_wait3A_604 : memref<128x128xf32, #tpu.memory_space<vmem>>) dst(%dma_wait3A_610 : memref<10112x128xf32, #tpu.memory_space<vmem_shared>>)
      } else {
      }
      %eq3A_544 = arith.constant 0 : i32
      %eq3A_545 = arith.cmpi eq, %scan3A_507, %eq3A_544 : i32
      %convert_element_type3A_546 = arith.extui %eq3A_545 : i1 to i32
      %cond3A_547 = arith.constant 0 : i32
      %cond3A_548 = arith.cmpi ne, %convert_element_type3A_546, %cond3A_547 : i32
      scf.if %cond3A_548 {
        %dma_wait3A_601 = arith.constant 0 : i32
        %dma_wait3A_602 = tpu.memref_slice %arg7[%rem3A_520, %dma_wait3A_601] : memref<4x128xi32, #tpu.memory_space<vmem>> -> memref<1x128xi32, #tpu.memory_space<vmem>>
        %dma_wait3A_603 = tpu.memref_squeeze %dma_wait3A_602 : memref<1x128xi32, #tpu.memory_space<vmem>> -> memref<128xi32, #tpu.memory_space<vmem>>
        %dma_wait3A_604 = tpu.memref_slice %arg3[%multiple_of3A_526] : memref<328192xi32, #tpu.memory_space<hbm>> -> memref<128xi32, #tpu.memory_space<hbm>>
        %dma_wait3A_605 = arith.constant 0 : i32
        %dma_wait3A_606 = tpu.memref_slice %arg7[%rem3A_520, %dma_wait3A_605] : memref<4x128xi32, #tpu.memory_space<vmem>> -> memref<1x128xi32, #tpu.memory_space<vmem>>
        %dma_wait3A_607 = tpu.memref_squeeze %dma_wait3A_606 : memref<1x128xi32, #tpu.memory_space<vmem>> -> memref<128xi32, #tpu.memory_space<vmem>>
        %dma_wait3A_608 = tpu.memref_slice %arg3[%multiple_of3A_526] : memref<328192xi32, #tpu.memory_space<hbm>> -> memref<128xi32, #tpu.memory_space<hbm>>
        tpu.wait_dma2 semaphore(%arg12 : memref<!tpu.dma_semaphore, #tpu.memory_space<semaphore_mem>>) src(%dma_wait3A_608 : memref<128xi32, #tpu.memory_space<hbm>>) dst(%dma_wait3A_607 : memref<128xi32, #tpu.memory_space<vmem>>)
      } else {
      }
      %dma_wait3A_549 = arith.constant 0 : i32
      %dma_wait3A_550 = tpu.memref_slice %arg7[%rem3A_520, %dma_wait3A_549] : memref<4x128xi32, #tpu.memory_space<vmem>> -> memref<1x128xi32, #tpu.memory_space<vmem>>
      %dma_wait3A_551 = tpu.memref_squeeze %dma_wait3A_550 : memref<1x128xi32, #tpu.memory_space<vmem>> -> memref<128xi32, #tpu.memory_space<vmem>>
      %dma_wait3A_552 = tpu.memref_slice %arg3[%multiple_of3A_526] : memref<328192xi32, #tpu.memory_space<hbm>> -> memref<128xi32, #tpu.memory_space<hbm>>
      %dma_wait3A_553 = arith.constant 0 : i32
      %dma_wait3A_554 = tpu.memref_slice %arg7[%rem3A_520, %dma_wait3A_553] : memref<4x128xi32, #tpu.memory_space<vmem>> -> memref<1x128xi32, #tpu.memory_space<vmem>>
      %dma_wait3A_555 = tpu.memref_squeeze %dma_wait3A_554 : memref<1x128xi32, #tpu.memory_space<vmem>> -> memref<128xi32, #tpu.memory_space<vmem>>
      %dma_wait3A_556 = tpu.memref_slice %arg3[%multiple_of3A_526] : memref<328192xi32, #tpu.memory_space<hbm>> -> memref<128xi32, #tpu.memory_space<hbm>>
      tpu.wait_dma2 semaphore(%arg12 : memref<!tpu.dma_semaphore, #tpu.memory_space<semaphore_mem>>) src(%dma_wait3A_556 : memref<128xi32, #tpu.memory_space<hbm>>) dst(%dma_wait3A_555 : memref<128xi32, #tpu.memory_space<vmem>>)
      %eq3A_557 = arith.constant 0 : i32
      %eq3A_558 = arith.cmpi eq, %rem3A_508, %eq3A_557 : i32
      %convert_element_type3A_559 = arith.extui %eq3A_558 : i1 to i32
      %cond3A_560 = arith.constant 0 : i32
      %cond3A_561 = arith.cmpi ne, %convert_element_type3A_559, %cond3A_560 : i32
      scf.if %cond3A_561 {
        %dma_start3A_601 = arith.constant 0 : i32
        %dma_start3A_602 = arith.constant 0 : i32
        %dma_start3A_603 = tpu.memref_slice %arg9[%rem3A_514, %dma_start3A_601, %dma_start3A_602] : memref<3x128x128xf32, #tpu.memory_space<vmem>> -> memref<1x128x128xf32, #tpu.memory_space<vmem>>
        %dma_start3A_604 = tpu.memref_squeeze %dma_start3A_603 : memref<1x128x128xf32, #tpu.memory_space<vmem>> -> memref<128x128xf32, #tpu.memory_space<vmem>>
        %dma_start3A_605 = arith.constant 0 : i32
        %dma_start3A_606 = tpu.memref_slice %arg7[%rem3A_520, %dma_start3A_605] : memref<4x128xi32, #tpu.memory_space<vmem>> -> memref<1x128xi32, #tpu.memory_space<vmem>>
        %dma_start3A_607 = tpu.memref_squeeze %dma_start3A_606 : memref<1x128xi32, #tpu.memory_space<vmem>> -> memref<128xi32, #tpu.memory_space<vmem>>
        %dma_start3A_608 = arith.constant 0 : i32
        %dma_start3A_609 = arith.constant 0 : i32
        %dma_start3A_610 = tpu.memref_slice %arg2[%dma_start3A_608, %dma_start3A_609] : memref<10000x128xf32, #tpu.memory_space<hbm>> -> memref<10000x128xf32, #tpu.memory_space<hbm>>
        tpu.enqueue_indirect_dma source(%dma_start3A_610 : memref<10000x128xf32, #tpu.memory_space<hbm>>) target(%dma_start3A_604 : memref<128x128xf32, #tpu.memory_space<vmem>>) offsets(%dma_start3A_607 : memref<128xi32, #tpu.memory_space<vmem>>) semaphore(%arg10 : memref<!tpu.dma_semaphore, #tpu.memory_space<semaphore_mem>>)
      } else {
      }
      %eq3A_562 = arith.constant 1 : i32
      %eq3A_563 = arith.cmpi eq, %rem3A_508, %eq3A_562 : i32
      %convert_element_type3A_564 = arith.extui %eq3A_563 : i1 to i32
      %cond3A_565 = arith.constant 0 : i32
      %cond3A_566 = arith.cmpi ne, %convert_element_type3A_564, %cond3A_565 : i32
      scf.if %cond3A_566 {
        %dma_start3A_601 = arith.constant 0 : i32
        %dma_start3A_602 = arith.constant 0 : i32
        %dma_start3A_603 = tpu.memref_slice %arg9[%rem3A_514, %dma_start3A_601, %dma_start3A_602] : memref<3x128x128xf32, #tpu.memory_space<vmem>> -> memref<1x128x128xf32, #tpu.memory_space<vmem>>
        %dma_start3A_604 = tpu.memref_squeeze %dma_start3A_603 : memref<1x128x128xf32, #tpu.memory_space<vmem>> -> memref<128x128xf32, #tpu.memory_space<vmem>>
        %dma_start3A_605 = arith.constant 0 : i32
        %dma_start3A_606 = tpu.memref_slice %arg7[%rem3A_520, %dma_start3A_605] : memref<4x128xi32, #tpu.memory_space<vmem>> -> memref<1x128xi32, #tpu.memory_space<vmem>>
        %dma_start3A_607 = tpu.memref_squeeze %dma_start3A_606 : memref<1x128xi32, #tpu.memory_space<vmem>> -> memref<128xi32, #tpu.memory_space<vmem>>
        %dma_start3A_608 = arith.constant 0 : i32
        %dma_start3A_609 = arith.constant 0 : i32
        %dma_start3A_610 = tpu.memref_slice %arg2[%dma_start3A_608, %dma_start3A_609] : memref<10000x128xf32, #tpu.memory_space<hbm>> -> memref<10000x128xf32, #tpu.memory_space<hbm>>
        tpu.enqueue_indirect_dma source(%dma_start3A_610 : memref<10000x128xf32, #tpu.memory_space<hbm>>) target(%dma_start3A_604 : memref<128x128xf32, #tpu.memory_space<vmem>>) offsets(%dma_start3A_607 : memref<128xi32, #tpu.memory_space<vmem>>) semaphore(%arg11 : memref<!tpu.dma_semaphore, #tpu.memory_space<semaphore_mem>>)
      } else {
      }
      %dma_start3A_567 = arith.constant 0 : i32
      %dma_start3A_568 = tpu.memref_slice %arg7[%rem3A_516, %dma_start3A_567] : memref<4x128xi32, #tpu.memory_space<vmem>> -> memref<1x128xi32, #tpu.memory_space<vmem>>
      %dma_start3A_569 = tpu.memref_squeeze %dma_start3A_568 : memref<1x128xi32, #tpu.memory_space<vmem>> -> memref<128xi32, #tpu.memory_space<vmem>>
      %dma_start3A_570 = tpu.memref_slice %arg3[%multiple_of3A_532] : memref<328192xi32, #tpu.memory_space<hbm>> -> memref<128xi32, #tpu.memory_space<hbm>>
      %dma_start3A_571 = arith.constant 0 : i32
      %dma_start3A_572 = tpu.memref_slice %arg7[%rem3A_516, %dma_start3A_571] : memref<4x128xi32, #tpu.memory_space<vmem>> -> memref<1x128xi32, #tpu.memory_space<vmem>>
      %dma_start3A_573 = tpu.memref_squeeze %dma_start3A_572 : memref<1x128xi32, #tpu.memory_space<vmem>> -> memref<128xi32, #tpu.memory_space<vmem>>
      %dma_start3A_574 = tpu.memref_slice %arg3[%multiple_of3A_532] : memref<328192xi32, #tpu.memory_space<hbm>> -> memref<128xi32, #tpu.memory_space<hbm>>
      tpu.enqueue_dma source(%dma_start3A_574 : memref<128xi32, #tpu.memory_space<hbm>>) target(%dma_start3A_573 : memref<128xi32, #tpu.memory_space<vmem>>) target_semaphore(%arg12 : memref<!tpu.dma_semaphore, #tpu.memory_space<semaphore_mem>>)
      %dma_wait3A_575 = arith.constant 0 : i32
      %dma_wait3A_576 = tpu.memref_slice %arg8[%rem3A_514, %dma_wait3A_575] : memref<3x128xi32, #tpu.memory_space<vmem>> -> memref<1x128xi32, #tpu.memory_space<vmem>>
      %dma_wait3A_577 = tpu.memref_squeeze %dma_wait3A_576 : memref<1x128xi32, #tpu.memory_space<vmem>> -> memref<128xi32, #tpu.memory_space<vmem>>
      %dma_wait3A_578 = tpu.memref_slice %arg4[%multiple_of3A_526] : memref<328192xi32, #tpu.memory_space<hbm>> -> memref<128xi32, #tpu.memory_space<hbm>>
      %dma_wait3A_579 = arith.constant 0 : i32
      %dma_wait3A_580 = tpu.memref_slice %arg8[%rem3A_514, %dma_wait3A_579] : memref<3x128xi32, #tpu.memory_space<vmem>> -> memref<1x128xi32, #tpu.memory_space<vmem>>
      %dma_wait3A_581 = tpu.memref_squeeze %dma_wait3A_580 : memref<1x128xi32, #tpu.memory_space<vmem>> -> memref<128xi32, #tpu.memory_space<vmem>>
      %dma_wait3A_582 = tpu.memref_slice %arg4[%multiple_of3A_526] : memref<328192xi32, #tpu.memory_space<hbm>> -> memref<128xi32, #tpu.memory_space<hbm>>
      tpu.wait_dma2 semaphore(%arg13 : memref<!tpu.dma_semaphore, #tpu.memory_space<semaphore_mem>>) src(%dma_wait3A_582 : memref<128xi32, #tpu.memory_space<hbm>>) dst(%dma_wait3A_581 : memref<128xi32, #tpu.memory_space<vmem>>)
      %dma_start3A_583 = arith.constant 0 : i32
      %dma_start3A_584 = arith.constant 0 : i32
      %dma_start3A_585 = tpu.memref_slice %arg9[%rem3A_510, %dma_start3A_583, %dma_start3A_584] : memref<3x128x128xf32, #tpu.memory_space<vmem>> -> memref<1x128x128xf32, #tpu.memory_space<vmem>>
      %dma_start3A_586 = tpu.memref_squeeze %dma_start3A_585 : memref<1x128x128xf32, #tpu.memory_space<vmem>> -> memref<128x128xf32, #tpu.memory_space<vmem>>
      %dma_start3A_587 = arith.constant 0 : i32
      %dma_start3A_588 = tpu.memref_slice %arg8[%rem3A_510, %dma_start3A_587] : memref<3x128xi32, #tpu.memory_space<vmem>> -> memref<1x128xi32, #tpu.memory_space<vmem>>
      %dma_start3A_589 = tpu.memref_squeeze %dma_start3A_588 : memref<1x128xi32, #tpu.memory_space<vmem>> -> memref<128xi32, #tpu.memory_space<vmem>>
      %dma_start3A_590 = arith.constant 0 : i32
      %dma_start3A_591 = arith.constant 0 : i32
      %dma_start3A_592 = tpu.memref_slice %arg6[%dma_start3A_590, %dma_start3A_591] : memref<10112x128xf32, #tpu.memory_space<vmem_shared>> -> memref<10112x128xf32, #tpu.memory_space<vmem_shared>>
      tpu.enqueue_indirect_dma source(%dma_start3A_586 : memref<128x128xf32, #tpu.memory_space<vmem>>) target(%dma_start3A_592 : memref<10112x128xf32, #tpu.memory_space<vmem_shared>>) offsets(%dma_start3A_589 : memref<128xi32, #tpu.memory_space<vmem>>) semaphore(%arg14 : memref<!tpu.dma_semaphore, #tpu.memory_space<semaphore_mem>>) {add = true}
      %dma_start3A_593 = arith.constant 0 : i32
      %dma_start3A_594 = tpu.memref_slice %arg8[%rem3A_514, %dma_start3A_593] : memref<3x128xi32, #tpu.memory_space<vmem>> -> memref<1x128xi32, #tpu.memory_space<vmem>>
      %dma_start3A_595 = tpu.memref_squeeze %dma_start3A_594 : memref<1x128xi32, #tpu.memory_space<vmem>> -> memref<128xi32, #tpu.memory_space<vmem>>
      %dma_start3A_596 = tpu.memref_slice %arg4[%multiple_of3A_526] : memref<328192xi32, #tpu.memory_space<hbm>> -> memref<128xi32, #tpu.memory_space<hbm>>
      %dma_start3A_597 = arith.constant 0 : i32
      %dma_start3A_598 = tpu.memref_slice %arg8[%rem3A_514, %dma_start3A_597] : memref<3x128xi32, #tpu.memory_space<vmem>> -> memref<1x128xi32, #tpu.memory_space<vmem>>
      %dma_start3A_599 = tpu.memref_squeeze %dma_start3A_598 : memref<1x128xi32, #tpu.memory_space<vmem>> -> memref<128xi32, #tpu.memory_space<vmem>>
      %dma_start3A_600 = tpu.memref_slice %arg4[%multiple_of3A_526] : memref<328192xi32, #tpu.memory_space<hbm>> -> memref<128xi32, #tpu.memory_space<hbm>>
      tpu.enqueue_dma source(%dma_start3A_600 : memref<128xi32, #tpu.memory_space<hbm>>) target(%dma_start3A_599 : memref<128xi32, #tpu.memory_space<vmem>>) target_semaphore(%arg13 : memref<!tpu.dma_semaphore, #tpu.memory_space<semaphore_mem>>)
    }
    %scan3A_248 = arith.constant 80 : i32
    %dma_wait3A_249 = arith.constant 0 : i32
    %dma_wait3A_250 = arith.constant 2 : i32
    %dma_wait3A_251 = arith.constant 0 : i32
    %dma_wait3A_252 = arith.constant 0 : i32
    %dma_wait3A_253 = tpu.memref_slice %arg9[%dma_wait3A_250, %dma_wait3A_251, %dma_wait3A_252] : memref<3x128x128xf32, #tpu.memory_space<vmem>> -> memref<1x128x128xf32, #tpu.memory_space<vmem>>
    %dma_wait3A_254 = tpu.memref_squeeze %dma_wait3A_253 : memref<1x128x128xf32, #tpu.memory_space<vmem>> -> memref<128x128xf32, #tpu.memory_space<vmem>>
    %dma_wait3A_255 = arith.constant 0 : i32
    %dma_wait3A_256 = tpu.memref_slice %arg7[%dma_wait3A_249, %dma_wait3A_255] : memref<4x128xi32, #tpu.memory_space<vmem>> -> memref<1x128xi32, #tpu.memory_space<vmem>>
    %dma_wait3A_257 = tpu.memref_squeeze %dma_wait3A_256 : memref<1x128xi32, #tpu.memory_space<vmem>> -> memref<128xi32, #tpu.memory_space<vmem>>
    %dma_wait3A_258 = arith.constant 0 : i32
    %dma_wait3A_259 = arith.constant 0 : i32
    %dma_wait3A_260 = tpu.memref_slice %arg2[%dma_wait3A_258, %dma_wait3A_259] : memref<10000x128xf32, #tpu.memory_space<hbm>> -> memref<10000x128xf32, #tpu.memory_space<hbm>>
    tpu.wait_indirect_dma semaphore(%arg10 : memref<!tpu.dma_semaphore, #tpu.memory_space<semaphore_mem>>) src(%dma_wait3A_260 : memref<10000x128xf32, #tpu.memory_space<hbm>>) dst(%dma_wait3A_254 : memref<128x128xf32, #tpu.memory_space<vmem>>)
    %dma_wait3A_261 = arith.constant 1 : i32
    %dma_wait3A_262 = arith.constant 0 : i32
    %dma_wait3A_263 = arith.constant 0 : i32
    %dma_wait3A_264 = arith.constant 0 : i32
    %dma_wait3A_265 = tpu.memref_slice %arg9[%dma_wait3A_262, %dma_wait3A_263, %dma_wait3A_264] : memref<3x128x128xf32, #tpu.memory_space<vmem>> -> memref<1x128x128xf32, #tpu.memory_space<vmem>>
    %dma_wait3A_266 = tpu.memref_squeeze %dma_wait3A_265 : memref<1x128x128xf32, #tpu.memory_space<vmem>> -> memref<128x128xf32, #tpu.memory_space<vmem>>
    %dma_wait3A_267 = arith.constant 0 : i32
    %dma_wait3A_268 = tpu.memref_slice %arg7[%dma_wait3A_261, %dma_wait3A_267] : memref<4x128xi32, #tpu.memory_space<vmem>> -> memref<1x128xi32, #tpu.memory_space<vmem>>
    %dma_wait3A_269 = tpu.memref_squeeze %dma_wait3A_268 : memref<1x128xi32, #tpu.memory_space<vmem>> -> memref<128xi32, #tpu.memory_space<vmem>>
    %dma_wait3A_270 = arith.constant 0 : i32
    %dma_wait3A_271 = arith.constant 0 : i32
    %dma_wait3A_272 = tpu.memref_slice %arg2[%dma_wait3A_270, %dma_wait3A_271] : memref<10000x128xf32, #tpu.memory_space<hbm>> -> memref<10000x128xf32, #tpu.memory_space<hbm>>
    tpu.wait_indirect_dma semaphore(%arg11 : memref<!tpu.dma_semaphore, #tpu.memory_space<semaphore_mem>>) src(%dma_wait3A_272 : memref<10000x128xf32, #tpu.memory_space<hbm>>) dst(%dma_wait3A_266 : memref<128x128xf32, #tpu.memory_space<vmem>>)
    %dma_wait3A_273 = arith.constant 1 : i32
    %dma_wait3A_274 = arith.constant 1 : i32
    %dma_wait3A_275 = arith.constant 0 : i32
    %dma_wait3A_276 = arith.constant 0 : i32
    %dma_wait3A_277 = tpu.memref_slice %arg9[%dma_wait3A_273, %dma_wait3A_275, %dma_wait3A_276] : memref<3x128x128xf32, #tpu.memory_space<vmem>> -> memref<1x128x128xf32, #tpu.memory_space<vmem>>
    %dma_wait3A_278 = tpu.memref_squeeze %dma_wait3A_277 : memref<1x128x128xf32, #tpu.memory_space<vmem>> -> memref<128x128xf32, #tpu.memory_space<vmem>>
    %dma_wait3A_279 = arith.constant 0 : i32
    %dma_wait3A_280 = tpu.memref_slice %arg8[%dma_wait3A_274, %dma_wait3A_279] : memref<3x128xi32, #tpu.memory_space<vmem>> -> memref<1x128xi32, #tpu.memory_space<vmem>>
    %dma_wait3A_281 = tpu.memref_squeeze %dma_wait3A_280 : memref<1x128xi32, #tpu.memory_space<vmem>> -> memref<128xi32, #tpu.memory_space<vmem>>
    %dma_wait3A_282 = arith.constant 0 : i32
    %dma_wait3A_283 = arith.constant 0 : i32
    %dma_wait3A_284 = tpu.memref_slice %arg6[%dma_wait3A_282, %dma_wait3A_283] : memref<10112x128xf32, #tpu.memory_space<vmem_shared>> -> memref<10112x128xf32, #tpu.memory_space<vmem_shared>>
    tpu.wait_indirect_dma semaphore(%arg14 : memref<!tpu.dma_semaphore, #tpu.memory_space<semaphore_mem>>) src(%dma_wait3A_278 : memref<128x128xf32, #tpu.memory_space<vmem>>) dst(%dma_wait3A_284 : memref<10112x128xf32, #tpu.memory_space<vmem_shared>>)
    %dma_wait3A_285 = arith.constant 0 : i32
    %dma_wait3A_286 = arith.constant 0 : i32
    %dma_wait3A_287 = tpu.memref_slice %arg7[%dma_wait3A_285, %dma_wait3A_286] : memref<4x128xi32, #tpu.memory_space<vmem>> -> memref<1x128xi32, #tpu.memory_space<vmem>>
    %dma_wait3A_288 = tpu.memref_squeeze %dma_wait3A_287 : memref<1x128xi32, #tpu.memory_space<vmem>> -> memref<128xi32, #tpu.memory_space<vmem>>
    %dma_wait3A_289 = tpu.memref_slice %arg3[%mul3A_2] : memref<328192xi32, #tpu.memory_space<hbm>> -> memref<128xi32, #tpu.memory_space<hbm>>
    %dma_wait3A_290 = arith.constant 0 : i32
    %dma_wait3A_291 = tpu.memref_slice %arg7[%dma_wait3A_285, %dma_wait3A_290] : memref<4x128xi32, #tpu.memory_space<vmem>> -> memref<1x128xi32, #tpu.memory_space<vmem>>
    %dma_wait3A_292 = tpu.memref_squeeze %dma_wait3A_291 : memref<1x128xi32, #tpu.memory_space<vmem>> -> memref<128xi32, #tpu.memory_space<vmem>>
    %dma_wait3A_293 = tpu.memref_slice %arg3[%mul3A_2] : memref<328192xi32, #tpu.memory_space<hbm>> -> memref<128xi32, #tpu.memory_space<hbm>>
    tpu.wait_dma2 semaphore(%arg12 : memref<!tpu.dma_semaphore, #tpu.memory_space<semaphore_mem>>) src(%dma_wait3A_293 : memref<128xi32, #tpu.memory_space<hbm>>) dst(%dma_wait3A_292 : memref<128xi32, #tpu.memory_space<vmem>>)
    %dma_wait3A_294 = arith.constant 0 : i32
    %dma_wait3A_295 = arith.constant 0 : i32
    %dma_wait3A_296 = tpu.memref_slice %arg8[%dma_wait3A_294, %dma_wait3A_295] : memref<3x128xi32, #tpu.memory_space<vmem>> -> memref<1x128xi32, #tpu.memory_space<vmem>>
    %dma_wait3A_297 = tpu.memref_squeeze %dma_wait3A_296 : memref<1x128xi32, #tpu.memory_space<vmem>> -> memref<128xi32, #tpu.memory_space<vmem>>
    %dma_wait3A_298 = tpu.memref_slice %arg4[%mul3A_2] : memref<328192xi32, #tpu.memory_space<hbm>> -> memref<128xi32, #tpu.memory_space<hbm>>
    %dma_wait3A_299 = arith.constant 0 : i32
    %dma_wait3A_300 = tpu.memref_slice %arg8[%dma_wait3A_294, %dma_wait3A_299] : memref<3x128xi32, #tpu.memory_space<vmem>> -> memref<1x128xi32, #tpu.memory_space<vmem>>
    %dma_wait3A_301 = tpu.memref_squeeze %dma_wait3A_300 : memref<1x128xi32, #tpu.memory_space<vmem>> -> memref<128xi32, #tpu.memory_space<vmem>>
    %dma_wait3A_302 = tpu.memref_slice %arg4[%mul3A_2] : memref<328192xi32, #tpu.memory_space<hbm>> -> memref<128xi32, #tpu.memory_space<hbm>>
    tpu.wait_dma2 semaphore(%arg13 : memref<!tpu.dma_semaphore, #tpu.memory_space<semaphore_mem>>) src(%dma_wait3A_302 : memref<128xi32, #tpu.memory_space<hbm>>) dst(%dma_wait3A_301 : memref<128xi32, #tpu.memory_space<vmem>>)
    %barrier3A_303 = arith.constant 0 : index
    tpu.barrier barrier_id(%barrier3A_303)
    %mul3A_304 = arith.constant 632 : i32
    %mul3A_305 = arith.muli %arg1, %mul3A_304 : i32
    %multiple_of3A_306 = tpu.assume_multiple %mul3A_305, 8 : i32
    %add3A_307 = arith.constant 0 : i32
    %add3A_308 = arith.addi %multiple_of3A_306, %add3A_307 : i32
    %multiple_of3A_309 = tpu.assume_multiple %add3A_308, 8 : i32
    %run_scoped3A_310 = arith.constant 0 : i32
    "tpu.region"() ({
      %run_scoped3A_507 = tpu.sem_alloc : memref<!tpu.dma_semaphore, #tpu.memory_space<semaphore_mem>>
      %dma_start3A_508 = arith.constant 0 : i32
      %dma_start3A_509 = arith.constant 0 : i32
      %dma_start3A_510 = tpu.memref_slice %arg9[%run_scoped3A_310, %dma_start3A_508, %dma_start3A_509] : memref<3x128x128xf32, #tpu.memory_space<vmem>> -> memref<1x128x128xf32, #tpu.memory_space<vmem>>
      %dma_start3A_511 = tpu.memref_squeeze %dma_start3A_510 : memref<1x128x128xf32, #tpu.memory_space<vmem>> -> memref<128x128xf32, #tpu.memory_space<vmem>>
      %dma_start3A_512 = arith.constant 0 : i32
      %dma_start3A_513 = tpu.memref_slice %arg6[%multiple_of3A_309, %dma_start3A_512] : memref<10112x128xf32, #tpu.memory_space<vmem_shared>> -> memref<128x128xf32, #tpu.memory_space<vmem_shared>>
      %dma_start3A_514 = arith.constant 0 : i32
      %dma_start3A_515 = arith.constant 0 : i32
      %dma_start3A_516 = tpu.memref_slice %arg9[%run_scoped3A_310, %dma_start3A_514, %dma_start3A_515] : memref<3x128x128xf32, #tpu.memory_space<vmem>> -> memref<1x128x128xf32, #tpu.memory_space<vmem>>
      %dma_start3A_517 = tpu.memref_squeeze %dma_start3A_516 : memref<1x128x128xf32, #tpu.memory_space<vmem>> -> memref<128x128xf32, #tpu.memory_space<vmem>>
      %dma_start3A_518 = arith.constant 0 : i32
      %dma_start3A_519 = tpu.memref_slice %arg6[%multiple_of3A_309, %dma_start3A_518] : memref<10112x128xf32, #tpu.memory_space<vmem_shared>> -> memref<128x128xf32, #tpu.memory_space<vmem_shared>>
      tpu.enqueue_dma source(%dma_start3A_519 : memref<128x128xf32, #tpu.memory_space<vmem_shared>>) target(%dma_start3A_517 : memref<128x128xf32, #tpu.memory_space<vmem>>) target_semaphore(%run_scoped3A_507 : memref<!tpu.dma_semaphore, #tpu.memory_space<semaphore_mem>>)
      %dma_wait3A_520 = arith.constant 0 : i32
      %dma_wait3A_521 = arith.constant 0 : i32
      %dma_wait3A_522 = tpu.memref_slice %arg9[%run_scoped3A_310, %dma_wait3A_520, %dma_wait3A_521] : memref<3x128x128xf32, #tpu.memory_space<vmem>> -> memref<1x128x128xf32, #tpu.memory_space<vmem>>
      %dma_wait3A_523 = tpu.memref_squeeze %dma_wait3A_522 : memref<1x128x128xf32, #tpu.memory_space<vmem>> -> memref<128x128xf32, #tpu.memory_space<vmem>>
      %dma_wait3A_524 = arith.constant 0 : i32
      %dma_wait3A_525 = tpu.memref_slice %arg6[%multiple_of3A_309, %dma_wait3A_524] : memref<10112x128xf32, #tpu.memory_space<vmem_shared>> -> memref<128x128xf32, #tpu.memory_space<vmem_shared>>
      %dma_wait3A_526 = arith.constant 0 : i32
      %dma_wait3A_527 = arith.constant 0 : i32
      %dma_wait3A_528 = tpu.memref_slice %arg9[%run_scoped3A_310, %dma_wait3A_526, %dma_wait3A_527] : memref<3x128x128xf32, #tpu.memory_space<vmem>> -> memref<1x128x128xf32, #tpu.memory_space<vmem>>
      %dma_wait3A_529 = tpu.memref_squeeze %dma_wait3A_528 : memref<1x128x128xf32, #tpu.memory_space<vmem>> -> memref<128x128xf32, #tpu.memory_space<vmem>>
      %dma_wait3A_530 = arith.constant 0 : i32
      %dma_wait3A_531 = tpu.memref_slice %arg6[%multiple_of3A_309, %dma_wait3A_530] : memref<10112x128xf32, #tpu.memory_space<vmem_shared>> -> memref<128x128xf32, #tpu.memory_space<vmem_shared>>
      tpu.wait_dma2 semaphore(%run_scoped3A_507 : memref<!tpu.dma_semaphore, #tpu.memory_space<semaphore_mem>>) src(%dma_wait3A_531 : memref<128x128xf32, #tpu.memory_space<vmem_shared>>) dst(%dma_wait3A_529 : memref<128x128xf32, #tpu.memory_space<vmem>>)
      tpu.yield
    }) : () -> ()
    %add3A_311 = arith.constant 0 : i32
    %add3A_312 = arith.addi %multiple_of3A_306, %add3A_311 : i32
    %multiple_of3A_313 = tpu.assume_multiple %add3A_312, 8 : i32
    %dma_start3A_314 = arith.constant 0 : i32
    %dma_start3A_315 = arith.constant 0 : i32
    %dma_start3A_316 = arith.constant 0 : i32
    %dma_start3A_317 = tpu.memref_slice %arg9[%dma_start3A_314, %dma_start3A_315, %dma_start3A_316] : memref<3x128x128xf32, #tpu.memory_space<vmem>> -> memref<1x128x128xf32, #tpu.memory_space<vmem>>
    %dma_start3A_318 = tpu.memref_squeeze %dma_start3A_317 : memref<1x128x128xf32, #tpu.memory_space<vmem>> -> memref<128x128xf32, #tpu.memory_space<vmem>>
    %dma_start3A_319 = arith.constant 0 : i32
    %dma_start3A_320 = tpu.memref_slice %arg5[%arg0, %multiple_of3A_313, %dma_start3A_319] : memref<2x10112x128xf32, #tpu.memory_space<hbm>> -> memref<1x128x128xf32, #tpu.memory_space<hbm>>
    %dma_start3A_321 = tpu.memref_squeeze %dma_start3A_320 : memref<1x128x128xf32, #tpu.memory_space<hbm>> -> memref<128x128xf32, #tpu.memory_space<hbm>>
    %dma_start3A_322 = arith.constant 0 : i32
    %dma_start3A_323 = tpu.memref_slice %arg5[%arg0, %multiple_of3A_313, %dma_start3A_322] : memref<2x10112x128xf32, #tpu.memory_space<hbm>> -> memref<1x128x128xf32, #tpu.memory_space<hbm>>
    %dma_start3A_324 = tpu.memref_squeeze %dma_start3A_323 : memref<1x128x128xf32, #tpu.memory_space<hbm>> -> memref<128x128xf32, #tpu.memory_space<hbm>>
    %dma_start3A_325 = arith.constant 0 : i32
    %dma_start3A_326 = arith.constant 0 : i32
    %dma_start3A_327 = tpu.memref_slice %arg9[%dma_start3A_314, %dma_start3A_325, %dma_start3A_326] : memref<3x128x128xf32, #tpu.memory_space<vmem>> -> memref<1x128x128xf32, #tpu.memory_space<vmem>>
    %dma_start3A_328 = tpu.memref_squeeze %dma_start3A_327 : memref<1x128x128xf32, #tpu.memory_space<vmem>> -> memref<128x128xf32, #tpu.memory_space<vmem>>
    tpu.enqueue_dma source(%dma_start3A_328 : memref<128x128xf32, #tpu.memory_space<vmem>>) target(%dma_start3A_324 : memref<128x128xf32, #tpu.memory_space<hbm>>) target_semaphore(%arg10 : memref<!tpu.dma_semaphore, #tpu.memory_space<semaphore_mem>>)
    %add3A_329 = arith.constant 128 : i32
    %add3A_330 = arith.addi %multiple_of3A_306, %add3A_329 : i32
    %multiple_of3A_331 = tpu.assume_multiple %add3A_330, 8 : i32
    %run_scoped3A_332 = arith.constant 1 : i32
    "tpu.region"() ({
      %run_scoped3A_507 = tpu.sem_alloc : memref<!tpu.dma_semaphore, #tpu.memory_space<semaphore_mem>>
      %dma_start3A_508 = arith.constant 0 : i32
      %dma_start3A_509 = arith.constant 0 : i32
      %dma_start3A_510 = tpu.memref_slice %arg9[%run_scoped3A_332, %dma_start3A_508, %dma_start3A_509] : memref<3x128x128xf32, #tpu.memory_space<vmem>> -> memref<1x128x128xf32, #tpu.memory_space<vmem>>
      %dma_start3A_511 = tpu.memref_squeeze %dma_start3A_510 : memref<1x128x128xf32, #tpu.memory_space<vmem>> -> memref<128x128xf32, #tpu.memory_space<vmem>>
      %dma_start3A_512 = arith.constant 0 : i32
      %dma_start3A_513 = tpu.memref_slice %arg6[%multiple_of3A_331, %dma_start3A_512] : memref<10112x128xf32, #tpu.memory_space<vmem_shared>> -> memref<128x128xf32, #tpu.memory_space<vmem_shared>>
      %dma_start3A_514 = arith.constant 0 : i32
      %dma_start3A_515 = arith.constant 0 : i32
      %dma_start3A_516 = tpu.memref_slice %arg9[%run_scoped3A_332, %dma_start3A_514, %dma_start3A_515] : memref<3x128x128xf32, #tpu.memory_space<vmem>> -> memref<1x128x128xf32, #tpu.memory_space<vmem>>
      %dma_start3A_517 = tpu.memref_squeeze %dma_start3A_516 : memref<1x128x128xf32, #tpu.memory_space<vmem>> -> memref<128x128xf32, #tpu.memory_space<vmem>>
      %dma_start3A_518 = arith.constant 0 : i32
      %dma_start3A_519 = tpu.memref_slice %arg6[%multiple_of3A_331, %dma_start3A_518] : memref<10112x128xf32, #tpu.memory_space<vmem_shared>> -> memref<128x128xf32, #tpu.memory_space<vmem_shared>>
      tpu.enqueue_dma source(%dma_start3A_519 : memref<128x128xf32, #tpu.memory_space<vmem_shared>>) target(%dma_start3A_517 : memref<128x128xf32, #tpu.memory_space<vmem>>) target_semaphore(%run_scoped3A_507 : memref<!tpu.dma_semaphore, #tpu.memory_space<semaphore_mem>>)
      %dma_wait3A_520 = arith.constant 0 : i32
      %dma_wait3A_521 = arith.constant 0 : i32
      %dma_wait3A_522 = tpu.memref_slice %arg9[%run_scoped3A_332, %dma_wait3A_520, %dma_wait3A_521] : memref<3x128x128xf32, #tpu.memory_space<vmem>> -> memref<1x128x128xf32, #tpu.memory_space<vmem>>
      %dma_wait3A_523 = tpu.memref_squeeze %dma_wait3A_522 : memref<1x128x128xf32, #tpu.memory_space<vmem>> -> memref<128x128xf32, #tpu.memory_space<vmem>>
      %dma_wait3A_524 = arith.constant 0 : i32
      %dma_wait3A_525 = tpu.memref_slice %arg6[%multiple_of3A_331, %dma_wait3A_524] : memref<10112x128xf32, #tpu.memory_space<vmem_shared>> -> memref<128x128xf32, #tpu.memory_space<vmem_shared>>
      %dma_wait3A_526 = arith.constant 0 : i32
      %dma_wait3A_527 = arith.constant 0 : i32
      %dma_wait3A_528 = tpu.memref_slice %arg9[%run_scoped3A_332, %dma_wait3A_526, %dma_wait3A_527] : memref<3x128x128xf32, #tpu.memory_space<vmem>> -> memref<1x128x128xf32, #tpu.memory_space<vmem>>
      %dma_wait3A_529 = tpu.memref_squeeze %dma_wait3A_528 : memref<1x128x128xf32, #tpu.memory_space<vmem>> -> memref<128x128xf32, #tpu.memory_space<vmem>>
      %dma_wait3A_530 = arith.constant 0 : i32
      %dma_wait3A_531 = tpu.memref_slice %arg6[%multiple_of3A_331, %dma_wait3A_530] : memref<10112x128xf32, #tpu.memory_space<vmem_shared>> -> memref<128x128xf32, #tpu.memory_space<vmem_shared>>
      tpu.wait_dma2 semaphore(%run_scoped3A_507 : memref<!tpu.dma_semaphore, #tpu.memory_space<semaphore_mem>>) src(%dma_wait3A_531 : memref<128x128xf32, #tpu.memory_space<vmem_shared>>) dst(%dma_wait3A_529 : memref<128x128xf32, #tpu.memory_space<vmem>>)
      tpu.yield
    }) : () -> ()
    %add3A_333 = arith.constant 128 : i32
    %add3A_334 = arith.addi %multiple_of3A_306, %add3A_333 : i32
    %multiple_of3A_335 = tpu.assume_multiple %add3A_334, 8 : i32
    %dma_start3A_336 = arith.constant 1 : i32
    %dma_start3A_337 = arith.constant 0 : i32
    %dma_start3A_338 = arith.constant 0 : i32
    %dma_start3A_339 = tpu.memref_slice %arg9[%dma_start3A_336, %dma_start3A_337, %dma_start3A_338] : memref<3x128x128xf32, #tpu.memory_space<vmem>> -> memref<1x128x128xf32, #tpu.memory_space<vmem>>
    %dma_start3A_340 = tpu.memref_squeeze %dma_start3A_339 : memref<1x128x128xf32, #tpu.memory_space<vmem>> -> memref<128x128xf32, #tpu.memory_space<vmem>>
    %dma_start3A_341 = arith.constant 0 : i32
    %dma_start3A_342 = tpu.memref_slice %arg5[%arg0, %multiple_of3A_335, %dma_start3A_341] : memref<2x10112x128xf32, #tpu.memory_space<hbm>> -> memref<1x128x128xf32, #tpu.memory_space<hbm>>
    %dma_start3A_343 = tpu.memref_squeeze %dma_start3A_342 : memref<1x128x128xf32, #tpu.memory_space<hbm>> -> memref<128x128xf32, #tpu.memory_space<hbm>>
    %dma_start3A_344 = arith.constant 0 : i32
    %dma_start3A_345 = tpu.memref_slice %arg5[%arg0, %multiple_of3A_335, %dma_start3A_344] : memref<2x10112x128xf32, #tpu.memory_space<hbm>> -> memref<1x128x128xf32, #tpu.memory_space<hbm>>
    %dma_start3A_346 = tpu.memref_squeeze %dma_start3A_345 : memref<1x128x128xf32, #tpu.memory_space<hbm>> -> memref<128x128xf32, #tpu.memory_space<hbm>>
    %dma_start3A_347 = arith.constant 0 : i32
    %dma_start3A_348 = arith.constant 0 : i32
    %dma_start3A_349 = tpu.memref_slice %arg9[%dma_start3A_336, %dma_start3A_347, %dma_start3A_348] : memref<3x128x128xf32, #tpu.memory_space<vmem>> -> memref<1x128x128xf32, #tpu.memory_space<vmem>>
    %dma_start3A_350 = tpu.memref_squeeze %dma_start3A_349 : memref<1x128x128xf32, #tpu.memory_space<vmem>> -> memref<128x128xf32, #tpu.memory_space<vmem>>
    tpu.enqueue_dma source(%dma_start3A_350 : memref<128x128xf32, #tpu.memory_space<vmem>>) target(%dma_start3A_346 : memref<128x128xf32, #tpu.memory_space<hbm>>) target_semaphore(%arg11 : memref<!tpu.dma_semaphore, #tpu.memory_space<semaphore_mem>>)
    %add3A_351 = arith.constant 0 : i32
    %add3A_352 = arith.addi %multiple_of3A_306, %add3A_351 : i32
    %multiple_of3A_353 = tpu.assume_multiple %add3A_352, 8 : i32
    %dma_wait3A_354 = arith.constant 0 : i32
    %dma_wait3A_355 = arith.constant 0 : i32
    %dma_wait3A_356 = arith.constant 0 : i32
    %dma_wait3A_357 = tpu.memref_slice %arg9[%dma_wait3A_354, %dma_wait3A_355, %dma_wait3A_356] : memref<3x128x128xf32, #tpu.memory_space<vmem>> -> memref<1x128x128xf32, #tpu.memory_space<vmem>>
    %dma_wait3A_358 = tpu.memref_squeeze %dma_wait3A_357 : memref<1x128x128xf32, #tpu.memory_space<vmem>> -> memref<128x128xf32, #tpu.memory_space<vmem>>
    %dma_wait3A_359 = arith.constant 0 : i32
    %dma_wait3A_360 = tpu.memref_slice %arg5[%arg0, %multiple_of3A_353, %dma_wait3A_359] : memref<2x10112x128xf32, #tpu.memory_space<hbm>> -> memref<1x128x128xf32, #tpu.memory_space<hbm>>
    %dma_wait3A_361 = tpu.memref_squeeze %dma_wait3A_360 : memref<1x128x128xf32, #tpu.memory_space<hbm>> -> memref<128x128xf32, #tpu.memory_space<hbm>>
    %dma_wait3A_362 = arith.constant 0 : i32
    %dma_wait3A_363 = tpu.memref_slice %arg5[%arg0, %multiple_of3A_353, %dma_wait3A_362] : memref<2x10112x128xf32, #tpu.memory_space<hbm>> -> memref<1x128x128xf32, #tpu.memory_space<hbm>>
    %dma_wait3A_364 = tpu.memref_squeeze %dma_wait3A_363 : memref<1x128x128xf32, #tpu.memory_space<hbm>> -> memref<128x128xf32, #tpu.memory_space<hbm>>
    %dma_wait3A_365 = arith.constant 0 : i32
    %dma_wait3A_366 = arith.constant 0 : i32
    %dma_wait3A_367 = tpu.memref_slice %arg9[%dma_wait3A_354, %dma_wait3A_365, %dma_wait3A_366] : memref<3x128x128xf32, #tpu.memory_space<vmem>> -> memref<1x128x128xf32, #tpu.memory_space<vmem>>
    %dma_wait3A_368 = tpu.memref_squeeze %dma_wait3A_367 : memref<1x128x128xf32, #tpu.memory_space<vmem>> -> memref<128x128xf32, #tpu.memory_space<vmem>>
    tpu.wait_dma2 semaphore(%arg10 : memref<!tpu.dma_semaphore, #tpu.memory_space<semaphore_mem>>) src(%dma_wait3A_368 : memref<128x128xf32, #tpu.memory_space<vmem>>) dst(%dma_wait3A_364 : memref<128x128xf32, #tpu.memory_space<hbm>>)
    %add3A_369 = arith.constant 256 : i32
    %add3A_370 = arith.addi %multiple_of3A_306, %add3A_369 : i32
    %multiple_of3A_371 = tpu.assume_multiple %add3A_370, 8 : i32
    %run_scoped3A_372 = arith.constant 0 : i32
    "tpu.region"() ({
      %run_scoped3A_507 = tpu.sem_alloc : memref<!tpu.dma_semaphore, #tpu.memory_space<semaphore_mem>>
      %dma_start3A_508 = arith.constant 0 : i32
      %dma_start3A_509 = arith.constant 0 : i32
      %dma_start3A_510 = tpu.memref_slice %arg9[%run_scoped3A_372, %dma_start3A_508, %dma_start3A_509] : memref<3x128x128xf32, #tpu.memory_space<vmem>> -> memref<1x128x128xf32, #tpu.memory_space<vmem>>
      %dma_start3A_511 = tpu.memref_squeeze %dma_start3A_510 : memref<1x128x128xf32, #tpu.memory_space<vmem>> -> memref<128x128xf32, #tpu.memory_space<vmem>>
      %dma_start3A_512 = arith.constant 0 : i32
      %dma_start3A_513 = tpu.memref_slice %arg6[%multiple_of3A_371, %dma_start3A_512] : memref<10112x128xf32, #tpu.memory_space<vmem_shared>> -> memref<128x128xf32, #tpu.memory_space<vmem_shared>>
      %dma_start3A_514 = arith.constant 0 : i32
      %dma_start3A_515 = arith.constant 0 : i32
      %dma_start3A_516 = tpu.memref_slice %arg9[%run_scoped3A_372, %dma_start3A_514, %dma_start3A_515] : memref<3x128x128xf32, #tpu.memory_space<vmem>> -> memref<1x128x128xf32, #tpu.memory_space<vmem>>
      %dma_start3A_517 = tpu.memref_squeeze %dma_start3A_516 : memref<1x128x128xf32, #tpu.memory_space<vmem>> -> memref<128x128xf32, #tpu.memory_space<vmem>>
      %dma_start3A_518 = arith.constant 0 : i32
      %dma_start3A_519 = tpu.memref_slice %arg6[%multiple_of3A_371, %dma_start3A_518] : memref<10112x128xf32, #tpu.memory_space<vmem_shared>> -> memref<128x128xf32, #tpu.memory_space<vmem_shared>>
      tpu.enqueue_dma source(%dma_start3A_519 : memref<128x128xf32, #tpu.memory_space<vmem_shared>>) target(%dma_start3A_517 : memref<128x128xf32, #tpu.memory_space<vmem>>) target_semaphore(%run_scoped3A_507 : memref<!tpu.dma_semaphore, #tpu.memory_space<semaphore_mem>>)
      %dma_wait3A_520 = arith.constant 0 : i32
      %dma_wait3A_521 = arith.constant 0 : i32
      %dma_wait3A_522 = tpu.memref_slice %arg9[%run_scoped3A_372, %dma_wait3A_520, %dma_wait3A_521] : memref<3x128x128xf32, #tpu.memory_space<vmem>> -> memref<1x128x128xf32, #tpu.memory_space<vmem>>
      %dma_wait3A_523 = tpu.memref_squeeze %dma_wait3A_522 : memref<1x128x128xf32, #tpu.memory_space<vmem>> -> memref<128x128xf32, #tpu.memory_space<vmem>>
      %dma_wait3A_524 = arith.constant 0 : i32
      %dma_wait3A_525 = tpu.memref_slice %arg6[%multiple_of3A_371, %dma_wait3A_524] : memref<10112x128xf32, #tpu.memory_space<vmem_shared>> -> memref<128x128xf32, #tpu.memory_space<vmem_shared>>
      %dma_wait3A_526 = arith.constant 0 : i32
      %dma_wait3A_527 = arith.constant 0 : i32
      %dma_wait3A_528 = tpu.memref_slice %arg9[%run_scoped3A_372, %dma_wait3A_526, %dma_wait3A_527] : memref<3x128x128xf32, #tpu.memory_space<vmem>> -> memref<1x128x128xf32, #tpu.memory_space<vmem>>
      %dma_wait3A_529 = tpu.memref_squeeze %dma_wait3A_528 : memref<1x128x128xf32, #tpu.memory_space<vmem>> -> memref<128x128xf32, #tpu.memory_space<vmem>>
      %dma_wait3A_530 = arith.constant 0 : i32
      %dma_wait3A_531 = tpu.memref_slice %arg6[%multiple_of3A_371, %dma_wait3A_530] : memref<10112x128xf32, #tpu.memory_space<vmem_shared>> -> memref<128x128xf32, #tpu.memory_space<vmem_shared>>
      tpu.wait_dma2 semaphore(%run_scoped3A_507 : memref<!tpu.dma_semaphore, #tpu.memory_space<semaphore_mem>>) src(%dma_wait3A_531 : memref<128x128xf32, #tpu.memory_space<vmem_shared>>) dst(%dma_wait3A_529 : memref<128x128xf32, #tpu.memory_space<vmem>>)
      tpu.yield
    }) : () -> ()
    %add3A_373 = arith.constant 256 : i32
    %add3A_374 = arith.addi %multiple_of3A_306, %add3A_373 : i32
    %multiple_of3A_375 = tpu.assume_multiple %add3A_374, 8 : i32
    %dma_start3A_376 = arith.constant 0 : i32
    %dma_start3A_377 = arith.constant 0 : i32
    %dma_start3A_378 = arith.constant 0 : i32
    %dma_start3A_379 = tpu.memref_slice %arg9[%dma_start3A_376, %dma_start3A_377, %dma_start3A_378] : memref<3x128x128xf32, #tpu.memory_space<vmem>> -> memref<1x128x128xf32, #tpu.memory_space<vmem>>
    %dma_start3A_380 = tpu.memref_squeeze %dma_start3A_379 : memref<1x128x128xf32, #tpu.memory_space<vmem>> -> memref<128x128xf32, #tpu.memory_space<vmem>>
    %dma_start3A_381 = arith.constant 0 : i32
    %dma_start3A_382 = tpu.memref_slice %arg5[%arg0, %multiple_of3A_375, %dma_start3A_381] : memref<2x10112x128xf32, #tpu.memory_space<hbm>> -> memref<1x128x128xf32, #tpu.memory_space<hbm>>
    %dma_start3A_383 = tpu.memref_squeeze %dma_start3A_382 : memref<1x128x128xf32, #tpu.memory_space<hbm>> -> memref<128x128xf32, #tpu.memory_space<hbm>>
    %dma_start3A_384 = arith.constant 0 : i32
    %dma_start3A_385 = tpu.memref_slice %arg5[%arg0, %multiple_of3A_375, %dma_start3A_384] : memref<2x10112x128xf32, #tpu.memory_space<hbm>> -> memref<1x128x128xf32, #tpu.memory_space<hbm>>
    %dma_start3A_386 = tpu.memref_squeeze %dma_start3A_385 : memref<1x128x128xf32, #tpu.memory_space<hbm>> -> memref<128x128xf32, #tpu.memory_space<hbm>>
    %dma_start3A_387 = arith.constant 0 : i32
    %dma_start3A_388 = arith.constant 0 : i32
    %dma_start3A_389 = tpu.memref_slice %arg9[%dma_start3A_376, %dma_start3A_387, %dma_start3A_388] : memref<3x128x128xf32, #tpu.memory_space<vmem>> -> memref<1x128x128xf32, #tpu.memory_space<vmem>>
    %dma_start3A_390 = tpu.memref_squeeze %dma_start3A_389 : memref<1x128x128xf32, #tpu.memory_space<vmem>> -> memref<128x128xf32, #tpu.memory_space<vmem>>
    tpu.enqueue_dma source(%dma_start3A_390 : memref<128x128xf32, #tpu.memory_space<vmem>>) target(%dma_start3A_386 : memref<128x128xf32, #tpu.memory_space<hbm>>) target_semaphore(%arg10 : memref<!tpu.dma_semaphore, #tpu.memory_space<semaphore_mem>>)
    %add3A_391 = arith.constant 128 : i32
    %add3A_392 = arith.addi %multiple_of3A_306, %add3A_391 : i32
    %multiple_of3A_393 = tpu.assume_multiple %add3A_392, 8 : i32
    %dma_wait3A_394 = arith.constant 1 : i32
    %dma_wait3A_395 = arith.constant 0 : i32
    %dma_wait3A_396 = arith.constant 0 : i32
    %dma_wait3A_397 = tpu.memref_slice %arg9[%dma_wait3A_394, %dma_wait3A_395, %dma_wait3A_396] : memref<3x128x128xf32, #tpu.memory_space<vmem>> -> memref<1x128x128xf32, #tpu.memory_space<vmem>>
    %dma_wait3A_398 = tpu.memref_squeeze %dma_wait3A_397 : memref<1x128x128xf32, #tpu.memory_space<vmem>> -> memref<128x128xf32, #tpu.memory_space<vmem>>
    %dma_wait3A_399 = arith.constant 0 : i32
    %dma_wait3A_400 = tpu.memref_slice %arg5[%arg0, %multiple_of3A_393, %dma_wait3A_399] : memref<2x10112x128xf32, #tpu.memory_space<hbm>> -> memref<1x128x128xf32, #tpu.memory_space<hbm>>
    %dma_wait3A_401 = tpu.memref_squeeze %dma_wait3A_400 : memref<1x128x128xf32, #tpu.memory_space<hbm>> -> memref<128x128xf32, #tpu.memory_space<hbm>>
    %dma_wait3A_402 = arith.constant 0 : i32
    %dma_wait3A_403 = tpu.memref_slice %arg5[%arg0, %multiple_of3A_393, %dma_wait3A_402] : memref<2x10112x128xf32, #tpu.memory_space<hbm>> -> memref<1x128x128xf32, #tpu.memory_space<hbm>>
    %dma_wait3A_404 = tpu.memref_squeeze %dma_wait3A_403 : memref<1x128x128xf32, #tpu.memory_space<hbm>> -> memref<128x128xf32, #tpu.memory_space<hbm>>
    %dma_wait3A_405 = arith.constant 0 : i32
    %dma_wait3A_406 = arith.constant 0 : i32
    %dma_wait3A_407 = tpu.memref_slice %arg9[%dma_wait3A_394, %dma_wait3A_405, %dma_wait3A_406] : memref<3x128x128xf32, #tpu.memory_space<vmem>> -> memref<1x128x128xf32, #tpu.memory_space<vmem>>
    %dma_wait3A_408 = tpu.memref_squeeze %dma_wait3A_407 : memref<1x128x128xf32, #tpu.memory_space<vmem>> -> memref<128x128xf32, #tpu.memory_space<vmem>>
    tpu.wait_dma2 semaphore(%arg11 : memref<!tpu.dma_semaphore, #tpu.memory_space<semaphore_mem>>) src(%dma_wait3A_408 : memref<128x128xf32, #tpu.memory_space<vmem>>) dst(%dma_wait3A_404 : memref<128x128xf32, #tpu.memory_space<hbm>>)
    %add3A_409 = arith.constant 384 : i32
    %add3A_410 = arith.addi %multiple_of3A_306, %add3A_409 : i32
    %multiple_of3A_411 = tpu.assume_multiple %add3A_410, 8 : i32
    %run_scoped3A_412 = arith.constant 1 : i32
    "tpu.region"() ({
      %run_scoped3A_507 = tpu.sem_alloc : memref<!tpu.dma_semaphore, #tpu.memory_space<semaphore_mem>>
      %dma_start3A_508 = arith.constant 0 : i32
      %dma_start3A_509 = arith.constant 0 : i32
      %dma_start3A_510 = tpu.memref_slice %arg9[%run_scoped3A_412, %dma_start3A_508, %dma_start3A_509] : memref<3x128x128xf32, #tpu.memory_space<vmem>> -> memref<1x128x128xf32, #tpu.memory_space<vmem>>
      %dma_start3A_511 = tpu.memref_squeeze %dma_start3A_510 : memref<1x128x128xf32, #tpu.memory_space<vmem>> -> memref<128x128xf32, #tpu.memory_space<vmem>>
      %dma_start3A_512 = arith.constant 0 : i32
      %dma_start3A_513 = tpu.memref_slice %arg6[%multiple_of3A_411, %dma_start3A_512] : memref<10112x128xf32, #tpu.memory_space<vmem_shared>> -> memref<128x128xf32, #tpu.memory_space<vmem_shared>>
      %dma_start3A_514 = arith.constant 0 : i32
      %dma_start3A_515 = arith.constant 0 : i32
      %dma_start3A_516 = tpu.memref_slice %arg9[%run_scoped3A_412, %dma_start3A_514, %dma_start3A_515] : memref<3x128x128xf32, #tpu.memory_space<vmem>> -> memref<1x128x128xf32, #tpu.memory_space<vmem>>
      %dma_start3A_517 = tpu.memref_squeeze %dma_start3A_516 : memref<1x128x128xf32, #tpu.memory_space<vmem>> -> memref<128x128xf32, #tpu.memory_space<vmem>>
      %dma_start3A_518 = arith.constant 0 : i32
      %dma_start3A_519 = tpu.memref_slice %arg6[%multiple_of3A_411, %dma_start3A_518] : memref<10112x128xf32, #tpu.memory_space<vmem_shared>> -> memref<128x128xf32, #tpu.memory_space<vmem_shared>>
      tpu.enqueue_dma source(%dma_start3A_519 : memref<128x128xf32, #tpu.memory_space<vmem_shared>>) target(%dma_start3A_517 : memref<128x128xf32, #tpu.memory_space<vmem>>) target_semaphore(%run_scoped3A_507 : memref<!tpu.dma_semaphore, #tpu.memory_space<semaphore_mem>>)
      %dma_wait3A_520 = arith.constant 0 : i32
      %dma_wait3A_521 = arith.constant 0 : i32
      %dma_wait3A_522 = tpu.memref_slice %arg9[%run_scoped3A_412, %dma_wait3A_520, %dma_wait3A_521] : memref<3x128x128xf32, #tpu.memory_space<vmem>> -> memref<1x128x128xf32, #tpu.memory_space<vmem>>
      %dma_wait3A_523 = tpu.memref_squeeze %dma_wait3A_522 : memref<1x128x128xf32, #tpu.memory_space<vmem>> -> memref<128x128xf32, #tpu.memory_space<vmem>>
      %dma_wait3A_524 = arith.constant 0 : i32
      %dma_wait3A_525 = tpu.memref_slice %arg6[%multiple_of3A_411, %dma_wait3A_524] : memref<10112x128xf32, #tpu.memory_space<vmem_shared>> -> memref<128x128xf32, #tpu.memory_space<vmem_shared>>
      %dma_wait3A_526 = arith.constant 0 : i32
      %dma_wait3A_527 = arith.constant 0 : i32
      %dma_wait3A_528 = tpu.memref_slice %arg9[%run_scoped3A_412, %dma_wait3A_526, %dma_wait3A_527] : memref<3x128x128xf32, #tpu.memory_space<vmem>> -> memref<1x128x128xf32, #tpu.memory_space<vmem>>
      %dma_wait3A_529 = tpu.memref_squeeze %dma_wait3A_528 : memref<1x128x128xf32, #tpu.memory_space<vmem>> -> memref<128x128xf32, #tpu.memory_space<vmem>>
      %dma_wait3A_530 = arith.constant 0 : i32
      %dma_wait3A_531 = tpu.memref_slice %arg6[%multiple_of3A_411, %dma_wait3A_530] : memref<10112x128xf32, #tpu.memory_space<vmem_shared>> -> memref<128x128xf32, #tpu.memory_space<vmem_shared>>
      tpu.wait_dma2 semaphore(%run_scoped3A_507 : memref<!tpu.dma_semaphore, #tpu.memory_space<semaphore_mem>>) src(%dma_wait3A_531 : memref<128x128xf32, #tpu.memory_space<vmem_shared>>) dst(%dma_wait3A_529 : memref<128x128xf32, #tpu.memory_space<vmem>>)
      tpu.yield
    }) : () -> ()
    %add3A_413 = arith.constant 384 : i32
    %add3A_414 = arith.addi %multiple_of3A_306, %add3A_413 : i32
    %multiple_of3A_415 = tpu.assume_multiple %add3A_414, 8 : i32
    %dma_start3A_416 = arith.constant 1 : i32
    %dma_start3A_417 = arith.constant 0 : i32
    %dma_start3A_418 = arith.constant 0 : i32
    %dma_start3A_419 = tpu.memref_slice %arg9[%dma_start3A_416, %dma_start3A_417, %dma_start3A_418] : memref<3x128x128xf32, #tpu.memory_space<vmem>> -> memref<1x128x128xf32, #tpu.memory_space<vmem>>
    %dma_start3A_420 = tpu.memref_squeeze %dma_start3A_419 : memref<1x128x128xf32, #tpu.memory_space<vmem>> -> memref<128x128xf32, #tpu.memory_space<vmem>>
    %dma_start3A_421 = arith.constant 0 : i32
    %dma_start3A_422 = tpu.memref_slice %arg5[%arg0, %multiple_of3A_415, %dma_start3A_421] : memref<2x10112x128xf32, #tpu.memory_space<hbm>> -> memref<1x128x128xf32, #tpu.memory_space<hbm>>
    %dma_start3A_423 = tpu.memref_squeeze %dma_start3A_422 : memref<1x128x128xf32, #tpu.memory_space<hbm>> -> memref<128x128xf32, #tpu.memory_space<hbm>>
    %dma_start3A_424 = arith.constant 0 : i32
    %dma_start3A_425 = tpu.memref_slice %arg5[%arg0, %multiple_of3A_415, %dma_start3A_424] : memref<2x10112x128xf32, #tpu.memory_space<hbm>> -> memref<1x128x128xf32, #tpu.memory_space<hbm>>
    %dma_start3A_426 = tpu.memref_squeeze %dma_start3A_425 : memref<1x128x128xf32, #tpu.memory_space<hbm>> -> memref<128x128xf32, #tpu.memory_space<hbm>>
    %dma_start3A_427 = arith.constant 0 : i32
    %dma_start3A_428 = arith.constant 0 : i32
    %dma_start3A_429 = tpu.memref_slice %arg9[%dma_start3A_416, %dma_start3A_427, %dma_start3A_428] : memref<3x128x128xf32, #tpu.memory_space<vmem>> -> memref<1x128x128xf32, #tpu.memory_space<vmem>>
    %dma_start3A_430 = tpu.memref_squeeze %dma_start3A_429 : memref<1x128x128xf32, #tpu.memory_space<vmem>> -> memref<128x128xf32, #tpu.memory_space<vmem>>
    tpu.enqueue_dma source(%dma_start3A_430 : memref<128x128xf32, #tpu.memory_space<vmem>>) target(%dma_start3A_426 : memref<128x128xf32, #tpu.memory_space<hbm>>) target_semaphore(%arg11 : memref<!tpu.dma_semaphore, #tpu.memory_space<semaphore_mem>>)
    %add3A_431 = arith.constant 256 : i32
    %add3A_432 = arith.addi %multiple_of3A_306, %add3A_431 : i32
    %multiple_of3A_433 = tpu.assume_multiple %add3A_432, 8 : i32
    %dma_wait3A_434 = arith.constant 0 : i32
    %dma_wait3A_435 = arith.constant 0 : i32
    %dma_wait3A_436 = arith.constant 0 : i32
    %dma_wait3A_437 = tpu.memref_slice %arg9[%dma_wait3A_434, %dma_wait3A_435, %dma_wait3A_436] : memref<3x128x128xf32, #tpu.memory_space<vmem>> -> memref<1x128x128xf32, #tpu.memory_space<vmem>>
    %dma_wait3A_438 = tpu.memref_squeeze %dma_wait3A_437 : memref<1x128x128xf32, #tpu.memory_space<vmem>> -> memref<128x128xf32, #tpu.memory_space<vmem>>
    %dma_wait3A_439 = arith.constant 0 : i32
    %dma_wait3A_440 = tpu.memref_slice %arg5[%arg0, %multiple_of3A_433, %dma_wait3A_439] : memref<2x10112x128xf32, #tpu.memory_space<hbm>> -> memref<1x128x128xf32, #tpu.memory_space<hbm>>
    %dma_wait3A_441 = tpu.memref_squeeze %dma_wait3A_440 : memref<1x128x128xf32, #tpu.memory_space<hbm>> -> memref<128x128xf32, #tpu.memory_space<hbm>>
    %dma_wait3A_442 = arith.constant 0 : i32
    %dma_wait3A_443 = tpu.memref_slice %arg5[%arg0, %multiple_of3A_433, %dma_wait3A_442] : memref<2x10112x128xf32, #tpu.memory_space<hbm>> -> memref<1x128x128xf32, #tpu.memory_space<hbm>>
    %dma_wait3A_444 = tpu.memref_squeeze %dma_wait3A_443 : memref<1x128x128xf32, #tpu.memory_space<hbm>> -> memref<128x128xf32, #tpu.memory_space<hbm>>
    %dma_wait3A_445 = arith.constant 0 : i32
    %dma_wait3A_446 = arith.constant 0 : i32
    %dma_wait3A_447 = tpu.memref_slice %arg9[%dma_wait3A_434, %dma_wait3A_445, %dma_wait3A_446] : memref<3x128x128xf32, #tpu.memory_space<vmem>> -> memref<1x128x128xf32, #tpu.memory_space<vmem>>
    %dma_wait3A_448 = tpu.memref_squeeze %dma_wait3A_447 : memref<1x128x128xf32, #tpu.memory_space<vmem>> -> memref<128x128xf32, #tpu.memory_space<vmem>>
    tpu.wait_dma2 semaphore(%arg10 : memref<!tpu.dma_semaphore, #tpu.memory_space<semaphore_mem>>) src(%dma_wait3A_448 : memref<128x128xf32, #tpu.memory_space<vmem>>) dst(%dma_wait3A_444 : memref<128x128xf32, #tpu.memory_space<hbm>>)
    %add3A_449 = arith.constant 512 : i32
    %add3A_450 = arith.addi %multiple_of3A_306, %add3A_449 : i32
    %multiple_of3A_451 = tpu.assume_multiple %add3A_450, 8 : i32
    %run_scoped3A_452 = arith.constant 0 : i32
    "tpu.region"() ({
      %run_scoped3A_507 = tpu.sem_alloc : memref<!tpu.dma_semaphore, #tpu.memory_space<semaphore_mem>>
      %dma_start3A_508 = arith.constant 0 : i32
      %dma_start3A_509 = arith.constant 0 : i32
      %dma_start3A_510 = tpu.memref_slice %arg9[%run_scoped3A_452, %dma_start3A_508, %dma_start3A_509] : memref<3x128x128xf32, #tpu.memory_space<vmem>> -> memref<1x120x128xf32, #tpu.memory_space<vmem>>
      %dma_start3A_511 = tpu.memref_squeeze %dma_start3A_510 : memref<1x120x128xf32, #tpu.memory_space<vmem>> -> memref<120x128xf32, #tpu.memory_space<vmem>>
      %dma_start3A_512 = arith.constant 0 : i32
      %dma_start3A_513 = tpu.memref_slice %arg6[%multiple_of3A_451, %dma_start3A_512] : memref<10112x128xf32, #tpu.memory_space<vmem_shared>> -> memref<120x128xf32, #tpu.memory_space<vmem_shared>>
      %dma_start3A_514 = arith.constant 0 : i32
      %dma_start3A_515 = arith.constant 0 : i32
      %dma_start3A_516 = tpu.memref_slice %arg9[%run_scoped3A_452, %dma_start3A_514, %dma_start3A_515] : memref<3x128x128xf32, #tpu.memory_space<vmem>> -> memref<1x120x128xf32, #tpu.memory_space<vmem>>
      %dma_start3A_517 = tpu.memref_squeeze %dma_start3A_516 : memref<1x120x128xf32, #tpu.memory_space<vmem>> -> memref<120x128xf32, #tpu.memory_space<vmem>>
      %dma_start3A_518 = arith.constant 0 : i32
      %dma_start3A_519 = tpu.memref_slice %arg6[%multiple_of3A_451, %dma_start3A_518] : memref<10112x128xf32, #tpu.memory_space<vmem_shared>> -> memref<120x128xf32, #tpu.memory_space<vmem_shared>>
      tpu.enqueue_dma source(%dma_start3A_519 : memref<120x128xf32, #tpu.memory_space<vmem_shared>>) target(%dma_start3A_517 : memref<120x128xf32, #tpu.memory_space<vmem>>) target_semaphore(%run_scoped3A_507 : memref<!tpu.dma_semaphore, #tpu.memory_space<semaphore_mem>>)
      %dma_wait3A_520 = arith.constant 0 : i32
      %dma_wait3A_521 = arith.constant 0 : i32
      %dma_wait3A_522 = tpu.memref_slice %arg9[%run_scoped3A_452, %dma_wait3A_520, %dma_wait3A_521] : memref<3x128x128xf32, #tpu.memory_space<vmem>> -> memref<1x120x128xf32, #tpu.memory_space<vmem>>
      %dma_wait3A_523 = tpu.memref_squeeze %dma_wait3A_522 : memref<1x120x128xf32, #tpu.memory_space<vmem>> -> memref<120x128xf32, #tpu.memory_space<vmem>>
      %dma_wait3A_524 = arith.constant 0 : i32
      %dma_wait3A_525 = tpu.memref_slice %arg6[%multiple_of3A_451, %dma_wait3A_524] : memref<10112x128xf32, #tpu.memory_space<vmem_shared>> -> memref<120x128xf32, #tpu.memory_space<vmem_shared>>
      %dma_wait3A_526 = arith.constant 0 : i32
      %dma_wait3A_527 = arith.constant 0 : i32
      %dma_wait3A_528 = tpu.memref_slice %arg9[%run_scoped3A_452, %dma_wait3A_526, %dma_wait3A_527] : memref<3x128x128xf32, #tpu.memory_space<vmem>> -> memref<1x120x128xf32, #tpu.memory_space<vmem>>
      %dma_wait3A_529 = tpu.memref_squeeze %dma_wait3A_528 : memref<1x120x128xf32, #tpu.memory_space<vmem>> -> memref<120x128xf32, #tpu.memory_space<vmem>>
      %dma_wait3A_530 = arith.constant 0 : i32
      %dma_wait3A_531 = tpu.memref_slice %arg6[%multiple_of3A_451, %dma_wait3A_530] : memref<10112x128xf32, #tpu.memory_space<vmem_shared>> -> memref<120x128xf32, #tpu.memory_space<vmem_shared>>
      tpu.wait_dma2 semaphore(%run_scoped3A_507 : memref<!tpu.dma_semaphore, #tpu.memory_space<semaphore_mem>>) src(%dma_wait3A_531 : memref<120x128xf32, #tpu.memory_space<vmem_shared>>) dst(%dma_wait3A_529 : memref<120x128xf32, #tpu.memory_space<vmem>>)
      tpu.yield
    }) : () -> ()
    %add3A_453 = arith.constant 512 : i32
    %add3A_454 = arith.addi %multiple_of3A_306, %add3A_453 : i32
    %multiple_of3A_455 = tpu.assume_multiple %add3A_454, 8 : i32
    %dma_start3A_456 = arith.constant 0 : i32
    %dma_start3A_457 = arith.constant 0 : i32
    %dma_start3A_458 = arith.constant 0 : i32
    %dma_start3A_459 = tpu.memref_slice %arg9[%dma_start3A_456, %dma_start3A_457, %dma_start3A_458] : memref<3x128x128xf32, #tpu.memory_space<vmem>> -> memref<1x120x128xf32, #tpu.memory_space<vmem>>
    %dma_start3A_460 = tpu.memref_squeeze %dma_start3A_459 : memref<1x120x128xf32, #tpu.memory_space<vmem>> -> memref<120x128xf32, #tpu.memory_space<vmem>>
    %dma_start3A_461 = arith.constant 0 : i32
    %dma_start3A_462 = tpu.memref_slice %arg5[%arg0, %multiple_of3A_455, %dma_start3A_461] : memref<2x10112x128xf32, #tpu.memory_space<hbm>> -> memref<1x120x128xf32, #tpu.memory_space<hbm>>
    %dma_start3A_463 = tpu.memref_squeeze %dma_start3A_462 : memref<1x120x128xf32, #tpu.memory_space<hbm>> -> memref<120x128xf32, #tpu.memory_space<hbm>>
    %dma_start3A_464 = arith.constant 0 : i32
    %dma_start3A_465 = tpu.memref_slice %arg5[%arg0, %multiple_of3A_455, %dma_start3A_464] : memref<2x10112x128xf32, #tpu.memory_space<hbm>> -> memref<1x120x128xf32, #tpu.memory_space<hbm>>
    %dma_start3A_466 = tpu.memref_squeeze %dma_start3A_465 : memref<1x120x128xf32, #tpu.memory_space<hbm>> -> memref<120x128xf32, #tpu.memory_space<hbm>>
    %dma_start3A_467 = arith.constant 0 : i32
    %dma_start3A_468 = arith.constant 0 : i32
    %dma_start3A_469 = tpu.memref_slice %arg9[%dma_start3A_456, %dma_start3A_467, %dma_start3A_468] : memref<3x128x128xf32, #tpu.memory_space<vmem>> -> memref<1x120x128xf32, #tpu.memory_space<vmem>>
    %dma_start3A_470 = tpu.memref_squeeze %dma_start3A_469 : memref<1x120x128xf32, #tpu.memory_space<vmem>> -> memref<120x128xf32, #tpu.memory_space<vmem>>
    tpu.enqueue_dma source(%dma_start3A_470 : memref<120x128xf32, #tpu.memory_space<vmem>>) target(%dma_start3A_466 : memref<120x128xf32, #tpu.memory_space<hbm>>) target_semaphore(%arg10 : memref<!tpu.dma_semaphore, #tpu.memory_space<semaphore_mem>>)
    %add3A_471 = arith.constant 384 : i32
    %add3A_472 = arith.addi %multiple_of3A_306, %add3A_471 : i32
    %multiple_of3A_473 = tpu.assume_multiple %add3A_472, 8 : i32
    %dma_wait3A_474 = arith.constant 1 : i32
    %dma_wait3A_475 = arith.constant 0 : i32
    %dma_wait3A_476 = arith.constant 0 : i32
    %dma_wait3A_477 = tpu.memref_slice %arg9[%dma_wait3A_474, %dma_wait3A_475, %dma_wait3A_476] : memref<3x128x128xf32, #tpu.memory_space<vmem>> -> memref<1x128x128xf32, #tpu.memory_space<vmem>>
    %dma_wait3A_478 = tpu.memref_squeeze %dma_wait3A_477 : memref<1x128x128xf32, #tpu.memory_space<vmem>> -> memref<128x128xf32, #tpu.memory_space<vmem>>
    %dma_wait3A_479 = arith.constant 0 : i32
    %dma_wait3A_480 = tpu.memref_slice %arg5[%arg0, %multiple_of3A_473, %dma_wait3A_479] : memref<2x10112x128xf32, #tpu.memory_space<hbm>> -> memref<1x128x128xf32, #tpu.memory_space<hbm>>
    %dma_wait3A_481 = tpu.memref_squeeze %dma_wait3A_480 : memref<1x128x128xf32, #tpu.memory_space<hbm>> -> memref<128x128xf32, #tpu.memory_space<hbm>>
    %dma_wait3A_482 = arith.constant 0 : i32
    %dma_wait3A_483 = tpu.memref_slice %arg5[%arg0, %multiple_of3A_473, %dma_wait3A_482] : memref<2x10112x128xf32, #tpu.memory_space<hbm>> -> memref<1x128x128xf32, #tpu.memory_space<hbm>>
    %dma_wait3A_484 = tpu.memref_squeeze %dma_wait3A_483 : memref<1x128x128xf32, #tpu.memory_space<hbm>> -> memref<128x128xf32, #tpu.memory_space<hbm>>
    %dma_wait3A_485 = arith.constant 0 : i32
    %dma_wait3A_486 = arith.constant 0 : i32
    %dma_wait3A_487 = tpu.memref_slice %arg9[%dma_wait3A_474, %dma_wait3A_485, %dma_wait3A_486] : memref<3x128x128xf32, #tpu.memory_space<vmem>> -> memref<1x128x128xf32, #tpu.memory_space<vmem>>
    %dma_wait3A_488 = tpu.memref_squeeze %dma_wait3A_487 : memref<1x128x128xf32, #tpu.memory_space<vmem>> -> memref<128x128xf32, #tpu.memory_space<vmem>>
    tpu.wait_dma2 semaphore(%arg11 : memref<!tpu.dma_semaphore, #tpu.memory_space<semaphore_mem>>) src(%dma_wait3A_488 : memref<128x128xf32, #tpu.memory_space<vmem>>) dst(%dma_wait3A_484 : memref<128x128xf32, #tpu.memory_space<hbm>>)
    %add3A_489 = arith.constant 512 : i32
    %add3A_490 = arith.addi %multiple_of3A_306, %add3A_489 : i32
    %multiple_of3A_491 = tpu.assume_multiple %add3A_490, 8 : i32
    %dma_wait3A_492 = arith.constant 0 : i32
    %dma_wait3A_493 = arith.constant 0 : i32
    %dma_wait3A_494 = arith.constant 0 : i32
    %dma_wait3A_495 = tpu.memref_slice %arg9[%dma_wait3A_492, %dma_wait3A_493, %dma_wait3A_494] : memref<3x128x128xf32, #tpu.memory_space<vmem>> -> memref<1x120x128xf32, #tpu.memory_space<vmem>>
    %dma_wait3A_496 = tpu.memref_squeeze %dma_wait3A_495 : memref<1x120x128xf32, #tpu.memory_space<vmem>> -> memref<120x128xf32, #tpu.memory_space<vmem>>
    %dma_wait3A_497 = arith.constant 0 : i32
    %dma_wait3A_498 = tpu.memref_slice %arg5[%arg0, %multiple_of3A_491, %dma_wait3A_497] : memref<2x10112x128xf32, #tpu.memory_space<hbm>> -> memref<1x120x128xf32, #tpu.memory_space<hbm>>
    %dma_wait3A_499 = tpu.memref_squeeze %dma_wait3A_498 : memref<1x120x128xf32, #tpu.memory_space<hbm>> -> memref<120x128xf32, #tpu.memory_space<hbm>>
    %dma_wait3A_500 = arith.constant 0 : i32
    %dma_wait3A_501 = tpu.memref_slice %arg5[%arg0, %multiple_of3A_491, %dma_wait3A_500] : memref<2x10112x128xf32, #tpu.memory_space<hbm>> -> memref<1x120x128xf32, #tpu.memory_space<hbm>>
    %dma_wait3A_502 = tpu.memref_squeeze %dma_wait3A_501 : memref<1x120x128xf32, #tpu.memory_space<hbm>> -> memref<120x128xf32, #tpu.memory_space<hbm>>
    %dma_wait3A_503 = arith.constant 0 : i32
    %dma_wait3A_504 = arith.constant 0 : i32
    %dma_wait3A_505 = tpu.memref_slice %arg9[%dma_wait3A_492, %dma_wait3A_503, %dma_wait3A_504] : memref<3x128x128xf32, #tpu.memory_space<vmem>> -> memref<1x120x128xf32, #tpu.memory_space<vmem>>
    %dma_wait3A_506 = tpu.memref_squeeze %dma_wait3A_505 : memref<1x120x128xf32, #tpu.memory_space<vmem>> -> memref<120x128xf32, #tpu.memory_space<vmem>>
    tpu.wait_dma2 semaphore(%arg10 : memref<!tpu.dma_semaphore, #tpu.memory_space<semaphore_mem>>) src(%dma_wait3A_506 : memref<120x128xf32, #tpu.memory_space<vmem>>) dst(%dma_wait3A_502 : memref<120x128xf32, #tpu.memory_space<hbm>>)
    return
  }
}

#map = affine_map<(d0, d1) -> (0, 0)>
#map1 = affine_map<(d0, d1) -> (0)>
#map2 = affine_map<(d0, d1) -> (0, 0, 0)>
module attributes {stable_mosaic.version = 14 : i64} {
  func.func @_seg_kernel(%arg0: i32, %arg1: i32, %arg2: memref<10000x128xf32, #tpu.memory_space<hbm>>, %arg3: memref<328192xi32, #tpu.memory_space<hbm>>, %arg4: memref<328192xi32, #tpu.memory_space<hbm>>, %arg5: memref<2x10112x128xf32, #tpu.memory_space<hbm>>, %arg6: memref<10112x128xf32, #tpu.memory_space<vmem_shared>>, %arg7: memref<4x128xi32, #tpu.memory_space<vmem>>, %arg8: memref<3x128xi32, #tpu.memory_space<vmem>>, %arg9: memref<3x128x128xf32, #tpu.memory_space<vmem>>, %arg10: memref<!tpu.dma_semaphore, #tpu.memory_space<semaphore_mem>>, %arg11: memref<!tpu.dma_semaphore, #tpu.memory_space<semaphore_mem>>, %arg12: memref<!tpu.dma_semaphore, #tpu.memory_space<semaphore_mem>>, %arg13: memref<!tpu.dma_semaphore, #tpu.memory_space<semaphore_mem>>, %arg14: memref<!tpu.dma_semaphore, #tpu.memory_space<semaphore_mem>>) attributes {dimension_semantics = [#tpu.dimension_semantics<core_parallel>, #tpu.dimension_semantics<subcore_parallel>], iteration_bounds = array<i64: 2, 16>, scalar_prefetch = 0 : i64, scratch_operands = 9 : i64, tpu.core_type = #tpu.core_type<sc_vector_subcore>, window_params = [{transform_indices = #map}, {transform_indices = #map1}, {transform_indices = #map1}, {transform_indices = #map2}]} {
    %mul3A = arith.constant 16 : i32
    %mul3A_0 = arith.muli %arg0, %mul3A : i32
    %add3A = arith.addi %mul3A_0, %arg1 : i32
    %mul3A_1 = arith.constant 10240 : i32
    %mul3A_2 = arith.muli %add3A, %mul3A_1 : i32
    %run_scoped3A = arith.constant 0 : i32
    "tpu.region"() ({
      %run_scoped3A_507 = tpu.sem_alloc : memref<!tpu.dma_semaphore, #tpu.memory_space<semaphore_mem>>
      %dma_start3A_508 = arith.constant 0 : i32
      %dma_start3A_509 = tpu.memref_slice %arg7[%run_scoped3A, %dma_start3A_508] : memref<4x128xi32, #tpu.memory_space<vmem>> -> memref<1x128xi32, #tpu.memory_space<vmem>>
      %dma_start3A_510 = tpu.memref_squeeze %dma_start3A_509 : memref<1x128xi32, #tpu.memory_space<vmem>> -> memref<128xi32, #tpu.memory_space<vmem>>
      %dma_start3A_511 = tpu.memref_slice %arg3[%mul3A_2] : memref<328192xi32, #tpu.memory_space<hbm>> -> memref<128xi32, #tpu.memory_space<hbm>>
      %dma_start3A_512 = arith.constant 0 : i32
      %dma_start3A_513 = tpu.memref_slice %arg7[%run_scoped3A, %dma_start3A_512] : memref<4x128xi32, #tpu.memory_space<vmem>> -> memref<1x128xi32, #tpu.memory_space<vmem>>
      %dma_start3A_514 = tpu.memref_squeeze %dma_start3A_513 : memref<1x128xi32, #tpu.memory_space<vmem>> -> memref<128xi32, #tpu.memory_space<vmem>>
      %dma_start3A_515 = tpu.memref_slice %arg3[%mul3A_2] : memref<328192xi32, #tpu.memory_space<hbm>> -> memref<128xi32, #tpu.memory_space<hbm>>
      tpu.enqueue_dma source(%dma_start3A_515 : memref<128xi32, #tpu.memory_space<hbm>>) target(%dma_start3A_514 : memref<128xi32, #tpu.memory_space<vmem>>) target_semaphore(%run_scoped3A_507 : memref<!tpu.dma_semaphore, #tpu.memory_space<semaphore_mem>>)
      %dma_wait3A_516 = arith.constant 0 : i32
      %dma_wait3A_517 = tpu.memref_slice %arg7[%run_scoped3A, %dma_wait3A_516] : memref<4x128xi32, #tpu.memory_space<vmem>> -> memref<1x128xi32, #tpu.memory_space<vmem>>
      %dma_wait3A_518 = tpu.memref_squeeze %dma_wait3A_517 : memref<1x128xi32, #tpu.memory_space<vmem>> -> memref<128xi32, #tpu.memory_space<vmem>>
      %dma_wait3A_519 = tpu.memref_slice %arg3[%mul3A_2] : memref<328192xi32, #tpu.memory_space<hbm>> -> memref<128xi32, #tpu.memory_space<hbm>>
      %dma_wait3A_520 = arith.constant 0 : i32
      %dma_wait3A_521 = tpu.memref_slice %arg7[%run_scoped3A, %dma_wait3A_520] : memref<4x128xi32, #tpu.memory_space<vmem>> -> memref<1x128xi32, #tpu.memory_space<vmem>>
      %dma_wait3A_522 = tpu.memref_squeeze %dma_wait3A_521 : memref<1x128xi32, #tpu.memory_space<vmem>> -> memref<128xi32, #tpu.memory_space<vmem>>
      %dma_wait3A_523 = tpu.memref_slice %arg3[%mul3A_2] : memref<328192xi32, #tpu.memory_space<hbm>> -> memref<128xi32, #tpu.memory_space<hbm>>
      tpu.wait_dma2 semaphore(%run_scoped3A_507 : memref<!tpu.dma_semaphore, #tpu.memory_space<semaphore_mem>>) src(%dma_wait3A_523 : memref<128xi32, #tpu.memory_space<hbm>>) dst(%dma_wait3A_522 : memref<128xi32, #tpu.memory_space<vmem>>)
      tpu.yield
    }) : () -> ()
    %run_scoped3A_3 = arith.constant 0 : i32
    "tpu.region"() ({
      %run_scoped3A_507 = tpu.sem_alloc : memref<!tpu.dma_semaphore, #tpu.memory_space<semaphore_mem>>
      %dma_start3A_508 = arith.constant 0 : i32
      %dma_start3A_509 = tpu.memref_slice %arg8[%run_scoped3A_3, %dma_start3A_508] : memref<3x128xi32, #tpu.memory_space<vmem>> -> memref<1x128xi32, #tpu.memory_space<vmem>>
      %dma_start3A_510 = tpu.memref_squeeze %dma_start3A_509 : memref<1x128xi32, #tpu.memory_space<vmem>> -> memref<128xi32, #tpu.memory_space<vmem>>
      %dma_start3A_511 = tpu.memref_slice %arg4[%mul3A_2] : memref<328192xi32, #tpu.memory_space<hbm>> -> memref<128xi32, #tpu.memory_space<hbm>>
      %dma_start3A_512 = arith.constant 0 : i32
      %dma_start3A_513 = tpu.memref_slice %arg8[%run_scoped3A_3, %dma_start3A_512] : memref<3x128xi32, #tpu.memory_space<vmem>> -> memref<1x128xi32, #tpu.memory_space<vmem>>
      %dma_start3A_514 = tpu.memref_squeeze %dma_start3A_513 : memref<1x128xi32, #tpu.memory_space<vmem>> -> memref<128xi32, #tpu.memory_space<vmem>>
      %dma_start3A_515 = tpu.memref_slice %arg4[%mul3A_2] : memref<328192xi32, #tpu.memory_space<hbm>> -> memref<128xi32, #tpu.memory_space<hbm>>
      tpu.enqueue_dma source(%dma_start3A_515 : memref<128xi32, #tpu.memory_space<hbm>>) target(%dma_start3A_514 : memref<128xi32, #tpu.memory_space<vmem>>) target_semaphore(%run_scoped3A_507 : memref<!tpu.dma_semaphore, #tpu.memory_space<semaphore_mem>>)
      %dma_wait3A_516 = arith.constant 0 : i32
      %dma_wait3A_517 = tpu.memref_slice %arg8[%run_scoped3A_3, %dma_wait3A_516] : memref<3x128xi32, #tpu.memory_space<vmem>> -> memref<1x128xi32, #tpu.memory_space<vmem>>
      %dma_wait3A_518 = tpu.memref_squeeze %dma_wait3A_517 : memref<1x128xi32, #tpu.memory_space<vmem>> -> memref<128xi32, #tpu.memory_space<vmem>>
      %dma_wait3A_519 = tpu.memref_slice %arg4[%mul3A_2] : memref<328192xi32, #tpu.memory_space<hbm>> -> memref<128xi32, #tpu.memory_space<hbm>>
      %dma_wait3A_520 = arith.constant 0 : i32
      %dma_wait3A_521 = tpu.memref_slice %arg8[%run_scoped3A_3, %dma_wait3A_520] : memref<3x128xi32, #tpu.memory_space<vmem>> -> memref<1x128xi32, #tpu.memory_space<vmem>>
      %dma_wait3A_522 = tpu.memref_squeeze %dma_wait3A_521 : memref<1x128xi32, #tpu.memory_space<vmem>> -> memref<128xi32, #tpu.memory_space<vmem>>
      %dma_wait3A_523 = tpu.memref_slice %arg4[%mul3A_2] : memref<328192xi32, #tpu.memory_space<hbm>> -> memref<128xi32, #tpu.memory_space<hbm>>
      tpu.wait_dma2 semaphore(%run_scoped3A_507 : memref<!tpu.dma_semaphore, #tpu.memory_space<semaphore_mem>>) src(%dma_wait3A_523 : memref<128xi32, #tpu.memory_space<hbm>>) dst(%dma_wait3A_522 : memref<128xi32, #tpu.memory_space<vmem>>)
      tpu.yield
    }) : () -> ()
    %dma_start3A = arith.constant 0 : i32
    %dma_start3A_4 = arith.constant 0 : i32
    %dma_start3A_5 = arith.constant 0 : i32
    %dma_start3A_6 = arith.constant 0 : i32
    %dma_start3A_7 = tpu.memref_slice %arg9[%dma_start3A_4, %dma_start3A_5, %dma_start3A_6] : memref<3x128x128xf32, #tpu.memory_space<vmem>> -> memref<1x128x128xf32, #tpu.memory_space<vmem>>
    %dma_start3A_8 = tpu.memref_squeeze %dma_start3A_7 : memref<1x128x128xf32, #tpu.memory_space<vmem>> -> memref<128x128xf32, #tpu.memory_space<vmem>>
    %dma_start3A_9 = arith.constant 0 : i32
    %dma_start3A_10 = tpu.memref_slice %arg7[%dma_start3A, %dma_start3A_9] : memref<4x128xi32, #tpu.memory_space<vmem>> -> memref<1x128xi32, #tpu.memory_space<vmem>>
    %dma_start3A_11 = tpu.memref_squeeze %dma_start3A_10 : memref<1x128xi32, #tpu.memory_space<vmem>> -> memref<128xi32, #tpu.memory_space<vmem>>
    %dma_start3A_12 = arith.constant 0 : i32
    %dma_start3A_13 = arith.constant 0 : i32
    %dma_start3A_14 = tpu.memref_slice %arg2[%dma_start3A_12, %dma_start3A_13] : memref<10000x128xf32, #tpu.memory_space<hbm>> -> memref<10000x128xf32, #tpu.memory_space<hbm>>
    tpu.enqueue_indirect_dma source(%dma_start3A_14 : memref<10000x128xf32, #tpu.memory_space<hbm>>) target(%dma_start3A_8 : memref<128x128xf32, #tpu.memory_space<vmem>>) offsets(%dma_start3A_11 : memref<128xi32, #tpu.memory_space<vmem>>) semaphore(%arg10 : memref<!tpu.dma_semaphore, #tpu.memory_space<semaphore_mem>>)
    %add3A_15 = arith.constant 128 : i32
    %add3A_16 = arith.addi %mul3A_2, %add3A_15 : i32
    %multiple_of3A = tpu.assume_multiple %add3A_16, 8 : i32
    %dma_start3A_17 = arith.constant 1 : i32
    %dma_start3A_18 = arith.constant 0 : i32
    %dma_start3A_19 = tpu.memref_slice %arg7[%dma_start3A_17, %dma_start3A_18] : memref<4x128xi32, #tpu.memory_space<vmem>> -> memref<1x128xi32, #tpu.memory_space<vmem>>
    %dma_start3A_20 = tpu.memref_squeeze %dma_start3A_19 : memref<1x128xi32, #tpu.memory_space<vmem>> -> memref<128xi32, #tpu.memory_space<vmem>>
    %dma_start3A_21 = tpu.memref_slice %arg3[%multiple_of3A] : memref<328192xi32, #tpu.memory_space<hbm>> -> memref<128xi32, #tpu.memory_space<hbm>>
    %dma_start3A_22 = arith.constant 0 : i32
    %dma_start3A_23 = tpu.memref_slice %arg7[%dma_start3A_17, %dma_start3A_22] : memref<4x128xi32, #tpu.memory_space<vmem>> -> memref<1x128xi32, #tpu.memory_space<vmem>>
    %dma_start3A_24 = tpu.memref_squeeze %dma_start3A_23 : memref<1x128xi32, #tpu.memory_space<vmem>> -> memref<128xi32, #tpu.memory_space<vmem>>
    %dma_start3A_25 = tpu.memref_slice %arg3[%multiple_of3A] : memref<328192xi32, #tpu.memory_space<hbm>> -> memref<128xi32, #tpu.memory_space<hbm>>
    tpu.enqueue_dma source(%dma_start3A_25 : memref<128xi32, #tpu.memory_space<hbm>>) target(%dma_start3A_24 : memref<128xi32, #tpu.memory_space<vmem>>) target_semaphore(%arg12 : memref<!tpu.dma_semaphore, #tpu.memory_space<semaphore_mem>>)
    %add3A_26 = arith.constant 128 : i32
    %add3A_27 = arith.addi %mul3A_2, %add3A_26 : i32
    %multiple_of3A_28 = tpu.assume_multiple %add3A_27, 8 : i32
    %dma_start3A_29 = arith.constant 1 : i32
    %dma_start3A_30 = arith.constant 0 : i32
    %dma_start3A_31 = tpu.memref_slice %arg8[%dma_start3A_29, %dma_start3A_30] : memref<3x128xi32, #tpu.memory_space<vmem>> -> memref<1x128xi32, #tpu.memory_space<vmem>>
    %dma_start3A_32 = tpu.memref_squeeze %dma_start3A_31 : memref<1x128xi32, #tpu.memory_space<vmem>> -> memref<128xi32, #tpu.memory_space<vmem>>
    %dma_start3A_33 = tpu.memref_slice %arg4[%multiple_of3A_28] : memref<328192xi32, #tpu.memory_space<hbm>> -> memref<128xi32, #tpu.memory_space<hbm>>
    %dma_start3A_34 = arith.constant 0 : i32
    %dma_start3A_35 = tpu.memref_slice %arg8[%dma_start3A_29, %dma_start3A_34] : memref<3x128xi32, #tpu.memory_space<vmem>> -> memref<1x128xi32, #tpu.memory_space<vmem>>
    %dma_start3A_36 = tpu.memref_squeeze %dma_start3A_35 : memref<1x128xi32, #tpu.memory_space<vmem>> -> memref<128xi32, #tpu.memory_space<vmem>>
    %dma_start3A_37 = tpu.memref_slice %arg4[%multiple_of3A_28] : memref<328192xi32, #tpu.memory_space<hbm>> -> memref<128xi32, #tpu.memory_space<hbm>>
    tpu.enqueue_dma source(%dma_start3A_37 : memref<128xi32, #tpu.memory_space<hbm>>) target(%dma_start3A_36 : memref<128xi32, #tpu.memory_space<vmem>>) target_semaphore(%arg13 : memref<!tpu.dma_semaphore, #tpu.memory_space<semaphore_mem>>)
    %add3A_38 = arith.constant 128 : i32
    %add3A_39 = arith.addi %mul3A_2, %add3A_38 : i32
    %multiple_of3A_40 = tpu.assume_multiple %add3A_39, 8 : i32
    %dma_wait3A = arith.constant 1 : i32
    %dma_wait3A_41 = arith.constant 0 : i32
    %dma_wait3A_42 = tpu.memref_slice %arg7[%dma_wait3A, %dma_wait3A_41] : memref<4x128xi32, #tpu.memory_space<vmem>> -> memref<1x128xi32, #tpu.memory_space<vmem>>
    %dma_wait3A_43 = tpu.memref_squeeze %dma_wait3A_42 : memref<1x128xi32, #tpu.memory_space<vmem>> -> memref<128xi32, #tpu.memory_space<vmem>>
    %dma_wait3A_44 = tpu.memref_slice %arg3[%multiple_of3A_40] : memref<328192xi32, #tpu.memory_space<hbm>> -> memref<128xi32, #tpu.memory_space<hbm>>
    %dma_wait3A_45 = arith.constant 0 : i32
    %dma_wait3A_46 = tpu.memref_slice %arg7[%dma_wait3A, %dma_wait3A_45] : memref<4x128xi32, #tpu.memory_space<vmem>> -> memref<1x128xi32, #tpu.memory_space<vmem>>
    %dma_wait3A_47 = tpu.memref_squeeze %dma_wait3A_46 : memref<1x128xi32, #tpu.memory_space<vmem>> -> memref<128xi32, #tpu.memory_space<vmem>>
    %dma_wait3A_48 = tpu.memref_slice %arg3[%multiple_of3A_40] : memref<328192xi32, #tpu.memory_space<hbm>> -> memref<128xi32, #tpu.memory_space<hbm>>
    tpu.wait_dma2 semaphore(%arg12 : memref<!tpu.dma_semaphore, #tpu.memory_space<semaphore_mem>>) src(%dma_wait3A_48 : memref<128xi32, #tpu.memory_space<hbm>>) dst(%dma_wait3A_47 : memref<128xi32, #tpu.memory_space<vmem>>)
    %dma_start3A_49 = arith.constant 1 : i32
    %dma_start3A_50 = arith.constant 1 : i32
    %dma_start3A_51 = arith.constant 0 : i32
    %dma_start3A_52 = arith.constant 0 : i32
    %dma_start3A_53 = tpu.memref_slice %arg9[%dma_start3A_50, %dma_start3A_51, %dma_start3A_52] : memref<3x128x128xf32, #tpu.memory_space<vmem>> -> memref<1x128x128xf32, #tpu.memory_space<vmem>>
    %dma_start3A_54 = tpu.memref_squeeze %dma_start3A_53 : memref<1x128x128xf32, #tpu.memory_space<vmem>> -> memref<128x128xf32, #tpu.memory_space<vmem>>
    %dma_start3A_55 = arith.constant 0 : i32
    %dma_start3A_56 = tpu.memref_slice %arg7[%dma_start3A_49, %dma_start3A_55] : memref<4x128xi32, #tpu.memory_space<vmem>> -> memref<1x128xi32, #tpu.memory_space<vmem>>
    %dma_start3A_57 = tpu.memref_squeeze %dma_start3A_56 : memref<1x128xi32, #tpu.memory_space<vmem>> -> memref<128xi32, #tpu.memory_space<vmem>>
    %dma_start3A_58 = arith.constant 0 : i32
    %dma_start3A_59 = arith.constant 0 : i32
    %dma_start3A_60 = tpu.memref_slice %arg2[%dma_start3A_58, %dma_start3A_59] : memref<10000x128xf32, #tpu.memory_space<hbm>> -> memref<10000x128xf32, #tpu.memory_space<hbm>>
    tpu.enqueue_indirect_dma source(%dma_start3A_60 : memref<10000x128xf32, #tpu.memory_space<hbm>>) target(%dma_start3A_54 : memref<128x128xf32, #tpu.memory_space<vmem>>) offsets(%dma_start3A_57 : memref<128xi32, #tpu.memory_space<vmem>>) semaphore(%arg11 : memref<!tpu.dma_semaphore, #tpu.memory_space<semaphore_mem>>)
    %add3A_61 = arith.constant 256 : i32
    %add3A_62 = arith.addi %mul3A_2, %add3A_61 : i32
    %multiple_of3A_63 = tpu.assume_multiple %add3A_62, 8 : i32
    %dma_start3A_64 = arith.constant 2 : i32
    %dma_start3A_65 = arith.constant 0 : i32
    %dma_start3A_66 = tpu.memref_slice %arg7[%dma_start3A_64, %dma_start3A_65] : memref<4x128xi32, #tpu.memory_space<vmem>> -> memref<1x128xi32, #tpu.memory_space<vmem>>
    %dma_start3A_67 = tpu.memref_squeeze %dma_start3A_66 : memref<1x128xi32, #tpu.memory_space<vmem>> -> memref<128xi32, #tpu.memory_space<vmem>>
    %dma_start3A_68 = tpu.memref_slice %arg3[%multiple_of3A_63] : memref<328192xi32, #tpu.memory_space<hbm>> -> memref<128xi32, #tpu.memory_space<hbm>>
    %dma_start3A_69 = arith.constant 0 : i32
    %dma_start3A_70 = tpu.memref_slice %arg7[%dma_start3A_64, %dma_start3A_69] : memref<4x128xi32, #tpu.memory_space<vmem>> -> memref<1x128xi32, #tpu.memory_space<vmem>>
    %dma_start3A_71 = tpu.memref_squeeze %dma_start3A_70 : memref<1x128xi32, #tpu.memory_space<vmem>> -> memref<128xi32, #tpu.memory_space<vmem>>
    %dma_start3A_72 = tpu.memref_slice %arg3[%multiple_of3A_63] : memref<328192xi32, #tpu.memory_space<hbm>> -> memref<128xi32, #tpu.memory_space<hbm>>
    tpu.enqueue_dma source(%dma_start3A_72 : memref<128xi32, #tpu.memory_space<hbm>>) target(%dma_start3A_71 : memref<128xi32, #tpu.memory_space<vmem>>) target_semaphore(%arg12 : memref<!tpu.dma_semaphore, #tpu.memory_space<semaphore_mem>>)
    %add3A_73 = arith.constant 384 : i32
    %add3A_74 = arith.addi %mul3A_2, %add3A_73 : i32
    %multiple_of3A_75 = tpu.assume_multiple %add3A_74, 8 : i32
    %dma_start3A_76 = arith.constant 3 : i32
    %dma_start3A_77 = arith.constant 0 : i32
    %dma_start3A_78 = tpu.memref_slice %arg7[%dma_start3A_76, %dma_start3A_77] : memref<4x128xi32, #tpu.memory_space<vmem>> -> memref<1x128xi32, #tpu.memory_space<vmem>>
    %dma_start3A_79 = tpu.memref_squeeze %dma_start3A_78 : memref<1x128xi32, #tpu.memory_space<vmem>> -> memref<128xi32, #tpu.memory_space<vmem>>
    %dma_start3A_80 = tpu.memref_slice %arg3[%multiple_of3A_75] : memref<328192xi32, #tpu.memory_space<hbm>> -> memref<128xi32, #tpu.memory_space<hbm>>
    %dma_start3A_81 = arith.constant 0 : i32
    %dma_start3A_82 = tpu.memref_slice %arg7[%dma_start3A_76, %dma_start3A_81] : memref<4x128xi32, #tpu.memory_space<vmem>> -> memref<1x128xi32, #tpu.memory_space<vmem>>
    %dma_start3A_83 = tpu.memref_squeeze %dma_start3A_82 : memref<1x128xi32, #tpu.memory_space<vmem>> -> memref<128xi32, #tpu.memory_space<vmem>>
    %dma_start3A_84 = tpu.memref_slice %arg3[%multiple_of3A_75] : memref<328192xi32, #tpu.memory_space<hbm>> -> memref<128xi32, #tpu.memory_space<hbm>>
    tpu.enqueue_dma source(%dma_start3A_84 : memref<128xi32, #tpu.memory_space<hbm>>) target(%dma_start3A_83 : memref<128xi32, #tpu.memory_space<vmem>>) target_semaphore(%arg12 : memref<!tpu.dma_semaphore, #tpu.memory_space<semaphore_mem>>)
    %scan3A = arith.constant 0 : i32
    %scan3A_85 = arith.constant 0 : i32
    %scan3A_86 = arith.constant 128 : i32
    %scan3A_87 = arith.addi %scan3A_85, %scan3A_86 : i32
    %scan3A_88 = arith.constant 1 : i32
    scf.for %scan3A_507 = %scan3A_85 to %scan3A_87 step %scan3A_88  : i32 {
      %broadcast_in_dim3A = arith.constant 0.000000e+00 : f32
      %broadcast_in_dim3A_508 = vector.broadcast %broadcast_in_dim3A : f32 to vector<16xf32>
      %swap3A = arith.constant 2 : i32
      %swap3A_509 = arith.index_cast %swap3A : i32 to index
      %swap3A_510 = arith.index_cast %scan3A_507 : i32 to index
      %swap3A_511 = arith.constant 0 : index
      %swap3A_512 = tpu.vector_load %arg9[%swap3A_509, %swap3A_510, %swap3A_511] {strides = array<i32>} : memref<3x128x128xf32, #tpu.memory_space<vmem>>, vector<1x1x16xf32>,
      %swap3A_513 = vector.shape_cast %swap3A_512 : vector<1x1x16xf32> to vector<16xf32>
      %swap3A_514 = vector.shape_cast %broadcast_in_dim3A_508 : vector<16xf32> to vector<1x1x16xf32>
      tpu.vector_store %arg9[%swap3A_509, %swap3A_510, %swap3A_511], %swap3A_514 {strides = array<i32>} : memref<3x128x128xf32, #tpu.memory_space<vmem>>, vector<1x1x16xf32>,
      %broadcast_in_dim3A_515 = arith.constant 0.000000e+00 : f32
      %broadcast_in_dim3A_516 = vector.broadcast %broadcast_in_dim3A_515 : f32 to vector<16xf32>
      %swap3A_517 = arith.constant 2 : i32
      %swap3A_518 = arith.index_cast %swap3A_517 : i32 to index
      %swap3A_519 = arith.index_cast %scan3A_507 : i32 to index
      %swap3A_520 = arith.constant 16 : index
      %swap3A_521 = tpu.vector_load %arg9[%swap3A_518, %swap3A_519, %swap3A_520] {strides = array<i32>} : memref<3x128x128xf32, #tpu.memory_space<vmem>>, vector<1x1x16xf32>,
      %swap3A_522 = vector.shape_cast %swap3A_521 : vector<1x1x16xf32> to vector<16xf32>
      %swap3A_523 = vector.shape_cast %broadcast_in_dim3A_516 : vector<16xf32> to vector<1x1x16xf32>
      tpu.vector_store %arg9[%swap3A_518, %swap3A_519, %swap3A_520], %swap3A_523 {strides = array<i32>} : memref<3x128x128xf32, #tpu.memory_space<vmem>>, vector<1x1x16xf32>,
      %broadcast_in_dim3A_524 = arith.constant 0.000000e+00 : f32
      %broadcast_in_dim3A_525 = vector.broadcast %broadcast_in_dim3A_524 : f32 to vector<16xf32>
      %swap3A_526 = arith.constant 2 : i32
      %swap3A_527 = arith.index_cast %swap3A_526 : i32 to index
      %swap3A_528 = arith.index_cast %scan3A_507 : i32 to index
      %swap3A_529 = arith.constant 32 : index
      %swap3A_530 = tpu.vector_load %arg9[%swap3A_527, %swap3A_528, %swap3A_529] {strides = array<i32>} : memref<3x128x128xf32, #tpu.memory_space<vmem>>, vector<1x1x16xf32>,
      %swap3A_531 = vector.shape_cast %swap3A_530 : vector<1x1x16xf32> to vector<16xf32>
      %swap3A_532 = vector.shape_cast %broadcast_in_dim3A_525 : vector<16xf32> to vector<1x1x16xf32>
      tpu.vector_store %arg9[%swap3A_527, %swap3A_528, %swap3A_529], %swap3A_532 {strides = array<i32>} : memref<3x128x128xf32, #tpu.memory_space<vmem>>, vector<1x1x16xf32>,
      %broadcast_in_dim3A_533 = arith.constant 0.000000e+00 : f32
      %broadcast_in_dim3A_534 = vector.broadcast %broadcast_in_dim3A_533 : f32 to vector<16xf32>
      %swap3A_535 = arith.constant 2 : i32
      %swap3A_536 = arith.index_cast %swap3A_535 : i32 to index
      %swap3A_537 = arith.index_cast %scan3A_507 : i32 to index
      %swap3A_538 = arith.constant 48 : index
      %swap3A_539 = tpu.vector_load %arg9[%swap3A_536, %swap3A_537, %swap3A_538] {strides = array<i32>} : memref<3x128x128xf32, #tpu.memory_space<vmem>>, vector<1x1x16xf32>,
      %swap3A_540 = vector.shape_cast %swap3A_539 : vector<1x1x16xf32> to vector<16xf32>
      %swap3A_541 = vector.shape_cast %broadcast_in_dim3A_534 : vector<16xf32> to vector<1x1x16xf32>
      tpu.vector_store %arg9[%swap3A_536, %swap3A_537, %swap3A_538], %swap3A_541 {strides = array<i32>} : memref<3x128x128xf32, #tpu.memory_space<vmem>>, vector<1x1x16xf32>,
      %broadcast_in_dim3A_542 = arith.constant 0.000000e+00 : f32
      %broadcast_in_dim3A_543 = vector.broadcast %broadcast_in_dim3A_542 : f32 to vector<16xf32>
      %swap3A_544 = arith.constant 2 : i32
      %swap3A_545 = arith.index_cast %swap3A_544 : i32 to index
      %swap3A_546 = arith.index_cast %scan3A_507 : i32 to index
      %swap3A_547 = arith.constant 64 : index
      %swap3A_548 = tpu.vector_load %arg9[%swap3A_545, %swap3A_546, %swap3A_547] {strides = array<i32>} : memref<3x128x128xf32, #tpu.memory_space<vmem>>, vector<1x1x16xf32>,
      %swap3A_549 = vector.shape_cast %swap3A_548 : vector<1x1x16xf32> to vector<16xf32>
      %swap3A_550 = vector.shape_cast %broadcast_in_dim3A_543 : vector<16xf32> to vector<1x1x16xf32>
      tpu.vector_store %arg9[%swap3A_545, %swap3A_546, %swap3A_547], %swap3A_550 {strides = array<i32>} : memref<3x128x128xf32, #tpu.memory_space<vmem>>, vector<1x1x16xf32>,
      %broadcast_in_dim3A_551 = arith.constant 0.000000e+00 : f32
      %broadcast_in_dim3A_552 = vector.broadcast %broadcast_in_dim3A_551 : f32 to vector<16xf32>
      %swap3A_553 = arith.constant 2 : i32
      %swap3A_554 = arith.index_cast %swap3A_553 : i32 to index
      %swap3A_555 = arith.index_cast %scan3A_507 : i32 to index
      %swap3A_556 = arith.constant 80 : index
      %swap3A_557 = tpu.vector_load %arg9[%swap3A_554, %swap3A_555, %swap3A_556] {strides = array<i32>} : memref<3x128x128xf32, #tpu.memory_space<vmem>>, vector<1x1x16xf32>,
      %swap3A_558 = vector.shape_cast %swap3A_557 : vector<1x1x16xf32> to vector<16xf32>
      %swap3A_559 = vector.shape_cast %broadcast_in_dim3A_552 : vector<16xf32> to vector<1x1x16xf32>
      tpu.vector_store %arg9[%swap3A_554, %swap3A_555, %swap3A_556], %swap3A_559 {strides = array<i32>} : memref<3x128x128xf32, #tpu.memory_space<vmem>>, vector<1x1x16xf32>,
      %broadcast_in_dim3A_560 = arith.constant 0.000000e+00 : f32
      %broadcast_in_dim3A_561 = vector.broadcast %broadcast_in_dim3A_560 : f32 to vector<16xf32>
      %swap3A_562 = arith.constant 2 : i32
      %swap3A_563 = arith.index_cast %swap3A_562 : i32 to index
      %swap3A_564 = arith.index_cast %scan3A_507 : i32 to index
      %swap3A_565 = arith.constant 96 : index
      %swap3A_566 = tpu.vector_load %arg9[%swap3A_563, %swap3A_564, %swap3A_565] {strides = array<i32>} : memref<3x128x128xf32, #tpu.memory_space<vmem>>, vector<1x1x16xf32>,
      %swap3A_567 = vector.shape_cast %swap3A_566 : vector<1x1x16xf32> to vector<16xf32>
      %swap3A_568 = vector.shape_cast %broadcast_in_dim3A_561 : vector<16xf32> to vector<1x1x16xf32>
      tpu.vector_store %arg9[%swap3A_563, %swap3A_564, %swap3A_565], %swap3A_568 {strides = array<i32>} : memref<3x128x128xf32, #tpu.memory_space<vmem>>, vector<1x1x16xf32>,
      %broadcast_in_dim3A_569 = arith.constant 0.000000e+00 : f32
      %broadcast_in_dim3A_570 = vector.broadcast %broadcast_in_dim3A_569 : f32 to vector<16xf32>
      %swap3A_571 = arith.constant 2 : i32
      %swap3A_572 = arith.index_cast %swap3A_571 : i32 to index
      %swap3A_573 = arith.index_cast %scan3A_507 : i32 to index
      %swap3A_574 = arith.constant 112 : index
      %swap3A_575 = tpu.vector_load %arg9[%swap3A_572, %swap3A_573, %swap3A_574] {strides = array<i32>} : memref<3x128x128xf32, #tpu.memory_space<vmem>>, vector<1x1x16xf32>,
      %swap3A_576 = vector.shape_cast %swap3A_575 : vector<1x1x16xf32> to vector<16xf32>
      %swap3A_577 = vector.shape_cast %broadcast_in_dim3A_570 : vector<16xf32> to vector<1x1x16xf32>
      tpu.vector_store %arg9[%swap3A_572, %swap3A_573, %swap3A_574], %swap3A_577 {strides = array<i32>} : memref<3x128x128xf32, #tpu.memory_space<vmem>>, vector<1x1x16xf32>,
    }
    %scan3A_89 = arith.constant 128 : i32
    %mul3A_90 = arith.constant 632 : i32
    %mul3A_91 = arith.muli %arg1, %mul3A_90 : i32
    %multiple_of3A_92 = tpu.assume_multiple %mul3A_91, 8 : i32
    %add3A_93 = arith.constant 0 : i32
    %add3A_94 = arith.addi %multiple_of3A_92, %add3A_93 : i32
    %dma_start3A_95 = arith.constant 2 : i32
    %dma_start3A_96 = arith.constant 0 : i32
    %dma_start3A_97 = arith.constant 0 : i32
    %dma_start3A_98 = tpu.memref_slice %arg9[%dma_start3A_95, %dma_start3A_96, %dma_start3A_97] : memref<3x128x128xf32, #tpu.memory_space<vmem>> -> memref<1x128x128xf32, #tpu.memory_space<vmem>>
    %dma_start3A_99 = tpu.memref_squeeze %dma_start3A_98 : memref<1x128x128xf32, #tpu.memory_space<vmem>> -> memref<128x128xf32, #tpu.memory_space<vmem>>
    %dma_start3A_100 = arith.constant 0 : i32
    %dma_start3A_101 = tpu.memref_slice %arg6[%add3A_94, %dma_start3A_100] : memref<10112x128xf32, #tpu.memory_space<vmem_shared>> -> memref<128x128xf32, #tpu.memory_space<vmem_shared>>
    %dma_start3A_102 = arith.constant 0 : i32
    %dma_start3A_103 = tpu.memref_slice %arg6[%add3A_94, %dma_start3A_102] : memref<10112x128xf32, #tpu.memory_space<vmem_shared>> -> memref<128x128xf32, #tpu.memory_space<vmem_shared>>
    %dma_start3A_104 = arith.constant 0 : i32
    %dma_start3A_105 = arith.constant 0 : i32
    %dma_start3A_106 = tpu.memref_slice %arg9[%dma_start3A_95, %dma_start3A_104, %dma_start3A_105] : memref<3x128x128xf32, #tpu.memory_space<vmem>> -> memref<1x128x128xf32, #tpu.memory_space<vmem>>
    %dma_start3A_107 = tpu.memref_squeeze %dma_start3A_106 : memref<1x128x128xf32, #tpu.memory_space<vmem>> -> memref<128x128xf32, #tpu.memory_space<vmem>>
    tpu.enqueue_dma source(%dma_start3A_107 : memref<128x128xf32, #tpu.memory_space<vmem>>) target(%dma_start3A_103 : memref<128x128xf32, #tpu.memory_space<vmem_shared>>) target_semaphore(%arg14 : memref<!tpu.dma_semaphore, #tpu.memory_space<semaphore_mem>>)
    %add3A_108 = arith.constant 128 : i32
    %add3A_109 = arith.addi %multiple_of3A_92, %add3A_108 : i32
    %dma_start3A_110 = arith.constant 2 : i32
    %dma_start3A_111 = arith.constant 0 : i32
    %dma_start3A_112 = arith.constant 0 : i32
    %dma_start3A_113 = tpu.memref_slice %arg9[%dma_start3A_110, %dma_start3A_111, %dma_start3A_112] : memref<3x128x128xf32, #tpu.memory_space<vmem>> -> memref<1x128x128xf32, #tpu.memory_space<vmem>>
    %dma_start3A_114 = tpu.memref_squeeze %dma_start3A_113 : memref<1x128x128xf32, #tpu.memory_space<vmem>> -> memref<128x128xf32, #tpu.memory_space<vmem>>
    %dma_start3A_115 = arith.constant 0 : i32
    %dma_start3A_116 = tpu.memref_slice %arg6[%add3A_109, %dma_start3A_115] : memref<10112x128xf32, #tpu.memory_space<vmem_shared>> -> memref<128x128xf32, #tpu.memory_space<vmem_shared>>
    %dma_start3A_117 = arith.constant 0 : i32
    %dma_start3A_118 = tpu.memref_slice %arg6[%add3A_109, %dma_start3A_117] : memref<10112x128xf32, #tpu.memory_space<vmem_shared>> -> memref<128x128xf32, #tpu.memory_space<vmem_shared>>
    %dma_start3A_119 = arith.constant 0 : i32
    %dma_start3A_120 = arith.constant 0 : i32
    %dma_start3A_121 = tpu.memref_slice %arg9[%dma_start3A_110, %dma_start3A_119, %dma_start3A_120] : memref<3x128x128xf32, #tpu.memory_space<vmem>> -> memref<1x128x128xf32, #tpu.memory_space<vmem>>
    %dma_start3A_122 = tpu.memref_squeeze %dma_start3A_121 : memref<1x128x128xf32, #tpu.memory_space<vmem>> -> memref<128x128xf32, #tpu.memory_space<vmem>>
    tpu.enqueue_dma source(%dma_start3A_122 : memref<128x128xf32, #tpu.memory_space<vmem>>) target(%dma_start3A_118 : memref<128x128xf32, #tpu.memory_space<vmem_shared>>) target_semaphore(%arg14 : memref<!tpu.dma_semaphore, #tpu.memory_space<semaphore_mem>>)
    %add3A_123 = arith.constant 256 : i32
    %add3A_124 = arith.addi %multiple_of3A_92, %add3A_123 : i32
    %dma_start3A_125 = arith.constant 2 : i32
    %dma_start3A_126 = arith.constant 0 : i32
    %dma_start3A_127 = arith.constant 0 : i32
    %dma_start3A_128 = tpu.memref_slice %arg9[%dma_start3A_125, %dma_start3A_126, %dma_start3A_127] : memref<3x128x128xf32, #tpu.memory_space<vmem>> -> memref<1x128x128xf32, #tpu.memory_space<vmem>>
    %dma_start3A_129 = tpu.memref_squeeze %dma_start3A_128 : memref<1x128x128xf32, #tpu.memory_space<vmem>> -> memref<128x128xf32, #tpu.memory_space<vmem>>
    %dma_start3A_130 = arith.constant 0 : i32
    %dma_start3A_131 = tpu.memref_slice %arg6[%add3A_124, %dma_start3A_130] : memref<10112x128xf32, #tpu.memory_space<vmem_shared>> -> memref<128x128xf32, #tpu.memory_space<vmem_shared>>
    %dma_start3A_132 = arith.constant 0 : i32
    %dma_start3A_133 = tpu.memref_slice %arg6[%add3A_124, %dma_start3A_132] : memref<10112x128xf32, #tpu.memory_space<vmem_shared>> -> memref<128x128xf32, #tpu.memory_space<vmem_shared>>
    %dma_start3A_134 = arith.constant 0 : i32
    %dma_start3A_135 = arith.constant 0 : i32
    %dma_start3A_136 = tpu.memref_slice %arg9[%dma_start3A_125, %dma_start3A_134, %dma_start3A_135] : memref<3x128x128xf32, #tpu.memory_space<vmem>> -> memref<1x128x128xf32, #tpu.memory_space<vmem>>
    %dma_start3A_137 = tpu.memref_squeeze %dma_start3A_136 : memref<1x128x128xf32, #tpu.memory_space<vmem>> -> memref<128x128xf32, #tpu.memory_space<vmem>>
    tpu.enqueue_dma source(%dma_start3A_137 : memref<128x128xf32, #tpu.memory_space<vmem>>) target(%dma_start3A_133 : memref<128x128xf32, #tpu.memory_space<vmem_shared>>) target_semaphore(%arg14 : memref<!tpu.dma_semaphore, #tpu.memory_space<semaphore_mem>>)
    %add3A_138 = arith.constant 384 : i32
    %add3A_139 = arith.addi %multiple_of3A_92, %add3A_138 : i32
    %dma_start3A_140 = arith.constant 2 : i32
    %dma_start3A_141 = arith.constant 0 : i32
    %dma_start3A_142 = arith.constant 0 : i32
    %dma_start3A_143 = tpu.memref_slice %arg9[%dma_start3A_140, %dma_start3A_141, %dma_start3A_142] : memref<3x128x128xf32, #tpu.memory_space<vmem>> -> memref<1x128x128xf32, #tpu.memory_space<vmem>>
    %dma_start3A_144 = tpu.memref_squeeze %dma_start3A_143 : memref<1x128x128xf32, #tpu.memory_space<vmem>> -> memref<128x128xf32, #tpu.memory_space<vmem>>
    %dma_start3A_145 = arith.constant 0 : i32
    %dma_start3A_146 = tpu.memref_slice %arg6[%add3A_139, %dma_start3A_145] : memref<10112x128xf32, #tpu.memory_space<vmem_shared>> -> memref<128x128xf32, #tpu.memory_space<vmem_shared>>
    %dma_start3A_147 = arith.constant 0 : i32
    %dma_start3A_148 = tpu.memref_slice %arg6[%add3A_139, %dma_start3A_147] : memref<10112x128xf32, #tpu.memory_space<vmem_shared>> -> memref<128x128xf32, #tpu.memory_space<vmem_shared>>
    %dma_start3A_149 = arith.constant 0 : i32
    %dma_start3A_150 = arith.constant 0 : i32
    %dma_start3A_151 = tpu.memref_slice %arg9[%dma_start3A_140, %dma_start3A_149, %dma_start3A_150] : memref<3x128x128xf32, #tpu.memory_space<vmem>> -> memref<1x128x128xf32, #tpu.memory_space<vmem>>
    %dma_start3A_152 = tpu.memref_squeeze %dma_start3A_151 : memref<1x128x128xf32, #tpu.memory_space<vmem>> -> memref<128x128xf32, #tpu.memory_space<vmem>>
    tpu.enqueue_dma source(%dma_start3A_152 : memref<128x128xf32, #tpu.memory_space<vmem>>) target(%dma_start3A_148 : memref<128x128xf32, #tpu.memory_space<vmem_shared>>) target_semaphore(%arg14 : memref<!tpu.dma_semaphore, #tpu.memory_space<semaphore_mem>>)
    %add3A_153 = arith.constant 512 : i32
    %add3A_154 = arith.addi %multiple_of3A_92, %add3A_153 : i32
    %dma_start3A_155 = arith.constant 2 : i32
    %dma_start3A_156 = arith.constant 0 : i32
    %dma_start3A_157 = arith.constant 0 : i32
    %dma_start3A_158 = tpu.memref_slice %arg9[%dma_start3A_155, %dma_start3A_156, %dma_start3A_157] : memref<3x128x128xf32, #tpu.memory_space<vmem>> -> memref<1x120x128xf32, #tpu.memory_space<vmem>>
    %dma_start3A_159 = tpu.memref_squeeze %dma_start3A_158 : memref<1x120x128xf32, #tpu.memory_space<vmem>> -> memref<120x128xf32, #tpu.memory_space<vmem>>
    %dma_start3A_160 = arith.constant 0 : i32
    %dma_start3A_161 = tpu.memref_slice %arg6[%add3A_154, %dma_start3A_160] : memref<10112x128xf32, #tpu.memory_space<vmem_shared>> -> memref<120x128xf32, #tpu.memory_space<vmem_shared>>
    %dma_start3A_162 = arith.constant 0 : i32
    %dma_start3A_163 = tpu.memref_slice %arg6[%add3A_154, %dma_start3A_162] : memref<10112x128xf32, #tpu.memory_space<vmem_shared>> -> memref<120x128xf32, #tpu.memory_space<vmem_shared>>
    %dma_start3A_164 = arith.constant 0 : i32
    %dma_start3A_165 = arith.constant 0 : i32
    %dma_start3A_166 = tpu.memref_slice %arg9[%dma_start3A_155, %dma_start3A_164, %dma_start3A_165] : memref<3x128x128xf32, #tpu.memory_space<vmem>> -> memref<1x120x128xf32, #tpu.memory_space<vmem>>
    %dma_start3A_167 = tpu.memref_squeeze %dma_start3A_166 : memref<1x120x128xf32, #tpu.memory_space<vmem>> -> memref<120x128xf32, #tpu.memory_space<vmem>>
    tpu.enqueue_dma source(%dma_start3A_167 : memref<120x128xf32, #tpu.memory_space<vmem>>) target(%dma_start3A_163 : memref<120x128xf32, #tpu.memory_space<vmem_shared>>) target_semaphore(%arg14 : memref<!tpu.dma_semaphore, #tpu.memory_space<semaphore_mem>>)
    %add3A_168 = arith.constant 0 : i32
    %add3A_169 = arith.addi %multiple_of3A_92, %add3A_168 : i32
    %dma_wait3A_170 = arith.constant 2 : i32
    %dma_wait3A_171 = arith.constant 0 : i32
    %dma_wait3A_172 = arith.constant 0 : i32
    %dma_wait3A_173 = tpu.memref_slice %arg9[%dma_wait3A_170, %dma_wait3A_171, %dma_wait3A_172] : memref<3x128x128xf32, #tpu.memory_space<vmem>> -> memref<1x128x128xf32, #tpu.memory_space<vmem>>
    %dma_wait3A_174 = tpu.memref_squeeze %dma_wait3A_173 : memref<1x128x128xf32, #tpu.memory_space<vmem>> -> memref<128x128xf32, #tpu.memory_space<vmem>>
    %dma_wait3A_175 = arith.constant 0 : i32
    %dma_wait3A_176 = tpu.memref_slice %arg6[%add3A_169, %dma_wait3A_175] : memref<10112x128xf32, #tpu.memory_space<vmem_shared>> -> memref<128x128xf32, #tpu.memory_space<vmem_shared>>
    %dma_wait3A_177 = arith.constant 0 : i32
    %dma_wait3A_178 = tpu.memref_slice %arg6[%add3A_169, %dma_wait3A_177] : memref<10112x128xf32, #tpu.memory_space<vmem_shared>> -> memref<128x128xf32, #tpu.memory_space<vmem_shared>>
    %dma_wait3A_179 = arith.constant 0 : i32
    %dma_wait3A_180 = arith.constant 0 : i32
    %dma_wait3A_181 = tpu.memref_slice %arg9[%dma_wait3A_170, %dma_wait3A_179, %dma_wait3A_180] : memref<3x128x128xf32, #tpu.memory_space<vmem>> -> memref<1x128x128xf32, #tpu.memory_space<vmem>>
    %dma_wait3A_182 = tpu.memref_squeeze %dma_wait3A_181 : memref<1x128x128xf32, #tpu.memory_space<vmem>> -> memref<128x128xf32, #tpu.memory_space<vmem>>
    tpu.wait_dma2 semaphore(%arg14 : memref<!tpu.dma_semaphore, #tpu.memory_space<semaphore_mem>>) src(%dma_wait3A_182 : memref<128x128xf32, #tpu.memory_space<vmem>>) dst(%dma_wait3A_178 : memref<128x128xf32, #tpu.memory_space<vmem_shared>>)
    %add3A_183 = arith.constant 128 : i32
    %add3A_184 = arith.addi %multiple_of3A_92, %add3A_183 : i32
    %dma_wait3A_185 = arith.constant 2 : i32
    %dma_wait3A_186 = arith.constant 0 : i32
    %dma_wait3A_187 = arith.constant 0 : i32
    %dma_wait3A_188 = tpu.memref_slice %arg9[%dma_wait3A_185, %dma_wait3A_186, %dma_wait3A_187] : memref<3x128x128xf32, #tpu.memory_space<vmem>> -> memref<1x128x128xf32, #tpu.memory_space<vmem>>
    %dma_wait3A_189 = tpu.memref_squeeze %dma_wait3A_188 : memref<1x128x128xf32, #tpu.memory_space<vmem>> -> memref<128x128xf32, #tpu.memory_space<vmem>>
    %dma_wait3A_190 = arith.constant 0 : i32
    %dma_wait3A_191 = tpu.memref_slice %arg6[%add3A_184, %dma_wait3A_190] : memref<10112x128xf32, #tpu.memory_space<vmem_shared>> -> memref<128x128xf32, #tpu.memory_space<vmem_shared>>
    %dma_wait3A_192 = arith.constant 0 : i32
    %dma_wait3A_193 = tpu.memref_slice %arg6[%add3A_184, %dma_wait3A_192] : memref<10112x128xf32, #tpu.memory_space<vmem_shared>> -> memref<128x128xf32, #tpu.memory_space<vmem_shared>>
    %dma_wait3A_194 = arith.constant 0 : i32
    %dma_wait3A_195 = arith.constant 0 : i32
    %dma_wait3A_196 = tpu.memref_slice %arg9[%dma_wait3A_185, %dma_wait3A_194, %dma_wait3A_195] : memref<3x128x128xf32, #tpu.memory_space<vmem>> -> memref<1x128x128xf32, #tpu.memory_space<vmem>>
    %dma_wait3A_197 = tpu.memref_squeeze %dma_wait3A_196 : memref<1x128x128xf32, #tpu.memory_space<vmem>> -> memref<128x128xf32, #tpu.memory_space<vmem>>
    tpu.wait_dma2 semaphore(%arg14 : memref<!tpu.dma_semaphore, #tpu.memory_space<semaphore_mem>>) src(%dma_wait3A_197 : memref<128x128xf32, #tpu.memory_space<vmem>>) dst(%dma_wait3A_193 : memref<128x128xf32, #tpu.memory_space<vmem_shared>>)
    %add3A_198 = arith.constant 256 : i32
    %add3A_199 = arith.addi %multiple_of3A_92, %add3A_198 : i32
    %dma_wait3A_200 = arith.constant 2 : i32
    %dma_wait3A_201 = arith.constant 0 : i32
    %dma_wait3A_202 = arith.constant 0 : i32
    %dma_wait3A_203 = tpu.memref_slice %arg9[%dma_wait3A_200, %dma_wait3A_201, %dma_wait3A_202] : memref<3x128x128xf32, #tpu.memory_space<vmem>> -> memref<1x128x128xf32, #tpu.memory_space<vmem>>
    %dma_wait3A_204 = tpu.memref_squeeze %dma_wait3A_203 : memref<1x128x128xf32, #tpu.memory_space<vmem>> -> memref<128x128xf32, #tpu.memory_space<vmem>>
    %dma_wait3A_205 = arith.constant 0 : i32
    %dma_wait3A_206 = tpu.memref_slice %arg6[%add3A_199, %dma_wait3A_205] : memref<10112x128xf32, #tpu.memory_space<vmem_shared>> -> memref<128x128xf32, #tpu.memory_space<vmem_shared>>
    %dma_wait3A_207 = arith.constant 0 : i32
    %dma_wait3A_208 = tpu.memref_slice %arg6[%add3A_199, %dma_wait3A_207] : memref<10112x128xf32, #tpu.memory_space<vmem_shared>> -> memref<128x128xf32, #tpu.memory_space<vmem_shared>>
    %dma_wait3A_209 = arith.constant 0 : i32
    %dma_wait3A_210 = arith.constant 0 : i32
    %dma_wait3A_211 = tpu.memref_slice %arg9[%dma_wait3A_200, %dma_wait3A_209, %dma_wait3A_210] : memref<3x128x128xf32, #tpu.memory_space<vmem>> -> memref<1x128x128xf32, #tpu.memory_space<vmem>>
    %dma_wait3A_212 = tpu.memref_squeeze %dma_wait3A_211 : memref<1x128x128xf32, #tpu.memory_space<vmem>> -> memref<128x128xf32, #tpu.memory_space<vmem>>
    tpu.wait_dma2 semaphore(%arg14 : memref<!tpu.dma_semaphore, #tpu.memory_space<semaphore_mem>>) src(%dma_wait3A_212 : memref<128x128xf32, #tpu.memory_space<vmem>>) dst(%dma_wait3A_208 : memref<128x128xf32, #tpu.memory_space<vmem_shared>>)
    %add3A_213 = arith.constant 384 : i32
    %add3A_214 = arith.addi %multiple_of3A_92, %add3A_213 : i32
    %dma_wait3A_215 = arith.constant 2 : i32
    %dma_wait3A_216 = arith.constant 0 : i32
    %dma_wait3A_217 = arith.constant 0 : i32
    %dma_wait3A_218 = tpu.memref_slice %arg9[%dma_wait3A_215, %dma_wait3A_216, %dma_wait3A_217] : memref<3x128x128xf32, #tpu.memory_space<vmem>> -> memref<1x128x128xf32, #tpu.memory_space<vmem>>
    %dma_wait3A_219 = tpu.memref_squeeze %dma_wait3A_218 : memref<1x128x128xf32, #tpu.memory_space<vmem>> -> memref<128x128xf32, #tpu.memory_space<vmem>>
    %dma_wait3A_220 = arith.constant 0 : i32
    %dma_wait3A_221 = tpu.memref_slice %arg6[%add3A_214, %dma_wait3A_220] : memref<10112x128xf32, #tpu.memory_space<vmem_shared>> -> memref<128x128xf32, #tpu.memory_space<vmem_shared>>
    %dma_wait3A_222 = arith.constant 0 : i32
    %dma_wait3A_223 = tpu.memref_slice %arg6[%add3A_214, %dma_wait3A_222] : memref<10112x128xf32, #tpu.memory_space<vmem_shared>> -> memref<128x128xf32, #tpu.memory_space<vmem_shared>>
    %dma_wait3A_224 = arith.constant 0 : i32
    %dma_wait3A_225 = arith.constant 0 : i32
    %dma_wait3A_226 = tpu.memref_slice %arg9[%dma_wait3A_215, %dma_wait3A_224, %dma_wait3A_225] : memref<3x128x128xf32, #tpu.memory_space<vmem>> -> memref<1x128x128xf32, #tpu.memory_space<vmem>>
    %dma_wait3A_227 = tpu.memref_squeeze %dma_wait3A_226 : memref<1x128x128xf32, #tpu.memory_space<vmem>> -> memref<128x128xf32, #tpu.memory_space<vmem>>
    tpu.wait_dma2 semaphore(%arg14 : memref<!tpu.dma_semaphore, #tpu.memory_space<semaphore_mem>>) src(%dma_wait3A_227 : memref<128x128xf32, #tpu.memory_space<vmem>>) dst(%dma_wait3A_223 : memref<128x128xf32, #tpu.memory_space<vmem_shared>>)
    %add3A_228 = arith.constant 512 : i32
    %add3A_229 = arith.addi %multiple_of3A_92, %add3A_228 : i32
    %dma_wait3A_230 = arith.constant 2 : i32
    %dma_wait3A_231 = arith.constant 0 : i32
    %dma_wait3A_232 = arith.constant 0 : i32
    %dma_wait3A_233 = tpu.memref_slice %arg9[%dma_wait3A_230, %dma_wait3A_231, %dma_wait3A_232] : memref<3x128x128xf32, #tpu.memory_space<vmem>> -> memref<1x120x128xf32, #tpu.memory_space<vmem>>
    %dma_wait3A_234 = tpu.memref_squeeze %dma_wait3A_233 : memref<1x120x128xf32, #tpu.memory_space<vmem>> -> memref<120x128xf32, #tpu.memory_space<vmem>>
    %dma_wait3A_235 = arith.constant 0 : i32
    %dma_wait3A_236 = tpu.memref_slice %arg6[%add3A_229, %dma_wait3A_235] : memref<10112x128xf32, #tpu.memory_space<vmem_shared>> -> memref<120x128xf32, #tpu.memory_space<vmem_shared>>
    %dma_wait3A_237 = arith.constant 0 : i32
    %dma_wait3A_238 = tpu.memref_slice %arg6[%add3A_229, %dma_wait3A_237] : memref<10112x128xf32, #tpu.memory_space<vmem_shared>> -> memref<120x128xf32, #tpu.memory_space<vmem_shared>>
    %dma_wait3A_239 = arith.constant 0 : i32
    %dma_wait3A_240 = arith.constant 0 : i32
    %dma_wait3A_241 = tpu.memref_slice %arg9[%dma_wait3A_230, %dma_wait3A_239, %dma_wait3A_240] : memref<3x128x128xf32, #tpu.memory_space<vmem>> -> memref<1x120x128xf32, #tpu.memory_space<vmem>>
    %dma_wait3A_242 = tpu.memref_squeeze %dma_wait3A_241 : memref<1x120x128xf32, #tpu.memory_space<vmem>> -> memref<120x128xf32, #tpu.memory_space<vmem>>
    tpu.wait_dma2 semaphore(%arg14 : memref<!tpu.dma_semaphore, #tpu.memory_space<semaphore_mem>>) src(%dma_wait3A_242 : memref<120x128xf32, #tpu.memory_space<vmem>>) dst(%dma_wait3A_238 : memref<120x128xf32, #tpu.memory_space<vmem_shared>>)
    %barrier3A = arith.constant 0 : index
    tpu.barrier barrier_id(%barrier3A)
    %scan3A_243 = arith.constant 0 : i32
    %scan3A_244 = arith.constant 0 : i32
    %scan3A_245 = arith.constant 80 : i32
    %scan3A_246 = arith.addi %scan3A_244, %scan3A_245 : i32
    %scan3A_247 = arith.constant 1 : i32
    scf.for %scan3A_507 = %scan3A_244 to %scan3A_246 step %scan3A_247  : i32 {
      %rem3A = arith.constant 2 : i32
      %rem3A_508 = arith.remsi %scan3A_507, %rem3A : i32
      %rem3A_509 = arith.constant 3 : i32
      %rem3A_510 = arith.remsi %scan3A_507, %rem3A_509 : i32
      %add3A_511 = arith.constant 2 : i32
      %add3A_512 = arith.addi %scan3A_507, %add3A_511 : i32
      %rem3A_513 = arith.constant 3 : i32
      %rem3A_514 = arith.remsi %add3A_512, %rem3A_513 : i32
      %rem3A_515 = arith.constant 4 : i32
      %rem3A_516 = arith.remsi %scan3A_507, %rem3A_515 : i32
      %add3A_517 = arith.constant 2 : i32
      %add3A_518 = arith.addi %scan3A_507, %add3A_517 : i32
      %rem3A_519 = arith.constant 4 : i32
      %rem3A_520 = arith.remsi %add3A_518, %rem3A_519 : i32
      %add3A_521 = arith.constant 2 : i32
      %add3A_522 = arith.addi %scan3A_507, %add3A_521 : i32
      %mul3A_523 = arith.constant 128 : i32
      %mul3A_524 = arith.muli %add3A_522, %mul3A_523 : i32
      %add3A_525 = arith.addi %mul3A_2, %mul3A_524 : i32
      %multiple_of3A_526 = tpu.assume_multiple %add3A_525, 8 : i32
      %add3A_527 = arith.constant 4 : i32
      %add3A_528 = arith.addi %scan3A_507, %add3A_527 : i32
      %mul3A_529 = arith.constant 128 : i32
      %mul3A_530 = arith.muli %add3A_528, %mul3A_529 : i32
      %add3A_531 = arith.addi %mul3A_2, %mul3A_530 : i32
      %multiple_of3A_532 = tpu.assume_multiple %add3A_531, 8 : i32
      %eq3A = arith.constant 0 : i32
      %eq3A_533 = arith.cmpi eq, %rem3A_508, %eq3A : i32
      %convert_element_type3A = arith.extui %eq3A_533 : i1 to i32
      %cond3A = arith.constant 0 : i32
      %cond3A_534 = arith.cmpi ne, %convert_element_type3A, %cond3A : i32
      scf.if %cond3A_534 {
        %dma_wait3A_601 = arith.constant 0 : i32
        %dma_wait3A_602 = arith.constant 0 : i32
        %dma_wait3A_603 = tpu.memref_slice %arg9[%rem3A_510, %dma_wait3A_601, %dma_wait3A_602] : memref<3x128x128xf32, #tpu.memory_space<vmem>> -> memref<1x128x128xf32, #tpu.memory_space<vmem>>
        %dma_wait3A_604 = tpu.memref_squeeze %dma_wait3A_603 : memref<1x128x128xf32, #tpu.memory_space<vmem>> -> memref<128x128xf32, #tpu.memory_space<vmem>>
        %dma_wait3A_605 = arith.constant 0 : i32
        %dma_wait3A_606 = tpu.memref_slice %arg7[%rem3A_516, %dma_wait3A_605] : memref<4x128xi32, #tpu.memory_space<vmem>> -> memref<1x128xi32, #tpu.memory_space<vmem>>
        %dma_wait3A_607 = tpu.memref_squeeze %dma_wait3A_606 : memref<1x128xi32, #tpu.memory_space<vmem>> -> memref<128xi32, #tpu.memory_space<vmem>>
        %dma_wait3A_608 = arith.constant 0 : i32
        %dma_wait3A_609 = arith.constant 0 : i32
        %dma_wait3A_610 = tpu.memref_slice %arg2[%dma_wait3A_608, %dma_wait3A_609] : memref<10000x128xf32, #tpu.memory_space<hbm>> -> memref<10000x128xf32, #tpu.memory_space<hbm>>
        tpu.wait_indirect_dma semaphore(%arg10 : memref<!tpu.dma_semaphore, #tpu.memory_space<semaphore_mem>>) src(%dma_wait3A_610 : memref<10000x128xf32, #tpu.memory_space<hbm>>) dst(%dma_wait3A_604 : memref<128x128xf32, #tpu.memory_space<vmem>>)
      } else {
      }
      %eq3A_535 = arith.constant 1 : i32
      %eq3A_536 = arith.cmpi eq, %rem3A_508, %eq3A_535 : i32
      %convert_element_type3A_537 = arith.extui %eq3A_536 : i1 to i32
      %cond3A_538 = arith.constant 0 : i32
      %cond3A_539 = arith.cmpi ne, %convert_element_type3A_537, %cond3A_538 : i32
      scf.if %cond3A_539 {
        %dma_wait3A_601 = arith.constant 0 : i32
        %dma_wait3A_602 = arith.constant 0 : i32
        %dma_wait3A_603 = tpu.memref_slice %arg9[%rem3A_510, %dma_wait3A_601, %dma_wait3A_602] : memref<3x128x128xf32, #tpu.memory_space<vmem>> -> memref<1x128x128xf32, #tpu.memory_space<vmem>>
        %dma_wait3A_604 = tpu.memref_squeeze %dma_wait3A_603 : memref<1x128x128xf32, #tpu.memory_space<vmem>> -> memref<128x128xf32, #tpu.memory_space<vmem>>
        %dma_wait3A_605 = arith.constant 0 : i32
        %dma_wait3A_606 = tpu.memref_slice %arg7[%rem3A_516, %dma_wait3A_605] : memref<4x128xi32, #tpu.memory_space<vmem>> -> memref<1x128xi32, #tpu.memory_space<vmem>>
        %dma_wait3A_607 = tpu.memref_squeeze %dma_wait3A_606 : memref<1x128xi32, #tpu.memory_space<vmem>> -> memref<128xi32, #tpu.memory_space<vmem>>
        %dma_wait3A_608 = arith.constant 0 : i32
        %dma_wait3A_609 = arith.constant 0 : i32
        %dma_wait3A_610 = tpu.memref_slice %arg2[%dma_wait3A_608, %dma_wait3A_609] : memref<10000x128xf32, #tpu.memory_space<hbm>> -> memref<10000x128xf32, #tpu.memory_space<hbm>>
        tpu.wait_indirect_dma semaphore(%arg11 : memref<!tpu.dma_semaphore, #tpu.memory_space<semaphore_mem>>) src(%dma_wait3A_610 : memref<10000x128xf32, #tpu.memory_space<hbm>>) dst(%dma_wait3A_604 : memref<128x128xf32, #tpu.memory_space<vmem>>)
      } else {
      }
      %gt3A = arith.constant 0 : i32
      %gt3A_540 = arith.cmpi sgt, %scan3A_507, %gt3A : i32
      %convert_element_type3A_541 = arith.extui %gt3A_540 : i1 to i32
      %cond3A_542 = arith.constant 0 : i32
      %cond3A_543 = arith.cmpi ne, %convert_element_type3A_541, %cond3A_542 : i32
      scf.if %cond3A_543 {
        %dma_wait3A_601 = arith.constant 0 : i32
        %dma_wait3A_602 = arith.constant 0 : i32
        %dma_wait3A_603 = tpu.memref_slice %arg9[%rem3A_514, %dma_wait3A_601, %dma_wait3A_602] : memref<3x128x128xf32, #tpu.memory_space<vmem>> -> memref<1x128x128xf32, #tpu.memory_space<vmem>>
        %dma_wait3A_604 = tpu.memref_squeeze %dma_wait3A_603 : memref<1x128x128xf32, #tpu.memory_space<vmem>> -> memref<128x128xf32, #tpu.memory_space<vmem>>
        %dma_wait3A_605 = arith.constant 0 : i32
        %dma_wait3A_606 = tpu.memref_slice %arg8[%rem3A_514, %dma_wait3A_605] : memref<3x128xi32, #tpu.memory_space<vmem>> -> memref<1x128xi32, #tpu.memory_space<vmem>>
        %dma_wait3A_607 = tpu.memref_squeeze %dma_wait3A_606 : memref<1x128xi32, #tpu.memory_space<vmem>> -> memref<128xi32, #tpu.memory_space<vmem>>
        %dma_wait3A_608 = arith.constant 0 : i32
        %dma_wait3A_609 = arith.constant 0 : i32
        %dma_wait3A_610 = tpu.memref_slice %arg6[%dma_wait3A_608, %dma_wait3A_609] : memref<10112x128xf32, #tpu.memory_space<vmem_shared>> -> memref<10112x128xf32, #tpu.memory_space<vmem_shared>>
        tpu.wait_indirect_dma semaphore(%arg14 : memref<!tpu.dma_semaphore, #tpu.memory_space<semaphore_mem>>) src(%dma_wait3A_604 : memref<128x128xf32, #tpu.memory_space<vmem>>) dst(%dma_wait3A_610 : memref<10112x128xf32, #tpu.memory_space<vmem_shared>>)
      } else {
      }
      %eq3A_544 = arith.constant 0 : i32
      %eq3A_545 = arith.cmpi eq, %scan3A_507, %eq3A_544 : i32
      %convert_element_type3A_546 = arith.extui %eq3A_545 : i1 to i32
      %cond3A_547 = arith.constant 0 : i32
      %cond3A_548 = arith.cmpi ne, %convert_element_type3A_546, %cond3A_547 : i32
      scf.if %cond3A_548 {
        %dma_wait3A_601 = arith.constant 0 : i32
        %dma_wait3A_602 = tpu.memref_slice %arg7[%rem3A_520, %dma_wait3A_601] : memref<4x128xi32, #tpu.memory_space<vmem>> -> memref<1x128xi32, #tpu.memory_space<vmem>>
        %dma_wait3A_603 = tpu.memref_squeeze %dma_wait3A_602 : memref<1x128xi32, #tpu.memory_space<vmem>> -> memref<128xi32, #tpu.memory_space<vmem>>
        %dma_wait3A_604 = tpu.memref_slice %arg3[%multiple_of3A_526] : memref<328192xi32, #tpu.memory_space<hbm>> -> memref<128xi32, #tpu.memory_space<hbm>>
        %dma_wait3A_605 = arith.constant 0 : i32
        %dma_wait3A_606 = tpu.memref_slice %arg7[%rem3A_520, %dma_wait3A_605] : memref<4x128xi32, #tpu.memory_space<vmem>> -> memref<1x128xi32, #tpu.memory_space<vmem>>
        %dma_wait3A_607 = tpu.memref_squeeze %dma_wait3A_606 : memref<1x128xi32, #tpu.memory_space<vmem>> -> memref<128xi32, #tpu.memory_space<vmem>>
        %dma_wait3A_608 = tpu.memref_slice %arg3[%multiple_of3A_526] : memref<328192xi32, #tpu.memory_space<hbm>> -> memref<128xi32, #tpu.memory_space<hbm>>
        tpu.wait_dma2 semaphore(%arg12 : memref<!tpu.dma_semaphore, #tpu.memory_space<semaphore_mem>>) src(%dma_wait3A_608 : memref<128xi32, #tpu.memory_space<hbm>>) dst(%dma_wait3A_607 : memref<128xi32, #tpu.memory_space<vmem>>)
      } else {
      }
      %dma_wait3A_549 = arith.constant 0 : i32
      %dma_wait3A_550 = tpu.memref_slice %arg7[%rem3A_520, %dma_wait3A_549] : memref<4x128xi32, #tpu.memory_space<vmem>> -> memref<1x128xi32, #tpu.memory_space<vmem>>
      %dma_wait3A_551 = tpu.memref_squeeze %dma_wait3A_550 : memref<1x128xi32, #tpu.memory_space<vmem>> -> memref<128xi32, #tpu.memory_space<vmem>>
      %dma_wait3A_552 = tpu.memref_slice %arg3[%multiple_of3A_526] : memref<328192xi32, #tpu.memory_space<hbm>> -> memref<128xi32, #tpu.memory_space<hbm>>
      %dma_wait3A_553 = arith.constant 0 : i32
      %dma_wait3A_554 = tpu.memref_slice %arg7[%rem3A_520, %dma_wait3A_553] : memref<4x128xi32, #tpu.memory_space<vmem>> -> memref<1x128xi32, #tpu.memory_space<vmem>>
      %dma_wait3A_555 = tpu.memref_squeeze %dma_wait3A_554 : memref<1x128xi32, #tpu.memory_space<vmem>> -> memref<128xi32, #tpu.memory_space<vmem>>
      %dma_wait3A_556 = tpu.memref_slice %arg3[%multiple_of3A_526] : memref<328192xi32, #tpu.memory_space<hbm>> -> memref<128xi32, #tpu.memory_space<hbm>>
      tpu.wait_dma2 semaphore(%arg12 : memref<!tpu.dma_semaphore, #tpu.memory_space<semaphore_mem>>) src(%dma_wait3A_556 : memref<128xi32, #tpu.memory_space<hbm>>) dst(%dma_wait3A_555 : memref<128xi32, #tpu.memory_space<vmem>>)
      %eq3A_557 = arith.constant 0 : i32
      %eq3A_558 = arith.cmpi eq, %rem3A_508, %eq3A_557 : i32
      %convert_element_type3A_559 = arith.extui %eq3A_558 : i1 to i32
      %cond3A_560 = arith.constant 0 : i32
      %cond3A_561 = arith.cmpi ne, %convert_element_type3A_559, %cond3A_560 : i32
      scf.if %cond3A_561 {
        %dma_start3A_601 = arith.constant 0 : i32
        %dma_start3A_602 = arith.constant 0 : i32
        %dma_start3A_603 = tpu.memref_slice %arg9[%rem3A_514, %dma_start3A_601, %dma_start3A_602] : memref<3x128x128xf32, #tpu.memory_space<vmem>> -> memref<1x128x128xf32, #tpu.memory_space<vmem>>
        %dma_start3A_604 = tpu.memref_squeeze %dma_start3A_603 : memref<1x128x128xf32, #tpu.memory_space<vmem>> -> memref<128x128xf32, #tpu.memory_space<vmem>>
        %dma_start3A_605 = arith.constant 0 : i32
        %dma_start3A_606 = tpu.memref_slice %arg7[%rem3A_520, %dma_start3A_605] : memref<4x128xi32, #tpu.memory_space<vmem>> -> memref<1x128xi32, #tpu.memory_space<vmem>>
        %dma_start3A_607 = tpu.memref_squeeze %dma_start3A_606 : memref<1x128xi32, #tpu.memory_space<vmem>> -> memref<128xi32, #tpu.memory_space<vmem>>
        %dma_start3A_608 = arith.constant 0 : i32
        %dma_start3A_609 = arith.constant 0 : i32
        %dma_start3A_610 = tpu.memref_slice %arg2[%dma_start3A_608, %dma_start3A_609] : memref<10000x128xf32, #tpu.memory_space<hbm>> -> memref<10000x128xf32, #tpu.memory_space<hbm>>
        tpu.enqueue_indirect_dma source(%dma_start3A_610 : memref<10000x128xf32, #tpu.memory_space<hbm>>) target(%dma_start3A_604 : memref<128x128xf32, #tpu.memory_space<vmem>>) offsets(%dma_start3A_607 : memref<128xi32, #tpu.memory_space<vmem>>) semaphore(%arg10 : memref<!tpu.dma_semaphore, #tpu.memory_space<semaphore_mem>>)
      } else {
      }
      %eq3A_562 = arith.constant 1 : i32
      %eq3A_563 = arith.cmpi eq, %rem3A_508, %eq3A_562 : i32
      %convert_element_type3A_564 = arith.extui %eq3A_563 : i1 to i32
      %cond3A_565 = arith.constant 0 : i32
      %cond3A_566 = arith.cmpi ne, %convert_element_type3A_564, %cond3A_565 : i32
      scf.if %cond3A_566 {
        %dma_start3A_601 = arith.constant 0 : i32
        %dma_start3A_602 = arith.constant 0 : i32
        %dma_start3A_603 = tpu.memref_slice %arg9[%rem3A_514, %dma_start3A_601, %dma_start3A_602] : memref<3x128x128xf32, #tpu.memory_space<vmem>> -> memref<1x128x128xf32, #tpu.memory_space<vmem>>
        %dma_start3A_604 = tpu.memref_squeeze %dma_start3A_603 : memref<1x128x128xf32, #tpu.memory_space<vmem>> -> memref<128x128xf32, #tpu.memory_space<vmem>>
        %dma_start3A_605 = arith.constant 0 : i32
        %dma_start3A_606 = tpu.memref_slice %arg7[%rem3A_520, %dma_start3A_605] : memref<4x128xi32, #tpu.memory_space<vmem>> -> memref<1x128xi32, #tpu.memory_space<vmem>>
        %dma_start3A_607 = tpu.memref_squeeze %dma_start3A_606 : memref<1x128xi32, #tpu.memory_space<vmem>> -> memref<128xi32, #tpu.memory_space<vmem>>
        %dma_start3A_608 = arith.constant 0 : i32
        %dma_start3A_609 = arith.constant 0 : i32
        %dma_start3A_610 = tpu.memref_slice %arg2[%dma_start3A_608, %dma_start3A_609] : memref<10000x128xf32, #tpu.memory_space<hbm>> -> memref<10000x128xf32, #tpu.memory_space<hbm>>
        tpu.enqueue_indirect_dma source(%dma_start3A_610 : memref<10000x128xf32, #tpu.memory_space<hbm>>) target(%dma_start3A_604 : memref<128x128xf32, #tpu.memory_space<vmem>>) offsets(%dma_start3A_607 : memref<128xi32, #tpu.memory_space<vmem>>) semaphore(%arg11 : memref<!tpu.dma_semaphore, #tpu.memory_space<semaphore_mem>>)
      } else {
      }
      %dma_start3A_567 = arith.constant 0 : i32
      %dma_start3A_568 = tpu.memref_slice %arg7[%rem3A_516, %dma_start3A_567] : memref<4x128xi32, #tpu.memory_space<vmem>> -> memref<1x128xi32, #tpu.memory_space<vmem>>
      %dma_start3A_569 = tpu.memref_squeeze %dma_start3A_568 : memref<1x128xi32, #tpu.memory_space<vmem>> -> memref<128xi32, #tpu.memory_space<vmem>>
      %dma_start3A_570 = tpu.memref_slice %arg3[%multiple_of3A_532] : memref<328192xi32, #tpu.memory_space<hbm>> -> memref<128xi32, #tpu.memory_space<hbm>>
      %dma_start3A_571 = arith.constant 0 : i32
      %dma_start3A_572 = tpu.memref_slice %arg7[%rem3A_516, %dma_start3A_571] : memref<4x128xi32, #tpu.memory_space<vmem>> -> memref<1x128xi32, #tpu.memory_space<vmem>>
      %dma_start3A_573 = tpu.memref_squeeze %dma_start3A_572 : memref<1x128xi32, #tpu.memory_space<vmem>> -> memref<128xi32, #tpu.memory_space<vmem>>
      %dma_start3A_574 = tpu.memref_slice %arg3[%multiple_of3A_532] : memref<328192xi32, #tpu.memory_space<hbm>> -> memref<128xi32, #tpu.memory_space<hbm>>
      tpu.enqueue_dma source(%dma_start3A_574 : memref<128xi32, #tpu.memory_space<hbm>>) target(%dma_start3A_573 : memref<128xi32, #tpu.memory_space<vmem>>) target_semaphore(%arg12 : memref<!tpu.dma_semaphore, #tpu.memory_space<semaphore_mem>>)
      %dma_wait3A_575 = arith.constant 0 : i32
      %dma_wait3A_576 = tpu.memref_slice %arg8[%rem3A_514, %dma_wait3A_575] : memref<3x128xi32, #tpu.memory_space<vmem>> -> memref<1x128xi32, #tpu.memory_space<vmem>>
      %dma_wait3A_577 = tpu.memref_squeeze %dma_wait3A_576 : memref<1x128xi32, #tpu.memory_space<vmem>> -> memref<128xi32, #tpu.memory_space<vmem>>
      %dma_wait3A_578 = tpu.memref_slice %arg4[%multiple_of3A_526] : memref<328192xi32, #tpu.memory_space<hbm>> -> memref<128xi32, #tpu.memory_space<hbm>>
      %dma_wait3A_579 = arith.constant 0 : i32
      %dma_wait3A_580 = tpu.memref_slice %arg8[%rem3A_514, %dma_wait3A_579] : memref<3x128xi32, #tpu.memory_space<vmem>> -> memref<1x128xi32, #tpu.memory_space<vmem>>
      %dma_wait3A_581 = tpu.memref_squeeze %dma_wait3A_580 : memref<1x128xi32, #tpu.memory_space<vmem>> -> memref<128xi32, #tpu.memory_space<vmem>>
      %dma_wait3A_582 = tpu.memref_slice %arg4[%multiple_of3A_526] : memref<328192xi32, #tpu.memory_space<hbm>> -> memref<128xi32, #tpu.memory_space<hbm>>
      tpu.wait_dma2 semaphore(%arg13 : memref<!tpu.dma_semaphore, #tpu.memory_space<semaphore_mem>>) src(%dma_wait3A_582 : memref<128xi32, #tpu.memory_space<hbm>>) dst(%dma_wait3A_581 : memref<128xi32, #tpu.memory_space<vmem>>)
      %dma_start3A_583 = arith.constant 0 : i32
      %dma_start3A_584 = arith.constant 0 : i32
      %dma_start3A_585 = tpu.memref_slice %arg9[%rem3A_510, %dma_start3A_583, %dma_start3A_584] : memref<3x128x128xf32, #tpu.memory_space<vmem>> -> memref<1x128x128xf32, #tpu.memory_space<vmem>>
      %dma_start3A_586 = tpu.memref_squeeze %dma_start3A_585 : memref<1x128x128xf32, #tpu.memory_space<vmem>> -> memref<128x128xf32, #tpu.memory_space<vmem>>
      %dma_start3A_587 = arith.constant 0 : i32
      %dma_start3A_588 = tpu.memref_slice %arg8[%rem3A_510, %dma_start3A_587] : memref<3x128xi32, #tpu.memory_space<vmem>> -> memref<1x128xi32, #tpu.memory_space<vmem>>
      %dma_start3A_589 = tpu.memref_squeeze %dma_start3A_588 : memref<1x128xi32, #tpu.memory_space<vmem>> -> memref<128xi32, #tpu.memory_space<vmem>>
      %dma_start3A_590 = arith.constant 0 : i32
      %dma_start3A_591 = arith.constant 0 : i32
      %dma_start3A_592 = tpu.memref_slice %arg6[%dma_start3A_590, %dma_start3A_591] : memref<10112x128xf32, #tpu.memory_space<vmem_shared>> -> memref<10112x128xf32, #tpu.memory_space<vmem_shared>>
      tpu.enqueue_indirect_dma source(%dma_start3A_586 : memref<128x128xf32, #tpu.memory_space<vmem>>) target(%dma_start3A_592 : memref<10112x128xf32, #tpu.memory_space<vmem_shared>>) offsets(%dma_start3A_589 : memref<128xi32, #tpu.memory_space<vmem>>) semaphore(%arg14 : memref<!tpu.dma_semaphore, #tpu.memory_space<semaphore_mem>>) {add = true}
      %dma_start3A_593 = arith.constant 0 : i32
      %dma_start3A_594 = tpu.memref_slice %arg8[%rem3A_514, %dma_start3A_593] : memref<3x128xi32, #tpu.memory_space<vmem>> -> memref<1x128xi32, #tpu.memory_space<vmem>>
      %dma_start3A_595 = tpu.memref_squeeze %dma_start3A_594 : memref<1x128xi32, #tpu.memory_space<vmem>> -> memref<128xi32, #tpu.memory_space<vmem>>
      %dma_start3A_596 = tpu.memref_slice %arg4[%multiple_of3A_526] : memref<328192xi32, #tpu.memory_space<hbm>> -> memref<128xi32, #tpu.memory_space<hbm>>
      %dma_start3A_597 = arith.constant 0 : i32
      %dma_start3A_598 = tpu.memref_slice %arg8[%rem3A_514, %dma_start3A_597] : memref<3x128xi32, #tpu.memory_space<vmem>> -> memref<1x128xi32, #tpu.memory_space<vmem>>
      %dma_start3A_599 = tpu.memref_squeeze %dma_start3A_598 : memref<1x128xi32, #tpu.memory_space<vmem>> -> memref<128xi32, #tpu.memory_space<vmem>>
      %dma_start3A_600 = tpu.memref_slice %arg4[%multiple_of3A_526] : memref<328192xi32, #tpu.memory_space<hbm>> -> memref<128xi32, #tpu.memory_space<hbm>>
      tpu.enqueue_dma source(%dma_start3A_600 : memref<128xi32, #tpu.memory_space<hbm>>) target(%dma_start3A_599 : memref<128xi32, #tpu.memory_space<vmem>>) target_semaphore(%arg13 : memref<!tpu.dma_semaphore, #tpu.memory_space<semaphore_mem>>)
    }
    %scan3A_248 = arith.constant 80 : i32
    %dma_wait3A_249 = arith.constant 0 : i32
    %dma_wait3A_250 = arith.constant 2 : i32
    %dma_wait3A_251 = arith.constant 0 : i32
    %dma_wait3A_252 = arith.constant 0 : i32
    %dma_wait3A_253 = tpu.memref_slice %arg9[%dma_wait3A_250, %dma_wait3A_251, %dma_wait3A_252] : memref<3x128x128xf32, #tpu.memory_space<vmem>> -> memref<1x128x128xf32, #tpu.memory_space<vmem>>
    %dma_wait3A_254 = tpu.memref_squeeze %dma_wait3A_253 : memref<1x128x128xf32, #tpu.memory_space<vmem>> -> memref<128x128xf32, #tpu.memory_space<vmem>>
    %dma_wait3A_255 = arith.constant 0 : i32
    %dma_wait3A_256 = tpu.memref_slice %arg7[%dma_wait3A_249, %dma_wait3A_255] : memref<4x128xi32, #tpu.memory_space<vmem>> -> memref<1x128xi32, #tpu.memory_space<vmem>>
    %dma_wait3A_257 = tpu.memref_squeeze %dma_wait3A_256 : memref<1x128xi32, #tpu.memory_space<vmem>> -> memref<128xi32, #tpu.memory_space<vmem>>
    %dma_wait3A_258 = arith.constant 0 : i32
    %dma_wait3A_259 = arith.constant 0 : i32
    %dma_wait3A_260 = tpu.memref_slice %arg2[%dma_wait3A_258, %dma_wait3A_259] : memref<10000x128xf32, #tpu.memory_space<hbm>> -> memref<10000x128xf32, #tpu.memory_space<hbm>>
    tpu.wait_indirect_dma semaphore(%arg10 : memref<!tpu.dma_semaphore, #tpu.memory_space<semaphore_mem>>) src(%dma_wait3A_260 : memref<10000x128xf32, #tpu.memory_space<hbm>>) dst(%dma_wait3A_254 : memref<128x128xf32, #tpu.memory_space<vmem>>)
    %dma_wait3A_261 = arith.constant 1 : i32
    %dma_wait3A_262 = arith.constant 0 : i32
    %dma_wait3A_263 = arith.constant 0 : i32
    %dma_wait3A_264 = arith.constant 0 : i32
    %dma_wait3A_265 = tpu.memref_slice %arg9[%dma_wait3A_262, %dma_wait3A_263, %dma_wait3A_264] : memref<3x128x128xf32, #tpu.memory_space<vmem>> -> memref<1x128x128xf32, #tpu.memory_space<vmem>>
    %dma_wait3A_266 = tpu.memref_squeeze %dma_wait3A_265 : memref<1x128x128xf32, #tpu.memory_space<vmem>> -> memref<128x128xf32, #tpu.memory_space<vmem>>
    %dma_wait3A_267 = arith.constant 0 : i32
    %dma_wait3A_268 = tpu.memref_slice %arg7[%dma_wait3A_261, %dma_wait3A_267] : memref<4x128xi32, #tpu.memory_space<vmem>> -> memref<1x128xi32, #tpu.memory_space<vmem>>
    %dma_wait3A_269 = tpu.memref_squeeze %dma_wait3A_268 : memref<1x128xi32, #tpu.memory_space<vmem>> -> memref<128xi32, #tpu.memory_space<vmem>>
    %dma_wait3A_270 = arith.constant 0 : i32
    %dma_wait3A_271 = arith.constant 0 : i32
    %dma_wait3A_272 = tpu.memref_slice %arg2[%dma_wait3A_270, %dma_wait3A_271] : memref<10000x128xf32, #tpu.memory_space<hbm>> -> memref<10000x128xf32, #tpu.memory_space<hbm>>
    tpu.wait_indirect_dma semaphore(%arg11 : memref<!tpu.dma_semaphore, #tpu.memory_space<semaphore_mem>>) src(%dma_wait3A_272 : memref<10000x128xf32, #tpu.memory_space<hbm>>) dst(%dma_wait3A_266 : memref<128x128xf32, #tpu.memory_space<vmem>>)
    %dma_wait3A_273 = arith.constant 1 : i32
    %dma_wait3A_274 = arith.constant 1 : i32
    %dma_wait3A_275 = arith.constant 0 : i32
    %dma_wait3A_276 = arith.constant 0 : i32
    %dma_wait3A_277 = tpu.memref_slice %arg9[%dma_wait3A_273, %dma_wait3A_275, %dma_wait3A_276] : memref<3x128x128xf32, #tpu.memory_space<vmem>> -> memref<1x128x128xf32, #tpu.memory_space<vmem>>
    %dma_wait3A_278 = tpu.memref_squeeze %dma_wait3A_277 : memref<1x128x128xf32, #tpu.memory_space<vmem>> -> memref<128x128xf32, #tpu.memory_space<vmem>>
    %dma_wait3A_279 = arith.constant 0 : i32
    %dma_wait3A_280 = tpu.memref_slice %arg8[%dma_wait3A_274, %dma_wait3A_279] : memref<3x128xi32, #tpu.memory_space<vmem>> -> memref<1x128xi32, #tpu.memory_space<vmem>>
    %dma_wait3A_281 = tpu.memref_squeeze %dma_wait3A_280 : memref<1x128xi32, #tpu.memory_space<vmem>> -> memref<128xi32, #tpu.memory_space<vmem>>
    %dma_wait3A_282 = arith.constant 0 : i32
    %dma_wait3A_283 = arith.constant 0 : i32
    %dma_wait3A_284 = tpu.memref_slice %arg6[%dma_wait3A_282, %dma_wait3A_283] : memref<10112x128xf32, #tpu.memory_space<vmem_shared>> -> memref<10112x128xf32, #tpu.memory_space<vmem_shared>>
    tpu.wait_indirect_dma semaphore(%arg14 : memref<!tpu.dma_semaphore, #tpu.memory_space<semaphore_mem>>) src(%dma_wait3A_278 : memref<128x128xf32, #tpu.memory_space<vmem>>) dst(%dma_wait3A_284 : memref<10112x128xf32, #tpu.memory_space<vmem_shared>>)
    %dma_wait3A_285 = arith.constant 0 : i32
    %dma_wait3A_286 = arith.constant 0 : i32
    %dma_wait3A_287 = tpu.memref_slice %arg7[%dma_wait3A_285, %dma_wait3A_286] : memref<4x128xi32, #tpu.memory_space<vmem>> -> memref<1x128xi32, #tpu.memory_space<vmem>>
    %dma_wait3A_288 = tpu.memref_squeeze %dma_wait3A_287 : memref<1x128xi32, #tpu.memory_space<vmem>> -> memref<128xi32, #tpu.memory_space<vmem>>
    %dma_wait3A_289 = tpu.memref_slice %arg3[%mul3A_2] : memref<328192xi32, #tpu.memory_space<hbm>> -> memref<128xi32, #tpu.memory_space<hbm>>
    %dma_wait3A_290 = arith.constant 0 : i32
    %dma_wait3A_291 = tpu.memref_slice %arg7[%dma_wait3A_285, %dma_wait3A_290] : memref<4x128xi32, #tpu.memory_space<vmem>> -> memref<1x128xi32, #tpu.memory_space<vmem>>
    %dma_wait3A_292 = tpu.memref_squeeze %dma_wait3A_291 : memref<1x128xi32, #tpu.memory_space<vmem>> -> memref<128xi32, #tpu.memory_space<vmem>>
    %dma_wait3A_293 = tpu.memref_slice %arg3[%mul3A_2] : memref<328192xi32, #tpu.memory_space<hbm>> -> memref<128xi32, #tpu.memory_space<hbm>>
    tpu.wait_dma2 semaphore(%arg12 : memref<!tpu.dma_semaphore, #tpu.memory_space<semaphore_mem>>) src(%dma_wait3A_293 : memref<128xi32, #tpu.memory_space<hbm>>) dst(%dma_wait3A_292 : memref<128xi32, #tpu.memory_space<vmem>>)
    %dma_wait3A_294 = arith.constant 0 : i32
    %dma_wait3A_295 = arith.constant 0 : i32
    %dma_wait3A_296 = tpu.memref_slice %arg8[%dma_wait3A_294, %dma_wait3A_295] : memref<3x128xi32, #tpu.memory_space<vmem>> -> memref<1x128xi32, #tpu.memory_space<vmem>>
    %dma_wait3A_297 = tpu.memref_squeeze %dma_wait3A_296 : memref<1x128xi32, #tpu.memory_space<vmem>> -> memref<128xi32, #tpu.memory_space<vmem>>
    %dma_wait3A_298 = tpu.memref_slice %arg4[%mul3A_2] : memref<328192xi32, #tpu.memory_space<hbm>> -> memref<128xi32, #tpu.memory_space<hbm>>
    %dma_wait3A_299 = arith.constant 0 : i32
    %dma_wait3A_300 = tpu.memref_slice %arg8[%dma_wait3A_294, %dma_wait3A_299] : memref<3x128xi32, #tpu.memory_space<vmem>> -> memref<1x128xi32, #tpu.memory_space<vmem>>
    %dma_wait3A_301 = tpu.memref_squeeze %dma_wait3A_300 : memref<1x128xi32, #tpu.memory_space<vmem>> -> memref<128xi32, #tpu.memory_space<vmem>>
    %dma_wait3A_302 = tpu.memref_slice %arg4[%mul3A_2] : memref<328192xi32, #tpu.memory_space<hbm>> -> memref<128xi32, #tpu.memory_space<hbm>>
    tpu.wait_dma2 semaphore(%arg13 : memref<!tpu.dma_semaphore, #tpu.memory_space<semaphore_mem>>) src(%dma_wait3A_302 : memref<128xi32, #tpu.memory_space<hbm>>) dst(%dma_wait3A_301 : memref<128xi32, #tpu.memory_space<vmem>>)
    %barrier3A_303 = arith.constant 0 : index
    tpu.barrier barrier_id(%barrier3A_303)
    %mul3A_304 = arith.constant 632 : i32
    %mul3A_305 = arith.muli %arg1, %mul3A_304 : i32
    %multiple_of3A_306 = tpu.assume_multiple %mul3A_305, 8 : i32
    %add3A_307 = arith.constant 0 : i32
    %add3A_308 = arith.addi %multiple_of3A_306, %add3A_307 : i32
    %multiple_of3A_309 = tpu.assume_multiple %add3A_308, 8 : i32
    %run_scoped3A_310 = arith.constant 0 : i32
    "tpu.region"() ({
      %run_scoped3A_507 = tpu.sem_alloc : memref<!tpu.dma_semaphore, #tpu.memory_space<semaphore_mem>>
      %dma_start3A_508 = arith.constant 0 : i32
      %dma_start3A_509 = arith.constant 0 : i32
      %dma_start3A_510 = tpu.memref_slice %arg9[%run_scoped3A_310, %dma_start3A_508, %dma_start3A_509] : memref<3x128x128xf32, #tpu.memory_space<vmem>> -> memref<1x128x128xf32, #tpu.memory_space<vmem>>
      %dma_start3A_511 = tpu.memref_squeeze %dma_start3A_510 : memref<1x128x128xf32, #tpu.memory_space<vmem>> -> memref<128x128xf32, #tpu.memory_space<vmem>>
      %dma_start3A_512 = arith.constant 0 : i32
      %dma_start3A_513 = tpu.memref_slice %arg6[%multiple_of3A_309, %dma_start3A_512] : memref<10112x128xf32, #tpu.memory_space<vmem_shared>> -> memref<128x128xf32, #tpu.memory_space<vmem_shared>>
      %dma_start3A_514 = arith.constant 0 : i32
      %dma_start3A_515 = arith.constant 0 : i32
      %dma_start3A_516 = tpu.memref_slice %arg9[%run_scoped3A_310, %dma_start3A_514, %dma_start3A_515] : memref<3x128x128xf32, #tpu.memory_space<vmem>> -> memref<1x128x128xf32, #tpu.memory_space<vmem>>
      %dma_start3A_517 = tpu.memref_squeeze %dma_start3A_516 : memref<1x128x128xf32, #tpu.memory_space<vmem>> -> memref<128x128xf32, #tpu.memory_space<vmem>>
      %dma_start3A_518 = arith.constant 0 : i32
      %dma_start3A_519 = tpu.memref_slice %arg6[%multiple_of3A_309, %dma_start3A_518] : memref<10112x128xf32, #tpu.memory_space<vmem_shared>> -> memref<128x128xf32, #tpu.memory_space<vmem_shared>>
      tpu.enqueue_dma source(%dma_start3A_519 : memref<128x128xf32, #tpu.memory_space<vmem_shared>>) target(%dma_start3A_517 : memref<128x128xf32, #tpu.memory_space<vmem>>) target_semaphore(%run_scoped3A_507 : memref<!tpu.dma_semaphore, #tpu.memory_space<semaphore_mem>>)
      %dma_wait3A_520 = arith.constant 0 : i32
      %dma_wait3A_521 = arith.constant 0 : i32
      %dma_wait3A_522 = tpu.memref_slice %arg9[%run_scoped3A_310, %dma_wait3A_520, %dma_wait3A_521] : memref<3x128x128xf32, #tpu.memory_space<vmem>> -> memref<1x128x128xf32, #tpu.memory_space<vmem>>
      %dma_wait3A_523 = tpu.memref_squeeze %dma_wait3A_522 : memref<1x128x128xf32, #tpu.memory_space<vmem>> -> memref<128x128xf32, #tpu.memory_space<vmem>>
      %dma_wait3A_524 = arith.constant 0 : i32
      %dma_wait3A_525 = tpu.memref_slice %arg6[%multiple_of3A_309, %dma_wait3A_524] : memref<10112x128xf32, #tpu.memory_space<vmem_shared>> -> memref<128x128xf32, #tpu.memory_space<vmem_shared>>
      %dma_wait3A_526 = arith.constant 0 : i32
      %dma_wait3A_527 = arith.constant 0 : i32
      %dma_wait3A_528 = tpu.memref_slice %arg9[%run_scoped3A_310, %dma_wait3A_526, %dma_wait3A_527] : memref<3x128x128xf32, #tpu.memory_space<vmem>> -> memref<1x128x128xf32, #tpu.memory_space<vmem>>
      %dma_wait3A_529 = tpu.memref_squeeze %dma_wait3A_528 : memref<1x128x128xf32, #tpu.memory_space<vmem>> -> memref<128x128xf32, #tpu.memory_space<vmem>>
      %dma_wait3A_530 = arith.constant 0 : i32
      %dma_wait3A_531 = tpu.memref_slice %arg6[%multiple_of3A_309, %dma_wait3A_530] : memref<10112x128xf32, #tpu.memory_space<vmem_shared>> -> memref<128x128xf32, #tpu.memory_space<vmem_shared>>
      tpu.wait_dma2 semaphore(%run_scoped3A_507 : memref<!tpu.dma_semaphore, #tpu.memory_space<semaphore_mem>>) src(%dma_wait3A_531 : memref<128x128xf32, #tpu.memory_space<vmem_shared>>) dst(%dma_wait3A_529 : memref<128x128xf32, #tpu.memory_space<vmem>>)
      tpu.yield
    }) : () -> ()
    %add3A_311 = arith.constant 0 : i32
    %add3A_312 = arith.addi %multiple_of3A_306, %add3A_311 : i32
    %multiple_of3A_313 = tpu.assume_multiple %add3A_312, 8 : i32
    %dma_start3A_314 = arith.constant 0 : i32
    %dma_start3A_315 = arith.constant 0 : i32
    %dma_start3A_316 = arith.constant 0 : i32
    %dma_start3A_317 = tpu.memref_slice %arg9[%dma_start3A_314, %dma_start3A_315, %dma_start3A_316] : memref<3x128x128xf32, #tpu.memory_space<vmem>> -> memref<1x128x128xf32, #tpu.memory_space<vmem>>
    %dma_start3A_318 = tpu.memref_squeeze %dma_start3A_317 : memref<1x128x128xf32, #tpu.memory_space<vmem>> -> memref<128x128xf32, #tpu.memory_space<vmem>>
    %dma_start3A_319 = arith.constant 0 : i32
    %dma_start3A_320 = tpu.memref_slice %arg5[%arg0, %multiple_of3A_313, %dma_start3A_319] : memref<2x10112x128xf32, #tpu.memory_space<hbm>> -> memref<1x128x128xf32, #tpu.memory_space<hbm>>
    %dma_start3A_321 = tpu.memref_squeeze %dma_start3A_320 : memref<1x128x128xf32, #tpu.memory_space<hbm>> -> memref<128x128xf32, #tpu.memory_space<hbm>>
    %dma_start3A_322 = arith.constant 0 : i32
    %dma_start3A_323 = tpu.memref_slice %arg5[%arg0, %multiple_of3A_313, %dma_start3A_322] : memref<2x10112x128xf32, #tpu.memory_space<hbm>> -> memref<1x128x128xf32, #tpu.memory_space<hbm>>
    %dma_start3A_324 = tpu.memref_squeeze %dma_start3A_323 : memref<1x128x128xf32, #tpu.memory_space<hbm>> -> memref<128x128xf32, #tpu.memory_space<hbm>>
    %dma_start3A_325 = arith.constant 0 : i32
    %dma_start3A_326 = arith.constant 0 : i32
    %dma_start3A_327 = tpu.memref_slice %arg9[%dma_start3A_314, %dma_start3A_325, %dma_start3A_326] : memref<3x128x128xf32, #tpu.memory_space<vmem>> -> memref<1x128x128xf32, #tpu.memory_space<vmem>>
    %dma_start3A_328 = tpu.memref_squeeze %dma_start3A_327 : memref<1x128x128xf32, #tpu.memory_space<vmem>> -> memref<128x128xf32, #tpu.memory_space<vmem>>
    tpu.enqueue_dma source(%dma_start3A_328 : memref<128x128xf32, #tpu.memory_space<vmem>>) target(%dma_start3A_324 : memref<128x128xf32, #tpu.memory_space<hbm>>) target_semaphore(%arg10 : memref<!tpu.dma_semaphore, #tpu.memory_space<semaphore_mem>>)
    %add3A_329 = arith.constant 128 : i32
    %add3A_330 = arith.addi %multiple_of3A_306, %add3A_329 : i32
    %multiple_of3A_331 = tpu.assume_multiple %add3A_330, 8 : i32
    %run_scoped3A_332 = arith.constant 1 : i32
    "tpu.region"() ({
      %run_scoped3A_507 = tpu.sem_alloc : memref<!tpu.dma_semaphore, #tpu.memory_space<semaphore_mem>>
      %dma_start3A_508 = arith.constant 0 : i32
      %dma_start3A_509 = arith.constant 0 : i32
      %dma_start3A_510 = tpu.memref_slice %arg9[%run_scoped3A_332, %dma_start3A_508, %dma_start3A_509] : memref<3x128x128xf32, #tpu.memory_space<vmem>> -> memref<1x128x128xf32, #tpu.memory_space<vmem>>
      %dma_start3A_511 = tpu.memref_squeeze %dma_start3A_510 : memref<1x128x128xf32, #tpu.memory_space<vmem>> -> memref<128x128xf32, #tpu.memory_space<vmem>>
      %dma_start3A_512 = arith.constant 0 : i32
      %dma_start3A_513 = tpu.memref_slice %arg6[%multiple_of3A_331, %dma_start3A_512] : memref<10112x128xf32, #tpu.memory_space<vmem_shared>> -> memref<128x128xf32, #tpu.memory_space<vmem_shared>>
      %dma_start3A_514 = arith.constant 0 : i32
      %dma_start3A_515 = arith.constant 0 : i32
      %dma_start3A_516 = tpu.memref_slice %arg9[%run_scoped3A_332, %dma_start3A_514, %dma_start3A_515] : memref<3x128x128xf32, #tpu.memory_space<vmem>> -> memref<1x128x128xf32, #tpu.memory_space<vmem>>
      %dma_start3A_517 = tpu.memref_squeeze %dma_start3A_516 : memref<1x128x128xf32, #tpu.memory_space<vmem>> -> memref<128x128xf32, #tpu.memory_space<vmem>>
      %dma_start3A_518 = arith.constant 0 : i32
      %dma_start3A_519 = tpu.memref_slice %arg6[%multiple_of3A_331, %dma_start3A_518] : memref<10112x128xf32, #tpu.memory_space<vmem_shared>> -> memref<128x128xf32, #tpu.memory_space<vmem_shared>>
      tpu.enqueue_dma source(%dma_start3A_519 : memref<128x128xf32, #tpu.memory_space<vmem_shared>>) target(%dma_start3A_517 : memref<128x128xf32, #tpu.memory_space<vmem>>) target_semaphore(%run_scoped3A_507 : memref<!tpu.dma_semaphore, #tpu.memory_space<semaphore_mem>>)
      %dma_wait3A_520 = arith.constant 0 : i32
      %dma_wait3A_521 = arith.constant 0 : i32
      %dma_wait3A_522 = tpu.memref_slice %arg9[%run_scoped3A_332, %dma_wait3A_520, %dma_wait3A_521] : memref<3x128x128xf32, #tpu.memory_space<vmem>> -> memref<1x128x128xf32, #tpu.memory_space<vmem>>
      %dma_wait3A_523 = tpu.memref_squeeze %dma_wait3A_522 : memref<1x128x128xf32, #tpu.memory_space<vmem>> -> memref<128x128xf32, #tpu.memory_space<vmem>>
      %dma_wait3A_524 = arith.constant 0 : i32
      %dma_wait3A_525 = tpu.memref_slice %arg6[%multiple_of3A_331, %dma_wait3A_524] : memref<10112x128xf32, #tpu.memory_space<vmem_shared>> -> memref<128x128xf32, #tpu.memory_space<vmem_shared>>
      %dma_wait3A_526 = arith.constant 0 : i32
      %dma_wait3A_527 = arith.constant 0 : i32
      %dma_wait3A_528 = tpu.memref_slice %arg9[%run_scoped3A_332, %dma_wait3A_526, %dma_wait3A_527] : memref<3x128x128xf32, #tpu.memory_space<vmem>> -> memref<1x128x128xf32, #tpu.memory_space<vmem>>
      %dma_wait3A_529 = tpu.memref_squeeze %dma_wait3A_528 : memref<1x128x128xf32, #tpu.memory_space<vmem>> -> memref<128x128xf32, #tpu.memory_space<vmem>>
      %dma_wait3A_530 = arith.constant 0 : i32
      %dma_wait3A_531 = tpu.memref_slice %arg6[%multiple_of3A_331, %dma_wait3A_530] : memref<10112x128xf32, #tpu.memory_space<vmem_shared>> -> memref<128x128xf32, #tpu.memory_space<vmem_shared>>
      tpu.wait_dma2 semaphore(%run_scoped3A_507 : memref<!tpu.dma_semaphore, #tpu.memory_space<semaphore_mem>>) src(%dma_wait3A_531 : memref<128x128xf32, #tpu.memory_space<vmem_shared>>) dst(%dma_wait3A_529 : memref<128x128xf32, #tpu.memory_space<vmem>>)
      tpu.yield
    }) : () -> ()
    %add3A_333 = arith.constant 128 : i32
    %add3A_334 = arith.addi %multiple_of3A_306, %add3A_333 : i32
    %multiple_of3A_335 = tpu.assume_multiple %add3A_334, 8 : i32
    %dma_start3A_336 = arith.constant 1 : i32
    %dma_start3A_337 = arith.constant 0 : i32
    %dma_start3A_338 = arith.constant 0 : i32
    %dma_start3A_339 = tpu.memref_slice %arg9[%dma_start3A_336, %dma_start3A_337, %dma_start3A_338] : memref<3x128x128xf32, #tpu.memory_space<vmem>> -> memref<1x128x128xf32, #tpu.memory_space<vmem>>
    %dma_start3A_340 = tpu.memref_squeeze %dma_start3A_339 : memref<1x128x128xf32, #tpu.memory_space<vmem>> -> memref<128x128xf32, #tpu.memory_space<vmem>>
    %dma_start3A_341 = arith.constant 0 : i32
    %dma_start3A_342 = tpu.memref_slice %arg5[%arg0, %multiple_of3A_335, %dma_start3A_341] : memref<2x10112x128xf32, #tpu.memory_space<hbm>> -> memref<1x128x128xf32, #tpu.memory_space<hbm>>
    %dma_start3A_343 = tpu.memref_squeeze %dma_start3A_342 : memref<1x128x128xf32, #tpu.memory_space<hbm>> -> memref<128x128xf32, #tpu.memory_space<hbm>>
    %dma_start3A_344 = arith.constant 0 : i32
    %dma_start3A_345 = tpu.memref_slice %arg5[%arg0, %multiple_of3A_335, %dma_start3A_344] : memref<2x10112x128xf32, #tpu.memory_space<hbm>> -> memref<1x128x128xf32, #tpu.memory_space<hbm>>
    %dma_start3A_346 = tpu.memref_squeeze %dma_start3A_345 : memref<1x128x128xf32, #tpu.memory_space<hbm>> -> memref<128x128xf32, #tpu.memory_space<hbm>>
    %dma_start3A_347 = arith.constant 0 : i32
    %dma_start3A_348 = arith.constant 0 : i32
    %dma_start3A_349 = tpu.memref_slice %arg9[%dma_start3A_336, %dma_start3A_347, %dma_start3A_348] : memref<3x128x128xf32, #tpu.memory_space<vmem>> -> memref<1x128x128xf32, #tpu.memory_space<vmem>>
    %dma_start3A_350 = tpu.memref_squeeze %dma_start3A_349 : memref<1x128x128xf32, #tpu.memory_space<vmem>> -> memref<128x128xf32, #tpu.memory_space<vmem>>
    tpu.enqueue_dma source(%dma_start3A_350 : memref<128x128xf32, #tpu.memory_space<vmem>>) target(%dma_start3A_346 : memref<128x128xf32, #tpu.memory_space<hbm>>) target_semaphore(%arg11 : memref<!tpu.dma_semaphore, #tpu.memory_space<semaphore_mem>>)
    %add3A_351 = arith.constant 0 : i32
    %add3A_352 = arith.addi %multiple_of3A_306, %add3A_351 : i32
    %multiple_of3A_353 = tpu.assume_multiple %add3A_352, 8 : i32
    %dma_wait3A_354 = arith.constant 0 : i32
    %dma_wait3A_355 = arith.constant 0 : i32
    %dma_wait3A_356 = arith.constant 0 : i32
    %dma_wait3A_357 = tpu.memref_slice %arg9[%dma_wait3A_354, %dma_wait3A_355, %dma_wait3A_356] : memref<3x128x128xf32, #tpu.memory_space<vmem>> -> memref<1x128x128xf32, #tpu.memory_space<vmem>>
    %dma_wait3A_358 = tpu.memref_squeeze %dma_wait3A_357 : memref<1x128x128xf32, #tpu.memory_space<vmem>> -> memref<128x128xf32, #tpu.memory_space<vmem>>
    %dma_wait3A_359 = arith.constant 0 : i32
    %dma_wait3A_360 = tpu.memref_slice %arg5[%arg0, %multiple_of3A_353, %dma_wait3A_359] : memref<2x10112x128xf32, #tpu.memory_space<hbm>> -> memref<1x128x128xf32, #tpu.memory_space<hbm>>
    %dma_wait3A_361 = tpu.memref_squeeze %dma_wait3A_360 : memref<1x128x128xf32, #tpu.memory_space<hbm>> -> memref<128x128xf32, #tpu.memory_space<hbm>>
    %dma_wait3A_362 = arith.constant 0 : i32
    %dma_wait3A_363 = tpu.memref_slice %arg5[%arg0, %multiple_of3A_353, %dma_wait3A_362] : memref<2x10112x128xf32, #tpu.memory_space<hbm>> -> memref<1x128x128xf32, #tpu.memory_space<hbm>>
    %dma_wait3A_364 = tpu.memref_squeeze %dma_wait3A_363 : memref<1x128x128xf32, #tpu.memory_space<hbm>> -> memref<128x128xf32, #tpu.memory_space<hbm>>
    %dma_wait3A_365 = arith.constant 0 : i32
    %dma_wait3A_366 = arith.constant 0 : i32
    %dma_wait3A_367 = tpu.memref_slice %arg9[%dma_wait3A_354, %dma_wait3A_365, %dma_wait3A_366] : memref<3x128x128xf32, #tpu.memory_space<vmem>> -> memref<1x128x128xf32, #tpu.memory_space<vmem>>
    %dma_wait3A_368 = tpu.memref_squeeze %dma_wait3A_367 : memref<1x128x128xf32, #tpu.memory_space<vmem>> -> memref<128x128xf32, #tpu.memory_space<vmem>>
    tpu.wait_dma2 semaphore(%arg10 : memref<!tpu.dma_semaphore, #tpu.memory_space<semaphore_mem>>) src(%dma_wait3A_368 : memref<128x128xf32, #tpu.memory_space<vmem>>) dst(%dma_wait3A_364 : memref<128x128xf32, #tpu.memory_space<hbm>>)
    %add3A_369 = arith.constant 256 : i32
    %add3A_370 = arith.addi %multiple_of3A_306, %add3A_369 : i32
    %multiple_of3A_371 = tpu.assume_multiple %add3A_370, 8 : i32
    %run_scoped3A_372 = arith.constant 0 : i32
    "tpu.region"() ({
      %run_scoped3A_507 = tpu.sem_alloc : memref<!tpu.dma_semaphore, #tpu.memory_space<semaphore_mem>>
      %dma_start3A_508 = arith.constant 0 : i32
      %dma_start3A_509 = arith.constant 0 : i32
      %dma_start3A_510 = tpu.memref_slice %arg9[%run_scoped3A_372, %dma_start3A_508, %dma_start3A_509] : memref<3x128x128xf32, #tpu.memory_space<vmem>> -> memref<1x128x128xf32, #tpu.memory_space<vmem>>
      %dma_start3A_511 = tpu.memref_squeeze %dma_start3A_510 : memref<1x128x128xf32, #tpu.memory_space<vmem>> -> memref<128x128xf32, #tpu.memory_space<vmem>>
      %dma_start3A_512 = arith.constant 0 : i32
      %dma_start3A_513 = tpu.memref_slice %arg6[%multiple_of3A_371, %dma_start3A_512] : memref<10112x128xf32, #tpu.memory_space<vmem_shared>> -> memref<128x128xf32, #tpu.memory_space<vmem_shared>>
      %dma_start3A_514 = arith.constant 0 : i32
      %dma_start3A_515 = arith.constant 0 : i32
      %dma_start3A_516 = tpu.memref_slice %arg9[%run_scoped3A_372, %dma_start3A_514, %dma_start3A_515] : memref<3x128x128xf32, #tpu.memory_space<vmem>> -> memref<1x128x128xf32, #tpu.memory_space<vmem>>
      %dma_start3A_517 = tpu.memref_squeeze %dma_start3A_516 : memref<1x128x128xf32, #tpu.memory_space<vmem>> -> memref<128x128xf32, #tpu.memory_space<vmem>>
      %dma_start3A_518 = arith.constant 0 : i32
      %dma_start3A_519 = tpu.memref_slice %arg6[%multiple_of3A_371, %dma_start3A_518] : memref<10112x128xf32, #tpu.memory_space<vmem_shared>> -> memref<128x128xf32, #tpu.memory_space<vmem_shared>>
      tpu.enqueue_dma source(%dma_start3A_519 : memref<128x128xf32, #tpu.memory_space<vmem_shared>>) target(%dma_start3A_517 : memref<128x128xf32, #tpu.memory_space<vmem>>) target_semaphore(%run_scoped3A_507 : memref<!tpu.dma_semaphore, #tpu.memory_space<semaphore_mem>>)
      %dma_wait3A_520 = arith.constant 0 : i32
      %dma_wait3A_521 = arith.constant 0 : i32
      %dma_wait3A_522 = tpu.memref_slice %arg9[%run_scoped3A_372, %dma_wait3A_520, %dma_wait3A_521] : memref<3x128x128xf32, #tpu.memory_space<vmem>> -> memref<1x128x128xf32, #tpu.memory_space<vmem>>
      %dma_wait3A_523 = tpu.memref_squeeze %dma_wait3A_522 : memref<1x128x128xf32, #tpu.memory_space<vmem>> -> memref<128x128xf32, #tpu.memory_space<vmem>>
      %dma_wait3A_524 = arith.constant 0 : i32
      %dma_wait3A_525 = tpu.memref_slice %arg6[%multiple_of3A_371, %dma_wait3A_524] : memref<10112x128xf32, #tpu.memory_space<vmem_shared>> -> memref<128x128xf32, #tpu.memory_space<vmem_shared>>
      %dma_wait3A_526 = arith.constant 0 : i32
      %dma_wait3A_527 = arith.constant 0 : i32
      %dma_wait3A_528 = tpu.memref_slice %arg9[%run_scoped3A_372, %dma_wait3A_526, %dma_wait3A_527] : memref<3x128x128xf32, #tpu.memory_space<vmem>> -> memref<1x128x128xf32, #tpu.memory_space<vmem>>
      %dma_wait3A_529 = tpu.memref_squeeze %dma_wait3A_528 : memref<1x128x128xf32, #tpu.memory_space<vmem>> -> memref<128x128xf32, #tpu.memory_space<vmem>>
      %dma_wait3A_530 = arith.constant 0 : i32
      %dma_wait3A_531 = tpu.memref_slice %arg6[%multiple_of3A_371, %dma_wait3A_530] : memref<10112x128xf32, #tpu.memory_space<vmem_shared>> -> memref<128x128xf32, #tpu.memory_space<vmem_shared>>
      tpu.wait_dma2 semaphore(%run_scoped3A_507 : memref<!tpu.dma_semaphore, #tpu.memory_space<semaphore_mem>>) src(%dma_wait3A_531 : memref<128x128xf32, #tpu.memory_space<vmem_shared>>) dst(%dma_wait3A_529 : memref<128x128xf32, #tpu.memory_space<vmem>>)
      tpu.yield
    }) : () -> ()
    %add3A_373 = arith.constant 256 : i32
    %add3A_374 = arith.addi %multiple_of3A_306, %add3A_373 : i32
    %multiple_of3A_375 = tpu.assume_multiple %add3A_374, 8 : i32
    %dma_start3A_376 = arith.constant 0 : i32
    %dma_start3A_377 = arith.constant 0 : i32
    %dma_start3A_378 = arith.constant 0 : i32
    %dma_start3A_379 = tpu.memref_slice %arg9[%dma_start3A_376, %dma_start3A_377, %dma_start3A_378] : memref<3x128x128xf32, #tpu.memory_space<vmem>> -> memref<1x128x128xf32, #tpu.memory_space<vmem>>
    %dma_start3A_380 = tpu.memref_squeeze %dma_start3A_379 : memref<1x128x128xf32, #tpu.memory_space<vmem>> -> memref<128x128xf32, #tpu.memory_space<vmem>>
    %dma_start3A_381 = arith.constant 0 : i32
    %dma_start3A_382 = tpu.memref_slice %arg5[%arg0, %multiple_of3A_375, %dma_start3A_381] : memref<2x10112x128xf32, #tpu.memory_space<hbm>> -> memref<1x128x128xf32, #tpu.memory_space<hbm>>
    %dma_start3A_383 = tpu.memref_squeeze %dma_start3A_382 : memref<1x128x128xf32, #tpu.memory_space<hbm>> -> memref<128x128xf32, #tpu.memory_space<hbm>>
    %dma_start3A_384 = arith.constant 0 : i32
    %dma_start3A_385 = tpu.memref_slice %arg5[%arg0, %multiple_of3A_375, %dma_start3A_384] : memref<2x10112x128xf32, #tpu.memory_space<hbm>> -> memref<1x128x128xf32, #tpu.memory_space<hbm>>
    %dma_start3A_386 = tpu.memref_squeeze %dma_start3A_385 : memref<1x128x128xf32, #tpu.memory_space<hbm>> -> memref<128x128xf32, #tpu.memory_space<hbm>>
    %dma_start3A_387 = arith.constant 0 : i32
    %dma_start3A_388 = arith.constant 0 : i32
    %dma_start3A_389 = tpu.memref_slice %arg9[%dma_start3A_376, %dma_start3A_387, %dma_start3A_388] : memref<3x128x128xf32, #tpu.memory_space<vmem>> -> memref<1x128x128xf32, #tpu.memory_space<vmem>>
    %dma_start3A_390 = tpu.memref_squeeze %dma_start3A_389 : memref<1x128x128xf32, #tpu.memory_space<vmem>> -> memref<128x128xf32, #tpu.memory_space<vmem>>
    tpu.enqueue_dma source(%dma_start3A_390 : memref<128x128xf32, #tpu.memory_space<vmem>>) target(%dma_start3A_386 : memref<128x128xf32, #tpu.memory_space<hbm>>) target_semaphore(%arg10 : memref<!tpu.dma_semaphore, #tpu.memory_space<semaphore_mem>>)
    %add3A_391 = arith.constant 128 : i32
    %add3A_392 = arith.addi %multiple_of3A_306, %add3A_391 : i32
    %multiple_of3A_393 = tpu.assume_multiple %add3A_392, 8 : i32
    %dma_wait3A_394 = arith.constant 1 : i32
    %dma_wait3A_395 = arith.constant 0 : i32
    %dma_wait3A_396 = arith.constant 0 : i32
    %dma_wait3A_397 = tpu.memref_slice %arg9[%dma_wait3A_394, %dma_wait3A_395, %dma_wait3A_396] : memref<3x128x128xf32, #tpu.memory_space<vmem>> -> memref<1x128x128xf32, #tpu.memory_space<vmem>>
    %dma_wait3A_398 = tpu.memref_squeeze %dma_wait3A_397 : memref<1x128x128xf32, #tpu.memory_space<vmem>> -> memref<128x128xf32, #tpu.memory_space<vmem>>
    %dma_wait3A_399 = arith.constant 0 : i32
    %dma_wait3A_400 = tpu.memref_slice %arg5[%arg0, %multiple_of3A_393, %dma_wait3A_399] : memref<2x10112x128xf32, #tpu.memory_space<hbm>> -> memref<1x128x128xf32, #tpu.memory_space<hbm>>
    %dma_wait3A_401 = tpu.memref_squeeze %dma_wait3A_400 : memref<1x128x128xf32, #tpu.memory_space<hbm>> -> memref<128x128xf32, #tpu.memory_space<hbm>>
    %dma_wait3A_402 = arith.constant 0 : i32
    %dma_wait3A_403 = tpu.memref_slice %arg5[%arg0, %multiple_of3A_393, %dma_wait3A_402] : memref<2x10112x128xf32, #tpu.memory_space<hbm>> -> memref<1x128x128xf32, #tpu.memory_space<hbm>>
    %dma_wait3A_404 = tpu.memref_squeeze %dma_wait3A_403 : memref<1x128x128xf32, #tpu.memory_space<hbm>> -> memref<128x128xf32, #tpu.memory_space<hbm>>
    %dma_wait3A_405 = arith.constant 0 : i32
    %dma_wait3A_406 = arith.constant 0 : i32
    %dma_wait3A_407 = tpu.memref_slice %arg9[%dma_wait3A_394, %dma_wait3A_405, %dma_wait3A_406] : memref<3x128x128xf32, #tpu.memory_space<vmem>> -> memref<1x128x128xf32, #tpu.memory_space<vmem>>
    %dma_wait3A_408 = tpu.memref_squeeze %dma_wait3A_407 : memref<1x128x128xf32, #tpu.memory_space<vmem>> -> memref<128x128xf32, #tpu.memory_space<vmem>>
    tpu.wait_dma2 semaphore(%arg11 : memref<!tpu.dma_semaphore, #tpu.memory_space<semaphore_mem>>) src(%dma_wait3A_408 : memref<128x128xf32, #tpu.memory_space<vmem>>) dst(%dma_wait3A_404 : memref<128x128xf32, #tpu.memory_space<hbm>>)
    %add3A_409 = arith.constant 384 : i32
    %add3A_410 = arith.addi %multiple_of3A_306, %add3A_409 : i32
    %multiple_of3A_411 = tpu.assume_multiple %add3A_410, 8 : i32
    %run_scoped3A_412 = arith.constant 1 : i32
    "tpu.region"() ({
      %run_scoped3A_507 = tpu.sem_alloc : memref<!tpu.dma_semaphore, #tpu.memory_space<semaphore_mem>>
      %dma_start3A_508 = arith.constant 0 : i32
      %dma_start3A_509 = arith.constant 0 : i32
      %dma_start3A_510 = tpu.memref_slice %arg9[%run_scoped3A_412, %dma_start3A_508, %dma_start3A_509] : memref<3x128x128xf32, #tpu.memory_space<vmem>> -> memref<1x128x128xf32, #tpu.memory_space<vmem>>
      %dma_start3A_511 = tpu.memref_squeeze %dma_start3A_510 : memref<1x128x128xf32, #tpu.memory_space<vmem>> -> memref<128x128xf32, #tpu.memory_space<vmem>>
      %dma_start3A_512 = arith.constant 0 : i32
      %dma_start3A_513 = tpu.memref_slice %arg6[%multiple_of3A_411, %dma_start3A_512] : memref<10112x128xf32, #tpu.memory_space<vmem_shared>> -> memref<128x128xf32, #tpu.memory_space<vmem_shared>>
      %dma_start3A_514 = arith.constant 0 : i32
      %dma_start3A_515 = arith.constant 0 : i32
      %dma_start3A_516 = tpu.memref_slice %arg9[%run_scoped3A_412, %dma_start3A_514, %dma_start3A_515] : memref<3x128x128xf32, #tpu.memory_space<vmem>> -> memref<1x128x128xf32, #tpu.memory_space<vmem>>
      %dma_start3A_517 = tpu.memref_squeeze %dma_start3A_516 : memref<1x128x128xf32, #tpu.memory_space<vmem>> -> memref<128x128xf32, #tpu.memory_space<vmem>>
      %dma_start3A_518 = arith.constant 0 : i32
      %dma_start3A_519 = tpu.memref_slice %arg6[%multiple_of3A_411, %dma_start3A_518] : memref<10112x128xf32, #tpu.memory_space<vmem_shared>> -> memref<128x128xf32, #tpu.memory_space<vmem_shared>>
      tpu.enqueue_dma source(%dma_start3A_519 : memref<128x128xf32, #tpu.memory_space<vmem_shared>>) target(%dma_start3A_517 : memref<128x128xf32, #tpu.memory_space<vmem>>) target_semaphore(%run_scoped3A_507 : memref<!tpu.dma_semaphore, #tpu.memory_space<semaphore_mem>>)
      %dma_wait3A_520 = arith.constant 0 : i32
      %dma_wait3A_521 = arith.constant 0 : i32
      %dma_wait3A_522 = tpu.memref_slice %arg9[%run_scoped3A_412, %dma_wait3A_520, %dma_wait3A_521] : memref<3x128x128xf32, #tpu.memory_space<vmem>> -> memref<1x128x128xf32, #tpu.memory_space<vmem>>
      %dma_wait3A_523 = tpu.memref_squeeze %dma_wait3A_522 : memref<1x128x128xf32, #tpu.memory_space<vmem>> -> memref<128x128xf32, #tpu.memory_space<vmem>>
      %dma_wait3A_524 = arith.constant 0 : i32
      %dma_wait3A_525 = tpu.memref_slice %arg6[%multiple_of3A_411, %dma_wait3A_524] : memref<10112x128xf32, #tpu.memory_space<vmem_shared>> -> memref<128x128xf32, #tpu.memory_space<vmem_shared>>
      %dma_wait3A_526 = arith.constant 0 : i32
      %dma_wait3A_527 = arith.constant 0 : i32
      %dma_wait3A_528 = tpu.memref_slice %arg9[%run_scoped3A_412, %dma_wait3A_526, %dma_wait3A_527] : memref<3x128x128xf32, #tpu.memory_space<vmem>> -> memref<1x128x128xf32, #tpu.memory_space<vmem>>
      %dma_wait3A_529 = tpu.memref_squeeze %dma_wait3A_528 : memref<1x128x128xf32, #tpu.memory_space<vmem>> -> memref<128x128xf32, #tpu.memory_space<vmem>>
      %dma_wait3A_530 = arith.constant 0 : i32
      %dma_wait3A_531 = tpu.memref_slice %arg6[%multiple_of3A_411, %dma_wait3A_530] : memref<10112x128xf32, #tpu.memory_space<vmem_shared>> -> memref<128x128xf32, #tpu.memory_space<vmem_shared>>
      tpu.wait_dma2 semaphore(%run_scoped3A_507 : memref<!tpu.dma_semaphore, #tpu.memory_space<semaphore_mem>>) src(%dma_wait3A_531 : memref<128x128xf32, #tpu.memory_space<vmem_shared>>) dst(%dma_wait3A_529 : memref<128x128xf32, #tpu.memory_space<vmem>>)
      tpu.yield
    }) : () -> ()
    %add3A_413 = arith.constant 384 : i32
    %add3A_414 = arith.addi %multiple_of3A_306, %add3A_413 : i32
    %multiple_of3A_415 = tpu.assume_multiple %add3A_414, 8 : i32
    %dma_start3A_416 = arith.constant 1 : i32
    %dma_start3A_417 = arith.constant 0 : i32
    %dma_start3A_418 = arith.constant 0 : i32
    %dma_start3A_419 = tpu.memref_slice %arg9[%dma_start3A_416, %dma_start3A_417, %dma_start3A_418] : memref<3x128x128xf32, #tpu.memory_space<vmem>> -> memref<1x128x128xf32, #tpu.memory_space<vmem>>
    %dma_start3A_420 = tpu.memref_squeeze %dma_start3A_419 : memref<1x128x128xf32, #tpu.memory_space<vmem>> -> memref<128x128xf32, #tpu.memory_space<vmem>>
    %dma_start3A_421 = arith.constant 0 : i32
    %dma_start3A_422 = tpu.memref_slice %arg5[%arg0, %multiple_of3A_415, %dma_start3A_421] : memref<2x10112x128xf32, #tpu.memory_space<hbm>> -> memref<1x128x128xf32, #tpu.memory_space<hbm>>
    %dma_start3A_423 = tpu.memref_squeeze %dma_start3A_422 : memref<1x128x128xf32, #tpu.memory_space<hbm>> -> memref<128x128xf32, #tpu.memory_space<hbm>>
    %dma_start3A_424 = arith.constant 0 : i32
    %dma_start3A_425 = tpu.memref_slice %arg5[%arg0, %multiple_of3A_415, %dma_start3A_424] : memref<2x10112x128xf32, #tpu.memory_space<hbm>> -> memref<1x128x128xf32, #tpu.memory_space<hbm>>
    %dma_start3A_426 = tpu.memref_squeeze %dma_start3A_425 : memref<1x128x128xf32, #tpu.memory_space<hbm>> -> memref<128x128xf32, #tpu.memory_space<hbm>>
    %dma_start3A_427 = arith.constant 0 : i32
    %dma_start3A_428 = arith.constant 0 : i32
    %dma_start3A_429 = tpu.memref_slice %arg9[%dma_start3A_416, %dma_start3A_427, %dma_start3A_428] : memref<3x128x128xf32, #tpu.memory_space<vmem>> -> memref<1x128x128xf32, #tpu.memory_space<vmem>>
    %dma_start3A_430 = tpu.memref_squeeze %dma_start3A_429 : memref<1x128x128xf32, #tpu.memory_space<vmem>> -> memref<128x128xf32, #tpu.memory_space<vmem>>
    tpu.enqueue_dma source(%dma_start3A_430 : memref<128x128xf32, #tpu.memory_space<vmem>>) target(%dma_start3A_426 : memref<128x128xf32, #tpu.memory_space<hbm>>) target_semaphore(%arg11 : memref<!tpu.dma_semaphore, #tpu.memory_space<semaphore_mem>>)
    %add3A_431 = arith.constant 256 : i32
    %add3A_432 = arith.addi %multiple_of3A_306, %add3A_431 : i32
    %multiple_of3A_433 = tpu.assume_multiple %add3A_432, 8 : i32
    %dma_wait3A_434 = arith.constant 0 : i32
    %dma_wait3A_435 = arith.constant 0 : i32
    %dma_wait3A_436 = arith.constant 0 : i32
    %dma_wait3A_437 = tpu.memref_slice %arg9[%dma_wait3A_434, %dma_wait3A_435, %dma_wait3A_436] : memref<3x128x128xf32, #tpu.memory_space<vmem>> -> memref<1x128x128xf32, #tpu.memory_space<vmem>>
    %dma_wait3A_438 = tpu.memref_squeeze %dma_wait3A_437 : memref<1x128x128xf32, #tpu.memory_space<vmem>> -> memref<128x128xf32, #tpu.memory_space<vmem>>
    %dma_wait3A_439 = arith.constant 0 : i32
    %dma_wait3A_440 = tpu.memref_slice %arg5[%arg0, %multiple_of3A_433, %dma_wait3A_439] : memref<2x10112x128xf32, #tpu.memory_space<hbm>> -> memref<1x128x128xf32, #tpu.memory_space<hbm>>
    %dma_wait3A_441 = tpu.memref_squeeze %dma_wait3A_440 : memref<1x128x128xf32, #tpu.memory_space<hbm>> -> memref<128x128xf32, #tpu.memory_space<hbm>>
    %dma_wait3A_442 = arith.constant 0 : i32
    %dma_wait3A_443 = tpu.memref_slice %arg5[%arg0, %multiple_of3A_433, %dma_wait3A_442] : memref<2x10112x128xf32, #tpu.memory_space<hbm>> -> memref<1x128x128xf32, #tpu.memory_space<hbm>>
    %dma_wait3A_444 = tpu.memref_squeeze %dma_wait3A_443 : memref<1x128x128xf32, #tpu.memory_space<hbm>> -> memref<128x128xf32, #tpu.memory_space<hbm>>
    %dma_wait3A_445 = arith.constant 0 : i32
    %dma_wait3A_446 = arith.constant 0 : i32
    %dma_wait3A_447 = tpu.memref_slice %arg9[%dma_wait3A_434, %dma_wait3A_445, %dma_wait3A_446] : memref<3x128x128xf32, #tpu.memory_space<vmem>> -> memref<1x128x128xf32, #tpu.memory_space<vmem>>
    %dma_wait3A_448 = tpu.memref_squeeze %dma_wait3A_447 : memref<1x128x128xf32, #tpu.memory_space<vmem>> -> memref<128x128xf32, #tpu.memory_space<vmem>>
    tpu.wait_dma2 semaphore(%arg10 : memref<!tpu.dma_semaphore, #tpu.memory_space<semaphore_mem>>) src(%dma_wait3A_448 : memref<128x128xf32, #tpu.memory_space<vmem>>) dst(%dma_wait3A_444 : memref<128x128xf32, #tpu.memory_space<hbm>>)
    %add3A_449 = arith.constant 512 : i32
    %add3A_450 = arith.addi %multiple_of3A_306, %add3A_449 : i32
    %multiple_of3A_451 = tpu.assume_multiple %add3A_450, 8 : i32
    %run_scoped3A_452 = arith.constant 0 : i32
    "tpu.region"() ({
      %run_scoped3A_507 = tpu.sem_alloc : memref<!tpu.dma_semaphore, #tpu.memory_space<semaphore_mem>>
      %dma_start3A_508 = arith.constant 0 : i32
      %dma_start3A_509 = arith.constant 0 : i32
      %dma_start3A_510 = tpu.memref_slice %arg9[%run_scoped3A_452, %dma_start3A_508, %dma_start3A_509] : memref<3x128x128xf32, #tpu.memory_space<vmem>> -> memref<1x120x128xf32, #tpu.memory_space<vmem>>
      %dma_start3A_511 = tpu.memref_squeeze %dma_start3A_510 : memref<1x120x128xf32, #tpu.memory_space<vmem>> -> memref<120x128xf32, #tpu.memory_space<vmem>>
      %dma_start3A_512 = arith.constant 0 : i32
      %dma_start3A_513 = tpu.memref_slice %arg6[%multiple_of3A_451, %dma_start3A_512] : memref<10112x128xf32, #tpu.memory_space<vmem_shared>> -> memref<120x128xf32, #tpu.memory_space<vmem_shared>>
      %dma_start3A_514 = arith.constant 0 : i32
      %dma_start3A_515 = arith.constant 0 : i32
      %dma_start3A_516 = tpu.memref_slice %arg9[%run_scoped3A_452, %dma_start3A_514, %dma_start3A_515] : memref<3x128x128xf32, #tpu.memory_space<vmem>> -> memref<1x120x128xf32, #tpu.memory_space<vmem>>
      %dma_start3A_517 = tpu.memref_squeeze %dma_start3A_516 : memref<1x120x128xf32, #tpu.memory_space<vmem>> -> memref<120x128xf32, #tpu.memory_space<vmem>>
      %dma_start3A_518 = arith.constant 0 : i32
      %dma_start3A_519 = tpu.memref_slice %arg6[%multiple_of3A_451, %dma_start3A_518] : memref<10112x128xf32, #tpu.memory_space<vmem_shared>> -> memref<120x128xf32, #tpu.memory_space<vmem_shared>>
      tpu.enqueue_dma source(%dma_start3A_519 : memref<120x128xf32, #tpu.memory_space<vmem_shared>>) target(%dma_start3A_517 : memref<120x128xf32, #tpu.memory_space<vmem>>) target_semaphore(%run_scoped3A_507 : memref<!tpu.dma_semaphore, #tpu.memory_space<semaphore_mem>>)
      %dma_wait3A_520 = arith.constant 0 : i32
      %dma_wait3A_521 = arith.constant 0 : i32
      %dma_wait3A_522 = tpu.memref_slice %arg9[%run_scoped3A_452, %dma_wait3A_520, %dma_wait3A_521] : memref<3x128x128xf32, #tpu.memory_space<vmem>> -> memref<1x120x128xf32, #tpu.memory_space<vmem>>
      %dma_wait3A_523 = tpu.memref_squeeze %dma_wait3A_522 : memref<1x120x128xf32, #tpu.memory_space<vmem>> -> memref<120x128xf32, #tpu.memory_space<vmem>>
      %dma_wait3A_524 = arith.constant 0 : i32
      %dma_wait3A_525 = tpu.memref_slice %arg6[%multiple_of3A_451, %dma_wait3A_524] : memref<10112x128xf32, #tpu.memory_space<vmem_shared>> -> memref<120x128xf32, #tpu.memory_space<vmem_shared>>
      %dma_wait3A_526 = arith.constant 0 : i32
      %dma_wait3A_527 = arith.constant 0 : i32
      %dma_wait3A_528 = tpu.memref_slice %arg9[%run_scoped3A_452, %dma_wait3A_526, %dma_wait3A_527] : memref<3x128x128xf32, #tpu.memory_space<vmem>> -> memref<1x120x128xf32, #tpu.memory_space<vmem>>
      %dma_wait3A_529 = tpu.memref_squeeze %dma_wait3A_528 : memref<1x120x128xf32, #tpu.memory_space<vmem>> -> memref<120x128xf32, #tpu.memory_space<vmem>>
      %dma_wait3A_530 = arith.constant 0 : i32
      %dma_wait3A_531 = tpu.memref_slice %arg6[%multiple_of3A_451, %dma_wait3A_530] : memref<10112x128xf32, #tpu.memory_space<vmem_shared>> -> memref<120x128xf32, #tpu.memory_space<vmem_shared>>
      tpu.wait_dma2 semaphore(%run_scoped3A_507 : memref<!tpu.dma_semaphore, #tpu.memory_space<semaphore_mem>>) src(%dma_wait3A_531 : memref<120x128xf32, #tpu.memory_space<vmem_shared>>) dst(%dma_wait3A_529 : memref<120x128xf32, #tpu.memory_space<vmem>>)
      tpu.yield
    }) : () -> ()
    %add3A_453 = arith.constant 512 : i32
    %add3A_454 = arith.addi %multiple_of3A_306, %add3A_453 : i32
    %multiple_of3A_455 = tpu.assume_multiple %add3A_454, 8 : i32
    %dma_start3A_456 = arith.constant 0 : i32
    %dma_start3A_457 = arith.constant 0 : i32
    %dma_start3A_458 = arith.constant 0 : i32
    %dma_start3A_459 = tpu.memref_slice %arg9[%dma_start3A_456, %dma_start3A_457, %dma_start3A_458] : memref<3x128x128xf32, #tpu.memory_space<vmem>> -> memref<1x120x128xf32, #tpu.memory_space<vmem>>
    %dma_start3A_460 = tpu.memref_squeeze %dma_start3A_459 : memref<1x120x128xf32, #tpu.memory_space<vmem>> -> memref<120x128xf32, #tpu.memory_space<vmem>>
    %dma_start3A_461 = arith.constant 0 : i32
    %dma_start3A_462 = tpu.memref_slice %arg5[%arg0, %multiple_of3A_455, %dma_start3A_461] : memref<2x10112x128xf32, #tpu.memory_space<hbm>> -> memref<1x120x128xf32, #tpu.memory_space<hbm>>
    %dma_start3A_463 = tpu.memref_squeeze %dma_start3A_462 : memref<1x120x128xf32, #tpu.memory_space<hbm>> -> memref<120x128xf32, #tpu.memory_space<hbm>>
    %dma_start3A_464 = arith.constant 0 : i32
    %dma_start3A_465 = tpu.memref_slice %arg5[%arg0, %multiple_of3A_455, %dma_start3A_464] : memref<2x10112x128xf32, #tpu.memory_space<hbm>> -> memref<1x120x128xf32, #tpu.memory_space<hbm>>
    %dma_start3A_466 = tpu.memref_squeeze %dma_start3A_465 : memref<1x120x128xf32, #tpu.memory_space<hbm>> -> memref<120x128xf32, #tpu.memory_space<hbm>>
    %dma_start3A_467 = arith.constant 0 : i32
    %dma_start3A_468 = arith.constant 0 : i32
    %dma_start3A_469 = tpu.memref_slice %arg9[%dma_start3A_456, %dma_start3A_467, %dma_start3A_468] : memref<3x128x128xf32, #tpu.memory_space<vmem>> -> memref<1x120x128xf32, #tpu.memory_space<vmem>>
    %dma_start3A_470 = tpu.memref_squeeze %dma_start3A_469 : memref<1x120x128xf32, #tpu.memory_space<vmem>> -> memref<120x128xf32, #tpu.memory_space<vmem>>
    tpu.enqueue_dma source(%dma_start3A_470 : memref<120x128xf32, #tpu.memory_space<vmem>>) target(%dma_start3A_466 : memref<120x128xf32, #tpu.memory_space<hbm>>) target_semaphore(%arg10 : memref<!tpu.dma_semaphore, #tpu.memory_space<semaphore_mem>>)
    %add3A_471 = arith.constant 384 : i32
    %add3A_472 = arith.addi %multiple_of3A_306, %add3A_471 : i32
    %multiple_of3A_473 = tpu.assume_multiple %add3A_472, 8 : i32
    %dma_wait3A_474 = arith.constant 1 : i32
    %dma_wait3A_475 = arith.constant 0 : i32
    %dma_wait3A_476 = arith.constant 0 : i32
    %dma_wait3A_477 = tpu.memref_slice %arg9[%dma_wait3A_474, %dma_wait3A_475, %dma_wait3A_476] : memref<3x128x128xf32, #tpu.memory_space<vmem>> -> memref<1x128x128xf32, #tpu.memory_space<vmem>>
    %dma_wait3A_478 = tpu.memref_squeeze %dma_wait3A_477 : memref<1x128x128xf32, #tpu.memory_space<vmem>> -> memref<128x128xf32, #tpu.memory_space<vmem>>
    %dma_wait3A_479 = arith.constant 0 : i32
    %dma_wait3A_480 = tpu.memref_slice %arg5[%arg0, %multiple_of3A_473, %dma_wait3A_479] : memref<2x10112x128xf32, #tpu.memory_space<hbm>> -> memref<1x128x128xf32, #tpu.memory_space<hbm>>
    %dma_wait3A_481 = tpu.memref_squeeze %dma_wait3A_480 : memref<1x128x128xf32, #tpu.memory_space<hbm>> -> memref<128x128xf32, #tpu.memory_space<hbm>>
    %dma_wait3A_482 = arith.constant 0 : i32
    %dma_wait3A_483 = tpu.memref_slice %arg5[%arg0, %multiple_of3A_473, %dma_wait3A_482] : memref<2x10112x128xf32, #tpu.memory_space<hbm>> -> memref<1x128x128xf32, #tpu.memory_space<hbm>>
    %dma_wait3A_484 = tpu.memref_squeeze %dma_wait3A_483 : memref<1x128x128xf32, #tpu.memory_space<hbm>> -> memref<128x128xf32, #tpu.memory_space<hbm>>
    %dma_wait3A_485 = arith.constant 0 : i32
    %dma_wait3A_486 = arith.constant 0 : i32
    %dma_wait3A_487 = tpu.memref_slice %arg9[%dma_wait3A_474, %dma_wait3A_485, %dma_wait3A_486] : memref<3x128x128xf32, #tpu.memory_space<vmem>> -> memref<1x128x128xf32, #tpu.memory_space<vmem>>
    %dma_wait3A_488 = tpu.memref_squeeze %dma_wait3A_487 : memref<1x128x128xf32, #tpu.memory_space<vmem>> -> memref<128x128xf32, #tpu.memory_space<vmem>>
    tpu.wait_dma2 semaphore(%arg11 : memref<!tpu.dma_semaphore, #tpu.memory_space<semaphore_mem>>) src(%dma_wait3A_488 : memref<128x128xf32, #tpu.memory_space<vmem>>) dst(%dma_wait3A_484 : memref<128x128xf32, #tpu.memory_space<hbm>>)
    %add3A_489 = arith.constant 512 : i32
    %add3A_490 = arith.addi %multiple_of3A_306, %add3A_489 : i32
    %multiple_of3A_491 = tpu.assume_multiple %add3A_490, 8 : i32
    %dma_wait3A_492 = arith.constant 0 : i32
    %dma_wait3A_493 = arith.constant 0 : i32
    %dma_wait3A_494 = arith.constant 0 : i32
    %dma_wait3A_495 = tpu.memref_slice %arg9[%dma_wait3A_492, %dma_wait3A_493, %dma_wait3A_494] : memref<3x128x128xf32, #tpu.memory_space<vmem>> -> memref<1x120x128xf32, #tpu.memory_space<vmem>>
    %dma_wait3A_496 = tpu.memref_squeeze %dma_wait3A_495 : memref<1x120x128xf32, #tpu.memory_space<vmem>> -> memref<120x128xf32, #tpu.memory_space<vmem>>
    %dma_wait3A_497 = arith.constant 0 : i32
    %dma_wait3A_498 = tpu.memref_slice %arg5[%arg0, %multiple_of3A_491, %dma_wait3A_497] : memref<2x10112x128xf32, #tpu.memory_space<hbm>> -> memref<1x120x128xf32, #tpu.memory_space<hbm>>
    %dma_wait3A_499 = tpu.memref_squeeze %dma_wait3A_498 : memref<1x120x128xf32, #tpu.memory_space<hbm>> -> memref<120x128xf32, #tpu.memory_space<hbm>>
    %dma_wait3A_500 = arith.constant 0 : i32
    %dma_wait3A_501 = tpu.memref_slice %arg5[%arg0, %multiple_of3A_491, %dma_wait3A_500] : memref<2x10112x128xf32, #tpu.memory_space<hbm>> -> memref<1x120x128xf32, #tpu.memory_space<hbm>>
    %dma_wait3A_502 = tpu.memref_squeeze %dma_wait3A_501 : memref<1x120x128xf32, #tpu.memory_space<hbm>> -> memref<120x128xf32, #tpu.memory_space<hbm>>
    %dma_wait3A_503 = arith.constant 0 : i32
    %dma_wait3A_504 = arith.constant 0 : i32
    %dma_wait3A_505 = tpu.memref_slice %arg9[%dma_wait3A_492, %dma_wait3A_503, %dma_wait3A_504] : memref<3x128x128xf32, #tpu.memory_space<vmem>> -> memref<1x120x128xf32, #tpu.memory_space<vmem>>
    %dma_wait3A_506 = tpu.memref_squeeze %dma_wait3A_505 : memref<1x120x128xf32, #tpu.memory_space<vmem>> -> memref<120x128xf32, #tpu.memory_space<vmem>>
    tpu.wait_dma2 semaphore(%arg10 : memref<!tpu.dma_semaphore, #tpu.memory_space<semaphore_mem>>) src(%dma_wait3A_506 : memref<120x128xf32, #tpu.memory_space<vmem>>) dst(%dma_wait3A_502 : memref<120x128xf32, #tpu.memory_space<hbm>>)
    return
  }
}

module attributes {stable_mosaic.version = 14 : i64} {
  func.func @_prep_body(%arg0: i32, %arg1: memref<2x2x5000x1xf32, #tpu.memory_space<vmem>>, %arg2: memref<5000x128xf32, #tpu.memory_space<vmem>>, %arg3: memref<5000x128xf32, #tpu.memory_space<vmem>>, %arg4: memref<5000x1xf32, #tpu.memory_space<vmem>>, %arg5: memref<5000x1xf32, #tpu.memory_space<vmem>>) attributes {dimension_semantics = [#tpu.dimension_semantics<arbitrary>], iteration_bounds = array<i64: 2>, scalar_prefetch = 0 : i64, scratch_operands = 0 : i64, tpu.core_type = #tpu.core_type<tc>, window_params = [{transform_indices = @transform_0, window_bounds = array<i64: 2, 2, 5000, 1>}, {transform_indices = @transform_1, window_bounds = array<i64: 5000, 128>}, {transform_indices = @transform_2, window_bounds = array<i64: 5000, 128>}, {transform_indices = @transform_3, window_bounds = array<i64: 5000, 1>}, {transform_indices = @transform_4, window_bounds = array<i64: 5000, 1>}]} {
    %get3A = arith.constant 0 : index
    %get3A_0 = arith.constant 0 : index
    %get3A_1 = arith.constant 0 : index
    %get3A_2 = arith.constant 0 : index
    %get3A_3 = vector.load %arg1[%get3A, %get3A_0, %get3A_1, %get3A_2] : memref<2x2x5000x1xf32, #tpu.memory_space<vmem>>, vector<2x2x5000x1xf32>
    %slice3A = vector.extract_strided_slice %get3A_3 {offsets = [0, 0, 0, 0], sizes = [1, 1, 5000, 1], strides = [1, 1, 1, 1]} : vector<2x2x5000x1xf32> to vector<1x1x5000x1xf32>
    %squeeze3A = vector.shape_cast %slice3A : vector<1x1x5000x1xf32> to vector<5000x1xf32>
    %slice3A_4 = vector.extract_strided_slice %get3A_3 {offsets = [1, 0, 0, 0], sizes = [1, 1, 5000, 1], strides = [1, 1, 1, 1]} : vector<2x2x5000x1xf32> to vector<1x1x5000x1xf32>
    %squeeze3A_5 = vector.shape_cast %slice3A_4 : vector<1x1x5000x1xf32> to vector<5000x1xf32>
    %add3A = arith.addf %squeeze3A, %squeeze3A_5 : vector<5000x1xf32>
    %slice3A_6 = vector.extract_strided_slice %get3A_3 {offsets = [0, 1, 0, 0], sizes = [1, 1, 5000, 1], strides = [1, 1, 1, 1]} : vector<2x2x5000x1xf32> to vector<1x1x5000x1xf32>
    %squeeze3A_7 = vector.shape_cast %slice3A_6 : vector<1x1x5000x1xf32> to vector<5000x1xf32>
    %slice3A_8 = vector.extract_strided_slice %get3A_3 {offsets = [1, 1, 0, 0], sizes = [1, 1, 5000, 1], strides = [1, 1, 1, 1]} : vector<2x2x5000x1xf32> to vector<1x1x5000x1xf32>
    %squeeze3A_9 = vector.shape_cast %slice3A_8 : vector<1x1x5000x1xf32> to vector<5000x1xf32>
    %add3A_10 = arith.addf %squeeze3A_7, %squeeze3A_9 : vector<5000x1xf32>
    %max3A = arith.constant 1.000000e+00 : f32
    %max3A_11 = vector.broadcast %max3A : f32 to vector<5000x1xf32>
    %max3A_12 = arith.maximumf %add3A, %max3A_11 : vector<5000x1xf32>
    %rsqrt3A = math.rsqrt %max3A_12 : vector<5000x1xf32>
    %max3A_13 = arith.constant 1.000000e+00 : f32
    %max3A_14 = vector.broadcast %max3A_13 : f32 to vector<5000x1xf32>
    %max3A_15 = arith.maximumf %add3A_10, %max3A_14 : vector<5000x1xf32>
    %rsqrt3A_16 = math.rsqrt %max3A_15 : vector<5000x1xf32>
    %get3A_17 = arith.constant 0 : index
    %get3A_18 = arith.constant 0 : index
    %get3A_19 = vector.load %arg2[%get3A_17, %get3A_18] : memref<5000x128xf32, #tpu.memory_space<vmem>>, vector<5000x128xf32>
    %mul3A = vector.broadcast %rsqrt3A : vector<5000x1xf32> to vector<5000x128xf32>
    %mul3A_20 = arith.mulf %get3A_19, %mul3A : vector<5000x128xf32>
    %swap3A = arith.constant 0 : index
    %swap3A_21 = arith.constant 0 : index
    %swap3A_22 = vector.load %arg3[%swap3A, %swap3A_21] : memref<5000x128xf32, #tpu.memory_space<vmem>>, vector<5000x128xf32>
    tpu.vector_store %arg3[%swap3A, %swap3A_21], %mul3A_20 {strides = array<i32>} : memref<5000x128xf32, #tpu.memory_space<vmem>>, vector<5000x128xf32>,
    %swap3A_23 = arith.constant 0 : index
    %swap3A_24 = arith.constant 0 : index
    %swap3A_25 = vector.load %arg4[%swap3A_23, %swap3A_24] : memref<5000x1xf32, #tpu.memory_space<vmem>>, vector<5000x1xf32>
    tpu.vector_store %arg4[%swap3A_23, %swap3A_24], %rsqrt3A {strides = array<i32>} : memref<5000x1xf32, #tpu.memory_space<vmem>>, vector<5000x1xf32>,
    %swap3A_26 = arith.constant 0 : index
    %swap3A_27 = arith.constant 0 : index
    %swap3A_28 = vector.load %arg5[%swap3A_26, %swap3A_27] : memref<5000x1xf32, #tpu.memory_space<vmem>>, vector<5000x1xf32>
    tpu.vector_store %arg5[%swap3A_26, %swap3A_27], %rsqrt3A_16 {strides = array<i32>} : memref<5000x1xf32, #tpu.memory_space<vmem>>, vector<5000x1xf32>,
    return
  }
  func.func @transform_0(%arg0: i32) -> (i32, i32, i32, i32) {
    %c0_i32 = arith.constant 0 : i32
    %c0_i32_0 = arith.constant 0 : i32
    %c0_i32_1 = arith.constant 0 : i32
    %c0_i32_2 = arith.constant 0 : i32
    return %c0_i32, %c0_i32_0, %arg0, %c0_i32_1 : i32, i32, i32, i32
  }
  func.func @transform_1(%arg0: i32) -> (i32, i32) {
    %c0_i32 = arith.constant 0 : i32
    %c0_i32_0 = arith.constant 0 : i32
    return %arg0, %c0_i32 : i32, i32
  }
  func.func @transform_2(%arg0: i32) -> (i32, i32) {
    %c0_i32 = arith.constant 0 : i32
    %c0_i32_0 = arith.constant 0 : i32
    return %arg0, %c0_i32 : i32, i32
  }
  func.func @transform_3(%arg0: i32) -> (i32, i32) {
    %c0_i32 = arith.constant 0 : i32
    %c0_i32_0 = arith.constant 0 : i32
    return %arg0, %c0_i32 : i32, i32
  }
  func.func @transform_4(%arg0: i32) -> (i32, i32) {
    %c0_i32 = arith.constant 0 : i32
    %c0_i32_0 = arith.constant 0 : i32
    return %arg0, %c0_i32 : i32, i32
  }
}

module attributes {stable_mosaic.version = 14 : i64} {
  func.func @_mid_body(%arg0: i32, %arg1: memref<2x5000x128xf32, #tpu.memory_space<vmem>>, %arg2: memref<5000x1xf32, #tpu.memory_space<vmem>>, %arg3: memref<5000x1xf32, #tpu.memory_space<vmem>>, %arg4: memref<128x128xf32, #tpu.memory_space<vmem>>, %arg5: memref<1x128xf32, #tpu.memory_space<vmem>>, %arg6: memref<5000x128xf32, #tpu.memory_space<vmem>>) attributes {dimension_semantics = [#tpu.dimension_semantics<arbitrary>], iteration_bounds = array<i64: 2>, scalar_prefetch = 0 : i64, scratch_operands = 0 : i64, tpu.core_type = #tpu.core_type<tc>, window_params = [{transform_indices = @transform_0, window_bounds = array<i64: 2, 5000, 128>}, {transform_indices = @transform_1, window_bounds = array<i64: 5000, 1>}, {transform_indices = @transform_2, window_bounds = array<i64: 5000, 1>}, {pipeline_mode = #tpu.pipeline_mode<synchronous>, transform_indices = @transform_3, window_bounds = array<i64: 128, 128>}, {pipeline_mode = #tpu.pipeline_mode<synchronous>, transform_indices = @transform_4, window_bounds = array<i64: 1, 128>}, {transform_indices = @transform_5, window_bounds = array<i64: 5000, 128>}]} {
    %get3A = arith.constant 0 : index
    %get3A_0 = arith.constant 0 : index
    %get3A_1 = arith.constant 0 : index
    %get3A_2 = vector.load %arg1[%get3A, %get3A_0, %get3A_1] : memref<2x5000x128xf32, #tpu.memory_space<vmem>>, vector<1x5000x128xf32>
    %get3A_3 = vector.shape_cast %get3A_2 : vector<1x5000x128xf32> to vector<5000x128xf32>
    %get3A_4 = arith.constant 1 : index
    %get3A_5 = arith.constant 0 : index
    %get3A_6 = arith.constant 0 : index
    %get3A_7 = vector.load %arg1[%get3A_4, %get3A_5, %get3A_6] : memref<2x5000x128xf32, #tpu.memory_space<vmem>>, vector<1x5000x128xf32>
    %get3A_8 = vector.shape_cast %get3A_7 : vector<1x5000x128xf32> to vector<5000x128xf32>
    %add3A = arith.addf %get3A_3, %get3A_8 : vector<5000x128xf32>
    %get3A_9 = arith.constant 0 : index
    %get3A_10 = arith.constant 0 : index
    %get3A_11 = vector.load %arg2[%get3A_9, %get3A_10] : memref<5000x1xf32, #tpu.memory_space<vmem>>, vector<5000x1xf32>
    %mul3A = vector.broadcast %get3A_11 : vector<5000x1xf32> to vector<5000x128xf32>
    %mul3A_12 = arith.mulf %add3A, %mul3A : vector<5000x128xf32>
    %get3A_13 = arith.constant 0 : index
    %get3A_14 = arith.constant 0 : index
    %get3A_15 = vector.load %arg4[%get3A_13, %get3A_14] : memref<128x128xf32, #tpu.memory_space<vmem>>, vector<128x128xf32>
    %dot_general3A = arith.constant dense<0.000000e+00> : vector<5000x128xf32>
    %dot_general3A_16 = tpu.matmul %mul3A_12, %get3A_15, %dot_general3A {dimension_numbers = #tpu.dot_dimension_numbers<[1], [0], [0], [1], [0, 0, 1, 1], [], []>, transpose_lhs_hint = false} : vector<5000x128xf32>, vector<128x128xf32>, vector<5000x128xf32> -> vector<5000x128xf32>
    %get3A_17 = arith.constant 0 : index
    %get3A_18 = arith.constant 0 : index
    %get3A_19 = vector.load %arg5[%get3A_17, %get3A_18] : memref<1x128xf32, #tpu.memory_space<vmem>>, vector<1x128xf32>
    %add3A_20 = vector.broadcast %get3A_19 : vector<1x128xf32> to vector<5000x128xf32>
    %add3A_21 = arith.addf %dot_general3A_16, %add3A_20 : vector<5000x128xf32>
    %max3A = arith.constant 0.000000e+00 : f32
    %max3A_22 = vector.broadcast %max3A : f32 to vector<5000x128xf32>
    %max3A_23 = arith.maximumf %add3A_21, %max3A_22 : vector<5000x128xf32>
    %get3A_24 = arith.constant 0 : index
    %get3A_25 = arith.constant 0 : index
    %get3A_26 = vector.load %arg3[%get3A_24, %get3A_25] : memref<5000x1xf32, #tpu.memory_space<vmem>>, vector<5000x1xf32>
    %mul3A_27 = vector.broadcast %get3A_26 : vector<5000x1xf32> to vector<5000x128xf32>
    %mul3A_28 = arith.mulf %max3A_23, %mul3A_27 : vector<5000x128xf32>
    %swap3A = arith.constant 0 : index
    %swap3A_29 = arith.constant 0 : index
    %swap3A_30 = vector.load %arg6[%swap3A, %swap3A_29] : memref<5000x128xf32, #tpu.memory_space<vmem>>, vector<5000x128xf32>
    tpu.vector_store %arg6[%swap3A, %swap3A_29], %mul3A_28 {strides = array<i32>} : memref<5000x128xf32, #tpu.memory_space<vmem>>, vector<5000x128xf32>,
    return
  }
  func.func @transform_0(%arg0: i32) -> (i32, i32, i32) {
    %c0_i32 = arith.constant 0 : i32
    %c0_i32_0 = arith.constant 0 : i32
    %c0_i32_1 = arith.constant 0 : i32
    return %c0_i32, %arg0, %c0_i32_0 : i32, i32, i32
  }
  func.func @transform_1(%arg0: i32) -> (i32, i32) {
    %c0_i32 = arith.constant 0 : i32
    %c0_i32_0 = arith.constant 0 : i32
    return %arg0, %c0_i32 : i32, i32
  }
  func.func @transform_2(%arg0: i32) -> (i32, i32) {
    %c0_i32 = arith.constant 0 : i32
    %c0_i32_0 = arith.constant 0 : i32
    return %arg0, %c0_i32 : i32, i32
  }
  func.func @transform_3(%arg0: i32) -> (i32, i32) {
    %c0_i32 = arith.constant 0 : i32
    %c0_i32_0 = arith.constant 0 : i32
    %c0_i32_1 = arith.constant 0 : i32
    return %c0_i32, %c0_i32_0 : i32, i32
  }
  func.func @transform_4(%arg0: i32) -> (i32, i32) {
    %c0_i32 = arith.constant 0 : i32
    %c0_i32_0 = arith.constant 0 : i32
    %c0_i32_1 = arith.constant 0 : i32
    return %c0_i32, %c0_i32_0 : i32, i32
  }
  func.func @transform_5(%arg0: i32) -> (i32, i32) {
    %c0_i32 = arith.constant 0 : i32
    %c0_i32_0 = arith.constant 0 : i32
    return %arg0, %c0_i32 : i32, i32
  }
}

module attributes {stable_mosaic.version = 14 : i64} {
  func.func @_fin_body(%arg0: i32, %arg1: memref<2x5000x128xf32, #tpu.memory_space<vmem>>, %arg2: memref<5000x1xf32, #tpu.memory_space<vmem>>, %arg3: memref<128x128xf32, #tpu.memory_space<vmem>>, %arg4: memref<1x128xf32, #tpu.memory_space<vmem>>, %arg5: memref<5000x128xf32, #tpu.memory_space<vmem>>) attributes {dimension_semantics = [#tpu.dimension_semantics<arbitrary>], iteration_bounds = array<i64: 2>, scalar_prefetch = 0 : i64, scratch_operands = 0 : i64, tpu.core_type = #tpu.core_type<tc>, window_params = [{transform_indices = @transform_0, window_bounds = array<i64: 2, 5000, 128>}, {transform_indices = @transform_1, window_bounds = array<i64: 5000, 1>}, {pipeline_mode = #tpu.pipeline_mode<synchronous>, transform_indices = @transform_2, window_bounds = array<i64: 128, 128>}, {pipeline_mode = #tpu.pipeline_mode<synchronous>, transform_indices = @transform_3, window_bounds = array<i64: 1, 128>}, {transform_indices = @transform_4, window_bounds = array<i64: 5000, 128>}]} {
    %get3A = arith.constant 0 : index
    %get3A_0 = arith.constant 0 : index
    %get3A_1 = arith.constant 0 : index
    %get3A_2 = vector.load %arg1[%get3A, %get3A_0, %get3A_1] : memref<2x5000x128xf32, #tpu.memory_space<vmem>>, vector<1x5000x128xf32>
    %get3A_3 = vector.shape_cast %get3A_2 : vector<1x5000x128xf32> to vector<5000x128xf32>
    %get3A_4 = arith.constant 1 : index
    %get3A_5 = arith.constant 0 : index
    %get3A_6 = arith.constant 0 : index
    %get3A_7 = vector.load %arg1[%get3A_4, %get3A_5, %get3A_6] : memref<2x5000x128xf32, #tpu.memory_space<vmem>>, vector<1x5000x128xf32>
    %get3A_8 = vector.shape_cast %get3A_7 : vector<1x5000x128xf32> to vector<5000x128xf32>
    %add3A = arith.addf %get3A_3, %get3A_8 : vector<5000x128xf32>
    %get3A_9 = arith.constant 0 : index
    %get3A_10 = arith.constant 0 : index
    %get3A_11 = vector.load %arg2[%get3A_9, %get3A_10] : memref<5000x1xf32, #tpu.memory_space<vmem>>, vector<5000x1xf32>
    %mul3A = vector.broadcast %get3A_11 : vector<5000x1xf32> to vector<5000x128xf32>
    %mul3A_12 = arith.mulf %add3A, %mul3A : vector<5000x128xf32>
    %get3A_13 = arith.constant 0 : index
    %get3A_14 = arith.constant 0 : index
    %get3A_15 = vector.load %arg3[%get3A_13, %get3A_14] : memref<128x128xf32, #tpu.memory_space<vmem>>, vector<128x128xf32>
    %dot_general3A = arith.constant dense<0.000000e+00> : vector<5000x128xf32>
    %dot_general3A_16 = tpu.matmul %mul3A_12, %get3A_15, %dot_general3A {dimension_numbers = #tpu.dot_dimension_numbers<[1], [0], [0], [1], [0, 0, 1, 1], [], []>, transpose_lhs_hint = false} : vector<5000x128xf32>, vector<128x128xf32>, vector<5000x128xf32> -> vector<5000x128xf32>
    %get3A_17 = arith.constant 0 : index
    %get3A_18 = arith.constant 0 : index
    %get3A_19 = vector.load %arg4[%get3A_17, %get3A_18] : memref<1x128xf32, #tpu.memory_space<vmem>>, vector<1x128xf32>
    %add3A_20 = vector.broadcast %get3A_19 : vector<1x128xf32> to vector<5000x128xf32>
    %add3A_21 = arith.addf %dot_general3A_16, %add3A_20 : vector<5000x128xf32>
    %max3A = arith.constant 0.000000e+00 : f32
    %max3A_22 = vector.broadcast %max3A : f32 to vector<5000x128xf32>
    %max3A_23 = arith.maximumf %add3A_21, %max3A_22 : vector<5000x128xf32>
    %swap3A = arith.constant 0 : index
    %swap3A_24 = arith.constant 0 : index
    %swap3A_25 = vector.load %arg5[%swap3A, %swap3A_24] : memref<5000x128xf32, #tpu.memory_space<vmem>>, vector<5000x128xf32>
    tpu.vector_store %arg5[%swap3A, %swap3A_24], %max3A_23 {strides = array<i32>} : memref<5000x128xf32, #tpu.memory_space<vmem>>, vector<5000x128xf32>,
    return
  }
  func.func @transform_0(%arg0: i32) -> (i32, i32, i32) {
    %c0_i32 = arith.constant 0 : i32
    %c0_i32_0 = arith.constant 0 : i32
    %c0_i32_1 = arith.constant 0 : i32
    return %c0_i32, %arg0, %c0_i32_0 : i32, i32, i32
  }
  func.func @transform_1(%arg0: i32) -> (i32, i32) {
    %c0_i32 = arith.constant 0 : i32
    %c0_i32_0 = arith.constant 0 : i32
    return %arg0, %c0_i32 : i32, i32
  }
  func.func @transform_2(%arg0: i32) -> (i32, i32) {
    %c0_i32 = arith.constant 0 : i32
    %c0_i32_0 = arith.constant 0 : i32
    %c0_i32_1 = arith.constant 0 : i32
    return %c0_i32, %c0_i32_0 : i32, i32
  }
  func.func @transform_3(%arg0: i32) -> (i32, i32) {
    %c0_i32 = arith.constant 0 : i32
    %c0_i32_0 = arith.constant 0 : i32
    %c0_i32_1 = arith.constant 0 : i32
    return %c0_i32, %c0_i32_0 : i32, i32
  }
  func.func @transform_4(%arg0: i32) -> (i32, i32) {
    %c0_i32 = arith.constant 0 : i32
    %c0_i32_0 = arith.constant 0 : i32
    return %arg0, %c0_i32 : i32, i32
  }
}

</mosaic_0001>

<sc_bundles>
// kernel: kernel.11.cloned.1.call-start
scs
__scs_entry_jumppad:
0x0: {  	(pc) =	sbr.rel $0x88, $3  }
0x1: {  	(tag) =	ssettag $0x0;
	lr =	simm.s32 $0x1  }
0x2: {  	[smem:$0x3F9B] =	sst lr;
	_ =	strace $0xD0000000  }
0x3: {  	_ = 	snop  }
0x4: {  	_ = 	snop  }
0x5: {  	_ = 	snop  }
0x6: {  	_ = 	snop  }
0x7: {  	_ = 	snop  }
__scs_overlays_trampoline_lowered:
0x8: {  	[smem:$0x3FAA] =	sst s0  }
0x9: {  	[smem:$0x3FAB] =	sst s1  }
0xa: {  	[smem:$0x3FAC] =	sst s2  }
0xb: {  	[smem:$0x3FAD] =	sst s3  }
0xc: {  	[smem:$0x3FAE] =	sst s4  }
0xd: {  	[smem:$0x3FAF] =	sst s5  }
0xe: {  	[smem:$0x3FB0] =	sst s6  }
0xf: {  	[smem:$0x3FB1] =	sst s7  }
0x10: {  	[smem:$0x3FB2] =	sst s8  }
0x11: {  	[smem:$0x3FB3] =	sst s9;
	s0 =	simm.s32 @!p0 $0x0  }
0x12: {  	s1 =	sld [smem:$0x3F99];
	s0 =	simm.s32 @p0 $0x1  }
0x13: {  	[smem:$0x3FB4] =	sst s0;
	s0 =	simm.s32 @!p1 $0x0  }
0x14: {  	s2 =	sld [smem:$0x3F98];
	s0 =	simm.s32 @p1 $0x1  }
0x15: {  	[smem:$0x3FB5] =	sst s0;
	s0 =	simm.s32 @!p2 $0x0  }
0x16: {  	s3 =	sld [smem:$0x3FDB];
	s0 =	simm.s32 @p2 $0x1  }
0x17: {  	s4 =	simm.s32 $0x1BF5;
	[smem:$0x3FB7] =	sst s0  }
0x18: {  	s0 =	sld [smem:$0x3F9A];
	_ =	swait.ge [sflag:s4], $0x0  }
0x19: {  	s7 =	sld [smem:$0x3F9B]  }
0x1a: {  	s8 =	sadd.s32 $0xFFFFE003, lr  }
0x1b: {  	s9 =	sadd.s32 $0xFFFFFEF7, lr;
	s5 =	simm.s32 $0xFFFFFFFF;
	p2 =	slt.u32 s8, $0xFFFFF086  }
0x1c: {  	p1 =	slt.u32 s9, $0xF7A;
	s5 =	simm.s32 @!p2 $0x0  }
0x1d: {  	s5 =	simm.s32 @p1 $0x1;
	p0 =	seq.s32 s7, s2  }
0x1e: {  	s7 =	smul.u32 @!p0 $0xF7A, s2;
	p2 =	seq.s32 @!p0 s5, $0x0  }
0x1f: {  	s9 =	smul.u32 $0xF7A, s1;
	s8 =	simm.s32 @!p0 $0x1BF5;
	p2 =	por !p2, p0  }
0x20: {  	[sflag:s8] =	ssyncset.s32 @!p0 $0xFFFFF086;
	s6 =	sadd.s32 @!p0 s3, s7;
	s7 =	simm.s32 @!p0 $0x108  }
0x21: {  	s3 =	sadd.s32 s3, s9;
	s6 =	sadd.s32 @!p0 $0x88, s6;
	s7 =	simm.s32 @p2 $0x1082  }
0x22: {  	[simem:s7], [sflag:s8] =	dma.local @!p0 [hbm:s6], $0xF7A  }
0x23: {  	s9 =	sor.u32 $0xD0000000, s2;
	s6 =	simm.s32 $0x108;
	_ =	swait.ge @!p0 [sflag:s8], $0x0  }
0x24: {  	s3 =	sadd.s32 $0x88, s3;
	s6 =	simm.s32 @!p1 $0x1082;
	[sflag:s4] =	ssyncset.s32 $0xFFFFF086  }
0x25: {  	[simem:s6], [sflag:s4] =	dma.local [hbm:s3], $0xF7A  }
0x26: {  	[smem:$0x3F9B] =	sst s1;
	(tag) =	ssettag s2;
	_ =	strace s9  }
0x27: {  	s1 =	sld [smem:$0x3FAB]  }
0x28: {  	s2 =	sld [smem:$0x3FAC]  }
0x29: {  	s4 =	sld [smem:$0x3FAE]  }
0x2a: {  	p0 =	seq.s32 s5, $0x0;
	s5 =	sld [smem:$0x3FAF]  }
0x2b: {  	s6 =	sld [smem:$0x3FB0]  }
0x2c: {  	s7 =	sld [smem:$0x3FB1]  }
0x2d: {  	s3 =	simm.s32 $0x108;
	s8 =	sld [smem:$0x3FB2]  }
0x2e: {  	s3 =	simm.s32 @!p0 $0x1082;
	s9 =	sld [smem:$0x3FB3]  }
0x2f: {  	lr =	sadd.s32 s0, s3;
	s0 =	sld [smem:$0x3FAA]  }
0x30: {  	s3 =	sld [smem:$0x3FAD]  }
0x31: {  	[smem:$0x3FB6] =	sst s10  }
0x32: {  	s10 =	sld [smem:$0x3FB4];
	_ =	sdelay $0x3  }
0x33: {  	p0 =	seq.s32 s10, $0x1;
	s10 =	sld [smem:$0x3FB6];
	_ =	sdelay $0x3  }
0x34: {  	[smem:$0x3FB6] =	sst s10  }
0x35: {  	s10 =	sld [smem:$0x3FB5];
	_ =	sdelay $0x3  }
0x36: {  	p1 =	seq.s32 s10, $0x1;
	s10 =	sld [smem:$0x3FB6];
	_ =	sdelay $0x3  }
0x37: {  	[smem:$0x3FB6] =	sst s10  }
0x38: {  	s10 =	sld [smem:$0x3FB7]  }
0x39: {  	_ = 	snop;
	(pc) =	sbr.ind lr, $3  }
0x3a: {  	_ = 	snop  }
0x3b: {  	_ = 	snop  }
0x3c: {  	p2 =	seq.s32 s10, $0x1;
	s10 =	sld [smem:$0x3FB6]  }
0x3d: {  	_ =	shalt  }
0x3e: {  	_ =	shalt  }
0x3f: {  	_ =	shalt  }
0x40: {  	_ =	shalt  }
0x41: {  	_ =	shalt  }
0x42: {  	_ =	shalt  }
0x43: {  	_ =	shalt  }
0x44: {  	_ =	shalt  }
0x45: {  	_ =	shalt  }
0x46: {  	_ =	shalt  }
0x47: {  	_ =	shalt  }
0x48: {  	_ =	shalt  }
0x49: {  	_ =	shalt  }
0x4a: {  	_ =	shalt  }
0x4b: {  	_ =	shalt  }
0x4c: {  	_ =	shalt  }
0x4d: {  	_ =	shalt  }
0x4e: {  	_ =	shalt  }
0x4f: {  	_ =	shalt  }
0x50: {  	_ =	shalt  }
0x51: {  	_ =	shalt  }
0x52: {  	_ =	shalt  }
0x53: {  	_ =	shalt  }
0x54: {  	_ =	shalt  }
0x55: {  	_ =	shalt  }
0x56: {  	_ =	shalt  }
0x57: {  	_ =	shalt  }
0x58: {  	_ =	shalt  }
0x59: {  	_ =	shalt  }
0x5a: {  	_ =	shalt  }
0x5b: {  	_ =	shalt  }
0x5c: {  	_ =	shalt  }
0x5d: {  	_ =	shalt  }
0x5e: {  	_ =	shalt  }
0x5f: {  	_ =	shalt  }
0x60: {  	_ =	shalt  }
0x61: {  	_ =	shalt  }
0x62: {  	_ =	shalt  }
0x63: {  	_ =	shalt  }
0x64: {  	_ =	shalt  }
0x65: {  	_ =	shalt  }
0x66: {  	_ =	shalt  }
0x67: {  	_ =	shalt  }
0x68: {  	_ =	shalt  }
0x69: {  	_ =	shalt  }
0x6a: {  	_ =	shalt  }
0x6b: {  	_ =	shalt  }
0x6c: {  	_ =	shalt  }
0x6d: {  	_ =	shalt  }
0x6e: {  	_ =	shalt  }
0x6f: {  	_ =	shalt  }
0x70: {  	_ =	shalt  }
0x71: {  	_ =	shalt  }
0x72: {  	_ =	shalt  }
0x73: {  	_ =	shalt  }
0x74: {  	_ =	shalt  }
0x75: {  	_ =	shalt  }
0x76: {  	_ =	shalt  }
0x77: {  	_ =	shalt  }
0x78: {  	_ =	shalt  }
0x79: {  	_ =	shalt  }
0x7a: {  	_ =	shalt  }
0x7b: {  	_ =	shalt  }
0x7c: {  	_ =	shalt  }
0x7d: {  	_ =	shalt  }
0x7e: {  	_ =	shalt  }
0x7f: {  	_ =	shalt  }
0x80: {  	_ =	shalt  }
0x81: {  	_ =	shalt  }
0x82: {  	_ =	shalt  }
0x83: {  	_ =	shalt  }
0x84: {  	_ =	shalt  }
0x85: {  	_ =	shalt  }
0x86: {  	_ =	shalt  }
0x87: {  	_ =	shalt  }
.Lfunc_end0:
.L_simem_size_0:
called_computation.1_lowered:
.L_overlay_start_0:
0x88: {  	s2 =	sld [smem:$0x3FD9]  }
0x89: {  	s3 =	sld [smem:$0x3FFE];
	_ =	sdelay $0x1  }
0x8a: {  	s1 =	srdreg.scid  }
0x8b: {  	s0 =	sand.u32 $0x1, s1  }
0x8c: {  	s17 =	sshll.u32 s0, $0xA;
	s2 =	sadd.s32 s3, s2  }
0x8d: {  	s2 =	sadd.s32 s2, s17  }
0x8e: {  	[smem:$0x3FC2] =	sst s2  }
0x8f: {  	_ = 	snop  }
0x90: {  	s2 =	sld [smem:$0x3FD0];
	(tm) =	ssettm $0x1  }
0x91: {  	s18 =	sld [smem:$0x3FFB];
	_ =	sdelay $0x3  }
0x92: {  	_ =	strace s18  }
0x93: {  	s3 =	sld [smem:$0x3FFC];
	_ =	sdelay $0x3  }
0x94: {  	_ =	strace s3  }
0x95: {  	s3 =	sld [smem:$0x3FFD];
	_ =	sdelay $0x3  }
0x96: {  	_ =	strace s3  }
0x97: {  	_ =	strace $0x8FFFFFFF  }
0x98: {  	s19 =	sld [smem:$0x3FDB];
	_ =	sdelay $0x1  }
0x99: {  	s4 =	simm.s32 $_scs_section_size  }
0x9a: {  	s5 =	simm.s32 $_size__tile_overlayer_lowered;
	s6 =	simm.s32 $_tile_overlayer_lowered  }
0x9b: {  	s22 =	simm.s32 $0x1BFF;
	s21 =	sshll.u32 s6, $0x1;
	s3 =	sadd.s32 s4, s19  }
0x9c: {  	s7 =	simm.s32 $0x0;
	s20 =	sshll.u32 s5, $0x1;
	s5 =	sadd.s32 s21, s3  }
0x9d: {  	[timem:s7], [sflag:s22] =	dma.local [hbm:s5], s20  }
0x9e: {  	_ =	swait.ge [sflag:s22], s20  }
0x9f: {  	s4 =	ssub.s32 $0x0, s20;
	[sflag:s22] =	ssyncset.done $0x0  }
0xa0: {  	[sflag:s22] =	ssyncadd.s32 s4;
	_ =	sdelay $0x1  }
0xa1: {  	s23 =	simm.s32 $0x1B8B  }
0xa2: {  	_ =	swait.ge [sflag:s23], $0x1  }
0xa3: {  	[sflag:s23] =	ssyncset.done $0x0  }
0xa4: {  	s25 =	simm.s32 $0x1B8E;
	s24 =	sld [smem:$0x3FFE];
	[sflag:s23] =	ssyncadd.s32 $0xFFFFFFFF  }
0xa5: {  	s26 =	simm.s32 $execute0_lowered;
	[smem:$0x3FD2] =	sst s25  }
0xa6: {  	s5 =	sshll.u32 s26, $0x1;
	_ =	strace $0x80000049;
	[dreg:$0x1] =	wrdreg $0xFFFFFFFF  }
0xa7: {  	s28 =	simm.s32 $_size_execute0_lowered;
	s3 =	sadd.s32 s3, s5;
	[dreg:$0x0] =	wrdreg $0x0  }
0xa8: {  	s5 =	sshll.u32 s28, $0x1;
	[dreg:$0x2] =	wrdreg s3  }
0xa9: {  	[dreg:$0x3] =	wrdreg s5  }
0xaa: {  	[dreg:$0x4] =	wrdreg $0xC0  }
0xab: {  	_ =	task [dreg:s7], $0x5FFFF  }
0xac: {  	[dreg:$0x1] =	wrdreg $0xFFFFFFFF  }
0xad: {  	[dreg:$0x0] =	wrdreg $0x60  }
0xae: {  	[dreg:$0x2] =	wrdreg s2  }
0xaf: {  	[dreg:$0x3] =	wrdreg s24  }
0xb0: {  	[dreg:$0x4] =	wrdreg $0x0  }
0xb1: {  	[dreg:$0x5] =	wrdreg $0x9  }
0xb2: {  	_ =	task.clear_ibuf [dreg:s7], $0x6FFFF;
	_ =	strace $0x90000049  }
0xb3: {  	s29 =	simm.s32 $0x9;
	_ =	strace $0x8000004B  }
0xb4: {  	_ =	swait.ge [sflag:s29], $0x1  }
0xb5: {  	[sflag:s29] =	ssyncadd.s32 $0xFFFFFFFF  }
0xb6: {  	_ =	strace $0x9000004B  }
0xb7: {  	_ =	sfence  }
0xb8: {  	s30 =	sld [smem:$0x0];
	_ =	sdelay $0x2  }
0xb9: {  	s31 =	sshll.u32 s1, $0xD;
	s1 =	sshrl.u32 s1, $0x2  }
0xba: {  	s3 =	sand.u32 $0x4000, s31;
	s1 =	sadd.s32 s1, s30  }
0xbb: {  	s0 =	sor.u32 s3, s0;
	s1 =	sshll.u32 s1, $0x11  }
0xbc: {  	s0 =	sor.u32 s1, s0  }
0xbd: {  	s0 =	sadd.s32 $0x8F2B, s0  }
0xbe: {  	[sflag:s0] =	ssyncadd.remote.s32 $0x1  }
0xbf: {  	_ =	sfence.sel $0xFFFF  }
0xc0: {  	[dreg:$0x0] =	wrdreg $0xFFFFFFFF;
	(pc) =	sbr.abs _section_cstart, $3  }
0xc1: {  	[dreg:$0x1] =	wrdreg $0xFFFFFFFF  }
0xc2: {  	_ =	task.clear_ibuf [dreg:s7], $0x2FFFF;
	_ =	strace $0x9FFFFFFF  }
0xc3: {  	(tm) =	ssettm $0x7FFFFFFF  }
tec
execute0_lowered:
.L_overlay_start_1:
0x0: {  	(tag) =	ssettag $0x1  }
0x1: {  	s1 =	rddreg [dreg:$0x0]  }
0x2: {  	s0 =	rddreg [dreg:$0x1]  }
0x3: {  	s2 =	rddreg [dreg:$0x2]  }
0x4: {  	s3 =	srdreg.scid;
	s4 =	simm.s32 $0x0;
	s12 =	stileid.u32  }
0x5: {  	s28 =	simm.s32 $0x80;
	s29 =	simm.s32 $0x14000;
	s30 =	simm.s32 $0x13C80  }
0x6: {  	s31 =	simm.s32 $0x5;
	s3 =	sand.u32 $0x1, s3;
	s24 =	smul.u32 $0x4F000, s12  }
0x7: {  	[smem:$0x7FF] =	sst s4;
	s6 =	sadd.s32 $0xC200, s0;
	s26 =	smul.u32 $0x13C00, s12  }
0x8: {  	s7 =	sadd.s32 $0x17800, s0;
	s0 =	sadd.s32 $0x21A00, s0;
	s17 =	smul.u32 $0x2800, s12  }
0x9: {  	s5 =	sshll.u32 s3, $0x4;
	_ =	strace $0x8000004A;
	s18 =	smul.u32 $0x13C000, s3  }
0xa: {  	s8 =	ssub.s32 $0x2, s3;
	s3 =	smul.u32 $0x28000, s3;
	s5 =	sor.u32 s12, s5  }
0xb: {  	s9 =	sshrl.u32 s8, $0x1;
	s19 =	sadd.s32 $0x4000, s26;
	s5 =	smul.u32 $0x2800, s5  }
0xc: {  	s15 =	sadd.s32 $0x8000, s26;
	s16 =	sadd.s32 $0xC000, s26;
	s20 =	sadd.s32 s26, s18  }
0xd: {  	s3 =	sadd.s32 s17, s3;
	s17 =	sshrl.u32 s20, $0x3;
	s5 =	sshrl.u32 s5, $0x3  }
0xe: {  	s8 =	ssub.s32 s8, s9;
	s17 =	sadd.s32 s0, s17;
	s10 =	sadd.s32 s6, s5  }
0xf: {  	s22 =	sor.u32 $0x10, s5;
	s5 =	sadd.s32 s7, s5;
	[dreg:$0xa] =	wrdreg s17  }
0x10: {  	s12 =	sadd.s32 s19, s2;
	s13 =	sadd.s32 s15, s2;
	[dreg:$0x5] =	wrdreg s5  }
0x11: {  	s14 =	sadd.s32 s16, s2;
	s23 =	sadd.s32 s6, s22;
	[dreg:$0x4] =	wrdreg s10  }
0x12: {  	s21 =	sadd.s32 s18, s15;
	s9 =	sadd.s32 s7, s22;
	[dreg:$0x6] =	wrdreg s23  }
0x13: {  	s25 =	sadd.s32 $0x20, s10;
	s10 =	sadd.s32 $0x30, s10;
	[dreg:$0x7] =	wrdreg s9  }
0x14: {  	s5 =	sshrl.u32 s24, $0x2;
	s22 =	sadd.s32 s18, s16;
	[dreg:$0x8] =	wrdreg s25  }
0x15: {  	s24 =	sor.u32 $0x200, s3;
	s3 =	sor.u32 $0x100, s3;
	[dreg:$0x9] =	wrdreg s10  }
0x16: {  	s11 =	sadd.s32 s5, s2;
	s5 =	sadd.s32 s18, s19;
	s9 =	sadd.s32 $0x10000, s26  }
0x17: {  	s23 =	sshrl.u32 s22, $0x3;
	s25 =	smax.u32 s8, $0x1;
	s26 =	sshrl.u32 s3, $0x3  }
0x18: {  	s3 =	simm.s32 $0x18000;
	s8 =	simm.s32 $0x2;
	s5 =	sshrl.u32 s5, $0x3  }
0x19: {  	s10 =	sadd.s32 s18, s9;
	s20 =	sadd.s32 s9, s2;
	[dreg:$0xf] =	wrdreg s25  }
0x1a: {  	s15 =	sadd.s32 s26, s7;
	s25 =	simm.s32 $0x6;
	s5 =	sadd.s32 s0, s5  }
0x1b: {  	s26 =	simm.s32 $0x1C000;
	[dreg:$0xb] =	wrdreg s5;
	s5 =	sshrl.u32 s21, $0x3  }
.Ltmp0:
0x1c: {  	s10 =	sshrl.u32 s10, $0x3;
	s5 =	sadd.s32 s0, s5;
	(pc) =	sbr.rel .LBB2_1-.Ltmp0, $4  }
0x1d: {  	[dreg:$0xc] =	wrdreg s5;
	s5 =	sadd.s32 s0, s23;
	s0 =	sadd.s32 s0, s10  }
0x1e: {  	s7 =	simm.s32 $0x4;
	[dreg:$0xe] =	wrdreg s0;
	s0 =	sshrl.u32 s24, $0x3  }
0x1f: {  	s9 =	simm.s32 $0x0;
	[dreg:$0xd] =	wrdreg s5;
	s0 =	sadd.s32 s0, s6  }
0x20: {  	v0 =	vimm.f32 $0.0e+00;
	s6 =	simm.s32 $0x1;
	[dreg:$0x10] =	wrdreg s0;
	s0 =	simm.s32 $0x3  }
.LBB2_10:
0x21: {  	_ =	swait.ge [sflag:s6], $0x4000  }
0x22: {  	[sflag:s6] =	ssyncset.done $0x0  }
0x23: {  	[sflag:s6] =	ssyncadd.s32 $0xFFFFC000  }
0x24: {  	_ =	swait.ge [sflag:s8], $0x4000  }
0x25: {  	[sflag:s8] =	ssyncset.done $0x0  }
0x26: {  	[sflag:s8] =	ssyncadd.s32 $0xFFFFC000  }
0x27: {  	_ =	swait.ge [sflag:s31], $0x4000  }
0x28: {  	[sflag:s31] =	ssyncset.done $0x0  }
0x29: {  	[sflag:s31] =	ssyncadd.s32 $0xFFFFC000  }
0x2a: {  	_ =	swait.ge [sflag:s0], $0x80  }
0x2b: {  	[sflag:s0] =	ssyncset.done $0x0  }
0x2c: {  	[sflag:s0] =	ssyncadd.s32 $0xFFFFFF80  }
0x2d: {  	_ =	swait.ge [sflag:s7], $0x80  }
0x2e: {  	[sflag:s7] =	ssyncset.done $0x0  }
0x2f: {  	[sflag:s7] =	ssyncadd.s32 $0xFFFFFF80  }
0x30: {  	[bflag:$0x0] =	sbarrier.arrive $0xFFFF  }
0x31: {  	[tilespmem:s29], [sflag:$0x6] =	stream.linear.gather [spmem:s11], $0x4000, $0x38;
	v63 =	vld [tilespmem:$0x0]  }
0x32: {  	_ =	swait.ge [sflag:s25], $0x4000  }
0x33: {  	[sflag:s25] =	ssyncset.done $0x0  }
0x34: {  	s5 =	rddreg [dreg:$0xa];
	[sflag:s25] =	ssyncadd.s32 $0xFFFFC000  }
0x35: {  	[hbm4b:s5+s4] =	stream.linear.scatter [tilespmem:s29], [sflag:$0x1], $0x4000, $0x38;
	v63 =	vld [tilespmem:$0x0]  }
0x36: {  	_ = 	snop  }
0x37: {  	[tilespmem:s3], [sflag:$0x6] =	stream.linear.gather [spmem:s12], $0x4000, $0x38;
	v63 =	vld [tilespmem:$0x0]  }
0x38: {  	_ =	swait.ge [sflag:s25], $0x4000  }
0x39: {  	[sflag:s25] =	ssyncset.done $0x0  }
0x3a: {  	s19 =	rddreg [dreg:$0xb];
	[sflag:s25] =	ssyncadd.s32 $0xFFFFC000  }
0x3b: {  	[hbm4b:s19+s4] =	stream.linear.scatter [tilespmem:s3], [sflag:$0x2], $0x4000, $0x38;
	v63 =	vld [tilespmem:$0x0]  }
0x3c: {  	_ =	swait.ge [sflag:s6], $0x4000  }
0x3d: {  	[sflag:s6] =	ssyncset.done $0x0  }
0x3e: {  	[sflag:s6] =	ssyncadd.s32 $0xFFFFC000  }
0x3f: {  	[tilespmem:s29], [sflag:$0x6] =	stream.linear.gather [spmem:s13], $0x4000, $0x38;
	v63 =	vld [tilespmem:$0x0]  }
0x40: {  	_ =	swait.ge [sflag:s25], $0x4000  }
0x41: {  	[sflag:s25] =	ssyncset.done $0x0  }
0x42: {  	s21 =	rddreg [dreg:$0xc];
	[sflag:s25] =	ssyncadd.s32 $0xFFFFC000  }
0x43: {  	[hbm4b:s21+s4] =	stream.linear.scatter [tilespmem:s29], [sflag:$0x1], $0x4000, $0x38;
	v63 =	vld [tilespmem:$0x0]  }
0x44: {  	_ =	swait.ge [sflag:s8], $0x4000  }
0x45: {  	[sflag:s8] =	ssyncset.done $0x0  }
0x46: {  	[sflag:s8] =	ssyncadd.s32 $0xFFFFC000  }
0x47: {  	[tilespmem:s3], [sflag:$0x6] =	stream.linear.gather [spmem:s14], $0x4000, $0x38;
	v63 =	vld [tilespmem:$0x0]  }
0x48: {  	_ =	swait.ge [sflag:s25], $0x4000  }
0x49: {  	[sflag:s25] =	ssyncset.done $0x0  }
0x4a: {  	s22 =	rddreg [dreg:$0xd];
	[sflag:s25] =	ssyncadd.s32 $0xFFFFC000  }
0x4b: {  	[hbm4b:s22+s4] =	stream.linear.scatter [tilespmem:s3], [sflag:$0x2], $0x4000, $0x38;
	v63 =	vld [tilespmem:$0x0]  }
0x4c: {  	_ =	swait.ge [sflag:s6], $0x4000  }
0x4d: {  	[sflag:s6] =	ssyncset.done $0x0  }
0x4e: {  	[sflag:s6] =	ssyncadd.s32 $0xFFFFC000  }
0x4f: {  	[tilespmem:s29], [sflag:$0x6] =	stream.linear.gather [spmem:s20], $0x3C00, $0x38;
	v63 =	vld [tilespmem:$0x0]  }
0x50: {  	_ =	swait.ge [sflag:s25], $0x3C00  }
0x51: {  	[sflag:s25] =	ssyncset.done $0x0  }
0x52: {  	s23 =	rddreg [dreg:$0xe];
	[sflag:s25] =	ssyncadd.s32 $0xFFFFC400  }
0x53: {  	[hbm4b:s23+s4] =	stream.linear.scatter [tilespmem:s29], [sflag:$0x1], $0x3C00, $0x38;
	v63 =	vld [tilespmem:$0x0]  }
0x54: {  	_ =	swait.ge [sflag:s8], $0x4000  }
0x55: {  	[sflag:s8] =	ssyncset.done $0x0  }
0x56: {  	[sflag:s8] =	ssyncadd.s32 $0xFFFFC000  }
0x57: {  	_ =	swait.ge [sflag:s6], $0x3C00  }
0x58: {  	s9 =	sadd.s32 $0x1, s9;
	s24 =	rddreg [dreg:$0xf]  }
0x59: {  	p0 =	sne.s32 s9, s24  }
.Ltmp1:
0x5a: {  	_ = 	snop;
	(pc) =	sbr.rel @!p0 .LBB2_11-.Ltmp1, $3  }
0x5b: {  	_ =	sdelay $0x1  }
0x5c: {  	[sflag:s6] =	ssyncset.done $0x0  }
0x5d: {  	[sflag:s6] =	ssyncadd.s32 $0xFFFFC400  }
.LBB2_1:
0x5e: {  	s5 =	rddreg [dreg:$0x4];
	s10 =	simm.s32 $0x13C00  }
0x5f: {  	[tilespmem:s10], [sflag:$0x6] =	stream.linear.gather [hbm4b:s5+s4], $0x80, $0x38;
	v63 =	vld [tilespmem:$0x0]  }
0x60: {  	_ =	swait.ge [sflag:s25], $0x80  }
0x61: {  	[sflag:s25] =	ssyncset.done $0x0  }
0x62: {  	s16 =	simm.s32 $0x13E00;
	s24 =	rddreg [dreg:$0x5];
	[sflag:s25] =	ssyncadd.s32 $0xFFFFFF80  }
0x63: {  	[tilespmem:s16], [sflag:$0x6] =	stream.linear.gather [hbm4b:s24+s4], $0x80, $0x38;
	v63 =	vld [tilespmem:$0x0]  }
0x64: {  	_ =	swait.ge [sflag:s25], $0x80  }
0x65: {  	[sflag:s25] =	ssyncset.done $0x0  }
0x66: {  	[sflag:s25] =	ssyncadd.s32 $0xFFFFFF80  }
0x67: {  	[tilespmem:s29], [sflag:$0x1] =	stream.indirect.gather [hbm4b:s1+s28], $0x80, s10, s28, $0xb8;
	v63 =	vld [tilespmem:$0x0]  }
0x68: {  	s17 =	rddreg [dreg:$0x6]  }
0x69: {  	[tilespmem:s30], [sflag:$0x3] =	stream.linear.gather [hbm4b:s17+s4], $0x80, $0x38;
	v63 =	vld [tilespmem:$0x0]  }
0x6a: {  	s19 =	simm.s32 $0x13E80;
	s18 =	rddreg [dreg:$0x7]  }
0x6b: {  	[tilespmem:s19], [sflag:$0x4] =	stream.linear.gather [hbm4b:s18+s4], $0x80, $0x38;
	v63 =	vld [tilespmem:$0x0]  }
0x6c: {  	_ =	swait.ge [sflag:s0], $0x80  }
0x6d: {  	[sflag:s0] =	ssyncset.done $0x0  }
0x6e: {  	[sflag:s0] =	ssyncadd.s32 $0xFFFFFF80  }
0x6f: {  	[tilespmem:s3], [sflag:$0x2] =	stream.indirect.gather [hbm4b:s1+s28], $0x80, s30, s28, $0xb8;
	v63 =	vld [tilespmem:$0x0]  }
0x70: {  	s22 =	simm.s32 $0x13D00;
	s5 =	simm.s32 $0x0;
	s21 =	rddreg [dreg:$0x8]  }
0x71: {  	[tilespmem:s22], [sflag:$0x3] =	stream.linear.gather [hbm4b:s21+s4], $0x80, $0x38;
	v63 =	vld [tilespmem:$0x0]  }
0x72: {  	s24 =	simm.s32 $0x13D80;
	s10 =	simm.s32 $0x200;
	s23 =	rddreg [dreg:$0x9]  }
0x73: {  	[tilespmem:s24], [sflag:$0x3] =	stream.linear.gather [hbm4b:s23+s4], $0x80, $0x38;
	v63 =	vld [tilespmem:$0x0]  }
.LBB2_2:
0x74: {  	p0 =	sne.s32 s10, $0xFE00;
	[tilespmem:s5+$0x1C070] =	vst v0  }
0x75: {  	[tilespmem:s5+$0x1C000] =	vst v0  }
0x76: {  	[tilespmem:s5+$0x1C010] =	vst v0  }
.Ltmp2:
0x77: {  	[tilespmem:s5+$0x1C020] =	vst v0;
	(pc) =	sbr.rel @p0 .LBB2_2-.Ltmp2, $4  }
0x78: {  	[tilespmem:s5+$0x1C030] =	vst v0  }
0x79: {  	[tilespmem:s5+$0x1C040] =	vst v0  }
0x7a: {  	[tilespmem:s5+$0x1C050] =	vst v0  }
0x7b: {  	[tilespmem:s5+$0x1C060] =	vst v0;
	s5 =	sshra.s32 s10, $0x2;
	s10 =	sadd.s32 $0x200, s10  }
0x7c: {  	[tilespmem:s5+$0x1C070] =	vst v0  }
0x7d: {  	[tilespmem:s5+$0x1C000] =	vst v0  }
0x7e: {  	[tilespmem:s5+$0x1C010] =	vst v0  }
0x7f: {  	[tilespmem:s5+$0x1C020] =	vst v0  }
0x80: {  	[tilespmem:s5+$0x1C030] =	vst v0  }
0x81: {  	[tilespmem:s5+$0x1C040] =	vst v0  }
0x82: {  	[tilespmem:s5+$0x1C050] =	vst v0  }
0x83: {  	[tilespmem:s5+$0x1C060] =	vst v0  }
0x84: {  	[spmem:s11] =	stream.linear.scatter [tilespmem:s26], [sflag:$0x5], $0x4000, $0x38;
	v63 =	vld [tilespmem:$0x0]  }
0x85: {  	_ = 	snop  }
0x86: {  	[spmem:s12] =	stream.linear.scatter [tilespmem:s26], [sflag:$0x5], $0x4000, $0x38;
	v63 =	vld [tilespmem:$0x0]  }
0x87: {  	_ = 	snop  }
0x88: {  	[spmem:s13] =	stream.linear.scatter [tilespmem:s26], [sflag:$0x5], $0x4000, $0x38;
	v63 =	vld [tilespmem:$0x0]  }
0x89: {  	_ = 	snop  }
0x8a: {  	[spmem:s14] =	stream.linear.scatter [tilespmem:s26], [sflag:$0x5], $0x4000, $0x38;
	v63 =	vld [tilespmem:$0x0]  }
0x8b: {  	_ = 	snop  }
0x8c: {  	[spmem:s20] =	stream.linear.scatter [tilespmem:s26], [sflag:$0x5], $0x3C00, $0x38;
	v63 =	vld [tilespmem:$0x0]  }
0x8d: {  	_ =	swait.ge [sflag:s31], $0x4000  }
0x8e: {  	[sflag:s31] =	ssyncset.done $0x0  }
0x8f: {  	[sflag:s31] =	ssyncadd.s32 $0xFFFFC000  }
0x90: {  	_ =	swait.ge [sflag:s31], $0x4000  }
0x91: {  	[sflag:s31] =	ssyncset.done $0x0  }
0x92: {  	[sflag:s31] =	ssyncadd.s32 $0xFFFFC000  }
0x93: {  	_ =	swait.ge [sflag:s31], $0x4000  }
0x94: {  	[sflag:s31] =	ssyncset.done $0x0  }
0x95: {  	[sflag:s31] =	ssyncadd.s32 $0xFFFFC000  }
0x96: {  	_ =	swait.ge [sflag:s31], $0x4000  }
0x97: {  	[sflag:s31] =	ssyncset.done $0x0  }
0x98: {  	[sflag:s31] =	ssyncadd.s32 $0xFFFFC000  }
.Ltmp3:
0x99: {  	_ =	swait.ge [sflag:s31], $0x3C00;
	(pc) =	sbr.rel .LBB2_4-.Ltmp3, $4  }
0x9a: {  	[sflag:s31] =	ssyncset.done $0x0  }
0x9b: {  	[sflag:s31] =	ssyncadd.s32 $0xFFFFC400  }
0x9c: {  	s10 =	simm.s32 $0x0;
	[bflag:$0x0] =	sbarrier.arrive $0xFFFF  }
0x9d: {  	s5 =	simm.s32 $0x2;
	s23 =	smov.u32 s15;
	s22 =	rddreg [dreg:$0x10]  }
.LBB2_5:
0x9e: {  	_ =	swait.ge [sflag:s8], $0x4000  }
0x9f: {  	[sflag:s8] =	ssyncset.done $0x0  }
0xa0: {  	[sflag:s8] =	ssyncadd.s32 $0xFFFFC000  }
.LBB2_7:
0xa1: {  	_ =	swait.ge [sflag:s31], $0x4000  }
0xa2: {  	[sflag:s31] =	ssyncset.done $0x0  }
0xa3: {  	[sflag:s31] =	ssyncadd.s32 $0xFFFFC000  }
.LBB2_9:
0xa4: {  	s18 =	smul.u32 $0xAB, s5;
	_ =	sdelay $0x1  }
0xa5: {  	s19 =	sshrl.u32 s18, $0x9  }
0xa6: {  	s19 =	sand.u32 $0x7F, s19  }
0xa7: {  	s19 =	smul.u32 $0x3, s19  }
0xa8: {  	s21 =	sadd.s32 $0x400, s10  }
0xa9: {  	_ =	swait.ge [sflag:s0], $0x80;
	s16 =	simm.s32 $0x1;
	s19 =	ssub.s32 s5, s19  }
0xaa: {  	s21 =	sand.u32 $0x600, s21;
	[sflag:s0] =	ssyncset.done $0x0;
	s19 =	sand.u32 $0xFF, s19  }
0xab: {  	s16 =	simm.s32 @!p0 $0x2;
	s21 =	sshrl.u32 s21, $0x2;
	s24 =	sshll.u32 s19, $0xE  }
0xac: {  	[sflag:s0] =	ssyncadd.s32 $0xFFFFFF80;
	s21 =	sor.u32 $0x13C00, s21;
	s24 =	sadd.s32 $0x14000, s24  }
0xad: {  	[tilespmem:s24], [sflag:s16] =	stream.indirect.gather [hbm4b:s1+s28], $0x80, s21, s28, $0xb8;
	v63 =	vld [tilespmem:$0x0]  }
0xae: {  	s21 =	sadd.s32 $0xFFFFFEAA, s18  }
0xaf: {  	s24 =	sand.u32 $0x600, s10;
	s16 =	sshrl.u32 s21, $0x9  }
0xb0: {  	s18 =	sshrl.u32 s24, $0x2;
	s16 =	sand.u32 $0x7F, s16  }
0xb1: {  	s19 =	sshll.u32 s19, $0x7;
	s18 =	sor.u32 $0x13C00, s18;
	s16 =	smul.u32 $0x3, s16  }
0xb2: {  	[tilespmem:s18], [sflag:$0x3] =	stream.linear.gather [hbm4b:s22+s4], $0x80, $0x38;
	v63 =	vld [tilespmem:$0x0]  }
0xb3: {  	s10 =	sadd.s32 $0x200, s10;
	_ =	swait.ge [sflag:s7], $0x80;
	s16 =	ssub.s32 s17, s16  }
0xb4: {  	p0 =	sne.s32 s10, $0xA000;
	[sflag:s7] =	ssyncset.done $0x0;
	s16 =	sand.u32 $0xFF, s16  }
0xb5: {  	[sflag:s7] =	ssyncadd.s32 $0xFFFFFF80;
	s21 =	sshll.u32 s16, $0xE;
	s16 =	sshll.u32 s16, $0x7  }
.Ltmp4:
0xb6: {  	s18 =	sadd.s32 $0x14000, s21;
	s16 =	sadd.s32 $0x13E00, s16;
	(pc) =	sbr.rel @!p0 .LBB2_10-.Ltmp4, $4  }
0xb7: {  	[spmem:s2] =	stream.indirect.scatter.add.f32 [tilespmem:s18], [sflag:$0x5], $0x80, s16, s28, $0xb8;
	v63 =	vld [tilespmem:$0x0]  }
0xb8: {  	s24 =	sadd.s32 $0x13E00, s19  }
0xb9: {  	[tilespmem:s24], [sflag:$0x4] =	stream.linear.gather [hbm4b:s23+s4], $0x80, $0x38;
	v63 =	vld [tilespmem:$0x0]  }
0xba: {  	s5 =	sadd.s32 $0x1, s5;
	s22 =	sadd.s32 $0x10, s22;
	s23 =	sadd.s32 $0x10, s23  }
.LBB2_4:
0xbb: {  	s17 =	sadd.s32 $0xFFFFFFFE, s5  }
0xbc: {  	s18 =	sand.u32 $0x1, s17  }
0xbd: {  	p0 =	seq.s32 s18, $0x0  }
.Ltmp5:
0xbe: {  	_ = 	snop;
	(pc) =	sbr.rel @!p0 .LBB2_5-.Ltmp5, $1  }
0xbf: {  	_ =	sdelay $0x3  }
0xc0: {  	p1 =	seq.s32 s10, $0x0  }
.Ltmp6:
0xc1: {  	_ = 	snop;
	(pc) =	sbr.rel @!p1 .LBB2_7-.Ltmp6, $4  }
0xc2: {  	_ = 	snop  }
0xc3: {  	_ =	swait.ge [sflag:s6], $0x4000  }
0xc4: {  	[sflag:s6] =	ssyncset.done $0x0  }
0xc5: {  	[sflag:s6] =	ssyncadd.s32 $0xFFFFC000  }
.Ltmp7:
0xc6: {  	(pc) =	sbr.rel .LBB2_9-.Ltmp7, $4  }
0xc7: {  	_ = 	snop  }
0xc8: {  	_ =	swait.ge [sflag:s0], $0x80  }
0xc9: {  	[sflag:s0] =	ssyncset.done $0x0  }
0xca: {  	[sflag:s0] =	ssyncadd.s32 $0xFFFFFF80  }
.LBB2_11:
0xcb: {  	_ =	sfence.sel $0x180000  }
0xcc: {  	[bflag:$0x0] =	sbarrier.arrive $0xFFFF  }
0xcd: {  	_ =	strace $0x9000004A  }
0xce: {  	s0 =	stileid.u32;
	[bflag:$0x2] =	sbarrier.arrive $0xFFFF  }
0xcf: {  	p0 =	sne.s32 s0, $0x0;
	s0 =	rddreg [dreg:$0x3]  }
0xd0: {  	s0 =	sadd.s32 @!p0 $0x100000, s0  }
0xd1: {  	[sflag:s0] =	ssyncadd.tile.s32 @!p0 $0x1;
	_ =	shalt  }
.Lfunc_end2:
_tile_overlayer_lowered:
.L_overlay_start_2:
0xd2: {  	(tag) =	ssettag $0x2  }
0xd3: {  	s0 =	rddreg [dreg:$0x0];
	s2 =	stileid.u32  }
0xd4: {  	s1 =	rddreg [dreg:$0x1];
	p0 =	sne.s32 s2, $0x0  }
0xd5: {  	s3 =	rddreg [dreg:$0x2];
	[bflag:$0x3] =	sbarrier.arrive $0xFFFF;
	s2 =	simm.s32 @!p0 $0x1C06  }
0xd6: {  	[timem:s3], [sflag:s2] =	dma.local @!p0 [hbm:s0], s1  }
0xd7: {  	s0 =	simm.s32 @!p0 $0x6  }
0xd8: {  	_ =	swait.ge @!p0 [sflag:s0], s1  }
0xd9: {  	s1 =	ssub.s32 @!p0 $0x0, s1;
	[sflag:s0] =	ssyncset.done @!p0 $0x0  }
0xda: {  	[sflag:s0] =	ssyncadd.s32 @!p0 s1  }
0xdb: {  	[bflag:$0x3] =	sbarrier.arrive $0xFFFF  }
0xdc: {  	_ =	shalt  }

// kernel: kernel.14.cloned.1.call-start
scs
__scs_entry_jumppad:
0x0: {  	(pc) =	sbr.rel $0x88, $3  }
0x1: {  	(tag) =	ssettag $0x0;
	lr =	simm.s32 $0x1  }
0x2: {  	[smem:$0x3F9B] =	sst lr;
	_ =	strace $0xD0000000  }
0x3: {  	_ = 	snop  }
0x4: {  	_ = 	snop  }
0x5: {  	_ = 	snop  }
0x6: {  	_ = 	snop  }
0x7: {  	_ = 	snop  }
__scs_overlays_trampoline_lowered:
0x8: {  	[smem:$0x3FAA] =	sst s0  }
0x9: {  	[smem:$0x3FAB] =	sst s1  }
0xa: {  	[smem:$0x3FAC] =	sst s2  }
0xb: {  	[smem:$0x3FAD] =	sst s3  }
0xc: {  	[smem:$0x3FAE] =	sst s4  }
0xd: {  	[smem:$0x3FAF] =	sst s5  }
0xe: {  	[smem:$0x3FB0] =	sst s6  }
0xf: {  	[smem:$0x3FB1] =	sst s7  }
0x10: {  	[smem:$0x3FB2] =	sst s8  }
0x11: {  	[smem:$0x3FB3] =	sst s9;
	s0 =	simm.s32 @!p0 $0x0  }
0x12: {  	s1 =	sld [smem:$0x3F99];
	s0 =	simm.s32 @p0 $0x1  }
0x13: {  	[smem:$0x3FB4] =	sst s0;
	s0 =	simm.s32 @!p1 $0x0  }
0x14: {  	s2 =	sld [smem:$0x3F98];
	s0 =	simm.s32 @p1 $0x1  }
0x15: {  	[smem:$0x3FB5] =	sst s0;
	s0 =	simm.s32 @!p2 $0x0  }
0x16: {  	s3 =	sld [smem:$0x3FDB];
	s0 =	simm.s32 @p2 $0x1  }
0x17: {  	s4 =	simm.s32 $0x1BF5;
	[smem:$0x3FB7] =	sst s0  }
0x18: {  	s0 =	sld [smem:$0x3F9A];
	_ =	swait.ge [sflag:s4], $0x0  }
0x19: {  	s7 =	sld [smem:$0x3F9B]  }
0x1a: {  	s8 =	sadd.s32 $0xFFFFE003, lr  }
0x1b: {  	s9 =	sadd.s32 $0xFFFFFEF7, lr;
	s5 =	simm.s32 $0xFFFFFFFF;
	p2 =	slt.u32 s8, $0xFFFFF086  }
0x1c: {  	p1 =	slt.u32 s9, $0xF7A;
	s5 =	simm.s32 @!p2 $0x0  }
0x1d: {  	s5 =	simm.s32 @p1 $0x1;
	p0 =	seq.s32 s7, s2  }
0x1e: {  	s7 =	smul.u32 @!p0 $0xF7A, s2;
	p2 =	seq.s32 @!p0 s5, $0x0  }
0x1f: {  	s9 =	smul.u32 $0xF7A, s1;
	s8 =	simm.s32 @!p0 $0x1BF5;
	p2 =	por !p2, p0  }
0x20: {  	[sflag:s8] =	ssyncset.s32 @!p0 $0xFFFFF086;
	s6 =	sadd.s32 @!p0 s3, s7;
	s7 =	simm.s32 @!p0 $0x108  }
0x21: {  	s3 =	sadd.s32 s3, s9;
	s6 =	sadd.s32 @!p0 $0x88, s6;
	s7 =	simm.s32 @p2 $0x1082  }
0x22: {  	[simem:s7], [sflag:s8] =	dma.local @!p0 [hbm:s6], $0xF7A  }
0x23: {  	s9 =	sor.u32 $0xD0000000, s2;
	s6 =	simm.s32 $0x108;
	_ =	swait.ge @!p0 [sflag:s8], $0x0  }
0x24: {  	s3 =	sadd.s32 $0x88, s3;
	s6 =	simm.s32 @!p1 $0x1082;
	[sflag:s4] =	ssyncset.s32 $0xFFFFF086  }
0x25: {  	[simem:s6], [sflag:s4] =	dma.local [hbm:s3], $0xF7A  }
0x26: {  	[smem:$0x3F9B] =	sst s1;
	(tag) =	ssettag s2;
	_ =	strace s9  }
0x27: {  	s1 =	sld [smem:$0x3FAB]  }
0x28: {  	s2 =	sld [smem:$0x3FAC]  }
0x29: {  	s4 =	sld [smem:$0x3FAE]  }
0x2a: {  	p0 =	seq.s32 s5, $0x0;
	s5 =	sld [smem:$0x3FAF]  }
0x2b: {  	s6 =	sld [smem:$0x3FB0]  }
0x2c: {  	s7 =	sld [smem:$0x3FB1]  }
0x2d: {  	s3 =	simm.s32 $0x108;
	s8 =	sld [smem:$0x3FB2]  }
0x2e: {  	s3 =	simm.s32 @!p0 $0x1082;
	s9 =	sld [smem:$0x3FB3]  }
0x2f: {  	lr =	sadd.s32 s0, s3;
	s0 =	sld [smem:$0x3FAA]  }
0x30: {  	s3 =	sld [smem:$0x3FAD]  }
0x31: {  	[smem:$0x3FB6] =	sst s10  }
0x32: {  	s10 =	sld [smem:$0x3FB4];
	_ =	sdelay $0x3  }
0x33: {  	p0 =	seq.s32 s10, $0x1;
	s10 =	sld [smem:$0x3FB6];
	_ =	sdelay $0x3  }
0x34: {  	[smem:$0x3FB6] =	sst s10  }
0x35: {  	s10 =	sld [smem:$0x3FB5];
	_ =	sdelay $0x3  }
0x36: {  	p1 =	seq.s32 s10, $0x1;
	s10 =	sld [smem:$0x3FB6];
	_ =	sdelay $0x3  }
0x37: {  	[smem:$0x3FB6] =	sst s10  }
0x38: {  	s10 =	sld [smem:$0x3FB7]  }
0x39: {  	_ = 	snop;
	(pc) =	sbr.ind lr, $3  }
0x3a: {  	_ = 	snop  }
0x3b: {  	_ = 	snop  }
0x3c: {  	p2 =	seq.s32 s10, $0x1;
	s10 =	sld [smem:$0x3FB6]  }
0x3d: {  	_ =	shalt  }
0x3e: {  	_ =	shalt  }
0x3f: {  	_ =	shalt  }
0x40: {  	_ =	shalt  }
0x41: {  	_ =	shalt  }
0x42: {  	_ =	shalt  }
0x43: {  	_ =	shalt  }
0x44: {  	_ =	shalt  }
0x45: {  	_ =	shalt  }
0x46: {  	_ =	shalt  }
0x47: {  	_ =	shalt  }
0x48: {  	_ =	shalt  }
0x49: {  	_ =	shalt  }
0x4a: {  	_ =	shalt  }
0x4b: {  	_ =	shalt  }
0x4c: {  	_ =	shalt  }
0x4d: {  	_ =	shalt  }
0x4e: {  	_ =	shalt  }
0x4f: {  	_ =	shalt  }
0x50: {  	_ =	shalt  }
0x51: {  	_ =	shalt  }
0x52: {  	_ =	shalt  }
0x53: {  	_ =	shalt  }
0x54: {  	_ =	shalt  }
0x55: {  	_ =	shalt  }
0x56: {  	_ =	shalt  }
0x57: {  	_ =	shalt  }
0x58: {  	_ =	shalt  }
0x59: {  	_ =	shalt  }
0x5a: {  	_ =	shalt  }
0x5b: {  	_ =	shalt  }
0x5c: {  	_ =	shalt  }
0x5d: {  	_ =	shalt  }
0x5e: {  	_ =	shalt  }
0x5f: {  	_ =	shalt  }
0x60: {  	_ =	shalt  }
0x61: {  	_ =	shalt  }
0x62: {  	_ =	shalt  }
0x63: {  	_ =	shalt  }
0x64: {  	_ =	shalt  }
0x65: {  	_ =	shalt  }
0x66: {  	_ =	shalt  }
0x67: {  	_ =	shalt  }
0x68: {  	_ =	shalt  }
0x69: {  	_ =	shalt  }
0x6a: {  	_ =	shalt  }
0x6b: {  	_ =	shalt  }
0x6c: {  	_ =	shalt  }
0x6d: {  	_ =	shalt  }
0x6e: {  	_ =	shalt  }
0x6f: {  	_ =	shalt  }
0x70: {  	_ =	shalt  }
0x71: {  	_ =	shalt  }
0x72: {  	_ =	shalt  }
0x73: {  	_ =	shalt  }
0x74: {  	_ =	shalt  }
0x75: {  	_ =	shalt  }
0x76: {  	_ =	shalt  }
0x77: {  	_ =	shalt  }
0x78: {  	_ =	shalt  }
0x79: {  	_ =	shalt  }
0x7a: {  	_ =	shalt  }
0x7b: {  	_ =	shalt  }
0x7c: {  	_ =	shalt  }
0x7d: {  	_ =	shalt  }
0x7e: {  	_ =	shalt  }
0x7f: {  	_ =	shalt  }
0x80: {  	_ =	shalt  }
0x81: {  	_ =	shalt  }
0x82: {  	_ =	shalt  }
0x83: {  	_ =	shalt  }
0x84: {  	_ =	shalt  }
0x85: {  	_ =	shalt  }
0x86: {  	_ =	shalt  }
0x87: {  	_ =	shalt  }
.Lfunc_end0:
.L_simem_size_0:
called_computation.2_lowered:
.L_overlay_start_0:
0x88: {  	s2 =	sld [smem:$0x3FD9]  }
0x89: {  	s3 =	sld [smem:$0x3FFE];
	_ =	sdelay $0x1  }
0x8a: {  	s1 =	srdreg.scid  }
0x8b: {  	s0 =	sand.u32 $0x1, s1  }
0x8c: {  	s17 =	sshll.u32 s0, $0xA;
	s2 =	sadd.s32 s3, s2  }
0x8d: {  	s2 =	sadd.s32 s2, s17  }
0x8e: {  	[smem:$0x3FC2] =	sst s2  }
0x8f: {  	_ = 	snop  }
0x90: {  	s2 =	sld [smem:$0x3FD0];
	(tm) =	ssettm $0x1  }
0x91: {  	s18 =	sld [smem:$0x3FFB];
	_ =	sdelay $0x3  }
0x92: {  	_ =	strace s18  }
0x93: {  	s3 =	sld [smem:$0x3FFC];
	_ =	sdelay $0x3  }
0x94: {  	_ =	strace s3  }
0x95: {  	s3 =	sld [smem:$0x3FFD];
	_ =	sdelay $0x3  }
0x96: {  	_ =	strace s3  }
0x97: {  	_ =	strace $0x8FFFFFFF  }
0x98: {  	s19 =	sld [smem:$0x3FDB];
	_ =	sdelay $0x1  }
0x99: {  	s4 =	simm.s32 $_scs_section_size  }
0x9a: {  	s5 =	simm.s32 $_size__tile_overlayer_lowered;
	s6 =	simm.s32 $_tile_overlayer_lowered  }
0x9b: {  	s22 =	simm.s32 $0x1BFF;
	s21 =	sshll.u32 s6, $0x1;
	s3 =	sadd.s32 s4, s19  }
0x9c: {  	s7 =	simm.s32 $0x0;
	s20 =	sshll.u32 s5, $0x1;
	s5 =	sadd.s32 s21, s3  }
0x9d: {  	[timem:s7], [sflag:s22] =	dma.local [hbm:s5], s20  }
0x9e: {  	_ =	swait.ge [sflag:s22], s20  }
0x9f: {  	s4 =	ssub.s32 $0x0, s20;
	[sflag:s22] =	ssyncset.done $0x0  }
0xa0: {  	[sflag:s22] =	ssyncadd.s32 s4;
	_ =	sdelay $0x1  }
0xa1: {  	s23 =	simm.s32 $0x1B8B  }
0xa2: {  	_ =	swait.ge [sflag:s23], $0x1  }
0xa3: {  	[sflag:s23] =	ssyncset.done $0x0  }
0xa4: {  	s25 =	simm.s32 $0x1B8E;
	s24 =	sld [smem:$0x3FFE];
	[sflag:s23] =	ssyncadd.s32 $0xFFFFFFFF  }
0xa5: {  	s26 =	simm.s32 $execute0_lowered;
	[smem:$0x3FD2] =	sst s25  }
0xa6: {  	s5 =	sshll.u32 s26, $0x1;
	_ =	strace $0x8000004C;
	[dreg:$0x1] =	wrdreg $0xFFFFFFFF  }
0xa7: {  	s28 =	simm.s32 $_size_execute0_lowered;
	s3 =	sadd.s32 s3, s5;
	[dreg:$0x0] =	wrdreg $0x0  }
0xa8: {  	s5 =	sshll.u32 s28, $0x1;
	[dreg:$0x2] =	wrdreg s3  }
0xa9: {  	[dreg:$0x3] =	wrdreg s5  }
0xaa: {  	[dreg:$0x4] =	wrdreg $0xC0  }
0xab: {  	_ =	task [dreg:s7], $0x5FFFF  }
0xac: {  	[dreg:$0x1] =	wrdreg $0xFFFFFFFF  }
0xad: {  	[dreg:$0x0] =	wrdreg $0x60  }
0xae: {  	[dreg:$0x2] =	wrdreg s2  }
0xaf: {  	[dreg:$0x3] =	wrdreg s24  }
0xb0: {  	[dreg:$0x4] =	wrdreg $0x0  }
0xb1: {  	[dreg:$0x5] =	wrdreg $0x9  }
0xb2: {  	_ =	task.clear_ibuf [dreg:s7], $0x6FFFF;
	_ =	strace $0x9000004C  }
0xb3: {  	s29 =	simm.s32 $0x9;
	_ =	strace $0x8000004E  }
0xb4: {  	_ =	swait.ge [sflag:s29], $0x1  }
0xb5: {  	[sflag:s29] =	ssyncadd.s32 $0xFFFFFFFF  }
0xb6: {  	_ =	strace $0x9000004E  }
0xb7: {  	_ =	sfence  }
0xb8: {  	s30 =	sld [smem:$0x0];
	_ =	sdelay $0x2  }
0xb9: {  	s31 =	sshll.u32 s1, $0xD;
	s1 =	sshrl.u32 s1, $0x2  }
0xba: {  	s3 =	sand.u32 $0x4000, s31;
	s1 =	sadd.s32 s1, s30  }
0xbb: {  	s0 =	sor.u32 s3, s0;
	s1 =	sshll.u32 s1, $0x11  }
0xbc: {  	s0 =	sor.u32 s1, s0  }
0xbd: {  	s0 =	sadd.s32 $0x8F2B, s0  }
0xbe: {  	[sflag:s0] =	ssyncadd.remote.s32 $0x1  }
0xbf: {  	_ =	sfence.sel $0xFFFF  }
0xc0: {  	[dreg:$0x0] =	wrdreg $0xFFFFFFFF;
	(pc) =	sbr.abs _section_cstart, $3  }
0xc1: {  	[dreg:$0x1] =	wrdreg $0xFFFFFFFF  }
0xc2: {  	_ =	task.clear_ibuf [dreg:s7], $0x2FFFF;
	_ =	strace $0x9FFFFFFF  }
0xc3: {  	(tm) =	ssettm $0x7FFFFFFF  }
tec
execute0_lowered:
.L_overlay_start_1:
0x0: {  	(tag) =	ssettag $0x1  }
0x1: {  	s1 =	rddreg [dreg:$0x0]  }
0x2: {  	s0 =	rddreg [dreg:$0x1]  }
0x3: {  	s2 =	rddreg [dreg:$0x2]  }
0x4: {  	s3 =	srdreg.scid;
	s4 =	simm.s32 $0x0;
	s12 =	stileid.u32  }
0x5: {  	s28 =	simm.s32 $0x80;
	s29 =	simm.s32 $0x14000;
	s30 =	simm.s32 $0x13C80  }
0x6: {  	s31 =	simm.s32 $0x5;
	s3 =	sand.u32 $0x1, s3;
	s24 =	smul.u32 $0x4F000, s12  }
0x7: {  	[smem:$0x7FF] =	sst s4;
	s6 =	sadd.s32 $0xC200, s0;
	s26 =	smul.u32 $0x13C00, s12  }
0x8: {  	s7 =	sadd.s32 $0x17800, s0;
	s0 =	sadd.s32 $0x21A00, s0;
	s17 =	smul.u32 $0x2800, s12  }
0x9: {  	s5 =	sshll.u32 s3, $0x4;
	_ =	strace $0x8000004D;
	s18 =	smul.u32 $0x13C000, s3  }
0xa: {  	s8 =	ssub.s32 $0x2, s3;
	s3 =	smul.u32 $0x28000, s3;
	s5 =	sor.u32 s12, s5  }
0xb: {  	s9 =	sshrl.u32 s8, $0x1;
	s19 =	sadd.s32 $0x4000, s26;
	s5 =	smul.u32 $0x2800, s5  }
0xc: {  	s15 =	sadd.s32 $0x8000, s26;
	s16 =	sadd.s32 $0xC000, s26;
	s20 =	sadd.s32 s26, s18  }
0xd: {  	s3 =	sadd.s32 s17, s3;
	s17 =	sshrl.u32 s20, $0x3;
	s5 =	sshrl.u32 s5, $0x3  }
0xe: {  	s8 =	ssub.s32 s8, s9;
	s17 =	sadd.s32 s0, s17;
	s10 =	sadd.s32 s6, s5  }
0xf: {  	s22 =	sor.u32 $0x10, s5;
	s5 =	sadd.s32 s7, s5;
	[dreg:$0xa] =	wrdreg s17  }
0x10: {  	s12 =	sadd.s32 s19, s2;
	s13 =	sadd.s32 s15, s2;
	[dreg:$0x5] =	wrdreg s5  }
0x11: {  	s14 =	sadd.s32 s16, s2;
	s23 =	sadd.s32 s6, s22;
	[dreg:$0x4] =	wrdreg s10  }
0x12: {  	s21 =	sadd.s32 s18, s15;
	s9 =	sadd.s32 s7, s22;
	[dreg:$0x6] =	wrdreg s23  }
0x13: {  	s25 =	sadd.s32 $0x20, s10;
	s10 =	sadd.s32 $0x30, s10;
	[dreg:$0x7] =	wrdreg s9  }
0x14: {  	s5 =	sshrl.u32 s24, $0x2;
	s22 =	sadd.s32 s18, s16;
	[dreg:$0x8] =	wrdreg s25  }
0x15: {  	s24 =	sor.u32 $0x200, s3;
	s3 =	sor.u32 $0x100, s3;
	[dreg:$0x9] =	wrdreg s10  }
0x16: {  	s11 =	sadd.s32 s5, s2;
	s5 =	sadd.s32 s18, s19;
	s9 =	sadd.s32 $0x10000, s26  }
0x17: {  	s23 =	sshrl.u32 s22, $0x3;
	s25 =	smax.u32 s8, $0x1;
	s26 =	sshrl.u32 s3, $0x3  }
0x18: {  	s3 =	simm.s32 $0x18000;
	s8 =	simm.s32 $0x2;
	s5 =	sshrl.u32 s5, $0x3  }
0x19: {  	s10 =	sadd.s32 s18, s9;
	s20 =	sadd.s32 s9, s2;
	[dreg:$0xf] =	wrdreg s25  }
0x1a: {  	s15 =	sadd.s32 s26, s7;
	s25 =	simm.s32 $0x6;
	s5 =	sadd.s32 s0, s5  }
0x1b: {  	s26 =	simm.s32 $0x1C000;
	[dreg:$0xb] =	wrdreg s5;
	s5 =	sshrl.u32 s21, $0x3  }
.Ltmp0:
0x1c: {  	s10 =	sshrl.u32 s10, $0x3;
	s5 =	sadd.s32 s0, s5;
	(pc) =	sbr.rel .LBB2_1-.Ltmp0, $4  }
0x1d: {  	[dreg:$0xc] =	wrdreg s5;
	s5 =	sadd.s32 s0, s23;
	s0 =	sadd.s32 s0, s10  }
0x1e: {  	s7 =	simm.s32 $0x4;
	[dreg:$0xe] =	wrdreg s0;
	s0 =	sshrl.u32 s24, $0x3  }
0x1f: {  	s9 =	simm.s32 $0x0;
	[dreg:$0xd] =	wrdreg s5;
	s0 =	sadd.s32 s0, s6  }
0x20: {  	v0 =	vimm.f32 $0.0e+00;
	s6 =	simm.s32 $0x1;
	[dreg:$0x10] =	wrdreg s0;
	s0 =	simm.s32 $0x3  }
.LBB2_10:
0x21: {  	_ =	swait.ge [sflag:s6], $0x4000  }
0x22: {  	[sflag:s6] =	ssyncset.done $0x0  }
0x23: {  	[sflag:s6] =	ssyncadd.s32 $0xFFFFC000  }
0x24: {  	_ =	swait.ge [sflag:s8], $0x4000  }
0x25: {  	[sflag:s8] =	ssyncset.done $0x0  }
0x26: {  	[sflag:s8] =	ssyncadd.s32 $0xFFFFC000  }
0x27: {  	_ =	swait.ge [sflag:s31], $0x4000  }
0x28: {  	[sflag:s31] =	ssyncset.done $0x0  }
0x29: {  	[sflag:s31] =	ssyncadd.s32 $0xFFFFC000  }
0x2a: {  	_ =	swait.ge [sflag:s0], $0x80  }
0x2b: {  	[sflag:s0] =	ssyncset.done $0x0  }
0x2c: {  	[sflag:s0] =	ssyncadd.s32 $0xFFFFFF80  }
0x2d: {  	_ =	swait.ge [sflag:s7], $0x80  }
0x2e: {  	[sflag:s7] =	ssyncset.done $0x0  }
0x2f: {  	[sflag:s7] =	ssyncadd.s32 $0xFFFFFF80  }
0x30: {  	[bflag:$0x0] =	sbarrier.arrive $0xFFFF  }
0x31: {  	[tilespmem:s29], [sflag:$0x6] =	stream.linear.gather [spmem:s11], $0x4000, $0x38;
	v63 =	vld [tilespmem:$0x0]  }
0x32: {  	_ =	swait.ge [sflag:s25], $0x4000  }
0x33: {  	[sflag:s25] =	ssyncset.done $0x0  }
0x34: {  	s5 =	rddreg [dreg:$0xa];
	[sflag:s25] =	ssyncadd.s32 $0xFFFFC000  }
0x35: {  	[hbm4b:s5+s4] =	stream.linear.scatter [tilespmem:s29], [sflag:$0x1], $0x4000, $0x38;
	v63 =	vld [tilespmem:$0x0]  }
0x36: {  	_ = 	snop  }
0x37: {  	[tilespmem:s3], [sflag:$0x6] =	stream.linear.gather [spmem:s12], $0x4000, $0x38;
	v63 =	vld [tilespmem:$0x0]  }
0x38: {  	_ =	swait.ge [sflag:s25], $0x4000  }
0x39: {  	[sflag:s25] =	ssyncset.done $0x0  }
0x3a: {  	s19 =	rddreg [dreg:$0xb];
	[sflag:s25] =	ssyncadd.s32 $0xFFFFC000  }
0x3b: {  	[hbm4b:s19+s4] =	stream.linear.scatter [tilespmem:s3], [sflag:$0x2], $0x4000, $0x38;
	v63 =	vld [tilespmem:$0x0]  }
0x3c: {  	_ =	swait.ge [sflag:s6], $0x4000  }
0x3d: {  	[sflag:s6] =	ssyncset.done $0x0  }
0x3e: {  	[sflag:s6] =	ssyncadd.s32 $0xFFFFC000  }
0x3f: {  	[tilespmem:s29], [sflag:$0x6] =	stream.linear.gather [spmem:s13], $0x4000, $0x38;
	v63 =	vld [tilespmem:$0x0]  }
0x40: {  	_ =	swait.ge [sflag:s25], $0x4000  }
0x41: {  	[sflag:s25] =	ssyncset.done $0x0  }
0x42: {  	s21 =	rddreg [dreg:$0xc];
	[sflag:s25] =	ssyncadd.s32 $0xFFFFC000  }
0x43: {  	[hbm4b:s21+s4] =	stream.linear.scatter [tilespmem:s29], [sflag:$0x1], $0x4000, $0x38;
	v63 =	vld [tilespmem:$0x0]  }
0x44: {  	_ =	swait.ge [sflag:s8], $0x4000  }
0x45: {  	[sflag:s8] =	ssyncset.done $0x0  }
0x46: {  	[sflag:s8] =	ssyncadd.s32 $0xFFFFC000  }
0x47: {  	[tilespmem:s3], [sflag:$0x6] =	stream.linear.gather [spmem:s14], $0x4000, $0x38;
	v63 =	vld [tilespmem:$0x0]  }
0x48: {  	_ =	swait.ge [sflag:s25], $0x4000  }
0x49: {  	[sflag:s25] =	ssyncset.done $0x0  }
0x4a: {  	s22 =	rddreg [dreg:$0xd];
	[sflag:s25] =	ssyncadd.s32 $0xFFFFC000  }
0x4b: {  	[hbm4b:s22+s4] =	stream.linear.scatter [tilespmem:s3], [sflag:$0x2], $0x4000, $0x38;
	v63 =	vld [tilespmem:$0x0]  }
0x4c: {  	_ =	swait.ge [sflag:s6], $0x4000  }
0x4d: {  	[sflag:s6] =	ssyncset.done $0x0  }
0x4e: {  	[sflag:s6] =	ssyncadd.s32 $0xFFFFC000  }
0x4f: {  	[tilespmem:s29], [sflag:$0x6] =	stream.linear.gather [spmem:s20], $0x3C00, $0x38;
	v63 =	vld [tilespmem:$0x0]  }
0x50: {  	_ =	swait.ge [sflag:s25], $0x3C00  }
0x51: {  	[sflag:s25] =	ssyncset.done $0x0  }
0x52: {  	s23 =	rddreg [dreg:$0xe];
	[sflag:s25] =	ssyncadd.s32 $0xFFFFC400  }
0x53: {  	[hbm4b:s23+s4] =	stream.linear.scatter [tilespmem:s29], [sflag:$0x1], $0x3C00, $0x38;
	v63 =	vld [tilespmem:$0x0]  }
0x54: {  	_ =	swait.ge [sflag:s8], $0x4000  }
0x55: {  	[sflag:s8] =	ssyncset.done $0x0  }
0x56: {  	[sflag:s8] =	ssyncadd.s32 $0xFFFFC000  }
0x57: {  	_ =	swait.ge [sflag:s6], $0x3C00  }
0x58: {  	s9 =	sadd.s32 $0x1, s9;
	s24 =	rddreg [dreg:$0xf]  }
0x59: {  	p0 =	sne.s32 s9, s24  }
.Ltmp1:
0x5a: {  	_ = 	snop;
	(pc) =	sbr.rel @!p0 .LBB2_11-.Ltmp1, $3  }
0x5b: {  	_ =	sdelay $0x1  }
0x5c: {  	[sflag:s6] =	ssyncset.done $0x0  }
0x5d: {  	[sflag:s6] =	ssyncadd.s32 $0xFFFFC400  }
.LBB2_1:
0x5e: {  	s5 =	rddreg [dreg:$0x4];
	s10 =	simm.s32 $0x13C00  }
0x5f: {  	[tilespmem:s10], [sflag:$0x6] =	stream.linear.gather [hbm4b:s5+s4], $0x80, $0x38;
	v63 =	vld [tilespmem:$0x0]  }
0x60: {  	_ =	swait.ge [sflag:s25], $0x80  }
0x61: {  	[sflag:s25] =	ssyncset.done $0x0  }
0x62: {  	s16 =	simm.s32 $0x13E00;
	s24 =	rddreg [dreg:$0x5];
	[sflag:s25] =	ssyncadd.s32 $0xFFFFFF80  }
0x63: {  	[tilespmem:s16], [sflag:$0x6] =	stream.linear.gather [hbm4b:s24+s4], $0x80, $0x38;
	v63 =	vld [tilespmem:$0x0]  }
0x64: {  	_ =	swait.ge [sflag:s25], $0x80  }
0x65: {  	[sflag:s25] =	ssyncset.done $0x0  }
0x66: {  	[sflag:s25] =	ssyncadd.s32 $0xFFFFFF80  }
0x67: {  	[tilespmem:s29], [sflag:$0x1] =	stream.indirect.gather [hbm4b:s1+s28], $0x80, s10, s28, $0xb8;
	v63 =	vld [tilespmem:$0x0]  }
0x68: {  	s17 =	rddreg [dreg:$0x6]  }
0x69: {  	[tilespmem:s30], [sflag:$0x3] =	stream.linear.gather [hbm4b:s17+s4], $0x80, $0x38;
	v63 =	vld [tilespmem:$0x0]  }
0x6a: {  	s19 =	simm.s32 $0x13E80;
	s18 =	rddreg [dreg:$0x7]  }
0x6b: {  	[tilespmem:s19], [sflag:$0x4] =	stream.linear.gather [hbm4b:s18+s4], $0x80, $0x38;
	v63 =	vld [tilespmem:$0x0]  }
0x6c: {  	_ =	swait.ge [sflag:s0], $0x80  }
0x6d: {  	[sflag:s0] =	ssyncset.done $0x0  }
0x6e: {  	[sflag:s0] =	ssyncadd.s32 $0xFFFFFF80  }
0x6f: {  	[tilespmem:s3], [sflag:$0x2] =	stream.indirect.gather [hbm4b:s1+s28], $0x80, s30, s28, $0xb8;
	v63 =	vld [tilespmem:$0x0]  }
0x70: {  	s22 =	simm.s32 $0x13D00;
	s5 =	simm.s32 $0x0;
	s21 =	rddreg [dreg:$0x8]  }
0x71: {  	[tilespmem:s22], [sflag:$0x3] =	stream.linear.gather [hbm4b:s21+s4], $0x80, $0x38;
	v63 =	vld [tilespmem:$0x0]  }
0x72: {  	s24 =	simm.s32 $0x13D80;
	s10 =	simm.s32 $0x200;
	s23 =	rddreg [dreg:$0x9]  }
0x73: {  	[tilespmem:s24], [sflag:$0x3] =	stream.linear.gather [hbm4b:s23+s4], $0x80, $0x38;
	v63 =	vld [tilespmem:$0x0]  }
.LBB2_2:
0x74: {  	p0 =	sne.s32 s10, $0xFE00;
	[tilespmem:s5+$0x1C070] =	vst v0  }
0x75: {  	[tilespmem:s5+$0x1C000] =	vst v0  }
0x76: {  	[tilespmem:s5+$0x1C010] =	vst v0  }
.Ltmp2:
0x77: {  	[tilespmem:s5+$0x1C020] =	vst v0;
	(pc) =	sbr.rel @p0 .LBB2_2-.Ltmp2, $4  }
0x78: {  	[tilespmem:s5+$0x1C030] =	vst v0  }
0x79: {  	[tilespmem:s5+$0x1C040] =	vst v0  }
0x7a: {  	[tilespmem:s5+$0x1C050] =	vst v0  }
0x7b: {  	[tilespmem:s5+$0x1C060] =	vst v0;
	s5 =	sshra.s32 s10, $0x2;
	s10 =	sadd.s32 $0x200, s10  }
0x7c: {  	[tilespmem:s5+$0x1C070] =	vst v0  }
0x7d: {  	[tilespmem:s5+$0x1C000] =	vst v0  }
0x7e: {  	[tilespmem:s5+$0x1C010] =	vst v0  }
0x7f: {  	[tilespmem:s5+$0x1C020] =	vst v0  }
0x80: {  	[tilespmem:s5+$0x1C030] =	vst v0  }
0x81: {  	[tilespmem:s5+$0x1C040] =	vst v0  }
0x82: {  	[tilespmem:s5+$0x1C050] =	vst v0  }
0x83: {  	[tilespmem:s5+$0x1C060] =	vst v0  }
0x84: {  	[spmem:s11] =	stream.linear.scatter [tilespmem:s26], [sflag:$0x5], $0x4000, $0x38;
	v63 =	vld [tilespmem:$0x0]  }
0x85: {  	_ = 	snop  }
0x86: {  	[spmem:s12] =	stream.linear.scatter [tilespmem:s26], [sflag:$0x5], $0x4000, $0x38;
	v63 =	vld [tilespmem:$0x0]  }
0x87: {  	_ = 	snop  }
0x88: {  	[spmem:s13] =	stream.linear.scatter [tilespmem:s26], [sflag:$0x5], $0x4000, $0x38;
	v63 =	vld [tilespmem:$0x0]  }
0x89: {  	_ = 	snop  }
0x8a: {  	[spmem:s14] =	stream.linear.scatter [tilespmem:s26], [sflag:$0x5], $0x4000, $0x38;
	v63 =	vld [tilespmem:$0x0]  }
0x8b: {  	_ = 	snop  }
0x8c: {  	[spmem:s20] =	stream.linear.scatter [tilespmem:s26], [sflag:$0x5], $0x3C00, $0x38;
	v63 =	vld [tilespmem:$0x0]  }
0x8d: {  	_ =	swait.ge [sflag:s31], $0x4000  }
0x8e: {  	[sflag:s31] =	ssyncset.done $0x0  }
0x8f: {  	[sflag:s31] =	ssyncadd.s32 $0xFFFFC000  }
0x90: {  	_ =	swait.ge [sflag:s31], $0x4000  }
0x91: {  	[sflag:s31] =	ssyncset.done $0x0  }
0x92: {  	[sflag:s31] =	ssyncadd.s32 $0xFFFFC000  }
0x93: {  	_ =	swait.ge [sflag:s31], $0x4000  }
0x94: {  	[sflag:s31] =	ssyncset.done $0x0  }
0x95: {  	[sflag:s31] =	ssyncadd.s32 $0xFFFFC000  }
0x96: {  	_ =	swait.ge [sflag:s31], $0x4000  }
0x97: {  	[sflag:s31] =	ssyncset.done $0x0  }
0x98: {  	[sflag:s31] =	ssyncadd.s32 $0xFFFFC000  }
.Ltmp3:
0x99: {  	_ =	swait.ge [sflag:s31], $0x3C00;
	(pc) =	sbr.rel .LBB2_4-.Ltmp3, $4  }
0x9a: {  	[sflag:s31] =	ssyncset.done $0x0  }
0x9b: {  	[sflag:s31] =	ssyncadd.s32 $0xFFFFC400  }
0x9c: {  	s10 =	simm.s32 $0x0;
	[bflag:$0x0] =	sbarrier.arrive $0xFFFF  }
0x9d: {  	s5 =	simm.s32 $0x2;
	s23 =	smov.u32 s15;
	s22 =	rddreg [dreg:$0x10]  }
.LBB2_5:
0x9e: {  	_ =	swait.ge [sflag:s8], $0x4000  }
0x9f: {  	[sflag:s8] =	ssyncset.done $0x0  }
0xa0: {  	[sflag:s8] =	ssyncadd.s32 $0xFFFFC000  }
.LBB2_7:
0xa1: {  	_ =	swait.ge [sflag:s31], $0x4000  }
0xa2: {  	[sflag:s31] =	ssyncset.done $0x0  }
0xa3: {  	[sflag:s31] =	ssyncadd.s32 $0xFFFFC000  }
.LBB2_9:
0xa4: {  	s18 =	smul.u32 $0xAB, s5;
	_ =	sdelay $0x1  }
0xa5: {  	s19 =	sshrl.u32 s18, $0x9  }
0xa6: {  	s19 =	sand.u32 $0x7F, s19  }
0xa7: {  	s19 =	smul.u32 $0x3, s19  }
0xa8: {  	s21 =	sadd.s32 $0x400, s10  }
0xa9: {  	_ =	swait.ge [sflag:s0], $0x80;
	s16 =	simm.s32 $0x1;
	s19 =	ssub.s32 s5, s19  }
0xaa: {  	s21 =	sand.u32 $0x600, s21;
	[sflag:s0] =	ssyncset.done $0x0;
	s19 =	sand.u32 $0xFF, s19  }
0xab: {  	s16 =	simm.s32 @!p0 $0x2;
	s21 =	sshrl.u32 s21, $0x2;
	s24 =	sshll.u32 s19, $0xE  }
0xac: {  	[sflag:s0] =	ssyncadd.s32 $0xFFFFFF80;
	s21 =	sor.u32 $0x13C00, s21;
	s24 =	sadd.s32 $0x14000, s24  }
0xad: {  	[tilespmem:s24], [sflag:s16] =	stream.indirect.gather [hbm4b:s1+s28], $0x80, s21, s28, $0xb8;
	v63 =	vld [tilespmem:$0x0]  }
0xae: {  	s21 =	sadd.s32 $0xFFFFFEAA, s18  }
0xaf: {  	s24 =	sand.u32 $0x600, s10;
	s16 =	sshrl.u32 s21, $0x9  }
0xb0: {  	s18 =	sshrl.u32 s24, $0x2;
	s16 =	sand.u32 $0x7F, s16  }
0xb1: {  	s19 =	sshll.u32 s19, $0x7;
	s18 =	sor.u32 $0x13C00, s18;
	s16 =	smul.u32 $0x3, s16  }
0xb2: {  	[tilespmem:s18], [sflag:$0x3] =	stream.linear.gather [hbm4b:s22+s4], $0x80, $0x38;
	v63 =	vld [tilespmem:$0x0]  }
0xb3: {  	s10 =	sadd.s32 $0x200, s10;
	_ =	swait.ge [sflag:s7], $0x80;
	s16 =	ssub.s32 s17, s16  }
0xb4: {  	p0 =	sne.s32 s10, $0xA000;
	[sflag:s7] =	ssyncset.done $0x0;
	s16 =	sand.u32 $0xFF, s16  }
0xb5: {  	[sflag:s7] =	ssyncadd.s32 $0xFFFFFF80;
	s21 =	sshll.u32 s16, $0xE;
	s16 =	sshll.u32 s16, $0x7  }
.Ltmp4:
0xb6: {  	s18 =	sadd.s32 $0x14000, s21;
	s16 =	sadd.s32 $0x13E00, s16;
	(pc) =	sbr.rel @!p0 .LBB2_10-.Ltmp4, $4  }
0xb7: {  	[spmem:s2] =	stream.indirect.scatter.add.f32 [tilespmem:s18], [sflag:$0x5], $0x80, s16, s28, $0xb8;
	v63 =	vld [tilespmem:$0x0]  }
0xb8: {  	s24 =	sadd.s32 $0x13E00, s19  }
0xb9: {  	[tilespmem:s24], [sflag:$0x4] =	stream.linear.gather [hbm4b:s23+s4], $0x80, $0x38;
	v63 =	vld [tilespmem:$0x0]  }
0xba: {  	s5 =	sadd.s32 $0x1, s5;
	s22 =	sadd.s32 $0x10, s22;
	s23 =	sadd.s32 $0x10, s23  }
.LBB2_4:
0xbb: {  	s17 =	sadd.s32 $0xFFFFFFFE, s5  }
0xbc: {  	s18 =	sand.u32 $0x1, s17  }
0xbd: {  	p0 =	seq.s32 s18, $0x0  }
.Ltmp5:
0xbe: {  	_ = 	snop;
	(pc) =	sbr.rel @!p0 .LBB2_5-.Ltmp5, $1  }
0xbf: {  	_ =	sdelay $0x3  }
0xc0: {  	p1 =	seq.s32 s10, $0x0  }
.Ltmp6:
0xc1: {  	_ = 	snop;
	(pc) =	sbr.rel @!p1 .LBB2_7-.Ltmp6, $4  }
0xc2: {  	_ = 	snop  }
0xc3: {  	_ =	swait.ge [sflag:s6], $0x4000  }
0xc4: {  	[sflag:s6] =	ssyncset.done $0x0  }
0xc5: {  	[sflag:s6] =	ssyncadd.s32 $0xFFFFC000  }
.Ltmp7:
0xc6: {  	(pc) =	sbr.rel .LBB2_9-.Ltmp7, $4  }
0xc7: {  	_ = 	snop  }
0xc8: {  	_ =	swait.ge [sflag:s0], $0x80  }
0xc9: {  	[sflag:s0] =	ssyncset.done $0x0  }
0xca: {  	[sflag:s0] =	ssyncadd.s32 $0xFFFFFF80  }
.LBB2_11:
0xcb: {  	_ =	sfence.sel $0x180000  }
0xcc: {  	[bflag:$0x0] =	sbarrier.arrive $0xFFFF  }
0xcd: {  	_ =	strace $0x9000004D  }
0xce: {  	s0 =	stileid.u32;
	[bflag:$0x2] =	sbarrier.arrive $0xFFFF  }
0xcf: {  	p0 =	sne.s32 s0, $0x0;
	s0 =	rddreg [dreg:$0x3]  }
0xd0: {  	s0 =	sadd.s32 @!p0 $0x100000, s0  }
0xd1: {  	[sflag:s0] =	ssyncadd.tile.s32 @!p0 $0x1;
	_ =	shalt  }
.Lfunc_end2:
_tile_overlayer_lowered:
.L_overlay_start_2:
0xd2: {  	(tag) =	ssettag $0x2  }
0xd3: {  	s0 =	rddreg [dreg:$0x0];
	s2 =	stileid.u32  }
0xd4: {  	s1 =	rddreg [dreg:$0x1];
	p0 =	sne.s32 s2, $0x0  }
0xd5: {  	s3 =	rddreg [dreg:$0x2];
	[bflag:$0x3] =	sbarrier.arrive $0xFFFF;
	s2 =	simm.s32 @!p0 $0x1C06  }
0xd6: {  	[timem:s3], [sflag:s2] =	dma.local @!p0 [hbm:s0], s1  }
0xd7: {  	s0 =	simm.s32 @!p0 $0x6  }
0xd8: {  	_ =	swait.ge @!p0 [sflag:s0], s1  }
0xd9: {  	s1 =	ssub.s32 @!p0 $0x0, s1;
	[sflag:s0] =	ssyncset.done @!p0 $0x0  }
0xda: {  	[sflag:s0] =	ssyncadd.s32 @!p0 s1  }
0xdb: {  	[bflag:$0x3] =	sbarrier.arrive $0xFFFF  }
0xdc: {  	_ =	shalt  }

// kernel: kernel.8.cloned.1.call-start
scs
__scs_entry_jumppad:
0x0: {  	(pc) =	sbr.rel $0x88, $3  }
0x1: {  	(tag) =	ssettag $0x0;
	lr =	simm.s32 $0x1  }
0x2: {  	[smem:$0x3F9B] =	sst lr;
	_ =	strace $0xD0000000  }
0x3: {  	_ = 	snop  }
0x4: {  	_ = 	snop  }
0x5: {  	_ = 	snop  }
0x6: {  	_ = 	snop  }
0x7: {  	_ = 	snop  }
__scs_overlays_trampoline_lowered:
0x8: {  	[smem:$0x3FAA] =	sst s0  }
0x9: {  	[smem:$0x3FAB] =	sst s1  }
0xa: {  	[smem:$0x3FAC] =	sst s2  }
0xb: {  	[smem:$0x3FAD] =	sst s3  }
0xc: {  	[smem:$0x3FAE] =	sst s4  }
0xd: {  	[smem:$0x3FAF] =	sst s5  }
0xe: {  	[smem:$0x3FB0] =	sst s6  }
0xf: {  	[smem:$0x3FB1] =	sst s7  }
0x10: {  	[smem:$0x3FB2] =	sst s8  }
0x11: {  	[smem:$0x3FB3] =	sst s9;
	s0 =	simm.s32 @!p0 $0x0  }
0x12: {  	s1 =	sld [smem:$0x3F99];
	s0 =	simm.s32 @p0 $0x1  }
0x13: {  	[smem:$0x3FB4] =	sst s0;
	s0 =	simm.s32 @!p1 $0x0  }
0x14: {  	s2 =	sld [smem:$0x3F98];
	s0 =	simm.s32 @p1 $0x1  }
0x15: {  	[smem:$0x3FB5] =	sst s0;
	s0 =	simm.s32 @!p2 $0x0  }
0x16: {  	s3 =	sld [smem:$0x3FDB];
	s0 =	simm.s32 @p2 $0x1  }
0x17: {  	s4 =	simm.s32 $0x1BF5;
	[smem:$0x3FB7] =	sst s0  }
0x18: {  	s0 =	sld [smem:$0x3F9A];
	_ =	swait.ge [sflag:s4], $0x0  }
0x19: {  	s7 =	sld [smem:$0x3F9B]  }
0x1a: {  	s8 =	sadd.s32 $0xFFFFE003, lr  }
0x1b: {  	s9 =	sadd.s32 $0xFFFFFEF7, lr;
	s5 =	simm.s32 $0xFFFFFFFF;
	p2 =	slt.u32 s8, $0xFFFFF086  }
0x1c: {  	p1 =	slt.u32 s9, $0xF7A;
	s5 =	simm.s32 @!p2 $0x0  }
0x1d: {  	s5 =	simm.s32 @p1 $0x1;
	p0 =	seq.s32 s7, s2  }
0x1e: {  	s7 =	smul.u32 @!p0 $0xF7A, s2;
	p2 =	seq.s32 @!p0 s5, $0x0  }
0x1f: {  	s9 =	smul.u32 $0xF7A, s1;
	s8 =	simm.s32 @!p0 $0x1BF5;
	p2 =	por !p2, p0  }
0x20: {  	[sflag:s8] =	ssyncset.s32 @!p0 $0xFFFFF086;
	s6 =	sadd.s32 @!p0 s3, s7;
	s7 =	simm.s32 @!p0 $0x108  }
0x21: {  	s3 =	sadd.s32 s3, s9;
	s6 =	sadd.s32 @!p0 $0x88, s6;
	s7 =	simm.s32 @p2 $0x1082  }
0x22: {  	[simem:s7], [sflag:s8] =	dma.local @!p0 [hbm:s6], $0xF7A  }
0x23: {  	s9 =	sor.u32 $0xD0000000, s2;
	s6 =	simm.s32 $0x108;
	_ =	swait.ge @!p0 [sflag:s8], $0x0  }
0x24: {  	s3 =	sadd.s32 $0x88, s3;
	s6 =	simm.s32 @!p1 $0x1082;
	[sflag:s4] =	ssyncset.s32 $0xFFFFF086  }
0x25: {  	[simem:s6], [sflag:s4] =	dma.local [hbm:s3], $0xF7A  }
0x26: {  	[smem:$0x3F9B] =	sst s1;
	(tag) =	ssettag s2;
	_ =	strace s9  }
0x27: {  	s1 =	sld [smem:$0x3FAB]  }
0x28: {  	s2 =	sld [smem:$0x3FAC]  }
0x29: {  	s4 =	sld [smem:$0x3FAE]  }
0x2a: {  	p0 =	seq.s32 s5, $0x0;
	s5 =	sld [smem:$0x3FAF]  }
0x2b: {  	s6 =	sld [smem:$0x3FB0]  }
0x2c: {  	s7 =	sld [smem:$0x3FB1]  }
0x2d: {  	s3 =	simm.s32 $0x108;
	s8 =	sld [smem:$0x3FB2]  }
0x2e: {  	s3 =	simm.s32 @!p0 $0x1082;
	s9 =	sld [smem:$0x3FB3]  }
0x2f: {  	lr =	sadd.s32 s0, s3;
	s0 =	sld [smem:$0x3FAA]  }
0x30: {  	s3 =	sld [smem:$0x3FAD]  }
0x31: {  	[smem:$0x3FB6] =	sst s10  }
0x32: {  	s10 =	sld [smem:$0x3FB4];
	_ =	sdelay $0x3  }
0x33: {  	p0 =	seq.s32 s10, $0x1;
	s10 =	sld [smem:$0x3FB6];
	_ =	sdelay $0x3  }
0x34: {  	[smem:$0x3FB6] =	sst s10  }
0x35: {  	s10 =	sld [smem:$0x3FB5];
	_ =	sdelay $0x3  }
0x36: {  	p1 =	seq.s32 s10, $0x1;
	s10 =	sld [smem:$0x3FB6];
	_ =	sdelay $0x3  }
0x37: {  	[smem:$0x3FB6] =	sst s10  }
0x38: {  	s10 =	sld [smem:$0x3FB7]  }
0x39: {  	_ = 	snop;
	(pc) =	sbr.ind lr, $3  }
0x3a: {  	_ = 	snop  }
0x3b: {  	_ = 	snop  }
0x3c: {  	p2 =	seq.s32 s10, $0x1;
	s10 =	sld [smem:$0x3FB6]  }
0x3d: {  	_ =	shalt  }
0x3e: {  	_ =	shalt  }
0x3f: {  	_ =	shalt  }
0x40: {  	_ =	shalt  }
0x41: {  	_ =	shalt  }
0x42: {  	_ =	shalt  }
0x43: {  	_ =	shalt  }
0x44: {  	_ =	shalt  }
0x45: {  	_ =	shalt  }
0x46: {  	_ =	shalt  }
0x47: {  	_ =	shalt  }
0x48: {  	_ =	shalt  }
0x49: {  	_ =	shalt  }
0x4a: {  	_ =	shalt  }
0x4b: {  	_ =	shalt  }
0x4c: {  	_ =	shalt  }
0x4d: {  	_ =	shalt  }
0x4e: {  	_ =	shalt  }
0x4f: {  	_ =	shalt  }
0x50: {  	_ =	shalt  }
0x51: {  	_ =	shalt  }
0x52: {  	_ =	shalt  }
0x53: {  	_ =	shalt  }
0x54: {  	_ =	shalt  }
0x55: {  	_ =	shalt  }
0x56: {  	_ =	shalt  }
0x57: {  	_ =	shalt  }
0x58: {  	_ =	shalt  }
0x59: {  	_ =	shalt  }
0x5a: {  	_ =	shalt  }
0x5b: {  	_ =	shalt  }
0x5c: {  	_ =	shalt  }
0x5d: {  	_ =	shalt  }
0x5e: {  	_ =	shalt  }
0x5f: {  	_ =	shalt  }
0x60: {  	_ =	shalt  }
0x61: {  	_ =	shalt  }
0x62: {  	_ =	shalt  }
0x63: {  	_ =	shalt  }
0x64: {  	_ =	shalt  }
0x65: {  	_ =	shalt  }
0x66: {  	_ =	shalt  }
0x67: {  	_ =	shalt  }
0x68: {  	_ =	shalt  }
0x69: {  	_ =	shalt  }
0x6a: {  	_ =	shalt  }
0x6b: {  	_ =	shalt  }
0x6c: {  	_ =	shalt  }
0x6d: {  	_ =	shalt  }
0x6e: {  	_ =	shalt  }
0x6f: {  	_ =	shalt  }
0x70: {  	_ =	shalt  }
0x71: {  	_ =	shalt  }
0x72: {  	_ =	shalt  }
0x73: {  	_ =	shalt  }
0x74: {  	_ =	shalt  }
0x75: {  	_ =	shalt  }
0x76: {  	_ =	shalt  }
0x77: {  	_ =	shalt  }
0x78: {  	_ =	shalt  }
0x79: {  	_ =	shalt  }
0x7a: {  	_ =	shalt  }
0x7b: {  	_ =	shalt  }
0x7c: {  	_ =	shalt  }
0x7d: {  	_ =	shalt  }
0x7e: {  	_ =	shalt  }
0x7f: {  	_ =	shalt  }
0x80: {  	_ =	shalt  }
0x81: {  	_ =	shalt  }
0x82: {  	_ =	shalt  }
0x83: {  	_ =	shalt  }
0x84: {  	_ =	shalt  }
0x85: {  	_ =	shalt  }
0x86: {  	_ =	shalt  }
0x87: {  	_ =	shalt  }
.Lfunc_end0:
.L_simem_size_0:
called_computation_lowered:
.L_overlay_start_0:
0x88: {  	s2 =	sld [smem:$0x3FD9]  }
0x89: {  	s3 =	sld [smem:$0x3FFE];
	_ =	sdelay $0x1  }
0x8a: {  	s1 =	srdreg.scid  }
0x8b: {  	s0 =	sand.u32 $0x1, s1  }
0x8c: {  	s17 =	sshll.u32 s0, $0xA;
	s2 =	sadd.s32 s3, s2  }
0x8d: {  	s2 =	sadd.s32 s2, s17  }
0x8e: {  	[smem:$0x3FC2] =	sst s2  }
0x8f: {  	_ = 	snop  }
0x90: {  	s2 =	sld [smem:$0x3FD0];
	(tm) =	ssettm $0x1  }
0x91: {  	s18 =	sld [smem:$0x3FFB];
	_ =	sdelay $0x3  }
0x92: {  	_ =	strace s18  }
0x93: {  	s3 =	sld [smem:$0x3FFC];
	_ =	sdelay $0x3  }
0x94: {  	_ =	strace s3  }
0x95: {  	s3 =	sld [smem:$0x3FFD];
	_ =	sdelay $0x3  }
0x96: {  	_ =	strace s3  }
0x97: {  	_ =	strace $0x8FFFFFFF  }
0x98: {  	s19 =	sld [smem:$0x3FDB];
	_ =	sdelay $0x1  }
0x99: {  	s4 =	simm.s32 $_scs_section_size  }
0x9a: {  	s5 =	simm.s32 $_size__tile_overlayer_lowered;
	s6 =	simm.s32 $_tile_overlayer_lowered  }
0x9b: {  	s22 =	simm.s32 $0x1BFF;
	s21 =	sshll.u32 s6, $0x1;
	s3 =	sadd.s32 s4, s19  }
0x9c: {  	s7 =	simm.s32 $0x0;
	s20 =	sshll.u32 s5, $0x1;
	s5 =	sadd.s32 s21, s3  }
0x9d: {  	[timem:s7], [sflag:s22] =	dma.local [hbm:s5], s20  }
0x9e: {  	_ =	swait.ge [sflag:s22], s20  }
0x9f: {  	s4 =	ssub.s32 $0x0, s20;
	[sflag:s22] =	ssyncset.done $0x0  }
0xa0: {  	[sflag:s22] =	ssyncadd.s32 s4;
	_ =	sdelay $0x1  }
0xa1: {  	s23 =	simm.s32 $0x1B8B  }
0xa2: {  	_ =	swait.ge [sflag:s23], $0x1  }
0xa3: {  	[sflag:s23] =	ssyncset.done $0x0  }
0xa4: {  	s25 =	simm.s32 $0x1B8E;
	s24 =	sld [smem:$0x3FFE];
	[sflag:s23] =	ssyncadd.s32 $0xFFFFFFFF  }
0xa5: {  	s26 =	simm.s32 $execute0_lowered;
	[smem:$0x3FD2] =	sst s25  }
0xa6: {  	s5 =	sshll.u32 s26, $0x1;
	_ =	strace $0x80000046;
	[dreg:$0x1] =	wrdreg $0xFFFFFFFF  }
0xa7: {  	s28 =	simm.s32 $_size_execute0_lowered;
	s3 =	sadd.s32 s3, s5;
	[dreg:$0x0] =	wrdreg $0x0  }
0xa8: {  	s5 =	sshll.u32 s28, $0x1;
	[dreg:$0x2] =	wrdreg s3  }
0xa9: {  	[dreg:$0x3] =	wrdreg s5  }
0xaa: {  	[dreg:$0x4] =	wrdreg $0xC0  }
0xab: {  	_ =	task [dreg:s7], $0x5FFFF  }
0xac: {  	[dreg:$0x1] =	wrdreg $0xFFFFFFFF  }
0xad: {  	[dreg:$0x0] =	wrdreg $0x60  }
0xae: {  	[dreg:$0x2] =	wrdreg s2  }
0xaf: {  	[dreg:$0x3] =	wrdreg s24  }
0xb0: {  	[dreg:$0x4] =	wrdreg $0x0  }
0xb1: {  	[dreg:$0x5] =	wrdreg $0x9  }
0xb2: {  	_ =	task.clear_ibuf [dreg:s7], $0x6FFFF;
	_ =	strace $0x90000046  }
0xb3: {  	s29 =	simm.s32 $0x9;
	_ =	strace $0x80000048  }
0xb4: {  	_ =	swait.ge [sflag:s29], $0x1  }
0xb5: {  	[sflag:s29] =	ssyncadd.s32 $0xFFFFFFFF  }
0xb6: {  	_ =	strace $0x90000048  }
0xb7: {  	_ =	sfence  }
0xb8: {  	s30 =	sld [smem:$0x0];
	_ =	sdelay $0x2  }
0xb9: {  	s31 =	sshll.u32 s1, $0xD;
	s1 =	sshrl.u32 s1, $0x2  }
0xba: {  	s3 =	sand.u32 $0x4000, s31;
	s1 =	sadd.s32 s1, s30  }
0xbb: {  	s0 =	sor.u32 s3, s0;
	s1 =	sshll.u32 s1, $0x11  }
0xbc: {  	s0 =	sor.u32 s1, s0  }
0xbd: {  	s0 =	sadd.s32 $0x8F2B, s0  }
0xbe: {  	[sflag:s0] =	ssyncadd.remote.s32 $0x1  }
0xbf: {  	_ =	sfence.sel $0xFFFF  }
0xc0: {  	[dreg:$0x0] =	wrdreg $0xFFFFFFFF;
	(pc) =	sbr.abs _section_cstart, $3  }
0xc1: {  	[dreg:$0x1] =	wrdreg $0xFFFFFFFF  }
0xc2: {  	_ =	task.clear_ibuf [dreg:s7], $0x2FFFF;
	_ =	strace $0x9FFFFFFF  }
0xc3: {  	(tm) =	ssettm $0x7FFFFFFF  }
tec
execute0_lowered:
.L_overlay_start_1:
0x0: {  	(tag) =	ssettag $0x1  }
0x1: {  	s1 =	rddreg [dreg:$0x0]  }
0x2: {  	s4 =	rddreg [dreg:$0x1];
	s3 =	srdreg.scid  }
0x3: {  	s0 =	stileid.u32;
	s2 =	rddreg [dreg:$0x2]  }
0x4: {  	s16 =	simm.s32 $0x768;
	s17 =	simm.s32 $0x5E8;
	s18 =	simm.s32 $0x7E8  }
0x5: {  	s20 =	simm.s32 $0x1;
	s21 =	simm.s32 $0x2;
	s22 =	simm.s32 $0x80  }
0x6: {  	s23 =	simm.s32 $0x968;
	s24 =	simm.s32 $0x3;
	s9 =	smul.u32 $0x7D0, s0  }
0x7: {  	s25 =	simm.s32 $0x0;
	s5 =	sand.u32 $0x1, s3;
	s8 =	smul.u32 $0x1F40, s0  }
0x8: {  	s3 =	simm.s32 $0x0;
	s12 =	sadd.s32 $0x2000, s4;
	s15 =	smul.u32 $0x2800, s0  }
0x9: {  	p0 =	sgt.u32 s0, $0x9;
	s6 =	smul.u32 $0x4E20, s5;
	[smem:$0x7FF] =	sst s3  }
0xa: {  	s7 =	sshll.u32 s5, $0x4;
	s28 =	ssub.s32 $0x2, s5;
	s11 =	smul.u32 $0x28000, s5  }
0xb: {  	_ =	strace $0x80000047;
	s7 =	sor.u32 s0, s7;
	s29 =	sshrl.u32 s28, $0x1  }
0xc: {  	s8 =	sshrl.u32 s8, $0x2;
	s6 =	sadd.s32 s9, s6;
	s7 =	smul.u32 $0x2800, s7  }
0xd: {  	s13 =	ssub.s32 s28, s29;
	s11 =	sadd.s32 s15, s11;
	s8 =	sadd.s32 s8, s2  }
0xe: {  	s9 =	sadd.s32 s9, s2;
	s15 =	simm.s32 $0x4;
	s6 =	sshrl.u32 s6, $0x3  }
0xf: {  	[dreg:$0x4] =	wrdreg s8;
	s30 =	sor.u32 $0x100, s11;
	s11 =	smax.u32 s13, $0x1  }
0x10: {  	s10 =	sadd.s32 s6, s4;
	s7 =	sshrl.u32 s7, $0x3;
	s31 =	sshrl.u32 s30, $0x3  }
0x11: {  	s14 =	sor.u32 $0x10, s7;
	s4 =	sadd.s32 s1, s7;
	s5 =	sadd.s32 s12, s7  }
0x12: {  	s10 =	sadd.s32 $0x16400, s10;
	s13 =	sadd.s32 s31, s1;
	s6 =	sadd.s32 s1, s14  }
0x13: {  	v0 =	vimm.f32 $0.0e+00;
	v1 =	vimm.f32 $1.000000000e+00;
	s7 =	sadd.s32 s12, s14;
	s12 =	sadd.s32 s31, s12;
	s14 =	simm.s32 $0x568  }
.LBB2_1:
0x14: {  	[tilespmem:s14], [sflag:$0x4] =	stream.linear.gather [hbm4b:s4+s3], $0x80, $0x38;
	[tilespmem:$0x11E8] =	vst v63  }
0x15: {  	_ =	swait.ge [sflag:s15], $0x80  }
0x16: {  	[sflag:s15] =	ssyncset.done $0x0  }
0x17: {  	[sflag:s15] =	ssyncadd.s32 $0xFFFFFF80  }
0x18: {  	[tilespmem:s16], [sflag:$0x4] =	stream.linear.gather [hbm4b:s5+s3], $0x80, $0x38;
	[tilespmem:$0x11E8] =	vst v63  }
0x19: {  	_ =	swait.ge [sflag:s15], $0x80  }
.Ltmp0:
0x1a: {  	[sflag:s15] =	ssyncset.done $0x0;
	(pc) =	sbr.rel @p0 .LBB2_5-.Ltmp0, $4  }
0x1b: {  	[sflag:s15] =	ssyncadd.s32 $0xFFFFFF80  }
0x1c: {  	[tilespmem:s17], [sflag:$0x1] =	stream.linear.gather [hbm4b:s6+s3], $0x80, $0x38;
	[tilespmem:$0x11E8] =	vst v63  }
0x1d: {  	_ = 	snop  }
0x1e: {  	[tilespmem:s18], [sflag:$0x2] =	stream.linear.gather [hbm4b:s7+s3], $0x80, $0x38;
	[tilespmem:$0x11E8] =	vst v63  }
0x1f: {  	s26 =	simm.s32 $0x40;
	s1 =	simm.s32 $0x0  }
.LBB2_3:
0x20: {  	p1 =	sne.s32 s26, $0x1F00;
	[tilespmem:s1+$0x9E8] =	vst v0;
	s1 =	smov.u32 s26;
	s26 =	sadd.s32 $0x40, s26  }
.Ltmp1:
0x21: {  	(pc) =	sbr.rel @p1 .LBB2_3-.Ltmp1, $2  }
0x22: {  	_ =	sdelay $0x2  }
0x23: {  	s1 =	sshra.s32 s1, $0x2  }
0x24: {  	[tilespmem:s1+$0x9E8] =	vst v0;
	s0 =	rddreg [dreg:$0x4];
	s31 =	simm.s32 $0x9E8  }
0x25: {  	[spmem:s0] =	stream.linear.scatter [tilespmem:s31], [sflag:$0x4], $0x7D0, $0x38;
	[tilespmem:$0x11E8] =	vst v63  }
0x26: {  	_ =	swait.ge [sflag:s15], $0x7D0  }
0x27: {  	[sflag:s15] =	ssyncset.done $0x0  }
0x28: {  	[sflag:s15] =	ssyncadd.s32 $0xFFFFF830  }
.LBB2_5:
0x29: {  	[tilespmem:$0x968] =	vst v1  }
0x2a: {  	[tilespmem:$0x978] =	vst v1  }
0x2b: {  	[tilespmem:$0x988] =	vst v1  }
0x2c: {  	[tilespmem:$0x998] =	vst v1  }
0x2d: {  	[tilespmem:$0x9A8] =	vst v1  }
0x2e: {  	[tilespmem:$0x9B8] =	vst v1  }
0x2f: {  	[tilespmem:$0x9C8] =	vst v1;
	p1 =	por $0x1, $0x1  }
0x30: {  	[tilespmem:$0x9D8] =	vst v1;
	p1 =	por p1, p1  }
0x31: {  	[bflag:$0x0] =	sbarrier.arrive $0xFFFF;
	s1 =	simm.s32 @!p1 $0x3  }
0x32: {  	s26 =	simm.s32 $0x0;
	_ =	swait.ge @!p1 [sflag:s1], $0x80  }
0x33: {  	s26 =	smul.u32 $0xAB, s26;
	[sflag:s1] =	ssyncset.done @!p1 $0x0  }
0x34: {  	p6 =	por $0x0, $0x0;
	[sflag:s1] =	ssyncadd.s32 @!p1 $0xFFFFFF80  }
0x35: {  	s28 =	sshrl.u32 s26, $0x9;
	s26 =	sadd.s32 $0x156, s26;
	_ =	swait.ge @!p1 [sflag:s1], $0x80  }
0x36: {  	s28 =	sand.u32 $0x7F, s28;
	s26 =	sshrl.u32 s26, $0x9;
	[sflag:s1] =	ssyncset.done @!p1 $0x0  }
0x37: {  	s8 =	smul.u32 $0x3, s28;
	s26 =	sand.u32 $0x7F, s26;
	[sflag:s1] =	ssyncadd.s32 @!p1 $0xFFFFFF80  }
0x38: {  	s29 =	simm.s32 $0x1;
	s26 =	smul.u32 $0x3, s26;
	_ =	swait.ge [sflag:s20], $0x80  }
0x39: {  	s30 =	simm.s32 $0x2;
	s31 =	smov.u32 s12;
	[sflag:s20] =	ssyncset.done $0x0  }
0x3a: {  	s1 =	ssub.s32 $0x0, s8;
	s26 =	ssub.s32 $0x0, s26;
	[sflag:s20] =	ssyncadd.s32 $0xFFFFFF80  }
0x3b: {  	s1 =	sand.u32 $0xFF, s1;
	s26 =	sadd.s32 $0x2, s26;
	_ =	swait.ge [sflag:s21], $0x80  }
0x3c: {  	s1 =	sshll.u32 s1, $0x7;
	s26 =	sand.u32 $0xFF, s26;
	[sflag:s21] =	ssyncset.done $0x0  }
0x3d: {  	s28 =	sadd.s32 $0x568, s1;
	s26 =	sshll.u32 s26, $0x7;
	[sflag:s21] =	ssyncadd.s32 $0xFFFFFF80  }
0x3e: {  	[spmem:s2] =	stream.indirect.scatter.add.f32 [tilespmem:s23], [sflag:$0x3], $0x1, s28, s22, $0xb8;
	[tilespmem:$0x11E8] =	vst v63  }
0x3f: {  	p1 =	por p6, p6;
	s1 =	sadd.s32 $0x768, s1;
	s19 =	sadd.s32 $0x568, s26  }
0x40: {  	[spmem:s2] =	stream.indirect.scatter.add.f32 [tilespmem:s23], [sflag:$0x3], $0x1, s1, s22, $0xb8;
	[tilespmem:$0x11E8] =	vst v63  }
0x41: {  	s28 =	sadd.s32 $0x10, s13;
	s1 =	sadd.s32 $0x768, s26;
	s26 =	sadd.s32 $0x10, s12  }
0x42: {  	[tilespmem:s19], [sflag:$0x1] =	stream.linear.gather [hbm4b:s13+s3], $0x80, $0x38;
	[tilespmem:$0x11E8] =	vst v63  }
.LBB2_6:
0x43: {  	[tilespmem:s1], [sflag:$0x2] =	stream.linear.gather [hbm4b:s31+s3], $0x80, $0x38;
	[tilespmem:$0x11E8] =	vst v63  }
0x44: {  	s1 =	smov.u32 s30;
	s31 =	smov.u32 s26  }
0x45: {  	s30 =	sadd.s32 $0x1, s30;
	s0 =	simm.s32 @!p1 $0x3;
	p3 =	seq.s32 s1, $0x0  }
0x46: {  	p2 =	sne.s32 s30, $0x50;
	_ =	swait.ge @!p1 [sflag:s0], $0x80  }
0x47: {  	[sflag:s0] =	ssyncset.done @!p1 $0x0  }
0x48: {  	s19 =	smul.u32 $0xAB, s29;
	[sflag:s0] =	ssyncadd.s32 @!p1 $0xFFFFFF80  }
0x49: {  	_ =	swait.ge @!p1 [sflag:s0], $0x80  }
0x4a: {  	s8 =	sshrl.u32 s19, $0x9;
	s19 =	sadd.s32 $0x156, s19;
	[sflag:s0] =	ssyncset.done @!p1 $0x0  }
0x4b: {  	s8 =	sand.u32 $0x7F, s8;
	s19 =	sshrl.u32 s19, $0x9;
	[sflag:s0] =	ssyncadd.s32 @!p1 $0xFFFFFF80  }
0x4c: {  	s0 =	smul.u32 $0x3, s8;
	s8 =	sand.u32 $0x7F, s19;
	_ =	swait.ge [sflag:s20], $0x80  }
0x4d: {  	p1 =	por p3, p3;
	s8 =	smul.u32 $0x3, s8;
	[sflag:s20] =	ssyncset.done $0x0  }
0x4e: {  	s0 =	ssub.s32 s29, s0;
	[sflag:s20] =	ssyncadd.s32 $0xFFFFFF80  }
0x4f: {  	s0 =	sand.u32 $0xFF, s0;
	s8 =	ssub.s32 s29, s8;
	_ =	swait.ge [sflag:s21], $0x80  }
0x50: {  	s8 =	sadd.s32 $0x2, s8;
	s0 =	sshll.u32 s0, $0x7;
	[sflag:s21] =	ssyncset.done $0x0  }
0x51: {  	s8 =	sand.u32 $0xFF, s8;
	s19 =	sadd.s32 $0x568, s0;
	[sflag:s21] =	ssyncadd.s32 $0xFFFFFF80  }
0x52: {  	[spmem:s2] =	stream.indirect.scatter.add.f32 [tilespmem:s23], [sflag:$0x3], $0x1, s19, s22, $0xb8;
	[tilespmem:$0x11E8] =	vst v63  }
.Ltmp2:
0x53: {  	s0 =	sadd.s32 $0x768, s0;
	s8 =	sshll.u32 s8, $0x7;
	(pc) =	sbr.rel @p2 .LBB2_6-.Ltmp2, $4  }
0x54: {  	[spmem:s2] =	stream.indirect.scatter.add.f32 [tilespmem:s23], [sflag:$0x3], $0x1, s0, s22, $0xb8;
	[tilespmem:$0x11E8] =	vst v63  }
0x55: {  	s29 =	smov.u32 s1;
	s0 =	sadd.s32 $0x568, s8  }
0x56: {  	[tilespmem:s0], [sflag:$0x1] =	stream.linear.gather [hbm4b:s28+s3], $0x80, $0x38;
	[tilespmem:$0x11E8] =	vst v63  }
0x57: {  	s26 =	sadd.s32 $0x10, s26;
	s1 =	sadd.s32 $0x768, s8;
	s28 =	sadd.s32 $0x10, s28  }
0x58: {  	[tilespmem:s1], [sflag:$0x2] =	stream.linear.gather [hbm4b:s31+s3], $0x80, $0x38;
	[tilespmem:$0x11E8] =	vst v63  }
0x59: {  	s0 =	simm.s32 @!p1 $0x3  }
0x5a: {  	_ =	swait.ge @!p1 [sflag:s0], $0x80  }
0x5b: {  	[sflag:s0] =	ssyncset.done @!p1 $0x0  }
0x5c: {  	s31 =	smul.u32 $0xAB, s29;
	[sflag:s0] =	ssyncadd.s32 @!p1 $0xFFFFFF80  }
0x5d: {  	_ =	swait.ge @!p1 [sflag:s0], $0x80  }
0x5e: {  	s8 =	sshrl.u32 s31, $0x9;
	s1 =	sadd.s32 $0x156, s31;
	[sflag:s0] =	ssyncset.done @!p1 $0x0  }
0x5f: {  	s8 =	sand.u32 $0x7F, s8;
	s1 =	sshrl.u32 s1, $0x9;
	[sflag:s0] =	ssyncadd.s32 @!p1 $0xFFFFFF80  }
0x60: {  	s19 =	smul.u32 $0x3, s8;
	s1 =	sand.u32 $0x7F, s1;
	_ =	swait.ge [sflag:s20], $0x80  }
0x61: {  	s1 =	smul.u32 $0x3, s1;
	[sflag:s20] =	ssyncset.done $0x0  }
0x62: {  	s0 =	ssub.s32 s29, s19;
	[sflag:s20] =	ssyncadd.s32 $0xFFFFFF80  }
0x63: {  	s0 =	sand.u32 $0xFF, s0;
	s1 =	ssub.s32 s29, s1;
	_ =	swait.ge [sflag:s21], $0x80  }
0x64: {  	s1 =	sadd.s32 $0x2, s1;
	s0 =	sshll.u32 s0, $0x7;
	[sflag:s21] =	ssyncset.done $0x0  }
0x65: {  	s1 =	sand.u32 $0xFF, s1;
	s29 =	sadd.s32 $0x568, s0;
	[sflag:s21] =	ssyncadd.s32 $0xFFFFFF80  }
0x66: {  	[spmem:s2] =	stream.indirect.scatter.add.f32 [tilespmem:s23], [sflag:$0x3], $0x1, s29, s22, $0xb8;
	[tilespmem:$0x11E8] =	vst v63  }
0x67: {  	s0 =	sadd.s32 $0x768, s0;
	s1 =	sshll.u32 s1, $0x7  }
0x68: {  	[spmem:s2] =	stream.indirect.scatter.add.f32 [tilespmem:s23], [sflag:$0x3], $0x1, s0, s22, $0xb8;
	[tilespmem:$0x11E8] =	vst v63  }
0x69: {  	s30 =	sadd.s32 $0x568, s1  }
0x6a: {  	[tilespmem:s30], [sflag:$0x1] =	stream.linear.gather [hbm4b:s28+s3], $0x80, $0x38;
	[tilespmem:$0x11E8] =	vst v63  }
0x6b: {  	s31 =	sadd.s32 $0x768, s1  }
0x6c: {  	[tilespmem:s31], [sflag:$0x2] =	stream.linear.gather [hbm4b:s26+s3], $0x80, $0x38;
	[tilespmem:$0x11E8] =	vst v63  }
0x6d: {  	_ =	swait.ge [sflag:s24], $0x80  }
0x6e: {  	[sflag:s24] =	ssyncset.done $0x0  }
0x6f: {  	[sflag:s24] =	ssyncadd.s32 $0xFFFFFF80  }
0x70: {  	_ =	swait.ge [sflag:s24], $0x80  }
0x71: {  	[sflag:s24] =	ssyncset.done $0x0  }
0x72: {  	[sflag:s24] =	ssyncadd.s32 $0xFFFFFF80  }
0x73: {  	_ =	swait.ge [sflag:s20], $0x80  }
0x74: {  	[sflag:s20] =	ssyncset.done $0x0  }
0x75: {  	[sflag:s20] =	ssyncadd.s32 $0xFFFFFF80  }
0x76: {  	_ =	swait.ge [sflag:s21], $0x80  }
0x77: {  	[sflag:s21] =	ssyncset.done $0x0  }
0x78: {  	[sflag:s21] =	ssyncadd.s32 $0xFFFFFF80  }
0x79: {  	s1 =	simm.s32 @!p0 $0x4;
	s0 =	simm.s32 @!p0 $0x9E8;
	[bflag:$0x0] =	sbarrier.arrive $0xFFFF  }
0x7a: {  	[tilespmem:s0], [sflag:$0x4] =	stream.linear.gather @!p0 [spmem:s9], $0x7D0, $0x38;
	[tilespmem:$0x11E8] =	vst v63  }
0x7b: {  	s25 =	sadd.s32 $0x1, s25;
	_ =	swait.ge @!p0 [sflag:s1], $0x7D0  }
0x7c: {  	p1 =	sne.s32 s25, s11;
	[sflag:s1] =	ssyncset.done @!p0 $0x0  }
.Ltmp3:
0x7d: {  	s8 =	simm.s32 @!p0 $0x0;
	[sflag:s1] =	ssyncadd.s32 @!p0 $0xFFFFF830;
	(pc) =	sbr.rel @p1 .LBB2_1-.Ltmp3, $4  }
0x7e: {  	[hbm4b:s10+s8] =	stream.linear.scatter @!p0 [tilespmem:s0], [sflag:$0x4], $0x7D0, $0x38;
	[tilespmem:$0x11E8] =	vst v63  }
0x7f: {  	_ =	swait.ge @!p0 [sflag:s1], $0x7D0  }
0x80: {  	[sflag:s1] =	ssyncset.done @!p0 $0x0  }
0x81: {  	[sflag:s1] =	ssyncadd.s32 @!p0 $0xFFFFF830  }
0x82: {  	_ =	sfence.sel $0x180000  }
0x83: {  	[bflag:$0x0] =	sbarrier.arrive $0xFFFF  }
0x84: {  	_ =	strace $0x90000047  }
0x85: {  	s0 =	stileid.u32;
	[bflag:$0x2] =	sbarrier.arrive $0xFFFF  }
0x86: {  	p0 =	sne.s32 s0, $0x0;
	s0 =	rddreg [dreg:$0x3]  }
0x87: {  	s0 =	sadd.s32 @!p0 $0x100000, s0  }
0x88: {  	[sflag:s0] =	ssyncadd.tile.s32 @!p0 $0x1;
	_ =	shalt  }
.Lfunc_end2:
_tile_overlayer_lowered:
.L_overlay_start_2:
0x89: {  	(tag) =	ssettag $0x2  }
0x8a: {  	s0 =	rddreg [dreg:$0x0];
	s2 =	stileid.u32  }
0x8b: {  	s1 =	rddreg [dreg:$0x1];
	p0 =	sne.s32 s2, $0x0  }
0x8c: {  	s3 =	rddreg [dreg:$0x2];
	[bflag:$0x3] =	sbarrier.arrive $0xFFFF;
	s2 =	simm.s32 @!p0 $0x1C04  }
0x8d: {  	[timem:s3], [sflag:s2] =	dma.local @!p0 [hbm:s0], s1  }
0x8e: {  	s0 =	simm.s32 @!p0 $0x4  }
0x8f: {  	_ =	swait.ge @!p0 [sflag:s0], s1  }
0x90: {  	s1 =	ssub.s32 @!p0 $0x0, s1;
	[sflag:s0] =	ssyncset.done @!p0 $0x0  }
0x91: {  	[sflag:s0] =	ssyncadd.s32 @!p0 s1  }
0x92: {  	[bflag:$0x3] =	sbarrier.arrive $0xFFFF  }
0x93: {  	_ =	shalt  }

</sc_bundles>
